<compile_context>
chip_gen: v7x
topology: tpu7x:2x2x1
jax: 0.10.2.dev20260603
libtpu: 0.0.44.dev20260713+nightly
codegen_flags: <defaults>
</compile_context>

<pallas_src>
import functools

import jax
import jax.numpy as jnp
from jax import lax
from jax.experimental import pallas as pl
from jax.experimental.pallas import tpu as pltpu
from jax.experimental.pallas import tpu_sc as plsc

N = 10000
E = 320000
D = 128

NC = 2
NS = 16
NW = NC * NS

CH = 128
EPW = 10240
E_PAD = NW * EPW
NCHUNK = EPW // CH
E_LAST = E - (NW - 1) * EPW
NRING = 4

NACC = 10240
RPT = NACC // NS

RB = 1024
NB = NACC // RB
GRID = (N + RB - 1) // RB



@functools.cache
def _sc_deg_kernel():
    mesh = plsc.VectorSubcoreMesh(core_axis_name="c", subcore_axis_name="s")

    @functools.partial(
        pl.kernel,
        out_type=jax.ShapeDtypeStruct((NC * NACC,), jnp.float32),
        mesh=mesh,
        scratch_types=[
            pltpu.VMEM((EPW,), jnp.int32),
            pltpu.VMEM((NACC,), jnp.float32),
            [pltpu.VMEM((RPT,), jnp.float32) for _ in range(NS)],
            pltpu.VMEM((RPT,), jnp.float32),
            pltpu.VMEM_SHARED((NS, NACC), jnp.float32),
            pltpu.SemaphoreType.DMA,
        ],
        compiler_params=pltpu.CompilerParams(needs_layout_passes=False),
    )
    def _sc_deg(ei_hbm, out_hbm, colidx, hist, slices, outbuf, shared, sem):
        c = lax.axis_index("c")
        s = lax.axis_index("s")
        wid = c * NS + s
        last = wid == NW - 1
        ebase = wid * EPW

        @pl.when(jnp.logical_not(last))
        def _():
            pltpu.async_copy(ei_hbm.at[1, pl.ds(ebase, EPW)], colidx, sem)

        @pl.when(last)
        def _():
            pltpu.async_copy(ei_hbm.at[1, pl.ds(ebase, E_LAST)],
                             colidx.at[pl.ds(0, E_LAST)], sem)

        zeros16 = jnp.zeros((16,), jnp.float32)
        ones16 = jnp.ones((16,), jnp.float32)

        def zbody(j, carry):
            hist[pl.ds(j * 16, 16)] = zeros16
            return carry

        lax.fori_loop(0, NACC // 16, zbody, 0)

        @pl.when(jnp.logical_not(last))
        def _():
            pltpu.make_async_copy(ei_hbm.at[1, pl.ds(ebase, EPW)],
                                  colidx, sem).wait()

        @pl.when(last)
        def _():
            pltpu.make_async_copy(ei_hbm.at[1, pl.ds(ebase, E_LAST)],
                                  colidx.at[pl.ds(0, E_LAST)], sem).wait()

        def cbody(j, carry):
            v = colidx[pl.ds(j * 16, 16)]
            plsc.addupdate_scatter(hist, [v], ones16)
            return carry

        lax.fori_loop(0, jnp.where(last, E_LAST // 16, EPW // 16), cbody, 0)
        pltpu.sync_copy(hist, shared.at[s])
        plsc.subcore_barrier()
        for t in range(NS):
            pltpu.async_copy(shared.at[t, pl.ds(s * RPT, RPT)],
                             slices[t], sem)
        for t in range(NS):
            pltpu.make_async_copy(shared.at[t, pl.ds(s * RPT, RPT)],
                                  slices[t], sem).wait()
        def rbody(j, carry):
            acc = slices[0][pl.ds(j * 16, 16)]
            for t in range(1, NS):
                acc = acc + slices[t][pl.ds(j * 16, 16)]
            outbuf[pl.ds(j * 16, 16)] = acc
            return carry

        lax.fori_loop(0, RPT // 16, rbody, 0)
        pltpu.sync_copy(
            outbuf, out_hbm.at[pl.ds(c * NACC + s * RPT, RPT)])

    return _sc_deg


@functools.cache
def _sc_agg_kernel():
    mesh = plsc.VectorSubcoreMesh(core_axis_name="c", subcore_axis_name="s")

    @functools.partial(
        pl.kernel,
        out_type=jax.ShapeDtypeStruct((NC * NACC, D), jnp.float32),
        mesh=mesh,
        scratch_types=[
            [pltpu.VMEM((CH,), jnp.int32) for _ in range(4)],
            [pltpu.VMEM((CH,), jnp.int32) for _ in range(4)],
            [pltpu.VMEM((CH, D), jnp.float32) for _ in range(2)],
            pltpu.VMEM_SHARED((NACC, D), jnp.float32),
            [pltpu.SemaphoreType.DMA for _ in range(4)],
            [pltpu.SemaphoreType.DMA for _ in range(2)],
            [pltpu.SemaphoreType.DMA for _ in range(2)],
        ],
    )
    def _sc_agg(g_hbm, ei_hbm, zeros_hbm, out_hbm,
                rowidx, colidx, rows, acc_sh, isem, gsem, ssem):
        c = lax.axis_index("c")
        s = lax.axis_index("s")
        wid = c * NS + s
        nchunk = jnp.where(wid == NW - 1, E_LAST // CH, NCHUNK)
        ebase = wid * EPW

        def fire_idx(j, i4):
            pltpu.async_copy(ei_hbm.at[0, pl.ds(ebase + j * CH, CH)],
                             rowidx[i4], isem[i4])
            pltpu.async_copy(ei_hbm.at[1, pl.ds(ebase + j * CH, CH)],
                             colidx[i4], isem[i4])

        def wait_idx(i4):
            pltpu.make_async_copy(ei_hbm.at[0, pl.ds(ebase, CH)],
                                  rowidx[i4], isem[i4]).wait()
            pltpu.make_async_copy(ei_hbm.at[1, pl.ds(ebase, CH)],
                                  colidx[i4], isem[i4]).wait()

        def fire_gat(i4, i2):
            pltpu.async_copy(g_hbm.at[rowidx[i4]], rows[i2], gsem[i2])

        def wait_gat(i4, i2):
            pltpu.make_async_copy(g_hbm.at[rowidx[i4]], rows[i2],
                                  gsem[i2]).wait()

        def fire_scat(i2, i4):
            pltpu.async_copy(rows[i2], acc_sh.at[colidx[i4]], ssem[i2],
                             add=True)

        def wait_scat(i2, i4):
            pltpu.make_async_copy(rows[i2], acc_sh.at[colidx[i4]],
                                  ssem[i2]).wait()

        fire_idx(0, 0)
        fire_idx(1, 1)
        fire_idx(2, 2)
        fire_idx(3, 3)
        wait_idx(0)
        fire_gat(0, 0)
        wait_idx(1)
        fire_gat(1, 1)
        pltpu.sync_copy(zeros_hbm, acc_sh.at[pl.ds(s * RPT, RPT)])
        plsc.subcore_barrier()
        wait_gat(0, 0)
        fire_scat(0, 0)
        wait_scat(0, 0)
        wait_idx(2)
        fire_gat(2, 0)
        wait_gat(1, 1)
        fire_scat(1, 1)

        def body(t, carry):
            for b in range(4):
                jj = t * 4 + b
                i2 = b % 2
                wait_scat(1 - i2, (b + 1) % 4)
                fire_idx(jj, b)
                wait_idx((b - 1) % 4)
                fire_gat((b - 1) % 4, 1 - i2)
                wait_gat((b - 2) % 4, i2)
                fire_scat(i2, (b - 2) % 4)
            return carry

        lax.fori_loop(1, nchunk // 4, body, 0)
        wait_scat(1, 1)
        wait_idx(3)
        fire_gat(3, 1)
        wait_gat(2, 0)
        fire_scat(0, 2)
        wait_gat(3, 1)
        fire_scat(1, 3)
        wait_scat(0, 2)
        wait_scat(1, 3)
        plsc.subcore_barrier()
        pltpu.sync_copy(
            acc_sh.at[pl.ds(s * RPT, RPT)],
            out_hbm.at[pl.ds(c * NACC + s * RPT, RPT)],
        )

    return _sc_agg



def _dis_col(dA, dB):
    deg = dA[...] + dB[...] + 1.0
    return lax.rsqrt(deg).reshape(-1, 1)


def _k1_body(dA, dB, x_ref, w_ref, g_ref):
    g_ref[...] = jnp.dot(x_ref[...], w_ref[...],
                         preferred_element_type=jnp.float32) * _dis_col(dA, dB)


def _tc_k1(degp, x, W1):
    return pl.pallas_call(
        _k1_body,
        grid=(GRID,),
        in_specs=[
            pl.BlockSpec((RB,), lambda i: (i,)),
            pl.BlockSpec((RB,), lambda i: (i + NB,)),
            pl.BlockSpec((RB, D), lambda i: (i, 0)),
            pl.BlockSpec((D, D), lambda i: (0, 0)),
        ],
        out_specs=pl.BlockSpec((RB, D), lambda i: (i, 0)),
        out_shape=jax.ShapeDtypeStruct((N, D), jnp.float32),
    )(degp, degp, x, W1)


def _k2_body(dA, dB, aA, aB, g1_ref, b1_ref, w_ref, g2_ref):
    dis = _dis_col(dA, dB)
    h = dis * (aA[...] + aB[...] + g1_ref[...]) + b1_ref[...][None, :]
    h = jnp.maximum(h, 0.0)
    g2_ref[...] = jnp.dot(h, w_ref[...],
                          preferred_element_type=jnp.float32) * dis


def _tc_k2(degp, acc1, g1, b1, W2):
    return pl.pallas_call(
        _k2_body,
        grid=(GRID,),
        in_specs=[
            pl.BlockSpec((RB,), lambda i: (i,)),
            pl.BlockSpec((RB,), lambda i: (i + NB,)),
            pl.BlockSpec((RB, D), lambda i: (i, 0)),
            pl.BlockSpec((RB, D), lambda i: (i + NB, 0)),
            pl.BlockSpec((RB, D), lambda i: (i, 0)),
            pl.BlockSpec((D,), lambda i: (0,)),
            pl.BlockSpec((D, D), lambda i: (0, 0)),
        ],
        out_specs=pl.BlockSpec((RB, D), lambda i: (i, 0)),
        out_shape=jax.ShapeDtypeStruct((N, D), jnp.float32),
    )(degp, degp, acc1, acc1, g1, b1, W2)


def _k3_body(dA, dB, aA, aB, g2_ref, b2_ref, out_ref):
    out_ref[...] = (_dis_col(dA, dB) * (aA[...] + aB[...] + g2_ref[...])
                    + b2_ref[...][None, :])


def _tc_k3(degp, acc2, g2, b2):
    return pl.pallas_call(
        _k3_body,
        grid=(GRID,),
        in_specs=[
            pl.BlockSpec((RB,), lambda i: (i,)),
            pl.BlockSpec((RB,), lambda i: (i + NB,)),
            pl.BlockSpec((RB, D), lambda i: (i, 0)),
            pl.BlockSpec((RB, D), lambda i: (i + NB, 0)),
            pl.BlockSpec((RB, D), lambda i: (i, 0)),
            pl.BlockSpec((D,), lambda i: (0,)),
        ],
        out_specs=pl.BlockSpec((RB, D), lambda i: (i, 0)),
        out_shape=jax.ShapeDtypeStruct((N, D), jnp.float32),
    )(degp, degp, acc2, acc2, g2, b2)



def kernel(x, edge_index, W1, b1, W2, b2):
    ei = edge_index.astype(jnp.int32)
    zeros_rows = jnp.zeros((RPT, D), jnp.float32)

    degp = _sc_deg_kernel()(ei)
    g1 = _tc_k1(degp, x, W1)
    acc1 = _sc_agg_kernel()(g1, ei, zeros_rows)
    g2 = _tc_k2(degp, acc1, g1, b1, W2)
    acc2 = _sc_agg_kernel()(g2, ei, zeros_rows)
    return _tc_k3(degp, acc2, g2, b2)

# --- scband reference (transcript-rebuilt; emitter-appended) ---
"""Pipeline reference for scband-gcn-7327214207513 (READ-ONLY COPY).

The authoritative reference and input builder live on the scoring server;
editing this copy changes nothing except your own understanding.
"""

import jax, jax.numpy as jnp
import numpy as np

N_NODES = 10000
N_EDGES = 320000
D_IN = 128
D_HID = 128


def _glorot(key, fan_in, fan_out):
    limit = np.sqrt(6.0 / (fan_in + fan_out))
    return jax.random.uniform(key, (fan_in, fan_out), dtype=jnp.float32, minval=-limit, maxval=limit)


def setup_inputs(seed: int = 0) -> dict:
    key = jax.random.key(seed)
    k1, k2, k3, k4 = jax.random.split(key, 4)
    x = jax.random.normal(k1, (N_NODES, D_IN), dtype=jnp.float32)
    edge_index = jax.random.randint(k2, (2, N_EDGES), 0, N_NODES, dtype=jnp.int64)
    W1 = _glorot(k3, D_IN, D_HID)
    b1 = jnp.zeros((D_HID,), dtype=jnp.float32)
    W2 = _glorot(k4, D_HID, D_HID)
    b2 = jnp.zeros((D_HID,), dtype=jnp.float32)
    return {"x": x, "edge_index": edge_index, "W1": W1, "b1": b1, "W2": W2, "b2": b2}


def _gcn_conv(x, edge_index, W, b):
    # Faithful PyG GCNConv: linear transform, add self-loops, symmetric normalization, sum-aggregate, bias.
    N = x.shape[0]
    h = x @ W
    loop = jnp.arange(N, dtype=edge_index.dtype)
    row = jnp.concatenate([edge_index[0], loop])  # source nodes
    col = jnp.concatenate([edge_index[1], loop])  # destination nodes
    deg = jnp.zeros((N,), dtype=h.dtype).at[col].add(1.0)
    deg_inv_sqrt = jnp.where(deg > 0, deg ** -0.5, 0.0)
    norm = deg_inv_sqrt[row] * deg_inv_sqrt[col]
    msg = h[row] * norm[:, None]
    out = jnp.zeros_like(h).at[col].add(msg)
    return out + b


def reference(x, edge_index, W1, b1, W2, b2):
    h = _gcn_conv(x, edge_index, W1, b1)
    h = jax.nn.relu(h)  # activation between layers; dropout_rate=0 -> identity
    h = _gcn_conv(h, edge_index, W2, b2)
    return h

if __name__ == "__main__":
    import jax
    _d = setup_inputs()
    print(jax.jit(kernel)(*tuple(_d.values())))

</pallas_src>

<mosaic_0001>
#map = affine_map<(d0, d1) -> (0, 0)>
module attributes {stable_mosaic.version = 14 : i64} {
  func.func @_sc_agg(%arg0: i32, %arg1: i32, %arg2: memref<10000x128xf32, #tpu.memory_space<hbm>>, %arg3: memref<2x320000xi32, #tpu.memory_space<hbm>>, %arg4: memref<640x128xf32, #tpu.memory_space<hbm>>, %arg5: memref<20480x128xf32, #tpu.memory_space<hbm>>, %arg6: memref<128xi32, #tpu.memory_space<vmem>>, %arg7: memref<128xi32, #tpu.memory_space<vmem>>, %arg8: memref<128xi32, #tpu.memory_space<vmem>>, %arg9: memref<128xi32, #tpu.memory_space<vmem>>, %arg10: memref<128xi32, #tpu.memory_space<vmem>>, %arg11: memref<128xi32, #tpu.memory_space<vmem>>, %arg12: memref<128xi32, #tpu.memory_space<vmem>>, %arg13: memref<128xi32, #tpu.memory_space<vmem>>, %arg14: memref<128x128xf32, #tpu.memory_space<vmem>>, %arg15: memref<128x128xf32, #tpu.memory_space<vmem>>, %arg16: memref<10240x128xf32, #tpu.memory_space<vmem_shared>>, %arg17: memref<!tpu.dma_semaphore, #tpu.memory_space<semaphore_mem>>, %arg18: memref<!tpu.dma_semaphore, #tpu.memory_space<semaphore_mem>>, %arg19: memref<!tpu.dma_semaphore, #tpu.memory_space<semaphore_mem>>, %arg20: memref<!tpu.dma_semaphore, #tpu.memory_space<semaphore_mem>>, %arg21: memref<!tpu.dma_semaphore, #tpu.memory_space<semaphore_mem>>, %arg22: memref<!tpu.dma_semaphore, #tpu.memory_space<semaphore_mem>>, %arg23: memref<!tpu.dma_semaphore, #tpu.memory_space<semaphore_mem>>, %arg24: memref<!tpu.dma_semaphore, #tpu.memory_space<semaphore_mem>>) attributes {dimension_semantics = [#tpu.dimension_semantics<core_parallel>, #tpu.dimension_semantics<subcore_parallel>], iteration_bounds = array<i64: 2, 16>, scalar_prefetch = 0 : i64, scratch_operands = 19 : i64, tpu.core_type = #tpu.core_type<sc_vector_subcore>, window_params = [{transform_indices = #map}, {transform_indices = #map}, {transform_indices = #map}, {transform_indices = #map}]} {
    %mul3A = arith.constant 16 : i32
    %mul3A_0 = arith.muli %arg0, %mul3A : i32
    %add3A = arith.addi %mul3A_0, %arg1 : i32
    %eq3A = arith.constant 31 : i32
    %eq3A_1 = arith.cmpi eq, %add3A, %eq3A : i32
    %jit3A = arith.constant 20 : i32
    %jit3A_2 = arith.constant 80 : i32
    %select_n3A = arith.select %eq3A_1, %jit3A, %jit3A_2 : i32
    %mul3A_3 = arith.constant 10240 : i32
    %mul3A_4 = arith.muli %add3A, %mul3A_3 : i32
    %add3A_5 = arith.constant 0 : i32
    %add3A_6 = arith.addi %mul3A_4, %add3A_5 : i32
    %dma_start3A = arith.constant 0 : i32
    %dma_start3A_7 = tpu.memref_slice %arg3[%dma_start3A, %add3A_6] : memref<2x320000xi32, #tpu.memory_space<hbm>> -> memref<1x128xi32, #tpu.memory_space<hbm>>
    %dma_start3A_8 = tpu.memref_squeeze %dma_start3A_7 : memref<1x128xi32, #tpu.memory_space<hbm>> -> memref<128xi32, #tpu.memory_space<hbm>>
    %dma_start3A_9 = tpu.memref_slice %arg3[%dma_start3A, %add3A_6] : memref<2x320000xi32, #tpu.memory_space<hbm>> -> memref<1x128xi32, #tpu.memory_space<hbm>>
    %dma_start3A_10 = tpu.memref_squeeze %dma_start3A_9 : memref<1x128xi32, #tpu.memory_space<hbm>> -> memref<128xi32, #tpu.memory_space<hbm>>
    tpu.enqueue_dma source(%dma_start3A_10 : memref<128xi32, #tpu.memory_space<hbm>>) target(%arg6 : memref<128xi32, #tpu.memory_space<vmem>>) target_semaphore(%arg17 : memref<!tpu.dma_semaphore, #tpu.memory_space<semaphore_mem>>)
    %add3A_11 = arith.constant 0 : i32
    %add3A_12 = arith.addi %mul3A_4, %add3A_11 : i32
    %dma_start3A_13 = arith.constant 1 : i32
    %dma_start3A_14 = tpu.memref_slice %arg3[%dma_start3A_13, %add3A_12] : memref<2x320000xi32, #tpu.memory_space<hbm>> -> memref<1x128xi32, #tpu.memory_space<hbm>>
    %dma_start3A_15 = tpu.memref_squeeze %dma_start3A_14 : memref<1x128xi32, #tpu.memory_space<hbm>> -> memref<128xi32, #tpu.memory_space<hbm>>
    %dma_start3A_16 = tpu.memref_slice %arg3[%dma_start3A_13, %add3A_12] : memref<2x320000xi32, #tpu.memory_space<hbm>> -> memref<1x128xi32, #tpu.memory_space<hbm>>
    %dma_start3A_17 = tpu.memref_squeeze %dma_start3A_16 : memref<1x128xi32, #tpu.memory_space<hbm>> -> memref<128xi32, #tpu.memory_space<hbm>>
    tpu.enqueue_dma source(%dma_start3A_17 : memref<128xi32, #tpu.memory_space<hbm>>) target(%arg10 : memref<128xi32, #tpu.memory_space<vmem>>) target_semaphore(%arg17 : memref<!tpu.dma_semaphore, #tpu.memory_space<semaphore_mem>>)
    %add3A_18 = arith.constant 128 : i32
    %add3A_19 = arith.addi %mul3A_4, %add3A_18 : i32
    %dma_start3A_20 = arith.constant 0 : i32
    %dma_start3A_21 = tpu.memref_slice %arg3[%dma_start3A_20, %add3A_19] : memref<2x320000xi32, #tpu.memory_space<hbm>> -> memref<1x128xi32, #tpu.memory_space<hbm>>
    %dma_start3A_22 = tpu.memref_squeeze %dma_start3A_21 : memref<1x128xi32, #tpu.memory_space<hbm>> -> memref<128xi32, #tpu.memory_space<hbm>>
    %dma_start3A_23 = tpu.memref_slice %arg3[%dma_start3A_20, %add3A_19] : memref<2x320000xi32, #tpu.memory_space<hbm>> -> memref<1x128xi32, #tpu.memory_space<hbm>>
    %dma_start3A_24 = tpu.memref_squeeze %dma_start3A_23 : memref<1x128xi32, #tpu.memory_space<hbm>> -> memref<128xi32, #tpu.memory_space<hbm>>
    tpu.enqueue_dma source(%dma_start3A_24 : memref<128xi32, #tpu.memory_space<hbm>>) target(%arg7 : memref<128xi32, #tpu.memory_space<vmem>>) target_semaphore(%arg18 : memref<!tpu.dma_semaphore, #tpu.memory_space<semaphore_mem>>)
    %add3A_25 = arith.constant 128 : i32
    %add3A_26 = arith.addi %mul3A_4, %add3A_25 : i32
    %dma_start3A_27 = arith.constant 1 : i32
    %dma_start3A_28 = tpu.memref_slice %arg3[%dma_start3A_27, %add3A_26] : memref<2x320000xi32, #tpu.memory_space<hbm>> -> memref<1x128xi32, #tpu.memory_space<hbm>>
    %dma_start3A_29 = tpu.memref_squeeze %dma_start3A_28 : memref<1x128xi32, #tpu.memory_space<hbm>> -> memref<128xi32, #tpu.memory_space<hbm>>
    %dma_start3A_30 = tpu.memref_slice %arg3[%dma_start3A_27, %add3A_26] : memref<2x320000xi32, #tpu.memory_space<hbm>> -> memref<1x128xi32, #tpu.memory_space<hbm>>
    %dma_start3A_31 = tpu.memref_squeeze %dma_start3A_30 : memref<1x128xi32, #tpu.memory_space<hbm>> -> memref<128xi32, #tpu.memory_space<hbm>>
    tpu.enqueue_dma source(%dma_start3A_31 : memref<128xi32, #tpu.memory_space<hbm>>) target(%arg11 : memref<128xi32, #tpu.memory_space<vmem>>) target_semaphore(%arg18 : memref<!tpu.dma_semaphore, #tpu.memory_space<semaphore_mem>>)
    %add3A_32 = arith.constant 256 : i32
    %add3A_33 = arith.addi %mul3A_4, %add3A_32 : i32
    %dma_start3A_34 = arith.constant 0 : i32
    %dma_start3A_35 = tpu.memref_slice %arg3[%dma_start3A_34, %add3A_33] : memref<2x320000xi32, #tpu.memory_space<hbm>> -> memref<1x128xi32, #tpu.memory_space<hbm>>
    %dma_start3A_36 = tpu.memref_squeeze %dma_start3A_35 : memref<1x128xi32, #tpu.memory_space<hbm>> -> memref<128xi32, #tpu.memory_space<hbm>>
    %dma_start3A_37 = tpu.memref_slice %arg3[%dma_start3A_34, %add3A_33] : memref<2x320000xi32, #tpu.memory_space<hbm>> -> memref<1x128xi32, #tpu.memory_space<hbm>>
    %dma_start3A_38 = tpu.memref_squeeze %dma_start3A_37 : memref<1x128xi32, #tpu.memory_space<hbm>> -> memref<128xi32, #tpu.memory_space<hbm>>
    tpu.enqueue_dma source(%dma_start3A_38 : memref<128xi32, #tpu.memory_space<hbm>>) target(%arg8 : memref<128xi32, #tpu.memory_space<vmem>>) target_semaphore(%arg19 : memref<!tpu.dma_semaphore, #tpu.memory_space<semaphore_mem>>)
    %add3A_39 = arith.constant 256 : i32
    %add3A_40 = arith.addi %mul3A_4, %add3A_39 : i32
    %dma_start3A_41 = arith.constant 1 : i32
    %dma_start3A_42 = tpu.memref_slice %arg3[%dma_start3A_41, %add3A_40] : memref<2x320000xi32, #tpu.memory_space<hbm>> -> memref<1x128xi32, #tpu.memory_space<hbm>>
    %dma_start3A_43 = tpu.memref_squeeze %dma_start3A_42 : memref<1x128xi32, #tpu.memory_space<hbm>> -> memref<128xi32, #tpu.memory_space<hbm>>
    %dma_start3A_44 = tpu.memref_slice %arg3[%dma_start3A_41, %add3A_40] : memref<2x320000xi32, #tpu.memory_space<hbm>> -> memref<1x128xi32, #tpu.memory_space<hbm>>
    %dma_start3A_45 = tpu.memref_squeeze %dma_start3A_44 : memref<1x128xi32, #tpu.memory_space<hbm>> -> memref<128xi32, #tpu.memory_space<hbm>>
    tpu.enqueue_dma source(%dma_start3A_45 : memref<128xi32, #tpu.memory_space<hbm>>) target(%arg12 : memref<128xi32, #tpu.memory_space<vmem>>) target_semaphore(%arg19 : memref<!tpu.dma_semaphore, #tpu.memory_space<semaphore_mem>>)
    %add3A_46 = arith.constant 384 : i32
    %add3A_47 = arith.addi %mul3A_4, %add3A_46 : i32
    %dma_start3A_48 = arith.constant 0 : i32
    %dma_start3A_49 = tpu.memref_slice %arg3[%dma_start3A_48, %add3A_47] : memref<2x320000xi32, #tpu.memory_space<hbm>> -> memref<1x128xi32, #tpu.memory_space<hbm>>
    %dma_start3A_50 = tpu.memref_squeeze %dma_start3A_49 : memref<1x128xi32, #tpu.memory_space<hbm>> -> memref<128xi32, #tpu.memory_space<hbm>>
    %dma_start3A_51 = tpu.memref_slice %arg3[%dma_start3A_48, %add3A_47] : memref<2x320000xi32, #tpu.memory_space<hbm>> -> memref<1x128xi32, #tpu.memory_space<hbm>>
    %dma_start3A_52 = tpu.memref_squeeze %dma_start3A_51 : memref<1x128xi32, #tpu.memory_space<hbm>> -> memref<128xi32, #tpu.memory_space<hbm>>
    tpu.enqueue_dma source(%dma_start3A_52 : memref<128xi32, #tpu.memory_space<hbm>>) target(%arg9 : memref<128xi32, #tpu.memory_space<vmem>>) target_semaphore(%arg20 : memref<!tpu.dma_semaphore, #tpu.memory_space<semaphore_mem>>)
    %add3A_53 = arith.constant 384 : i32
    %add3A_54 = arith.addi %mul3A_4, %add3A_53 : i32
    %dma_start3A_55 = arith.constant 1 : i32
    %dma_start3A_56 = tpu.memref_slice %arg3[%dma_start3A_55, %add3A_54] : memref<2x320000xi32, #tpu.memory_space<hbm>> -> memref<1x128xi32, #tpu.memory_space<hbm>>
    %dma_start3A_57 = tpu.memref_squeeze %dma_start3A_56 : memref<1x128xi32, #tpu.memory_space<hbm>> -> memref<128xi32, #tpu.memory_space<hbm>>
    %dma_start3A_58 = tpu.memref_slice %arg3[%dma_start3A_55, %add3A_54] : memref<2x320000xi32, #tpu.memory_space<hbm>> -> memref<1x128xi32, #tpu.memory_space<hbm>>
    %dma_start3A_59 = tpu.memref_squeeze %dma_start3A_58 : memref<1x128xi32, #tpu.memory_space<hbm>> -> memref<128xi32, #tpu.memory_space<hbm>>
    tpu.enqueue_dma source(%dma_start3A_59 : memref<128xi32, #tpu.memory_space<hbm>>) target(%arg13 : memref<128xi32, #tpu.memory_space<vmem>>) target_semaphore(%arg20 : memref<!tpu.dma_semaphore, #tpu.memory_space<semaphore_mem>>)
    %dma_wait3A = arith.constant 0 : i32
    %dma_wait3A_60 = tpu.memref_slice %arg3[%dma_wait3A, %mul3A_4] : memref<2x320000xi32, #tpu.memory_space<hbm>> -> memref<1x128xi32, #tpu.memory_space<hbm>>
    %dma_wait3A_61 = tpu.memref_squeeze %dma_wait3A_60 : memref<1x128xi32, #tpu.memory_space<hbm>> -> memref<128xi32, #tpu.memory_space<hbm>>
    %dma_wait3A_62 = tpu.memref_slice %arg3[%dma_wait3A, %mul3A_4] : memref<2x320000xi32, #tpu.memory_space<hbm>> -> memref<1x128xi32, #tpu.memory_space<hbm>>
    %dma_wait3A_63 = tpu.memref_squeeze %dma_wait3A_62 : memref<1x128xi32, #tpu.memory_space<hbm>> -> memref<128xi32, #tpu.memory_space<hbm>>
    tpu.wait_dma2 semaphore(%arg17 : memref<!tpu.dma_semaphore, #tpu.memory_space<semaphore_mem>>) src(%dma_wait3A_63 : memref<128xi32, #tpu.memory_space<hbm>>) dst(%arg6 : memref<128xi32, #tpu.memory_space<vmem>>)
    %dma_wait3A_64 = arith.constant 1 : i32
    %dma_wait3A_65 = tpu.memref_slice %arg3[%dma_wait3A_64, %mul3A_4] : memref<2x320000xi32, #tpu.memory_space<hbm>> -> memref<1x128xi32, #tpu.memory_space<hbm>>
    %dma_wait3A_66 = tpu.memref_squeeze %dma_wait3A_65 : memref<1x128xi32, #tpu.memory_space<hbm>> -> memref<128xi32, #tpu.memory_space<hbm>>
    %dma_wait3A_67 = tpu.memref_slice %arg3[%dma_wait3A_64, %mul3A_4] : memref<2x320000xi32, #tpu.memory_space<hbm>> -> memref<1x128xi32, #tpu.memory_space<hbm>>
    %dma_wait3A_68 = tpu.memref_squeeze %dma_wait3A_67 : memref<1x128xi32, #tpu.memory_space<hbm>> -> memref<128xi32, #tpu.memory_space<hbm>>
    tpu.wait_dma2 semaphore(%arg17 : memref<!tpu.dma_semaphore, #tpu.memory_space<semaphore_mem>>) src(%dma_wait3A_68 : memref<128xi32, #tpu.memory_space<hbm>>) dst(%arg10 : memref<128xi32, #tpu.memory_space<vmem>>)
    %dma_start3A_69 = arith.constant 0 : i32
    %dma_start3A_70 = arith.constant 0 : i32
    %dma_start3A_71 = tpu.memref_slice %arg2[%dma_start3A_69, %dma_start3A_70] : memref<10000x128xf32, #tpu.memory_space<hbm>> -> memref<10000x128xf32, #tpu.memory_space<hbm>>
    tpu.enqueue_indirect_dma source(%dma_start3A_71 : memref<10000x128xf32, #tpu.memory_space<hbm>>) target(%arg14 : memref<128x128xf32, #tpu.memory_space<vmem>>) offsets(%arg6 : memref<128xi32, #tpu.memory_space<vmem>>) semaphore(%arg21 : memref<!tpu.dma_semaphore, #tpu.memory_space<semaphore_mem>>)
    %dma_wait3A_72 = arith.constant 0 : i32
    %dma_wait3A_73 = tpu.memref_slice %arg3[%dma_wait3A_72, %mul3A_4] : memref<2x320000xi32, #tpu.memory_space<hbm>> -> memref<1x128xi32, #tpu.memory_space<hbm>>
    %dma_wait3A_74 = tpu.memref_squeeze %dma_wait3A_73 : memref<1x128xi32, #tpu.memory_space<hbm>> -> memref<128xi32, #tpu.memory_space<hbm>>
    %dma_wait3A_75 = tpu.memref_slice %arg3[%dma_wait3A_72, %mul3A_4] : memref<2x320000xi32, #tpu.memory_space<hbm>> -> memref<1x128xi32, #tpu.memory_space<hbm>>
    %dma_wait3A_76 = tpu.memref_squeeze %dma_wait3A_75 : memref<1x128xi32, #tpu.memory_space<hbm>> -> memref<128xi32, #tpu.memory_space<hbm>>
    tpu.wait_dma2 semaphore(%arg18 : memref<!tpu.dma_semaphore, #tpu.memory_space<semaphore_mem>>) src(%dma_wait3A_76 : memref<128xi32, #tpu.memory_space<hbm>>) dst(%arg7 : memref<128xi32, #tpu.memory_space<vmem>>)
    %dma_wait3A_77 = arith.constant 1 : i32
    %dma_wait3A_78 = tpu.memref_slice %arg3[%dma_wait3A_77, %mul3A_4] : memref<2x320000xi32, #tpu.memory_space<hbm>> -> memref<1x128xi32, #tpu.memory_space<hbm>>
    %dma_wait3A_79 = tpu.memref_squeeze %dma_wait3A_78 : memref<1x128xi32, #tpu.memory_space<hbm>> -> memref<128xi32, #tpu.memory_space<hbm>>
    %dma_wait3A_80 = tpu.memref_slice %arg3[%dma_wait3A_77, %mul3A_4] : memref<2x320000xi32, #tpu.memory_space<hbm>> -> memref<1x128xi32, #tpu.memory_space<hbm>>
    %dma_wait3A_81 = tpu.memref_squeeze %dma_wait3A_80 : memref<1x128xi32, #tpu.memory_space<hbm>> -> memref<128xi32, #tpu.memory_space<hbm>>
    tpu.wait_dma2 semaphore(%arg18 : memref<!tpu.dma_semaphore, #tpu.memory_space<semaphore_mem>>) src(%dma_wait3A_81 : memref<128xi32, #tpu.memory_space<hbm>>) dst(%arg11 : memref<128xi32, #tpu.memory_space<vmem>>)
    %dma_start3A_82 = arith.constant 0 : i32
    %dma_start3A_83 = arith.constant 0 : i32
    %dma_start3A_84 = tpu.memref_slice %arg2[%dma_start3A_82, %dma_start3A_83] : memref<10000x128xf32, #tpu.memory_space<hbm>> -> memref<10000x128xf32, #tpu.memory_space<hbm>>
    tpu.enqueue_indirect_dma source(%dma_start3A_84 : memref<10000x128xf32, #tpu.memory_space<hbm>>) target(%arg15 : memref<128x128xf32, #tpu.memory_space<vmem>>) offsets(%arg7 : memref<128xi32, #tpu.memory_space<vmem>>) semaphore(%arg22 : memref<!tpu.dma_semaphore, #tpu.memory_space<semaphore_mem>>)
    %mul3A_85 = arith.constant 640 : i32
    %mul3A_86 = arith.muli %arg1, %mul3A_85 : i32
    "tpu.region"() ({
      %run_scoped3A = tpu.sem_alloc : memref<!tpu.dma_semaphore, #tpu.memory_space<semaphore_mem>>
      %dma_start3A_184 = arith.constant 0 : i32
      %dma_start3A_185 = tpu.memref_slice %arg16[%mul3A_86, %dma_start3A_184] : memref<10240x128xf32, #tpu.memory_space<vmem_shared>> -> memref<640x128xf32, #tpu.memory_space<vmem_shared>>
      tpu.enqueue_dma source(%arg4 : memref<640x128xf32, #tpu.memory_space<hbm>>) target(%dma_start3A_185 : memref<640x128xf32, #tpu.memory_space<vmem_shared>>) target_semaphore(%run_scoped3A : memref<!tpu.dma_semaphore, #tpu.memory_space<semaphore_mem>>)
      %dma_wait3A_186 = arith.constant 0 : i32
      %dma_wait3A_187 = tpu.memref_slice %arg16[%mul3A_86, %dma_wait3A_186] : memref<10240x128xf32, #tpu.memory_space<vmem_shared>> -> memref<640x128xf32, #tpu.memory_space<vmem_shared>>
      tpu.wait_dma2 semaphore(%run_scoped3A : memref<!tpu.dma_semaphore, #tpu.memory_space<semaphore_mem>>) src(%arg4 : memref<640x128xf32, #tpu.memory_space<hbm>>) dst(%dma_wait3A_187 : memref<640x128xf32, #tpu.memory_space<vmem_shared>>)
      tpu.yield
    }) : () -> ()
    %barrier3A = arith.constant 0 : index
    tpu.barrier barrier_id(%barrier3A)
    %dma_wait3A_87 = arith.constant 0 : i32
    %dma_wait3A_88 = arith.constant 0 : i32
    %dma_wait3A_89 = tpu.memref_slice %arg2[%dma_wait3A_87, %dma_wait3A_88] : memref<10000x128xf32, #tpu.memory_space<hbm>> -> memref<10000x128xf32, #tpu.memory_space<hbm>>
    tpu.wait_indirect_dma semaphore(%arg21 : memref<!tpu.dma_semaphore, #tpu.memory_space<semaphore_mem>>) src(%dma_wait3A_89 : memref<10000x128xf32, #tpu.memory_space<hbm>>) dst(%arg14 : memref<128x128xf32, #tpu.memory_space<vmem>>)
    %dma_start3A_90 = arith.constant 0 : i32
    %dma_start3A_91 = arith.constant 0 : i32
    %dma_start3A_92 = tpu.memref_slice %arg16[%dma_start3A_90, %dma_start3A_91] : memref<10240x128xf32, #tpu.memory_space<vmem_shared>> -> memref<10240x128xf32, #tpu.memory_space<vmem_shared>>
    tpu.enqueue_indirect_dma source(%arg14 : memref<128x128xf32, #tpu.memory_space<vmem>>) target(%dma_start3A_92 : memref<10240x128xf32, #tpu.memory_space<vmem_shared>>) offsets(%arg10 : memref<128xi32, #tpu.memory_space<vmem>>) semaphore(%arg23 : memref<!tpu.dma_semaphore, #tpu.memory_space<semaphore_mem>>) {add = true}
    %dma_wait3A_93 = arith.constant 0 : i32
    %dma_wait3A_94 = arith.constant 0 : i32
    %dma_wait3A_95 = tpu.memref_slice %arg16[%dma_wait3A_93, %dma_wait3A_94] : memref<10240x128xf32, #tpu.memory_space<vmem_shared>> -> memref<10240x128xf32, #tpu.memory_space<vmem_shared>>
    tpu.wait_indirect_dma semaphore(%arg23 : memref<!tpu.dma_semaphore, #tpu.memory_space<semaphore_mem>>) src(%arg14 : memref<128x128xf32, #tpu.memory_space<vmem>>) dst(%dma_wait3A_95 : memref<10240x128xf32, #tpu.memory_space<vmem_shared>>)
    %dma_wait3A_96 = arith.constant 0 : i32
    %dma_wait3A_97 = tpu.memref_slice %arg3[%dma_wait3A_96, %mul3A_4] : memref<2x320000xi32, #tpu.memory_space<hbm>> -> memref<1x128xi32, #tpu.memory_space<hbm>>
    %dma_wait3A_98 = tpu.memref_squeeze %dma_wait3A_97 : memref<1x128xi32, #tpu.memory_space<hbm>> -> memref<128xi32, #tpu.memory_space<hbm>>
    %dma_wait3A_99 = tpu.memref_slice %arg3[%dma_wait3A_96, %mul3A_4] : memref<2x320000xi32, #tpu.memory_space<hbm>> -> memref<1x128xi32, #tpu.memory_space<hbm>>
    %dma_wait3A_100 = tpu.memref_squeeze %dma_wait3A_99 : memref<1x128xi32, #tpu.memory_space<hbm>> -> memref<128xi32, #tpu.memory_space<hbm>>
    tpu.wait_dma2 semaphore(%arg19 : memref<!tpu.dma_semaphore, #tpu.memory_space<semaphore_mem>>) src(%dma_wait3A_100 : memref<128xi32, #tpu.memory_space<hbm>>) dst(%arg8 : memref<128xi32, #tpu.memory_space<vmem>>)
    %dma_wait3A_101 = arith.constant 1 : i32
    %dma_wait3A_102 = tpu.memref_slice %arg3[%dma_wait3A_101, %mul3A_4] : memref<2x320000xi32, #tpu.memory_space<hbm>> -> memref<1x128xi32, #tpu.memory_space<hbm>>
    %dma_wait3A_103 = tpu.memref_squeeze %dma_wait3A_102 : memref<1x128xi32, #tpu.memory_space<hbm>> -> memref<128xi32, #tpu.memory_space<hbm>>
    %dma_wait3A_104 = tpu.memref_slice %arg3[%dma_wait3A_101, %mul3A_4] : memref<2x320000xi32, #tpu.memory_space<hbm>> -> memref<1x128xi32, #tpu.memory_space<hbm>>
    %dma_wait3A_105 = tpu.memref_squeeze %dma_wait3A_104 : memref<1x128xi32, #tpu.memory_space<hbm>> -> memref<128xi32, #tpu.memory_space<hbm>>
    tpu.wait_dma2 semaphore(%arg19 : memref<!tpu.dma_semaphore, #tpu.memory_space<semaphore_mem>>) src(%dma_wait3A_105 : memref<128xi32, #tpu.memory_space<hbm>>) dst(%arg12 : memref<128xi32, #tpu.memory_space<vmem>>)
    %dma_start3A_106 = arith.constant 0 : i32
    %dma_start3A_107 = arith.constant 0 : i32
    %dma_start3A_108 = tpu.memref_slice %arg2[%dma_start3A_106, %dma_start3A_107] : memref<10000x128xf32, #tpu.memory_space<hbm>> -> memref<10000x128xf32, #tpu.memory_space<hbm>>
    tpu.enqueue_indirect_dma source(%dma_start3A_108 : memref<10000x128xf32, #tpu.memory_space<hbm>>) target(%arg14 : memref<128x128xf32, #tpu.memory_space<vmem>>) offsets(%arg8 : memref<128xi32, #tpu.memory_space<vmem>>) semaphore(%arg21 : memref<!tpu.dma_semaphore, #tpu.memory_space<semaphore_mem>>)
    %dma_wait3A_109 = arith.constant 0 : i32
    %dma_wait3A_110 = arith.constant 0 : i32
    %dma_wait3A_111 = tpu.memref_slice %arg2[%dma_wait3A_109, %dma_wait3A_110] : memref<10000x128xf32, #tpu.memory_space<hbm>> -> memref<10000x128xf32, #tpu.memory_space<hbm>>
    tpu.wait_indirect_dma semaphore(%arg22 : memref<!tpu.dma_semaphore, #tpu.memory_space<semaphore_mem>>) src(%dma_wait3A_111 : memref<10000x128xf32, #tpu.memory_space<hbm>>) dst(%arg15 : memref<128x128xf32, #tpu.memory_space<vmem>>)
    %dma_start3A_112 = arith.constant 0 : i32
    %dma_start3A_113 = arith.constant 0 : i32
    %dma_start3A_114 = tpu.memref_slice %arg16[%dma_start3A_112, %dma_start3A_113] : memref<10240x128xf32, #tpu.memory_space<vmem_shared>> -> memref<10240x128xf32, #tpu.memory_space<vmem_shared>>
    tpu.enqueue_indirect_dma source(%arg15 : memref<128x128xf32, #tpu.memory_space<vmem>>) target(%dma_start3A_114 : memref<10240x128xf32, #tpu.memory_space<vmem_shared>>) offsets(%arg11 : memref<128xi32, #tpu.memory_space<vmem>>) semaphore(%arg24 : memref<!tpu.dma_semaphore, #tpu.memory_space<semaphore_mem>>) {add = true}
    %jit3A_115 = arith.constant 4 : i32
    %div3A = arith.divsi %select_n3A, %jit3A_115 : i32
    %sign3A = arith.constant 0 : i32
    %sign3A_116 = arith.cmpi sgt, %select_n3A, %sign3A : i32
    %sign3A_117 = arith.extui %sign3A_116 : i1 to i32
    %sign3A_118 = arith.constant 0 : i32
    %sign3A_119 = arith.cmpi slt, %select_n3A, %sign3A_118 : i32
    %sign3A_120 = arith.extui %sign3A_119 : i1 to i32
    %sign3A_121 = arith.subi %sign3A_117, %sign3A_120 : i32
    %sign3A_122 = arith.constant 0 : i32
    %sign3A_123 = arith.cmpi sgt, %jit3A_115, %sign3A_122 : i32
    %sign3A_124 = arith.extui %sign3A_123 : i1 to i32
    %sign3A_125 = arith.constant 0 : i32
    %sign3A_126 = arith.cmpi slt, %jit3A_115, %sign3A_125 : i32
    %sign3A_127 = arith.extui %sign3A_126 : i1 to i32
    %sign3A_128 = arith.subi %sign3A_124, %sign3A_127 : i32
    %ne3A = arith.cmpi ne, %sign3A_121, %sign3A_128 : i32
    %rem3A = arith.remsi %select_n3A, %jit3A_115 : i32
    %ne3A_129 = arith.constant 0 : i32
    %ne3A_130 = arith.cmpi ne, %rem3A, %ne3A_129 : i32
    %and3A = arith.andi %ne3A, %ne3A_130 : i1
    %sub3A = arith.constant 1 : i32
    %sub3A_131 = arith.subi %div3A, %sub3A : i32
    %select_n3A_132 = arith.select %and3A, %sub3A_131, %div3A : i32
    %while3A = arith.constant 0 : i32
    %while3A_133 = arith.constant 1 : i32
    %while3A_134 = arith.subi %select_n3A_132, %while3A_133 : i32
    %while3A_135 = arith.addi %while3A_133, %while3A_134 : i32
    %while3A_136 = arith.constant 1 : i32
    %while3A_137 = arith.divsi %while3A_134, %while3A_136 : i32
    %while3A_138 = arith.muli %while3A_137, %while3A_136 : i32
    %while3A_139 = arith.addi %while3A_133, %while3A_138 : i32
    %while3A_140 = arith.constant 1 : i32
    scf.for %while3A_184 = %while3A_133 to %while3A_139 step %while3A_140  : i32 {
      %mul3A_185 = arith.constant 4 : i32
      %mul3A_186 = arith.muli %while3A_184, %mul3A_185 : i32
      %add3A_187 = arith.constant 0 : i32
      %add3A_188 = arith.addi %mul3A_186, %add3A_187 : i32
      %dma_wait3A_189 = arith.constant 0 : i32
      %dma_wait3A_190 = arith.constant 0 : i32
      %dma_wait3A_191 = tpu.memref_slice %arg16[%dma_wait3A_189, %dma_wait3A_190] : memref<10240x128xf32, #tpu.memory_space<vmem_shared>> -> memref<10240x128xf32, #tpu.memory_space<vmem_shared>>
      tpu.wait_indirect_dma semaphore(%arg24 : memref<!tpu.dma_semaphore, #tpu.memory_space<semaphore_mem>>) src(%arg15 : memref<128x128xf32, #tpu.memory_space<vmem>>) dst(%dma_wait3A_191 : memref<10240x128xf32, #tpu.memory_space<vmem_shared>>)
      %mul3A_192 = arith.constant 128 : i32
      %mul3A_193 = arith.muli %add3A_188, %mul3A_192 : i32
      %add3A_194 = arith.addi %mul3A_4, %mul3A_193 : i32
      %dma_start3A_195 = arith.constant 0 : i32
      %dma_start3A_196 = tpu.memref_slice %arg3[%dma_start3A_195, %add3A_194] : memref<2x320000xi32, #tpu.memory_space<hbm>> -> memref<1x128xi32, #tpu.memory_space<hbm>>
      %dma_start3A_197 = tpu.memref_squeeze %dma_start3A_196 : memref<1x128xi32, #tpu.memory_space<hbm>> -> memref<128xi32, #tpu.memory_space<hbm>>
      %dma_start3A_198 = tpu.memref_slice %arg3[%dma_start3A_195, %add3A_194] : memref<2x320000xi32, #tpu.memory_space<hbm>> -> memref<1x128xi32, #tpu.memory_space<hbm>>
      %dma_start3A_199 = tpu.memref_squeeze %dma_start3A_198 : memref<1x128xi32, #tpu.memory_space<hbm>> -> memref<128xi32, #tpu.memory_space<hbm>>
      tpu.enqueue_dma source(%dma_start3A_199 : memref<128xi32, #tpu.memory_space<hbm>>) target(%arg6 : memref<128xi32, #tpu.memory_space<vmem>>) target_semaphore(%arg17 : memref<!tpu.dma_semaphore, #tpu.memory_space<semaphore_mem>>)
      %mul3A_200 = arith.constant 128 : i32
      %mul3A_201 = arith.muli %add3A_188, %mul3A_200 : i32
      %add3A_202 = arith.addi %mul3A_4, %mul3A_201 : i32
      %dma_start3A_203 = arith.constant 1 : i32
      %dma_start3A_204 = tpu.memref_slice %arg3[%dma_start3A_203, %add3A_202] : memref<2x320000xi32, #tpu.memory_space<hbm>> -> memref<1x128xi32, #tpu.memory_space<hbm>>
      %dma_start3A_205 = tpu.memref_squeeze %dma_start3A_204 : memref<1x128xi32, #tpu.memory_space<hbm>> -> memref<128xi32, #tpu.memory_space<hbm>>
      %dma_start3A_206 = tpu.memref_slice %arg3[%dma_start3A_203, %add3A_202] : memref<2x320000xi32, #tpu.memory_space<hbm>> -> memref<1x128xi32, #tpu.memory_space<hbm>>
      %dma_start3A_207 = tpu.memref_squeeze %dma_start3A_206 : memref<1x128xi32, #tpu.memory_space<hbm>> -> memref<128xi32, #tpu.memory_space<hbm>>
      tpu.enqueue_dma source(%dma_start3A_207 : memref<128xi32, #tpu.memory_space<hbm>>) target(%arg10 : memref<128xi32, #tpu.memory_space<vmem>>) target_semaphore(%arg17 : memref<!tpu.dma_semaphore, #tpu.memory_space<semaphore_mem>>)
      %dma_wait3A_208 = arith.constant 0 : i32
      %dma_wait3A_209 = tpu.memref_slice %arg3[%dma_wait3A_208, %mul3A_4] : memref<2x320000xi32, #tpu.memory_space<hbm>> -> memref<1x128xi32, #tpu.memory_space<hbm>>
      %dma_wait3A_210 = tpu.memref_squeeze %dma_wait3A_209 : memref<1x128xi32, #tpu.memory_space<hbm>> -> memref<128xi32, #tpu.memory_space<hbm>>
      %dma_wait3A_211 = tpu.memref_slice %arg3[%dma_wait3A_208, %mul3A_4] : memref<2x320000xi32, #tpu.memory_space<hbm>> -> memref<1x128xi32, #tpu.memory_space<hbm>>
      %dma_wait3A_212 = tpu.memref_squeeze %dma_wait3A_211 : memref<1x128xi32, #tpu.memory_space<hbm>> -> memref<128xi32, #tpu.memory_space<hbm>>
      tpu.wait_dma2 semaphore(%arg20 : memref<!tpu.dma_semaphore, #tpu.memory_space<semaphore_mem>>) src(%dma_wait3A_212 : memref<128xi32, #tpu.memory_space<hbm>>) dst(%arg9 : memref<128xi32, #tpu.memory_space<vmem>>)
      %dma_wait3A_213 = arith.constant 1 : i32
      %dma_wait3A_214 = tpu.memref_slice %arg3[%dma_wait3A_213, %mul3A_4] : memref<2x320000xi32, #tpu.memory_space<hbm>> -> memref<1x128xi32, #tpu.memory_space<hbm>>
      %dma_wait3A_215 = tpu.memref_squeeze %dma_wait3A_214 : memref<1x128xi32, #tpu.memory_space<hbm>> -> memref<128xi32, #tpu.memory_space<hbm>>
      %dma_wait3A_216 = tpu.memref_slice %arg3[%dma_wait3A_213, %mul3A_4] : memref<2x320000xi32, #tpu.memory_space<hbm>> -> memref<1x128xi32, #tpu.memory_space<hbm>>
      %dma_wait3A_217 = tpu.memref_squeeze %dma_wait3A_216 : memref<1x128xi32, #tpu.memory_space<hbm>> -> memref<128xi32, #tpu.memory_space<hbm>>
      tpu.wait_dma2 semaphore(%arg20 : memref<!tpu.dma_semaphore, #tpu.memory_space<semaphore_mem>>) src(%dma_wait3A_217 : memref<128xi32, #tpu.memory_space<hbm>>) dst(%arg13 : memref<128xi32, #tpu.memory_space<vmem>>)
      %dma_start3A_218 = arith.constant 0 : i32
      %dma_start3A_219 = arith.constant 0 : i32
      %dma_start3A_220 = tpu.memref_slice %arg2[%dma_start3A_218, %dma_start3A_219] : memref<10000x128xf32, #tpu.memory_space<hbm>> -> memref<10000x128xf32, #tpu.memory_space<hbm>>
      tpu.enqueue_indirect_dma source(%dma_start3A_220 : memref<10000x128xf32, #tpu.memory_space<hbm>>) target(%arg15 : memref<128x128xf32, #tpu.memory_space<vmem>>) offsets(%arg9 : memref<128xi32, #tpu.memory_space<vmem>>) semaphore(%arg22 : memref<!tpu.dma_semaphore, #tpu.memory_space<semaphore_mem>>)
      %dma_wait3A_221 = arith.constant 0 : i32
      %dma_wait3A_222 = arith.constant 0 : i32
      %dma_wait3A_223 = tpu.memref_slice %arg2[%dma_wait3A_221, %dma_wait3A_222] : memref<10000x128xf32, #tpu.memory_space<hbm>> -> memref<10000x128xf32, #tpu.memory_space<hbm>>
      tpu.wait_indirect_dma semaphore(%arg21 : memref<!tpu.dma_semaphore, #tpu.memory_space<semaphore_mem>>) src(%dma_wait3A_223 : memref<10000x128xf32, #tpu.memory_space<hbm>>) dst(%arg14 : memref<128x128xf32, #tpu.memory_space<vmem>>)
      %dma_start3A_224 = arith.constant 0 : i32
      %dma_start3A_225 = arith.constant 0 : i32
      %dma_start3A_226 = tpu.memref_slice %arg16[%dma_start3A_224, %dma_start3A_225] : memref<10240x128xf32, #tpu.memory_space<vmem_shared>> -> memref<10240x128xf32, #tpu.memory_space<vmem_shared>>
      tpu.enqueue_indirect_dma source(%arg14 : memref<128x128xf32, #tpu.memory_space<vmem>>) target(%dma_start3A_226 : memref<10240x128xf32, #tpu.memory_space<vmem_shared>>) offsets(%arg12 : memref<128xi32, #tpu.memory_space<vmem>>) semaphore(%arg23 : memref<!tpu.dma_semaphore, #tpu.memory_space<semaphore_mem>>) {add = true}
      %mul3A_227 = arith.constant 4 : i32
      %mul3A_228 = arith.muli %while3A_184, %mul3A_227 : i32
      %add3A_229 = arith.constant 1 : i32
      %add3A_230 = arith.addi %mul3A_228, %add3A_229 : i32
      %dma_wait3A_231 = arith.constant 0 : i32
      %dma_wait3A_232 = arith.constant 0 : i32
      %dma_wait3A_233 = tpu.memref_slice %arg16[%dma_wait3A_231, %dma_wait3A_232] : memref<10240x128xf32, #tpu.memory_space<vmem_shared>> -> memref<10240x128xf32, #tpu.memory_space<vmem_shared>>
      tpu.wait_indirect_dma semaphore(%arg23 : memref<!tpu.dma_semaphore, #tpu.memory_space<semaphore_mem>>) src(%arg14 : memref<128x128xf32, #tpu.memory_space<vmem>>) dst(%dma_wait3A_233 : memref<10240x128xf32, #tpu.memory_space<vmem_shared>>)
      %mul3A_234 = arith.constant 128 : i32
      %mul3A_235 = arith.muli %add3A_230, %mul3A_234 : i32
      %add3A_236 = arith.addi %mul3A_4, %mul3A_235 : i32
      %dma_start3A_237 = arith.constant 0 : i32
      %dma_start3A_238 = tpu.memref_slice %arg3[%dma_start3A_237, %add3A_236] : memref<2x320000xi32, #tpu.memory_space<hbm>> -> memref<1x128xi32, #tpu.memory_space<hbm>>
      %dma_start3A_239 = tpu.memref_squeeze %dma_start3A_238 : memref<1x128xi32, #tpu.memory_space<hbm>> -> memref<128xi32, #tpu.memory_space<hbm>>
      %dma_start3A_240 = tpu.memref_slice %arg3[%dma_start3A_237, %add3A_236] : memref<2x320000xi32, #tpu.memory_space<hbm>> -> memref<1x128xi32, #tpu.memory_space<hbm>>
      %dma_start3A_241 = tpu.memref_squeeze %dma_start3A_240 : memref<1x128xi32, #tpu.memory_space<hbm>> -> memref<128xi32, #tpu.memory_space<hbm>>
      tpu.enqueue_dma source(%dma_start3A_241 : memref<128xi32, #tpu.memory_space<hbm>>) target(%arg7 : memref<128xi32, #tpu.memory_space<vmem>>) target_semaphore(%arg18 : memref<!tpu.dma_semaphore, #tpu.memory_space<semaphore_mem>>)
      %mul3A_242 = arith.constant 128 : i32
      %mul3A_243 = arith.muli %add3A_230, %mul3A_242 : i32
      %add3A_244 = arith.addi %mul3A_4, %mul3A_243 : i32
      %dma_start3A_245 = arith.constant 1 : i32
      %dma_start3A_246 = tpu.memref_slice %arg3[%dma_start3A_245, %add3A_244] : memref<2x320000xi32, #tpu.memory_space<hbm>> -> memref<1x128xi32, #tpu.memory_space<hbm>>
      %dma_start3A_247 = tpu.memref_squeeze %dma_start3A_246 : memref<1x128xi32, #tpu.memory_space<hbm>> -> memref<128xi32, #tpu.memory_space<hbm>>
      %dma_start3A_248 = tpu.memref_slice %arg3[%dma_start3A_245, %add3A_244] : memref<2x320000xi32, #tpu.memory_space<hbm>> -> memref<1x128xi32, #tpu.memory_space<hbm>>
      %dma_start3A_249 = tpu.memref_squeeze %dma_start3A_248 : memref<1x128xi32, #tpu.memory_space<hbm>> -> memref<128xi32, #tpu.memory_space<hbm>>
      tpu.enqueue_dma source(%dma_start3A_249 : memref<128xi32, #tpu.memory_space<hbm>>) target(%arg11 : memref<128xi32, #tpu.memory_space<vmem>>) target_semaphore(%arg18 : memref<!tpu.dma_semaphore, #tpu.memory_space<semaphore_mem>>)
      %dma_wait3A_250 = arith.constant 0 : i32
      %dma_wait3A_251 = tpu.memref_slice %arg3[%dma_wait3A_250, %mul3A_4] : memref<2x320000xi32, #tpu.memory_space<hbm>> -> memref<1x128xi32, #tpu.memory_space<hbm>>
      %dma_wait3A_252 = tpu.memref_squeeze %dma_wait3A_251 : memref<1x128xi32, #tpu.memory_space<hbm>> -> memref<128xi32, #tpu.memory_space<hbm>>
      %dma_wait3A_253 = tpu.memref_slice %arg3[%dma_wait3A_250, %mul3A_4] : memref<2x320000xi32, #tpu.memory_space<hbm>> -> memref<1x128xi32, #tpu.memory_space<hbm>>
      %dma_wait3A_254 = tpu.memref_squeeze %dma_wait3A_253 : memref<1x128xi32, #tpu.memory_space<hbm>> -> memref<128xi32, #tpu.memory_space<hbm>>
      tpu.wait_dma2 semaphore(%arg17 : memref<!tpu.dma_semaphore, #tpu.memory_space<semaphore_mem>>) src(%dma_wait3A_254 : memref<128xi32, #tpu.memory_space<hbm>>) dst(%arg6 : memref<128xi32, #tpu.memory_space<vmem>>)
      %dma_wait3A_255 = arith.constant 1 : i32
      %dma_wait3A_256 = tpu.memref_slice %arg3[%dma_wait3A_255, %mul3A_4] : memref<2x320000xi32, #tpu.memory_space<hbm>> -> memref<1x128xi32, #tpu.memory_space<hbm>>
      %dma_wait3A_257 = tpu.memref_squeeze %dma_wait3A_256 : memref<1x128xi32, #tpu.memory_space<hbm>> -> memref<128xi32, #tpu.memory_space<hbm>>
      %dma_wait3A_258 = tpu.memref_slice %arg3[%dma_wait3A_255, %mul3A_4] : memref<2x320000xi32, #tpu.memory_space<hbm>> -> memref<1x128xi32, #tpu.memory_space<hbm>>
      %dma_wait3A_259 = tpu.memref_squeeze %dma_wait3A_258 : memref<1x128xi32, #tpu.memory_space<hbm>> -> memref<128xi32, #tpu.memory_space<hbm>>
      tpu.wait_dma2 semaphore(%arg17 : memref<!tpu.dma_semaphore, #tpu.memory_space<semaphore_mem>>) src(%dma_wait3A_259 : memref<128xi32, #tpu.memory_space<hbm>>) dst(%arg10 : memref<128xi32, #tpu.memory_space<vmem>>)
      %dma_start3A_260 = arith.constant 0 : i32
      %dma_start3A_261 = arith.constant 0 : i32
      %dma_start3A_262 = tpu.memref_slice %arg2[%dma_start3A_260, %dma_start3A_261] : memref<10000x128xf32, #tpu.memory_space<hbm>> -> memref<10000x128xf32, #tpu.memory_space<hbm>>
      tpu.enqueue_indirect_dma source(%dma_start3A_262 : memref<10000x128xf32, #tpu.memory_space<hbm>>) target(%arg14 : memref<128x128xf32, #tpu.memory_space<vmem>>) offsets(%arg6 : memref<128xi32, #tpu.memory_space<vmem>>) semaphore(%arg21 : memref<!tpu.dma_semaphore, #tpu.memory_space<semaphore_mem>>)
      %dma_wait3A_263 = arith.constant 0 : i32
      %dma_wait3A_264 = arith.constant 0 : i32
      %dma_wait3A_265 = tpu.memref_slice %arg2[%dma_wait3A_263, %dma_wait3A_264] : memref<10000x128xf32, #tpu.memory_space<hbm>> -> memref<10000x128xf32, #tpu.memory_space<hbm>>
      tpu.wait_indirect_dma semaphore(%arg22 : memref<!tpu.dma_semaphore, #tpu.memory_space<semaphore_mem>>) src(%dma_wait3A_265 : memref<10000x128xf32, #tpu.memory_space<hbm>>) dst(%arg15 : memref<128x128xf32, #tpu.memory_space<vmem>>)
      %dma_start3A_266 = arith.constant 0 : i32
      %dma_start3A_267 = arith.constant 0 : i32
      %dma_start3A_268 = tpu.memref_slice %arg16[%dma_start3A_266, %dma_start3A_267] : memref<10240x128xf32, #tpu.memory_space<vmem_shared>> -> memref<10240x128xf32, #tpu.memory_space<vmem_shared>>
      tpu.enqueue_indirect_dma source(%arg15 : memref<128x128xf32, #tpu.memory_space<vmem>>) target(%dma_start3A_268 : memref<10240x128xf32, #tpu.memory_space<vmem_shared>>) offsets(%arg13 : memref<128xi32, #tpu.memory_space<vmem>>) semaphore(%arg24 : memref<!tpu.dma_semaphore, #tpu.memory_space<semaphore_mem>>) {add = true}
      %mul3A_269 = arith.constant 4 : i32
      %mul3A_270 = arith.muli %while3A_184, %mul3A_269 : i32
      %add3A_271 = arith.constant 2 : i32
      %add3A_272 = arith.addi %mul3A_270, %add3A_271 : i32
      %dma_wait3A_273 = arith.constant 0 : i32
      %dma_wait3A_274 = arith.constant 0 : i32
      %dma_wait3A_275 = tpu.memref_slice %arg16[%dma_wait3A_273, %dma_wait3A_274] : memref<10240x128xf32, #tpu.memory_space<vmem_shared>> -> memref<10240x128xf32, #tpu.memory_space<vmem_shared>>
      tpu.wait_indirect_dma semaphore(%arg24 : memref<!tpu.dma_semaphore, #tpu.memory_space<semaphore_mem>>) src(%arg15 : memref<128x128xf32, #tpu.memory_space<vmem>>) dst(%dma_wait3A_275 : memref<10240x128xf32, #tpu.memory_space<vmem_shared>>)
      %mul3A_276 = arith.constant 128 : i32
      %mul3A_277 = arith.muli %add3A_272, %mul3A_276 : i32
      %add3A_278 = arith.addi %mul3A_4, %mul3A_277 : i32
      %dma_start3A_279 = arith.constant 0 : i32
      %dma_start3A_280 = tpu.memref_slice %arg3[%dma_start3A_279, %add3A_278] : memref<2x320000xi32, #tpu.memory_space<hbm>> -> memref<1x128xi32, #tpu.memory_space<hbm>>
      %dma_start3A_281 = tpu.memref_squeeze %dma_start3A_280 : memref<1x128xi32, #tpu.memory_space<hbm>> -> memref<128xi32, #tpu.memory_space<hbm>>
      %dma_start3A_282 = tpu.memref_slice %arg3[%dma_start3A_279, %add3A_278] : memref<2x320000xi32, #tpu.memory_space<hbm>> -> memref<1x128xi32, #tpu.memory_space<hbm>>
      %dma_start3A_283 = tpu.memref_squeeze %dma_start3A_282 : memref<1x128xi32, #tpu.memory_space<hbm>> -> memref<128xi32, #tpu.memory_space<hbm>>
      tpu.enqueue_dma source(%dma_start3A_283 : memref<128xi32, #tpu.memory_space<hbm>>) target(%arg8 : memref<128xi32, #tpu.memory_space<vmem>>) target_semaphore(%arg19 : memref<!tpu.dma_semaphore, #tpu.memory_space<semaphore_mem>>)
      %mul3A_284 = arith.constant 128 : i32
      %mul3A_285 = arith.muli %add3A_272, %mul3A_284 : i32
      %add3A_286 = arith.addi %mul3A_4, %mul3A_285 : i32
      %dma_start3A_287 = arith.constant 1 : i32
      %dma_start3A_288 = tpu.memref_slice %arg3[%dma_start3A_287, %add3A_286] : memref<2x320000xi32, #tpu.memory_space<hbm>> -> memref<1x128xi32, #tpu.memory_space<hbm>>
      %dma_start3A_289 = tpu.memref_squeeze %dma_start3A_288 : memref<1x128xi32, #tpu.memory_space<hbm>> -> memref<128xi32, #tpu.memory_space<hbm>>
      %dma_start3A_290 = tpu.memref_slice %arg3[%dma_start3A_287, %add3A_286] : memref<2x320000xi32, #tpu.memory_space<hbm>> -> memref<1x128xi32, #tpu.memory_space<hbm>>
      %dma_start3A_291 = tpu.memref_squeeze %dma_start3A_290 : memref<1x128xi32, #tpu.memory_space<hbm>> -> memref<128xi32, #tpu.memory_space<hbm>>
      tpu.enqueue_dma source(%dma_start3A_291 : memref<128xi32, #tpu.memory_space<hbm>>) target(%arg12 : memref<128xi32, #tpu.memory_space<vmem>>) target_semaphore(%arg19 : memref<!tpu.dma_semaphore, #tpu.memory_space<semaphore_mem>>)
      %dma_wait3A_292 = arith.constant 0 : i32
      %dma_wait3A_293 = tpu.memref_slice %arg3[%dma_wait3A_292, %mul3A_4] : memref<2x320000xi32, #tpu.memory_space<hbm>> -> memref<1x128xi32, #tpu.memory_space<hbm>>
      %dma_wait3A_294 = tpu.memref_squeeze %dma_wait3A_293 : memref<1x128xi32, #tpu.memory_space<hbm>> -> memref<128xi32, #tpu.memory_space<hbm>>
      %dma_wait3A_295 = tpu.memref_slice %arg3[%dma_wait3A_292, %mul3A_4] : memref<2x320000xi32, #tpu.memory_space<hbm>> -> memref<1x128xi32, #tpu.memory_space<hbm>>
      %dma_wait3A_296 = tpu.memref_squeeze %dma_wait3A_295 : memref<1x128xi32, #tpu.memory_space<hbm>> -> memref<128xi32, #tpu.memory_space<hbm>>
      tpu.wait_dma2 semaphore(%arg18 : memref<!tpu.dma_semaphore, #tpu.memory_space<semaphore_mem>>) src(%dma_wait3A_296 : memref<128xi32, #tpu.memory_space<hbm>>) dst(%arg7 : memref<128xi32, #tpu.memory_space<vmem>>)
      %dma_wait3A_297 = arith.constant 1 : i32
      %dma_wait3A_298 = tpu.memref_slice %arg3[%dma_wait3A_297, %mul3A_4] : memref<2x320000xi32, #tpu.memory_space<hbm>> -> memref<1x128xi32, #tpu.memory_space<hbm>>
      %dma_wait3A_299 = tpu.memref_squeeze %dma_wait3A_298 : memref<1x128xi32, #tpu.memory_space<hbm>> -> memref<128xi32, #tpu.memory_space<hbm>>
      %dma_wait3A_300 = tpu.memref_slice %arg3[%dma_wait3A_297, %mul3A_4] : memref<2x320000xi32, #tpu.memory_space<hbm>> -> memref<1x128xi32, #tpu.memory_space<hbm>>
      %dma_wait3A_301 = tpu.memref_squeeze %dma_wait3A_300 : memref<1x128xi32, #tpu.memory_space<hbm>> -> memref<128xi32, #tpu.memory_space<hbm>>
      tpu.wait_dma2 semaphore(%arg18 : memref<!tpu.dma_semaphore, #tpu.memory_space<semaphore_mem>>) src(%dma_wait3A_301 : memref<128xi32, #tpu.memory_space<hbm>>) dst(%arg11 : memref<128xi32, #tpu.memory_space<vmem>>)
      %dma_start3A_302 = arith.constant 0 : i32
      %dma_start3A_303 = arith.constant 0 : i32
      %dma_start3A_304 = tpu.memref_slice %arg2[%dma_start3A_302, %dma_start3A_303] : memref<10000x128xf32, #tpu.memory_space<hbm>> -> memref<10000x128xf32, #tpu.memory_space<hbm>>
      tpu.enqueue_indirect_dma source(%dma_start3A_304 : memref<10000x128xf32, #tpu.memory_space<hbm>>) target(%arg15 : memref<128x128xf32, #tpu.memory_space<vmem>>) offsets(%arg7 : memref<128xi32, #tpu.memory_space<vmem>>) semaphore(%arg22 : memref<!tpu.dma_semaphore, #tpu.memory_space<semaphore_mem>>)
      %dma_wait3A_305 = arith.constant 0 : i32
      %dma_wait3A_306 = arith.constant 0 : i32
      %dma_wait3A_307 = tpu.memref_slice %arg2[%dma_wait3A_305, %dma_wait3A_306] : memref<10000x128xf32, #tpu.memory_space<hbm>> -> memref<10000x128xf32, #tpu.memory_space<hbm>>
      tpu.wait_indirect_dma semaphore(%arg21 : memref<!tpu.dma_semaphore, #tpu.memory_space<semaphore_mem>>) src(%dma_wait3A_307 : memref<10000x128xf32, #tpu.memory_space<hbm>>) dst(%arg14 : memref<128x128xf32, #tpu.memory_space<vmem>>)
      %dma_start3A_308 = arith.constant 0 : i32
      %dma_start3A_309 = arith.constant 0 : i32
      %dma_start3A_310 = tpu.memref_slice %arg16[%dma_start3A_308, %dma_start3A_309] : memref<10240x128xf32, #tpu.memory_space<vmem_shared>> -> memref<10240x128xf32, #tpu.memory_space<vmem_shared>>
      tpu.enqueue_indirect_dma source(%arg14 : memref<128x128xf32, #tpu.memory_space<vmem>>) target(%dma_start3A_310 : memref<10240x128xf32, #tpu.memory_space<vmem_shared>>) offsets(%arg10 : memref<128xi32, #tpu.memory_space<vmem>>) semaphore(%arg23 : memref<!tpu.dma_semaphore, #tpu.memory_space<semaphore_mem>>) {add = true}
      %mul3A_311 = arith.constant 4 : i32
      %mul3A_312 = arith.muli %while3A_184, %mul3A_311 : i32
      %add3A_313 = arith.constant 3 : i32
      %add3A_314 = arith.addi %mul3A_312, %add3A_313 : i32
      %dma_wait3A_315 = arith.constant 0 : i32
      %dma_wait3A_316 = arith.constant 0 : i32
      %dma_wait3A_317 = tpu.memref_slice %arg16[%dma_wait3A_315, %dma_wait3A_316] : memref<10240x128xf32, #tpu.memory_space<vmem_shared>> -> memref<10240x128xf32, #tpu.memory_space<vmem_shared>>
      tpu.wait_indirect_dma semaphore(%arg23 : memref<!tpu.dma_semaphore, #tpu.memory_space<semaphore_mem>>) src(%arg14 : memref<128x128xf32, #tpu.memory_space<vmem>>) dst(%dma_wait3A_317 : memref<10240x128xf32, #tpu.memory_space<vmem_shared>>)
      %mul3A_318 = arith.constant 128 : i32
      %mul3A_319 = arith.muli %add3A_314, %mul3A_318 : i32
      %add3A_320 = arith.addi %mul3A_4, %mul3A_319 : i32
      %dma_start3A_321 = arith.constant 0 : i32
      %dma_start3A_322 = tpu.memref_slice %arg3[%dma_start3A_321, %add3A_320] : memref<2x320000xi32, #tpu.memory_space<hbm>> -> memref<1x128xi32, #tpu.memory_space<hbm>>
      %dma_start3A_323 = tpu.memref_squeeze %dma_start3A_322 : memref<1x128xi32, #tpu.memory_space<hbm>> -> memref<128xi32, #tpu.memory_space<hbm>>
      %dma_start3A_324 = tpu.memref_slice %arg3[%dma_start3A_321, %add3A_320] : memref<2x320000xi32, #tpu.memory_space<hbm>> -> memref<1x128xi32, #tpu.memory_space<hbm>>
      %dma_start3A_325 = tpu.memref_squeeze %dma_start3A_324 : memref<1x128xi32, #tpu.memory_space<hbm>> -> memref<128xi32, #tpu.memory_space<hbm>>
      tpu.enqueue_dma source(%dma_start3A_325 : memref<128xi32, #tpu.memory_space<hbm>>) target(%arg9 : memref<128xi32, #tpu.memory_space<vmem>>) target_semaphore(%arg20 : memref<!tpu.dma_semaphore, #tpu.memory_space<semaphore_mem>>)
      %mul3A_326 = arith.constant 128 : i32
      %mul3A_327 = arith.muli %add3A_314, %mul3A_326 : i32
      %add3A_328 = arith.addi %mul3A_4, %mul3A_327 : i32
      %dma_start3A_329 = arith.constant 1 : i32
      %dma_start3A_330 = tpu.memref_slice %arg3[%dma_start3A_329, %add3A_328] : memref<2x320000xi32, #tpu.memory_space<hbm>> -> memref<1x128xi32, #tpu.memory_space<hbm>>
      %dma_start3A_331 = tpu.memref_squeeze %dma_start3A_330 : memref<1x128xi32, #tpu.memory_space<hbm>> -> memref<128xi32, #tpu.memory_space<hbm>>
      %dma_start3A_332 = tpu.memref_slice %arg3[%dma_start3A_329, %add3A_328] : memref<2x320000xi32, #tpu.memory_space<hbm>> -> memref<1x128xi32, #tpu.memory_space<hbm>>
      %dma_start3A_333 = tpu.memref_squeeze %dma_start3A_332 : memref<1x128xi32, #tpu.memory_space<hbm>> -> memref<128xi32, #tpu.memory_space<hbm>>
      tpu.enqueue_dma source(%dma_start3A_333 : memref<128xi32, #tpu.memory_space<hbm>>) target(%arg13 : memref<128xi32, #tpu.memory_space<vmem>>) target_semaphore(%arg20 : memref<!tpu.dma_semaphore, #tpu.memory_space<semaphore_mem>>)
      %dma_wait3A_334 = arith.constant 0 : i32
      %dma_wait3A_335 = tpu.memref_slice %arg3[%dma_wait3A_334, %mul3A_4] : memref<2x320000xi32, #tpu.memory_space<hbm>> -> memref<1x128xi32, #tpu.memory_space<hbm>>
      %dma_wait3A_336 = tpu.memref_squeeze %dma_wait3A_335 : memref<1x128xi32, #tpu.memory_space<hbm>> -> memref<128xi32, #tpu.memory_space<hbm>>
      %dma_wait3A_337 = tpu.memref_slice %arg3[%dma_wait3A_334, %mul3A_4] : memref<2x320000xi32, #tpu.memory_space<hbm>> -> memref<1x128xi32, #tpu.memory_space<hbm>>
      %dma_wait3A_338 = tpu.memref_squeeze %dma_wait3A_337 : memref<1x128xi32, #tpu.memory_space<hbm>> -> memref<128xi32, #tpu.memory_space<hbm>>
      tpu.wait_dma2 semaphore(%arg19 : memref<!tpu.dma_semaphore, #tpu.memory_space<semaphore_mem>>) src(%dma_wait3A_338 : memref<128xi32, #tpu.memory_space<hbm>>) dst(%arg8 : memref<128xi32, #tpu.memory_space<vmem>>)
      %dma_wait3A_339 = arith.constant 1 : i32
      %dma_wait3A_340 = tpu.memref_slice %arg3[%dma_wait3A_339, %mul3A_4] : memref<2x320000xi32, #tpu.memory_space<hbm>> -> memref<1x128xi32, #tpu.memory_space<hbm>>
      %dma_wait3A_341 = tpu.memref_squeeze %dma_wait3A_340 : memref<1x128xi32, #tpu.memory_space<hbm>> -> memref<128xi32, #tpu.memory_space<hbm>>
      %dma_wait3A_342 = tpu.memref_slice %arg3[%dma_wait3A_339, %mul3A_4] : memref<2x320000xi32, #tpu.memory_space<hbm>> -> memref<1x128xi32, #tpu.memory_space<hbm>>
      %dma_wait3A_343 = tpu.memref_squeeze %dma_wait3A_342 : memref<1x128xi32, #tpu.memory_space<hbm>> -> memref<128xi32, #tpu.memory_space<hbm>>
      tpu.wait_dma2 semaphore(%arg19 : memref<!tpu.dma_semaphore, #tpu.memory_space<semaphore_mem>>) src(%dma_wait3A_343 : memref<128xi32, #tpu.memory_space<hbm>>) dst(%arg12 : memref<128xi32, #tpu.memory_space<vmem>>)
      %dma_start3A_344 = arith.constant 0 : i32
      %dma_start3A_345 = arith.constant 0 : i32
      %dma_start3A_346 = tpu.memref_slice %arg2[%dma_start3A_344, %dma_start3A_345] : memref<10000x128xf32, #tpu.memory_space<hbm>> -> memref<10000x128xf32, #tpu.memory_space<hbm>>
      tpu.enqueue_indirect_dma source(%dma_start3A_346 : memref<10000x128xf32, #tpu.memory_space<hbm>>) target(%arg14 : memref<128x128xf32, #tpu.memory_space<vmem>>) offsets(%arg8 : memref<128xi32, #tpu.memory_space<vmem>>) semaphore(%arg21 : memref<!tpu.dma_semaphore, #tpu.memory_space<semaphore_mem>>)
      %dma_wait3A_347 = arith.constant 0 : i32
      %dma_wait3A_348 = arith.constant 0 : i32
      %dma_wait3A_349 = tpu.memref_slice %arg2[%dma_wait3A_347, %dma_wait3A_348] : memref<10000x128xf32, #tpu.memory_space<hbm>> -> memref<10000x128xf32, #tpu.memory_space<hbm>>
      tpu.wait_indirect_dma semaphore(%arg22 : memref<!tpu.dma_semaphore, #tpu.memory_space<semaphore_mem>>) src(%dma_wait3A_349 : memref<10000x128xf32, #tpu.memory_space<hbm>>) dst(%arg15 : memref<128x128xf32, #tpu.memory_space<vmem>>)
      %dma_start3A_350 = arith.constant 0 : i32
      %dma_start3A_351 = arith.constant 0 : i32
      %dma_start3A_352 = tpu.memref_slice %arg16[%dma_start3A_350, %dma_start3A_351] : memref<10240x128xf32, #tpu.memory_space<vmem_shared>> -> memref<10240x128xf32, #tpu.memory_space<vmem_shared>>
      tpu.enqueue_indirect_dma source(%arg15 : memref<128x128xf32, #tpu.memory_space<vmem>>) target(%dma_start3A_352 : memref<10240x128xf32, #tpu.memory_space<vmem_shared>>) offsets(%arg11 : memref<128xi32, #tpu.memory_space<vmem>>) semaphore(%arg24 : memref<!tpu.dma_semaphore, #tpu.memory_space<semaphore_mem>>) {add = true}
    }
    %while3A_141 = arith.constant 1 : i32
    scf.for %while3A_184 = %while3A_139 to %while3A_135 step %while3A_141  : i32 {
      %mul3A_185 = arith.constant 4 : i32
      %mul3A_186 = arith.muli %while3A_184, %mul3A_185 : i32
      %add3A_187 = arith.constant 0 : i32
      %add3A_188 = arith.addi %mul3A_186, %add3A_187 : i32
      %dma_wait3A_189 = arith.constant 0 : i32
      %dma_wait3A_190 = arith.constant 0 : i32
      %dma_wait3A_191 = tpu.memref_slice %arg16[%dma_wait3A_189, %dma_wait3A_190] : memref<10240x128xf32, #tpu.memory_space<vmem_shared>> -> memref<10240x128xf32, #tpu.memory_space<vmem_shared>>
      tpu.wait_indirect_dma semaphore(%arg24 : memref<!tpu.dma_semaphore, #tpu.memory_space<semaphore_mem>>) src(%arg15 : memref<128x128xf32, #tpu.memory_space<vmem>>) dst(%dma_wait3A_191 : memref<10240x128xf32, #tpu.memory_space<vmem_shared>>)
      %mul3A_192 = arith.constant 128 : i32
      %mul3A_193 = arith.muli %add3A_188, %mul3A_192 : i32
      %add3A_194 = arith.addi %mul3A_4, %mul3A_193 : i32
      %dma_start3A_195 = arith.constant 0 : i32
      %dma_start3A_196 = tpu.memref_slice %arg3[%dma_start3A_195, %add3A_194] : memref<2x320000xi32, #tpu.memory_space<hbm>> -> memref<1x128xi32, #tpu.memory_space<hbm>>
      %dma_start3A_197 = tpu.memref_squeeze %dma_start3A_196 : memref<1x128xi32, #tpu.memory_space<hbm>> -> memref<128xi32, #tpu.memory_space<hbm>>
      %dma_start3A_198 = tpu.memref_slice %arg3[%dma_start3A_195, %add3A_194] : memref<2x320000xi32, #tpu.memory_space<hbm>> -> memref<1x128xi32, #tpu.memory_space<hbm>>
      %dma_start3A_199 = tpu.memref_squeeze %dma_start3A_198 : memref<1x128xi32, #tpu.memory_space<hbm>> -> memref<128xi32, #tpu.memory_space<hbm>>
      tpu.enqueue_dma source(%dma_start3A_199 : memref<128xi32, #tpu.memory_space<hbm>>) target(%arg6 : memref<128xi32, #tpu.memory_space<vmem>>) target_semaphore(%arg17 : memref<!tpu.dma_semaphore, #tpu.memory_space<semaphore_mem>>)
      %mul3A_200 = arith.constant 128 : i32
      %mul3A_201 = arith.muli %add3A_188, %mul3A_200 : i32
      %add3A_202 = arith.addi %mul3A_4, %mul3A_201 : i32
      %dma_start3A_203 = arith.constant 1 : i32
      %dma_start3A_204 = tpu.memref_slice %arg3[%dma_start3A_203, %add3A_202] : memref<2x320000xi32, #tpu.memory_space<hbm>> -> memref<1x128xi32, #tpu.memory_space<hbm>>
      %dma_start3A_205 = tpu.memref_squeeze %dma_start3A_204 : memref<1x128xi32, #tpu.memory_space<hbm>> -> memref<128xi32, #tpu.memory_space<hbm>>
      %dma_start3A_206 = tpu.memref_slice %arg3[%dma_start3A_203, %add3A_202] : memref<2x320000xi32, #tpu.memory_space<hbm>> -> memref<1x128xi32, #tpu.memory_space<hbm>>
      %dma_start3A_207 = tpu.memref_squeeze %dma_start3A_206 : memref<1x128xi32, #tpu.memory_space<hbm>> -> memref<128xi32, #tpu.memory_space<hbm>>
      tpu.enqueue_dma source(%dma_start3A_207 : memref<128xi32, #tpu.memory_space<hbm>>) target(%arg10 : memref<128xi32, #tpu.memory_space<vmem>>) target_semaphore(%arg17 : memref<!tpu.dma_semaphore, #tpu.memory_space<semaphore_mem>>)
      %dma_wait3A_208 = arith.constant 0 : i32
      %dma_wait3A_209 = tpu.memref_slice %arg3[%dma_wait3A_208, %mul3A_4] : memref<2x320000xi32, #tpu.memory_space<hbm>> -> memref<1x128xi32, #tpu.memory_space<hbm>>
      %dma_wait3A_210 = tpu.memref_squeeze %dma_wait3A_209 : memref<1x128xi32, #tpu.memory_space<hbm>> -> memref<128xi32, #tpu.memory_space<hbm>>
      %dma_wait3A_211 = tpu.memref_slice %arg3[%dma_wait3A_208, %mul3A_4] : memref<2x320000xi32, #tpu.memory_space<hbm>> -> memref<1x128xi32, #tpu.memory_space<hbm>>
      %dma_wait3A_212 = tpu.memref_squeeze %dma_wait3A_211 : memref<1x128xi32, #tpu.memory_space<hbm>> -> memref<128xi32, #tpu.memory_space<hbm>>
      tpu.wait_dma2 semaphore(%arg20 : memref<!tpu.dma_semaphore, #tpu.memory_space<semaphore_mem>>) src(%dma_wait3A_212 : memref<128xi32, #tpu.memory_space<hbm>>) dst(%arg9 : memref<128xi32, #tpu.memory_space<vmem>>)
      %dma_wait3A_213 = arith.constant 1 : i32
      %dma_wait3A_214 = tpu.memref_slice %arg3[%dma_wait3A_213, %mul3A_4] : memref<2x320000xi32, #tpu.memory_space<hbm>> -> memref<1x128xi32, #tpu.memory_space<hbm>>
      %dma_wait3A_215 = tpu.memref_squeeze %dma_wait3A_214 : memref<1x128xi32, #tpu.memory_space<hbm>> -> memref<128xi32, #tpu.memory_space<hbm>>
      %dma_wait3A_216 = tpu.memref_slice %arg3[%dma_wait3A_213, %mul3A_4] : memref<2x320000xi32, #tpu.memory_space<hbm>> -> memref<1x128xi32, #tpu.memory_space<hbm>>
      %dma_wait3A_217 = tpu.memref_squeeze %dma_wait3A_216 : memref<1x128xi32, #tpu.memory_space<hbm>> -> memref<128xi32, #tpu.memory_space<hbm>>
      tpu.wait_dma2 semaphore(%arg20 : memref<!tpu.dma_semaphore, #tpu.memory_space<semaphore_mem>>) src(%dma_wait3A_217 : memref<128xi32, #tpu.memory_space<hbm>>) dst(%arg13 : memref<128xi32, #tpu.memory_space<vmem>>)
      %dma_start3A_218 = arith.constant 0 : i32
      %dma_start3A_219 = arith.constant 0 : i32
      %dma_start3A_220 = tpu.memref_slice %arg2[%dma_start3A_218, %dma_start3A_219] : memref<10000x128xf32, #tpu.memory_space<hbm>> -> memref<10000x128xf32, #tpu.memory_space<hbm>>
      tpu.enqueue_indirect_dma source(%dma_start3A_220 : memref<10000x128xf32, #tpu.memory_space<hbm>>) target(%arg15 : memref<128x128xf32, #tpu.memory_space<vmem>>) offsets(%arg9 : memref<128xi32, #tpu.memory_space<vmem>>) semaphore(%arg22 : memref<!tpu.dma_semaphore, #tpu.memory_space<semaphore_mem>>)
      %dma_wait3A_221 = arith.constant 0 : i32
      %dma_wait3A_222 = arith.constant 0 : i32
      %dma_wait3A_223 = tpu.memref_slice %arg2[%dma_wait3A_221, %dma_wait3A_222] : memref<10000x128xf32, #tpu.memory_space<hbm>> -> memref<10000x128xf32, #tpu.memory_space<hbm>>
      tpu.wait_indirect_dma semaphore(%arg21 : memref<!tpu.dma_semaphore, #tpu.memory_space<semaphore_mem>>) src(%dma_wait3A_223 : memref<10000x128xf32, #tpu.memory_space<hbm>>) dst(%arg14 : memref<128x128xf32, #tpu.memory_space<vmem>>)
      %dma_start3A_224 = arith.constant 0 : i32
      %dma_start3A_225 = arith.constant 0 : i32
      %dma_start3A_226 = tpu.memref_slice %arg16[%dma_start3A_224, %dma_start3A_225] : memref<10240x128xf32, #tpu.memory_space<vmem_shared>> -> memref<10240x128xf32, #tpu.memory_space<vmem_shared>>
      tpu.enqueue_indirect_dma source(%arg14 : memref<128x128xf32, #tpu.memory_space<vmem>>) target(%dma_start3A_226 : memref<10240x128xf32, #tpu.memory_space<vmem_shared>>) offsets(%arg12 : memref<128xi32, #tpu.memory_space<vmem>>) semaphore(%arg23 : memref<!tpu.dma_semaphore, #tpu.memory_space<semaphore_mem>>) {add = true}
      %mul3A_227 = arith.constant 4 : i32
      %mul3A_228 = arith.muli %while3A_184, %mul3A_227 : i32
      %add3A_229 = arith.constant 1 : i32
      %add3A_230 = arith.addi %mul3A_228, %add3A_229 : i32
      %dma_wait3A_231 = arith.constant 0 : i32
      %dma_wait3A_232 = arith.constant 0 : i32
      %dma_wait3A_233 = tpu.memref_slice %arg16[%dma_wait3A_231, %dma_wait3A_232] : memref<10240x128xf32, #tpu.memory_space<vmem_shared>> -> memref<10240x128xf32, #tpu.memory_space<vmem_shared>>
      tpu.wait_indirect_dma semaphore(%arg23 : memref<!tpu.dma_semaphore, #tpu.memory_space<semaphore_mem>>) src(%arg14 : memref<128x128xf32, #tpu.memory_space<vmem>>) dst(%dma_wait3A_233 : memref<10240x128xf32, #tpu.memory_space<vmem_shared>>)
      %mul3A_234 = arith.constant 128 : i32
      %mul3A_235 = arith.muli %add3A_230, %mul3A_234 : i32
      %add3A_236 = arith.addi %mul3A_4, %mul3A_235 : i32
      %dma_start3A_237 = arith.constant 0 : i32
      %dma_start3A_238 = tpu.memref_slice %arg3[%dma_start3A_237, %add3A_236] : memref<2x320000xi32, #tpu.memory_space<hbm>> -> memref<1x128xi32, #tpu.memory_space<hbm>>
      %dma_start3A_239 = tpu.memref_squeeze %dma_start3A_238 : memref<1x128xi32, #tpu.memory_space<hbm>> -> memref<128xi32, #tpu.memory_space<hbm>>
      %dma_start3A_240 = tpu.memref_slice %arg3[%dma_start3A_237, %add3A_236] : memref<2x320000xi32, #tpu.memory_space<hbm>> -> memref<1x128xi32, #tpu.memory_space<hbm>>
      %dma_start3A_241 = tpu.memref_squeeze %dma_start3A_240 : memref<1x128xi32, #tpu.memory_space<hbm>> -> memref<128xi32, #tpu.memory_space<hbm>>
      tpu.enqueue_dma source(%dma_start3A_241 : memref<128xi32, #tpu.memory_space<hbm>>) target(%arg7 : memref<128xi32, #tpu.memory_space<vmem>>) target_semaphore(%arg18 : memref<!tpu.dma_semaphore, #tpu.memory_space<semaphore_mem>>)
      %mul3A_242 = arith.constant 128 : i32
      %mul3A_243 = arith.muli %add3A_230, %mul3A_242 : i32
      %add3A_244 = arith.addi %mul3A_4, %mul3A_243 : i32
      %dma_start3A_245 = arith.constant 1 : i32
      %dma_start3A_246 = tpu.memref_slice %arg3[%dma_start3A_245, %add3A_244] : memref<2x320000xi32, #tpu.memory_space<hbm>> -> memref<1x128xi32, #tpu.memory_space<hbm>>
      %dma_start3A_247 = tpu.memref_squeeze %dma_start3A_246 : memref<1x128xi32, #tpu.memory_space<hbm>> -> memref<128xi32, #tpu.memory_space<hbm>>
      %dma_start3A_248 = tpu.memref_slice %arg3[%dma_start3A_245, %add3A_244] : memref<2x320000xi32, #tpu.memory_space<hbm>> -> memref<1x128xi32, #tpu.memory_space<hbm>>
      %dma_start3A_249 = tpu.memref_squeeze %dma_start3A_248 : memref<1x128xi32, #tpu.memory_space<hbm>> -> memref<128xi32, #tpu.memory_space<hbm>>
      tpu.enqueue_dma source(%dma_start3A_249 : memref<128xi32, #tpu.memory_space<hbm>>) target(%arg11 : memref<128xi32, #tpu.memory_space<vmem>>) target_semaphore(%arg18 : memref<!tpu.dma_semaphore, #tpu.memory_space<semaphore_mem>>)
      %dma_wait3A_250 = arith.constant 0 : i32
      %dma_wait3A_251 = tpu.memref_slice %arg3[%dma_wait3A_250, %mul3A_4] : memref<2x320000xi32, #tpu.memory_space<hbm>> -> memref<1x128xi32, #tpu.memory_space<hbm>>
      %dma_wait3A_252 = tpu.memref_squeeze %dma_wait3A_251 : memref<1x128xi32, #tpu.memory_space<hbm>> -> memref<128xi32, #tpu.memory_space<hbm>>
      %dma_wait3A_253 = tpu.memref_slice %arg3[%dma_wait3A_250, %mul3A_4] : memref<2x320000xi32, #tpu.memory_space<hbm>> -> memref<1x128xi32, #tpu.memory_space<hbm>>
      %dma_wait3A_254 = tpu.memref_squeeze %dma_wait3A_253 : memref<1x128xi32, #tpu.memory_space<hbm>> -> memref<128xi32, #tpu.memory_space<hbm>>
      tpu.wait_dma2 semaphore(%arg17 : memref<!tpu.dma_semaphore, #tpu.memory_space<semaphore_mem>>) src(%dma_wait3A_254 : memref<128xi32, #tpu.memory_space<hbm>>) dst(%arg6 : memref<128xi32, #tpu.memory_space<vmem>>)
      %dma_wait3A_255 = arith.constant 1 : i32
      %dma_wait3A_256 = tpu.memref_slice %arg3[%dma_wait3A_255, %mul3A_4] : memref<2x320000xi32, #tpu.memory_space<hbm>> -> memref<1x128xi32, #tpu.memory_space<hbm>>
      %dma_wait3A_257 = tpu.memref_squeeze %dma_wait3A_256 : memref<1x128xi32, #tpu.memory_space<hbm>> -> memref<128xi32, #tpu.memory_space<hbm>>
      %dma_wait3A_258 = tpu.memref_slice %arg3[%dma_wait3A_255, %mul3A_4] : memref<2x320000xi32, #tpu.memory_space<hbm>> -> memref<1x128xi32, #tpu.memory_space<hbm>>
      %dma_wait3A_259 = tpu.memref_squeeze %dma_wait3A_258 : memref<1x128xi32, #tpu.memory_space<hbm>> -> memref<128xi32, #tpu.memory_space<hbm>>
      tpu.wait_dma2 semaphore(%arg17 : memref<!tpu.dma_semaphore, #tpu.memory_space<semaphore_mem>>) src(%dma_wait3A_259 : memref<128xi32, #tpu.memory_space<hbm>>) dst(%arg10 : memref<128xi32, #tpu.memory_space<vmem>>)
      %dma_start3A_260 = arith.constant 0 : i32
      %dma_start3A_261 = arith.constant 0 : i32
      %dma_start3A_262 = tpu.memref_slice %arg2[%dma_start3A_260, %dma_start3A_261] : memref<10000x128xf32, #tpu.memory_space<hbm>> -> memref<10000x128xf32, #tpu.memory_space<hbm>>
      tpu.enqueue_indirect_dma source(%dma_start3A_262 : memref<10000x128xf32, #tpu.memory_space<hbm>>) target(%arg14 : memref<128x128xf32, #tpu.memory_space<vmem>>) offsets(%arg6 : memref<128xi32, #tpu.memory_space<vmem>>) semaphore(%arg21 : memref<!tpu.dma_semaphore, #tpu.memory_space<semaphore_mem>>)
      %dma_wait3A_263 = arith.constant 0 : i32
      %dma_wait3A_264 = arith.constant 0 : i32
      %dma_wait3A_265 = tpu.memref_slice %arg2[%dma_wait3A_263, %dma_wait3A_264] : memref<10000x128xf32, #tpu.memory_space<hbm>> -> memref<10000x128xf32, #tpu.memory_space<hbm>>
      tpu.wait_indirect_dma semaphore(%arg22 : memref<!tpu.dma_semaphore, #tpu.memory_space<semaphore_mem>>) src(%dma_wait3A_265 : memref<10000x128xf32, #tpu.memory_space<hbm>>) dst(%arg15 : memref<128x128xf32, #tpu.memory_space<vmem>>)
      %dma_start3A_266 = arith.constant 0 : i32
      %dma_start3A_267 = arith.constant 0 : i32
      %dma_start3A_268 = tpu.memref_slice %arg16[%dma_start3A_266, %dma_start3A_267] : memref<10240x128xf32, #tpu.memory_space<vmem_shared>> -> memref<10240x128xf32, #tpu.memory_space<vmem_shared>>
      tpu.enqueue_indirect_dma source(%arg15 : memref<128x128xf32, #tpu.memory_space<vmem>>) target(%dma_start3A_268 : memref<10240x128xf32, #tpu.memory_space<vmem_shared>>) offsets(%arg13 : memref<128xi32, #tpu.memory_space<vmem>>) semaphore(%arg24 : memref<!tpu.dma_semaphore, #tpu.memory_space<semaphore_mem>>) {add = true}
      %mul3A_269 = arith.constant 4 : i32
      %mul3A_270 = arith.muli %while3A_184, %mul3A_269 : i32
      %add3A_271 = arith.constant 2 : i32
      %add3A_272 = arith.addi %mul3A_270, %add3A_271 : i32
      %dma_wait3A_273 = arith.constant 0 : i32
      %dma_wait3A_274 = arith.constant 0 : i32
      %dma_wait3A_275 = tpu.memref_slice %arg16[%dma_wait3A_273, %dma_wait3A_274] : memref<10240x128xf32, #tpu.memory_space<vmem_shared>> -> memref<10240x128xf32, #tpu.memory_space<vmem_shared>>
      tpu.wait_indirect_dma semaphore(%arg24 : memref<!tpu.dma_semaphore, #tpu.memory_space<semaphore_mem>>) src(%arg15 : memref<128x128xf32, #tpu.memory_space<vmem>>) dst(%dma_wait3A_275 : memref<10240x128xf32, #tpu.memory_space<vmem_shared>>)
      %mul3A_276 = arith.constant 128 : i32
      %mul3A_277 = arith.muli %add3A_272, %mul3A_276 : i32
      %add3A_278 = arith.addi %mul3A_4, %mul3A_277 : i32
      %dma_start3A_279 = arith.constant 0 : i32
      %dma_start3A_280 = tpu.memref_slice %arg3[%dma_start3A_279, %add3A_278] : memref<2x320000xi32, #tpu.memory_space<hbm>> -> memref<1x128xi32, #tpu.memory_space<hbm>>
      %dma_start3A_281 = tpu.memref_squeeze %dma_start3A_280 : memref<1x128xi32, #tpu.memory_space<hbm>> -> memref<128xi32, #tpu.memory_space<hbm>>
      %dma_start3A_282 = tpu.memref_slice %arg3[%dma_start3A_279, %add3A_278] : memref<2x320000xi32, #tpu.memory_space<hbm>> -> memref<1x128xi32, #tpu.memory_space<hbm>>
      %dma_start3A_283 = tpu.memref_squeeze %dma_start3A_282 : memref<1x128xi32, #tpu.memory_space<hbm>> -> memref<128xi32, #tpu.memory_space<hbm>>
      tpu.enqueue_dma source(%dma_start3A_283 : memref<128xi32, #tpu.memory_space<hbm>>) target(%arg8 : memref<128xi32, #tpu.memory_space<vmem>>) target_semaphore(%arg19 : memref<!tpu.dma_semaphore, #tpu.memory_space<semaphore_mem>>)
      %mul3A_284 = arith.constant 128 : i32
      %mul3A_285 = arith.muli %add3A_272, %mul3A_284 : i32
      %add3A_286 = arith.addi %mul3A_4, %mul3A_285 : i32
      %dma_start3A_287 = arith.constant 1 : i32
      %dma_start3A_288 = tpu.memref_slice %arg3[%dma_start3A_287, %add3A_286] : memref<2x320000xi32, #tpu.memory_space<hbm>> -> memref<1x128xi32, #tpu.memory_space<hbm>>
      %dma_start3A_289 = tpu.memref_squeeze %dma_start3A_288 : memref<1x128xi32, #tpu.memory_space<hbm>> -> memref<128xi32, #tpu.memory_space<hbm>>
      %dma_start3A_290 = tpu.memref_slice %arg3[%dma_start3A_287, %add3A_286] : memref<2x320000xi32, #tpu.memory_space<hbm>> -> memref<1x128xi32, #tpu.memory_space<hbm>>
      %dma_start3A_291 = tpu.memref_squeeze %dma_start3A_290 : memref<1x128xi32, #tpu.memory_space<hbm>> -> memref<128xi32, #tpu.memory_space<hbm>>
      tpu.enqueue_dma source(%dma_start3A_291 : memref<128xi32, #tpu.memory_space<hbm>>) target(%arg12 : memref<128xi32, #tpu.memory_space<vmem>>) target_semaphore(%arg19 : memref<!tpu.dma_semaphore, #tpu.memory_space<semaphore_mem>>)
      %dma_wait3A_292 = arith.constant 0 : i32
      %dma_wait3A_293 = tpu.memref_slice %arg3[%dma_wait3A_292, %mul3A_4] : memref<2x320000xi32, #tpu.memory_space<hbm>> -> memref<1x128xi32, #tpu.memory_space<hbm>>
      %dma_wait3A_294 = tpu.memref_squeeze %dma_wait3A_293 : memref<1x128xi32, #tpu.memory_space<hbm>> -> memref<128xi32, #tpu.memory_space<hbm>>
      %dma_wait3A_295 = tpu.memref_slice %arg3[%dma_wait3A_292, %mul3A_4] : memref<2x320000xi32, #tpu.memory_space<hbm>> -> memref<1x128xi32, #tpu.memory_space<hbm>>
      %dma_wait3A_296 = tpu.memref_squeeze %dma_wait3A_295 : memref<1x128xi32, #tpu.memory_space<hbm>> -> memref<128xi32, #tpu.memory_space<hbm>>
      tpu.wait_dma2 semaphore(%arg18 : memref<!tpu.dma_semaphore, #tpu.memory_space<semaphore_mem>>) src(%dma_wait3A_296 : memref<128xi32, #tpu.memory_space<hbm>>) dst(%arg7 : memref<128xi32, #tpu.memory_space<vmem>>)
      %dma_wait3A_297 = arith.constant 1 : i32
      %dma_wait3A_298 = tpu.memref_slice %arg3[%dma_wait3A_297, %mul3A_4] : memref<2x320000xi32, #tpu.memory_space<hbm>> -> memref<1x128xi32, #tpu.memory_space<hbm>>
      %dma_wait3A_299 = tpu.memref_squeeze %dma_wait3A_298 : memref<1x128xi32, #tpu.memory_space<hbm>> -> memref<128xi32, #tpu.memory_space<hbm>>
      %dma_wait3A_300 = tpu.memref_slice %arg3[%dma_wait3A_297, %mul3A_4] : memref<2x320000xi32, #tpu.memory_space<hbm>> -> memref<1x128xi32, #tpu.memory_space<hbm>>
      %dma_wait3A_301 = tpu.memref_squeeze %dma_wait3A_300 : memref<1x128xi32, #tpu.memory_space<hbm>> -> memref<128xi32, #tpu.memory_space<hbm>>
      tpu.wait_dma2 semaphore(%arg18 : memref<!tpu.dma_semaphore, #tpu.memory_space<semaphore_mem>>) src(%dma_wait3A_301 : memref<128xi32, #tpu.memory_space<hbm>>) dst(%arg11 : memref<128xi32, #tpu.memory_space<vmem>>)
      %dma_start3A_302 = arith.constant 0 : i32
      %dma_start3A_303 = arith.constant 0 : i32
      %dma_start3A_304 = tpu.memref_slice %arg2[%dma_start3A_302, %dma_start3A_303] : memref<10000x128xf32, #tpu.memory_space<hbm>> -> memref<10000x128xf32, #tpu.memory_space<hbm>>
      tpu.enqueue_indirect_dma source(%dma_start3A_304 : memref<10000x128xf32, #tpu.memory_space<hbm>>) target(%arg15 : memref<128x128xf32, #tpu.memory_space<vmem>>) offsets(%arg7 : memref<128xi32, #tpu.memory_space<vmem>>) semaphore(%arg22 : memref<!tpu.dma_semaphore, #tpu.memory_space<semaphore_mem>>)
      %dma_wait3A_305 = arith.constant 0 : i32
      %dma_wait3A_306 = arith.constant 0 : i32
      %dma_wait3A_307 = tpu.memref_slice %arg2[%dma_wait3A_305, %dma_wait3A_306] : memref<10000x128xf32, #tpu.memory_space<hbm>> -> memref<10000x128xf32, #tpu.memory_space<hbm>>
      tpu.wait_indirect_dma semaphore(%arg21 : memref<!tpu.dma_semaphore, #tpu.memory_space<semaphore_mem>>) src(%dma_wait3A_307 : memref<10000x128xf32, #tpu.memory_space<hbm>>) dst(%arg14 : memref<128x128xf32, #tpu.memory_space<vmem>>)
      %dma_start3A_308 = arith.constant 0 : i32
      %dma_start3A_309 = arith.constant 0 : i32
      %dma_start3A_310 = tpu.memref_slice %arg16[%dma_start3A_308, %dma_start3A_309] : memref<10240x128xf32, #tpu.memory_space<vmem_shared>> -> memref<10240x128xf32, #tpu.memory_space<vmem_shared>>
      tpu.enqueue_indirect_dma source(%arg14 : memref<128x128xf32, #tpu.memory_space<vmem>>) target(%dma_start3A_310 : memref<10240x128xf32, #tpu.memory_space<vmem_shared>>) offsets(%arg10 : memref<128xi32, #tpu.memory_space<vmem>>) semaphore(%arg23 : memref<!tpu.dma_semaphore, #tpu.memory_space<semaphore_mem>>) {add = true}
      %mul3A_311 = arith.constant 4 : i32
      %mul3A_312 = arith.muli %while3A_184, %mul3A_311 : i32
      %add3A_313 = arith.constant 3 : i32
      %add3A_314 = arith.addi %mul3A_312, %add3A_313 : i32
      %dma_wait3A_315 = arith.constant 0 : i32
      %dma_wait3A_316 = arith.constant 0 : i32
      %dma_wait3A_317 = tpu.memref_slice %arg16[%dma_wait3A_315, %dma_wait3A_316] : memref<10240x128xf32, #tpu.memory_space<vmem_shared>> -> memref<10240x128xf32, #tpu.memory_space<vmem_shared>>
      tpu.wait_indirect_dma semaphore(%arg23 : memref<!tpu.dma_semaphore, #tpu.memory_space<semaphore_mem>>) src(%arg14 : memref<128x128xf32, #tpu.memory_space<vmem>>) dst(%dma_wait3A_317 : memref<10240x128xf32, #tpu.memory_space<vmem_shared>>)
      %mul3A_318 = arith.constant 128 : i32
      %mul3A_319 = arith.muli %add3A_314, %mul3A_318 : i32
      %add3A_320 = arith.addi %mul3A_4, %mul3A_319 : i32
      %dma_start3A_321 = arith.constant 0 : i32
      %dma_start3A_322 = tpu.memref_slice %arg3[%dma_start3A_321, %add3A_320] : memref<2x320000xi32, #tpu.memory_space<hbm>> -> memref<1x128xi32, #tpu.memory_space<hbm>>
      %dma_start3A_323 = tpu.memref_squeeze %dma_start3A_322 : memref<1x128xi32, #tpu.memory_space<hbm>> -> memref<128xi32, #tpu.memory_space<hbm>>
      %dma_start3A_324 = tpu.memref_slice %arg3[%dma_start3A_321, %add3A_320] : memref<2x320000xi32, #tpu.memory_space<hbm>> -> memref<1x128xi32, #tpu.memory_space<hbm>>
      %dma_start3A_325 = tpu.memref_squeeze %dma_start3A_324 : memref<1x128xi32, #tpu.memory_space<hbm>> -> memref<128xi32, #tpu.memory_space<hbm>>
      tpu.enqueue_dma source(%dma_start3A_325 : memref<128xi32, #tpu.memory_space<hbm>>) target(%arg9 : memref<128xi32, #tpu.memory_space<vmem>>) target_semaphore(%arg20 : memref<!tpu.dma_semaphore, #tpu.memory_space<semaphore_mem>>)
      %mul3A_326 = arith.constant 128 : i32
      %mul3A_327 = arith.muli %add3A_314, %mul3A_326 : i32
      %add3A_328 = arith.addi %mul3A_4, %mul3A_327 : i32
      %dma_start3A_329 = arith.constant 1 : i32
      %dma_start3A_330 = tpu.memref_slice %arg3[%dma_start3A_329, %add3A_328] : memref<2x320000xi32, #tpu.memory_space<hbm>> -> memref<1x128xi32, #tpu.memory_space<hbm>>
      %dma_start3A_331 = tpu.memref_squeeze %dma_start3A_330 : memref<1x128xi32, #tpu.memory_space<hbm>> -> memref<128xi32, #tpu.memory_space<hbm>>
      %dma_start3A_332 = tpu.memref_slice %arg3[%dma_start3A_329, %add3A_328] : memref<2x320000xi32, #tpu.memory_space<hbm>> -> memref<1x128xi32, #tpu.memory_space<hbm>>
      %dma_start3A_333 = tpu.memref_squeeze %dma_start3A_332 : memref<1x128xi32, #tpu.memory_space<hbm>> -> memref<128xi32, #tpu.memory_space<hbm>>
      tpu.enqueue_dma source(%dma_start3A_333 : memref<128xi32, #tpu.memory_space<hbm>>) target(%arg13 : memref<128xi32, #tpu.memory_space<vmem>>) target_semaphore(%arg20 : memref<!tpu.dma_semaphore, #tpu.memory_space<semaphore_mem>>)
      %dma_wait3A_334 = arith.constant 0 : i32
      %dma_wait3A_335 = tpu.memref_slice %arg3[%dma_wait3A_334, %mul3A_4] : memref<2x320000xi32, #tpu.memory_space<hbm>> -> memref<1x128xi32, #tpu.memory_space<hbm>>
      %dma_wait3A_336 = tpu.memref_squeeze %dma_wait3A_335 : memref<1x128xi32, #tpu.memory_space<hbm>> -> memref<128xi32, #tpu.memory_space<hbm>>
      %dma_wait3A_337 = tpu.memref_slice %arg3[%dma_wait3A_334, %mul3A_4] : memref<2x320000xi32, #tpu.memory_space<hbm>> -> memref<1x128xi32, #tpu.memory_space<hbm>>
      %dma_wait3A_338 = tpu.memref_squeeze %dma_wait3A_337 : memref<1x128xi32, #tpu.memory_space<hbm>> -> memref<128xi32, #tpu.memory_space<hbm>>
      tpu.wait_dma2 semaphore(%arg19 : memref<!tpu.dma_semaphore, #tpu.memory_space<semaphore_mem>>) src(%dma_wait3A_338 : memref<128xi32, #tpu.memory_space<hbm>>) dst(%arg8 : memref<128xi32, #tpu.memory_space<vmem>>)
      %dma_wait3A_339 = arith.constant 1 : i32
      %dma_wait3A_340 = tpu.memref_slice %arg3[%dma_wait3A_339, %mul3A_4] : memref<2x320000xi32, #tpu.memory_space<hbm>> -> memref<1x128xi32, #tpu.memory_space<hbm>>
      %dma_wait3A_341 = tpu.memref_squeeze %dma_wait3A_340 : memref<1x128xi32, #tpu.memory_space<hbm>> -> memref<128xi32, #tpu.memory_space<hbm>>
      %dma_wait3A_342 = tpu.memref_slice %arg3[%dma_wait3A_339, %mul3A_4] : memref<2x320000xi32, #tpu.memory_space<hbm>> -> memref<1x128xi32, #tpu.memory_space<hbm>>
      %dma_wait3A_343 = tpu.memref_squeeze %dma_wait3A_342 : memref<1x128xi32, #tpu.memory_space<hbm>> -> memref<128xi32, #tpu.memory_space<hbm>>
      tpu.wait_dma2 semaphore(%arg19 : memref<!tpu.dma_semaphore, #tpu.memory_space<semaphore_mem>>) src(%dma_wait3A_343 : memref<128xi32, #tpu.memory_space<hbm>>) dst(%arg12 : memref<128xi32, #tpu.memory_space<vmem>>)
      %dma_start3A_344 = arith.constant 0 : i32
      %dma_start3A_345 = arith.constant 0 : i32
      %dma_start3A_346 = tpu.memref_slice %arg2[%dma_start3A_344, %dma_start3A_345] : memref<10000x128xf32, #tpu.memory_space<hbm>> -> memref<10000x128xf32, #tpu.memory_space<hbm>>
      tpu.enqueue_indirect_dma source(%dma_start3A_346 : memref<10000x128xf32, #tpu.memory_space<hbm>>) target(%arg14 : memref<128x128xf32, #tpu.memory_space<vmem>>) offsets(%arg8 : memref<128xi32, #tpu.memory_space<vmem>>) semaphore(%arg21 : memref<!tpu.dma_semaphore, #tpu.memory_space<semaphore_mem>>)
      %dma_wait3A_347 = arith.constant 0 : i32
      %dma_wait3A_348 = arith.constant 0 : i32
      %dma_wait3A_349 = tpu.memref_slice %arg2[%dma_wait3A_347, %dma_wait3A_348] : memref<10000x128xf32, #tpu.memory_space<hbm>> -> memref<10000x128xf32, #tpu.memory_space<hbm>>
      tpu.wait_indirect_dma semaphore(%arg22 : memref<!tpu.dma_semaphore, #tpu.memory_space<semaphore_mem>>) src(%dma_wait3A_349 : memref<10000x128xf32, #tpu.memory_space<hbm>>) dst(%arg15 : memref<128x128xf32, #tpu.memory_space<vmem>>)
      %dma_start3A_350 = arith.constant 0 : i32
      %dma_start3A_351 = arith.constant 0 : i32
      %dma_start3A_352 = tpu.memref_slice %arg16[%dma_start3A_350, %dma_start3A_351] : memref<10240x128xf32, #tpu.memory_space<vmem_shared>> -> memref<10240x128xf32, #tpu.memory_space<vmem_shared>>
      tpu.enqueue_indirect_dma source(%arg15 : memref<128x128xf32, #tpu.memory_space<vmem>>) target(%dma_start3A_352 : memref<10240x128xf32, #tpu.memory_space<vmem_shared>>) offsets(%arg11 : memref<128xi32, #tpu.memory_space<vmem>>) semaphore(%arg24 : memref<!tpu.dma_semaphore, #tpu.memory_space<semaphore_mem>>) {add = true}
    }
    %dma_wait3A_142 = arith.constant 0 : i32
    %dma_wait3A_143 = arith.constant 0 : i32
    %dma_wait3A_144 = tpu.memref_slice %arg16[%dma_wait3A_142, %dma_wait3A_143] : memref<10240x128xf32, #tpu.memory_space<vmem_shared>> -> memref<10240x128xf32, #tpu.memory_space<vmem_shared>>
    tpu.wait_indirect_dma semaphore(%arg24 : memref<!tpu.dma_semaphore, #tpu.memory_space<semaphore_mem>>) src(%arg15 : memref<128x128xf32, #tpu.memory_space<vmem>>) dst(%dma_wait3A_144 : memref<10240x128xf32, #tpu.memory_space<vmem_shared>>)
    %dma_wait3A_145 = arith.constant 0 : i32
    %dma_wait3A_146 = tpu.memref_slice %arg3[%dma_wait3A_145, %mul3A_4] : memref<2x320000xi32, #tpu.memory_space<hbm>> -> memref<1x128xi32, #tpu.memory_space<hbm>>
    %dma_wait3A_147 = tpu.memref_squeeze %dma_wait3A_146 : memref<1x128xi32, #tpu.memory_space<hbm>> -> memref<128xi32, #tpu.memory_space<hbm>>
    %dma_wait3A_148 = tpu.memref_slice %arg3[%dma_wait3A_145, %mul3A_4] : memref<2x320000xi32, #tpu.memory_space<hbm>> -> memref<1x128xi32, #tpu.memory_space<hbm>>
    %dma_wait3A_149 = tpu.memref_squeeze %dma_wait3A_148 : memref<1x128xi32, #tpu.memory_space<hbm>> -> memref<128xi32, #tpu.memory_space<hbm>>
    tpu.wait_dma2 semaphore(%arg20 : memref<!tpu.dma_semaphore, #tpu.memory_space<semaphore_mem>>) src(%dma_wait3A_149 : memref<128xi32, #tpu.memory_space<hbm>>) dst(%arg9 : memref<128xi32, #tpu.memory_space<vmem>>)
    %dma_wait3A_150 = arith.constant 1 : i32
    %dma_wait3A_151 = tpu.memref_slice %arg3[%dma_wait3A_150, %mul3A_4] : memref<2x320000xi32, #tpu.memory_space<hbm>> -> memref<1x128xi32, #tpu.memory_space<hbm>>
    %dma_wait3A_152 = tpu.memref_squeeze %dma_wait3A_151 : memref<1x128xi32, #tpu.memory_space<hbm>> -> memref<128xi32, #tpu.memory_space<hbm>>
    %dma_wait3A_153 = tpu.memref_slice %arg3[%dma_wait3A_150, %mul3A_4] : memref<2x320000xi32, #tpu.memory_space<hbm>> -> memref<1x128xi32, #tpu.memory_space<hbm>>
    %dma_wait3A_154 = tpu.memref_squeeze %dma_wait3A_153 : memref<1x128xi32, #tpu.memory_space<hbm>> -> memref<128xi32, #tpu.memory_space<hbm>>
    tpu.wait_dma2 semaphore(%arg20 : memref<!tpu.dma_semaphore, #tpu.memory_space<semaphore_mem>>) src(%dma_wait3A_154 : memref<128xi32, #tpu.memory_space<hbm>>) dst(%arg13 : memref<128xi32, #tpu.memory_space<vmem>>)
    %dma_start3A_155 = arith.constant 0 : i32
    %dma_start3A_156 = arith.constant 0 : i32
    %dma_start3A_157 = tpu.memref_slice %arg2[%dma_start3A_155, %dma_start3A_156] : memref<10000x128xf32, #tpu.memory_space<hbm>> -> memref<10000x128xf32, #tpu.memory_space<hbm>>
    tpu.enqueue_indirect_dma source(%dma_start3A_157 : memref<10000x128xf32, #tpu.memory_space<hbm>>) target(%arg15 : memref<128x128xf32, #tpu.memory_space<vmem>>) offsets(%arg9 : memref<128xi32, #tpu.memory_space<vmem>>) semaphore(%arg22 : memref<!tpu.dma_semaphore, #tpu.memory_space<semaphore_mem>>)
    %dma_wait3A_158 = arith.constant 0 : i32
    %dma_wait3A_159 = arith.constant 0 : i32
    %dma_wait3A_160 = tpu.memref_slice %arg2[%dma_wait3A_158, %dma_wait3A_159] : memref<10000x128xf32, #tpu.memory_space<hbm>> -> memref<10000x128xf32, #tpu.memory_space<hbm>>
    tpu.wait_indirect_dma semaphore(%arg21 : memref<!tpu.dma_semaphore, #tpu.memory_space<semaphore_mem>>) src(%dma_wait3A_160 : memref<10000x128xf32, #tpu.memory_space<hbm>>) dst(%arg14 : memref<128x128xf32, #tpu.memory_space<vmem>>)
    %dma_start3A_161 = arith.constant 0 : i32
    %dma_start3A_162 = arith.constant 0 : i32
    %dma_start3A_163 = tpu.memref_slice %arg16[%dma_start3A_161, %dma_start3A_162] : memref<10240x128xf32, #tpu.memory_space<vmem_shared>> -> memref<10240x128xf32, #tpu.memory_space<vmem_shared>>
    tpu.enqueue_indirect_dma source(%arg14 : memref<128x128xf32, #tpu.memory_space<vmem>>) target(%dma_start3A_163 : memref<10240x128xf32, #tpu.memory_space<vmem_shared>>) offsets(%arg12 : memref<128xi32, #tpu.memory_space<vmem>>) semaphore(%arg23 : memref<!tpu.dma_semaphore, #tpu.memory_space<semaphore_mem>>) {add = true}
    %dma_wait3A_164 = arith.constant 0 : i32
    %dma_wait3A_165 = arith.constant 0 : i32
    %dma_wait3A_166 = tpu.memref_slice %arg2[%dma_wait3A_164, %dma_wait3A_165] : memref<10000x128xf32, #tpu.memory_space<hbm>> -> memref<10000x128xf32, #tpu.memory_space<hbm>>
    tpu.wait_indirect_dma semaphore(%arg22 : memref<!tpu.dma_semaphore, #tpu.memory_space<semaphore_mem>>) src(%dma_wait3A_166 : memref<10000x128xf32, #tpu.memory_space<hbm>>) dst(%arg15 : memref<128x128xf32, #tpu.memory_space<vmem>>)
    %dma_start3A_167 = arith.constant 0 : i32
    %dma_start3A_168 = arith.constant 0 : i32
    %dma_start3A_169 = tpu.memref_slice %arg16[%dma_start3A_167, %dma_start3A_168] : memref<10240x128xf32, #tpu.memory_space<vmem_shared>> -> memref<10240x128xf32, #tpu.memory_space<vmem_shared>>
    tpu.enqueue_indirect_dma source(%arg15 : memref<128x128xf32, #tpu.memory_space<vmem>>) target(%dma_start3A_169 : memref<10240x128xf32, #tpu.memory_space<vmem_shared>>) offsets(%arg13 : memref<128xi32, #tpu.memory_space<vmem>>) semaphore(%arg24 : memref<!tpu.dma_semaphore, #tpu.memory_space<semaphore_mem>>) {add = true}
    %dma_wait3A_170 = arith.constant 0 : i32
    %dma_wait3A_171 = arith.constant 0 : i32
    %dma_wait3A_172 = tpu.memref_slice %arg16[%dma_wait3A_170, %dma_wait3A_171] : memref<10240x128xf32, #tpu.memory_space<vmem_shared>> -> memref<10240x128xf32, #tpu.memory_space<vmem_shared>>
    tpu.wait_indirect_dma semaphore(%arg23 : memref<!tpu.dma_semaphore, #tpu.memory_space<semaphore_mem>>) src(%arg14 : memref<128x128xf32, #tpu.memory_space<vmem>>) dst(%dma_wait3A_172 : memref<10240x128xf32, #tpu.memory_space<vmem_shared>>)
    %dma_wait3A_173 = arith.constant 0 : i32
    %dma_wait3A_174 = arith.constant 0 : i32
    %dma_wait3A_175 = tpu.memref_slice %arg16[%dma_wait3A_173, %dma_wait3A_174] : memref<10240x128xf32, #tpu.memory_space<vmem_shared>> -> memref<10240x128xf32, #tpu.memory_space<vmem_shared>>
    tpu.wait_indirect_dma semaphore(%arg24 : memref<!tpu.dma_semaphore, #tpu.memory_space<semaphore_mem>>) src(%arg15 : memref<128x128xf32, #tpu.memory_space<vmem>>) dst(%dma_wait3A_175 : memref<10240x128xf32, #tpu.memory_space<vmem_shared>>)
    %barrier3A_176 = arith.constant 0 : index
    tpu.barrier barrier_id(%barrier3A_176)
    %mul3A_177 = arith.constant 640 : i32
    %mul3A_178 = arith.muli %arg1, %mul3A_177 : i32
    %mul3A_179 = arith.constant 10240 : i32
    %mul3A_180 = arith.muli %arg0, %mul3A_179 : i32
    %mul3A_181 = arith.constant 640 : i32
    %mul3A_182 = arith.muli %arg1, %mul3A_181 : i32
    %add3A_183 = arith.addi %mul3A_180, %mul3A_182 : i32
    "tpu.region"() ({
      %run_scoped3A = tpu.sem_alloc : memref<!tpu.dma_semaphore, #tpu.memory_space<semaphore_mem>>
      %dma_start3A_184 = arith.constant 0 : i32
      %dma_start3A_185 = tpu.memref_slice %arg5[%add3A_183, %dma_start3A_184] : memref<20480x128xf32, #tpu.memory_space<hbm>> -> memref<640x128xf32, #tpu.memory_space<hbm>>
      %dma_start3A_186 = arith.constant 0 : i32
      %dma_start3A_187 = tpu.memref_slice %arg16[%mul3A_178, %dma_start3A_186] : memref<10240x128xf32, #tpu.memory_space<vmem_shared>> -> memref<640x128xf32, #tpu.memory_space<vmem_shared>>
      tpu.enqueue_dma source(%dma_start3A_187 : memref<640x128xf32, #tpu.memory_space<vmem_shared>>) target(%dma_start3A_185 : memref<640x128xf32, #tpu.memory_space<hbm>>) target_semaphore(%run_scoped3A : memref<!tpu.dma_semaphore, #tpu.memory_space<semaphore_mem>>)
      %dma_wait3A_188 = arith.constant 0 : i32
      %dma_wait3A_189 = tpu.memref_slice %arg5[%add3A_183, %dma_wait3A_188] : memref<20480x128xf32, #tpu.memory_space<hbm>> -> memref<640x128xf32, #tpu.memory_space<hbm>>
      %dma_wait3A_190 = arith.constant 0 : i32
      %dma_wait3A_191 = tpu.memref_slice %arg16[%mul3A_178, %dma_wait3A_190] : memref<10240x128xf32, #tpu.memory_space<vmem_shared>> -> memref<640x128xf32, #tpu.memory_space<vmem_shared>>
      tpu.wait_dma2 semaphore(%run_scoped3A : memref<!tpu.dma_semaphore, #tpu.memory_space<semaphore_mem>>) src(%dma_wait3A_191 : memref<640x128xf32, #tpu.memory_space<vmem_shared>>) dst(%dma_wait3A_189 : memref<640x128xf32, #tpu.memory_space<hbm>>)
      tpu.yield
    }) : () -> ()
    return
  }
}

#map = affine_map<(d0, d1) -> (0, 0)>
#map1 = affine_map<(d0, d1) -> (0)>
module attributes {stable_mosaic.version = 14 : i64} {
  func.func @_sc_deg(%arg0: i32, %arg1: i32, %arg2: memref<2x320000xi32, #tpu.memory_space<hbm>>, %arg3: memref<20480xf32, #tpu.memory_space<hbm>>, %arg4: memref<10240xi32, #tpu.memory_space<vmem>>, %arg5: memref<10240xf32, #tpu.memory_space<vmem>>, %arg6: memref<640xf32, #tpu.memory_space<vmem>>, %arg7: memref<640xf32, #tpu.memory_space<vmem>>, %arg8: memref<640xf32, #tpu.memory_space<vmem>>, %arg9: memref<640xf32, #tpu.memory_space<vmem>>, %arg10: memref<640xf32, #tpu.memory_space<vmem>>, %arg11: memref<640xf32, #tpu.memory_space<vmem>>, %arg12: memref<640xf32, #tpu.memory_space<vmem>>, %arg13: memref<640xf32, #tpu.memory_space<vmem>>, %arg14: memref<640xf32, #tpu.memory_space<vmem>>, %arg15: memref<640xf32, #tpu.memory_space<vmem>>, %arg16: memref<640xf32, #tpu.memory_space<vmem>>, %arg17: memref<640xf32, #tpu.memory_space<vmem>>, %arg18: memref<640xf32, #tpu.memory_space<vmem>>, %arg19: memref<640xf32, #tpu.memory_space<vmem>>, %arg20: memref<640xf32, #tpu.memory_space<vmem>>, %arg21: memref<640xf32, #tpu.memory_space<vmem>>, %arg22: memref<640xf32, #tpu.memory_space<vmem>>, %arg23: memref<16x10240xf32, #tpu.memory_space<vmem_shared>>, %arg24: memref<!tpu.dma_semaphore, #tpu.memory_space<semaphore_mem>>) attributes {dimension_semantics = [#tpu.dimension_semantics<core_parallel>, #tpu.dimension_semantics<subcore_parallel>], iteration_bounds = array<i64: 2, 16>, scalar_prefetch = 0 : i64, scratch_operands = 21 : i64, tpu.core_type = #tpu.core_type<sc_vector_subcore>, window_params = [{transform_indices = #map}, {transform_indices = #map1}]} {
    %mul3A = arith.constant 16 : i32
    %mul3A_0 = arith.muli %arg0, %mul3A : i32
    %add3A = arith.addi %mul3A_0, %arg1 : i32
    %eq3A = arith.constant 31 : i32
    %eq3A_1 = arith.cmpi eq, %add3A, %eq3A : i32
    %mul3A_2 = arith.constant 10240 : i32
    %mul3A_3 = arith.muli %add3A, %mul3A_2 : i32
    %not3A = arith.constant true
    %not3A_4 = arith.xori %eq3A_1, %not3A : i1
    %convert_element_type3A = arith.extui %not3A_4 : i1 to i32
    %cond3A = arith.constant 0 : i32
    %cond3A_5 = arith.cmpi ne, %convert_element_type3A, %cond3A : i32
    scf.if %cond3A_5 {
      %dma_start3A_268 = arith.constant 1 : i32
      %dma_start3A_269 = tpu.memref_slice %arg2[%dma_start3A_268, %mul3A_3] : memref<2x320000xi32, #tpu.memory_space<hbm>> -> memref<1x10240xi32, #tpu.memory_space<hbm>>
      %dma_start3A_270 = tpu.memref_squeeze %dma_start3A_269 : memref<1x10240xi32, #tpu.memory_space<hbm>> -> memref<10240xi32, #tpu.memory_space<hbm>>
      %dma_start3A_271 = tpu.memref_slice %arg2[%dma_start3A_268, %mul3A_3] : memref<2x320000xi32, #tpu.memory_space<hbm>> -> memref<1x10240xi32, #tpu.memory_space<hbm>>
      %dma_start3A_272 = tpu.memref_squeeze %dma_start3A_271 : memref<1x10240xi32, #tpu.memory_space<hbm>> -> memref<10240xi32, #tpu.memory_space<hbm>>
      tpu.enqueue_dma source(%dma_start3A_272 : memref<10240xi32, #tpu.memory_space<hbm>>) target(%arg4 : memref<10240xi32, #tpu.memory_space<vmem>>) target_semaphore(%arg24 : memref<!tpu.dma_semaphore, #tpu.memory_space<semaphore_mem>>)
    } else {
    }
    %convert_element_type3A_6 = arith.extui %eq3A_1 : i1 to i32
    %cond3A_7 = arith.constant 0 : i32
    %cond3A_8 = arith.cmpi ne, %convert_element_type3A_6, %cond3A_7 : i32
    scf.if %cond3A_8 {
      %dma_start3A_268 = arith.constant 1 : i32
      %dma_start3A_269 = arith.constant 0 : i32
      %dma_start3A_270 = tpu.memref_slice %arg4[%dma_start3A_269] : memref<10240xi32, #tpu.memory_space<vmem>> -> memref<2560xi32, #tpu.memory_space<vmem>>
      %dma_start3A_271 = tpu.memref_slice %arg2[%dma_start3A_268, %mul3A_3] : memref<2x320000xi32, #tpu.memory_space<hbm>> -> memref<1x2560xi32, #tpu.memory_space<hbm>>
      %dma_start3A_272 = tpu.memref_squeeze %dma_start3A_271 : memref<1x2560xi32, #tpu.memory_space<hbm>> -> memref<2560xi32, #tpu.memory_space<hbm>>
      %dma_start3A_273 = arith.constant 0 : i32
      %dma_start3A_274 = tpu.memref_slice %arg4[%dma_start3A_273] : memref<10240xi32, #tpu.memory_space<vmem>> -> memref<2560xi32, #tpu.memory_space<vmem>>
      %dma_start3A_275 = tpu.memref_slice %arg2[%dma_start3A_268, %mul3A_3] : memref<2x320000xi32, #tpu.memory_space<hbm>> -> memref<1x2560xi32, #tpu.memory_space<hbm>>
      %dma_start3A_276 = tpu.memref_squeeze %dma_start3A_275 : memref<1x2560xi32, #tpu.memory_space<hbm>> -> memref<2560xi32, #tpu.memory_space<hbm>>
      tpu.enqueue_dma source(%dma_start3A_276 : memref<2560xi32, #tpu.memory_space<hbm>>) target(%dma_start3A_274 : memref<2560xi32, #tpu.memory_space<vmem>>) target_semaphore(%arg24 : memref<!tpu.dma_semaphore, #tpu.memory_space<semaphore_mem>>)
    } else {
    }
    %broadcast_in_dim3A = arith.constant 0.000000e+00 : f32
    %broadcast_in_dim3A_9 = vector.broadcast %broadcast_in_dim3A : f32 to vector<16xf32>
    %broadcast_in_dim3A_10 = arith.constant 1.000000e+00 : f32
    %broadcast_in_dim3A_11 = vector.broadcast %broadcast_in_dim3A_10 : f32 to vector<16xf32>
    %scan3A = arith.constant 0 : i32
    %scan3A_12 = arith.constant 0 : i32
    %scan3A_13 = arith.constant 640 : i32
    %scan3A_14 = arith.addi %scan3A_12, %scan3A_13 : i32
    %scan3A_15 = arith.constant 1 : i32
    scf.for %scan3A_268 = %scan3A_12 to %scan3A_14 step %scan3A_15  : i32 {
      %mul3A_269 = arith.constant 16 : i32
      %mul3A_270 = arith.muli %scan3A_268, %mul3A_269 : i32
      %swap3A = arith.index_cast %mul3A_270 : i32 to index
      %swap3A_271 = tpu.vector_load %arg5[%swap3A] {strides = array<i32>} : memref<10240xf32, #tpu.memory_space<vmem>>, vector<16xf32>,
      tpu.vector_store %arg5[%swap3A], %broadcast_in_dim3A_9 {strides = array<i32>} : memref<10240xf32, #tpu.memory_space<vmem>>, vector<16xf32>,
    }
    %scan3A_16 = arith.constant 640 : i32
    %not3A_17 = arith.constant true
    %not3A_18 = arith.xori %eq3A_1, %not3A_17 : i1
    %convert_element_type3A_19 = arith.extui %not3A_18 : i1 to i32
    %cond3A_20 = arith.constant 0 : i32
    %cond3A_21 = arith.cmpi ne, %convert_element_type3A_19, %cond3A_20 : i32
    scf.if %cond3A_21 {
      %dma_wait3A_268 = arith.constant 1 : i32
      %dma_wait3A_269 = tpu.memref_slice %arg2[%dma_wait3A_268, %mul3A_3] : memref<2x320000xi32, #tpu.memory_space<hbm>> -> memref<1x10240xi32, #tpu.memory_space<hbm>>
      %dma_wait3A_270 = tpu.memref_squeeze %dma_wait3A_269 : memref<1x10240xi32, #tpu.memory_space<hbm>> -> memref<10240xi32, #tpu.memory_space<hbm>>
      %dma_wait3A_271 = tpu.memref_slice %arg2[%dma_wait3A_268, %mul3A_3] : memref<2x320000xi32, #tpu.memory_space<hbm>> -> memref<1x10240xi32, #tpu.memory_space<hbm>>
      %dma_wait3A_272 = tpu.memref_squeeze %dma_wait3A_271 : memref<1x10240xi32, #tpu.memory_space<hbm>> -> memref<10240xi32, #tpu.memory_space<hbm>>
      tpu.wait_dma2 semaphore(%arg24 : memref<!tpu.dma_semaphore, #tpu.memory_space<semaphore_mem>>) src(%dma_wait3A_272 : memref<10240xi32, #tpu.memory_space<hbm>>) dst(%arg4 : memref<10240xi32, #tpu.memory_space<vmem>>)
    } else {
    }
    %convert_element_type3A_22 = arith.extui %eq3A_1 : i1 to i32
    %cond3A_23 = arith.constant 0 : i32
    %cond3A_24 = arith.cmpi ne, %convert_element_type3A_22, %cond3A_23 : i32
    scf.if %cond3A_24 {
      %dma_wait3A_268 = arith.constant 1 : i32
      %dma_wait3A_269 = arith.constant 0 : i32
      %dma_wait3A_270 = tpu.memref_slice %arg4[%dma_wait3A_269] : memref<10240xi32, #tpu.memory_space<vmem>> -> memref<2560xi32, #tpu.memory_space<vmem>>
      %dma_wait3A_271 = tpu.memref_slice %arg2[%dma_wait3A_268, %mul3A_3] : memref<2x320000xi32, #tpu.memory_space<hbm>> -> memref<1x2560xi32, #tpu.memory_space<hbm>>
      %dma_wait3A_272 = tpu.memref_squeeze %dma_wait3A_271 : memref<1x2560xi32, #tpu.memory_space<hbm>> -> memref<2560xi32, #tpu.memory_space<hbm>>
      %dma_wait3A_273 = arith.constant 0 : i32
      %dma_wait3A_274 = tpu.memref_slice %arg4[%dma_wait3A_273] : memref<10240xi32, #tpu.memory_space<vmem>> -> memref<2560xi32, #tpu.memory_space<vmem>>
      %dma_wait3A_275 = tpu.memref_slice %arg2[%dma_wait3A_268, %mul3A_3] : memref<2x320000xi32, #tpu.memory_space<hbm>> -> memref<1x2560xi32, #tpu.memory_space<hbm>>
      %dma_wait3A_276 = tpu.memref_squeeze %dma_wait3A_275 : memref<1x2560xi32, #tpu.memory_space<hbm>> -> memref<2560xi32, #tpu.memory_space<hbm>>
      tpu.wait_dma2 semaphore(%arg24 : memref<!tpu.dma_semaphore, #tpu.memory_space<semaphore_mem>>) src(%dma_wait3A_276 : memref<2560xi32, #tpu.memory_space<hbm>>) dst(%dma_wait3A_274 : memref<2560xi32, #tpu.memory_space<vmem>>)
    } else {
    }
    %jit3A = arith.constant 160 : i32
    %jit3A_25 = arith.constant 640 : i32
    %select_n3A = arith.select %eq3A_1, %jit3A, %jit3A_25 : i32
    %while3A = arith.constant 0 : i32
    %while3A_26 = arith.constant 0 : i32
    %while3A_27 = arith.subi %select_n3A, %while3A_26 : i32
    %while3A_28 = arith.addi %while3A_26, %while3A_27 : i32
    %while3A_29 = arith.constant 1 : i32
    %while3A_30 = arith.divsi %while3A_27, %while3A_29 : i32
    %while3A_31 = arith.muli %while3A_30, %while3A_29 : i32
    %while3A_32 = arith.addi %while3A_26, %while3A_31 : i32
    %while3A_33 = arith.constant 1 : i32
    scf.for %while3A_268 = %while3A_26 to %while3A_32 step %while3A_33  : i32 {
      %mul3A_269 = arith.constant 16 : i32
      %mul3A_270 = arith.muli %while3A_268, %mul3A_269 : i32
      %get3A = arith.index_cast %mul3A_270 : i32 to index
      %get3A_271 = tpu.vector_load %arg4[%get3A] {strides = array<i32>} : memref<10240xi32, #tpu.memory_space<vmem>>, vector<16xi32>,
      tpu.vector_store_idx %arg5[%get3A_271], %broadcast_in_dim3A_11 {add = true} : memref<10240xf32, #tpu.memory_space<vmem>>[vector<16xi32>], vector<16xf32>,
    }
    %while3A_34 = arith.constant 1 : i32
    scf.for %while3A_268 = %while3A_32 to %while3A_28 step %while3A_34  : i32 {
      %mul3A_269 = arith.constant 16 : i32
      %mul3A_270 = arith.muli %while3A_268, %mul3A_269 : i32
      %get3A = arith.index_cast %mul3A_270 : i32 to index
      %get3A_271 = tpu.vector_load %arg4[%get3A] {strides = array<i32>} : memref<10240xi32, #tpu.memory_space<vmem>>, vector<16xi32>,
      tpu.vector_store_idx %arg5[%get3A_271], %broadcast_in_dim3A_11 {add = true} : memref<10240xf32, #tpu.memory_space<vmem>>[vector<16xi32>], vector<16xf32>,
    }
    "tpu.region"() ({
      %run_scoped3A = tpu.sem_alloc : memref<!tpu.dma_semaphore, #tpu.memory_space<semaphore_mem>>
      %dma_start3A_268 = arith.constant 0 : i32
      %dma_start3A_269 = tpu.memref_slice %arg23[%arg1, %dma_start3A_268] : memref<16x10240xf32, #tpu.memory_space<vmem_shared>> -> memref<1x10240xf32, #tpu.memory_space<vmem_shared>>
      %dma_start3A_270 = tpu.memref_squeeze %dma_start3A_269 : memref<1x10240xf32, #tpu.memory_space<vmem_shared>> -> memref<10240xf32, #tpu.memory_space<vmem_shared>>
      %dma_start3A_271 = arith.constant 0 : i32
      %dma_start3A_272 = tpu.memref_slice %arg23[%arg1, %dma_start3A_271] : memref<16x10240xf32, #tpu.memory_space<vmem_shared>> -> memref<1x10240xf32, #tpu.memory_space<vmem_shared>>
      %dma_start3A_273 = tpu.memref_squeeze %dma_start3A_272 : memref<1x10240xf32, #tpu.memory_space<vmem_shared>> -> memref<10240xf32, #tpu.memory_space<vmem_shared>>
      tpu.enqueue_dma source(%arg5 : memref<10240xf32, #tpu.memory_space<vmem>>) target(%dma_start3A_273 : memref<10240xf32, #tpu.memory_space<vmem_shared>>) target_semaphore(%run_scoped3A : memref<!tpu.dma_semaphore, #tpu.memory_space<semaphore_mem>>)
      %dma_wait3A_274 = arith.constant 0 : i32
      %dma_wait3A_275 = tpu.memref_slice %arg23[%arg1, %dma_wait3A_274] : memref<16x10240xf32, #tpu.memory_space<vmem_shared>> -> memref<1x10240xf32, #tpu.memory_space<vmem_shared>>
      %dma_wait3A_276 = tpu.memref_squeeze %dma_wait3A_275 : memref<1x10240xf32, #tpu.memory_space<vmem_shared>> -> memref<10240xf32, #tpu.memory_space<vmem_shared>>
      %dma_wait3A_277 = arith.constant 0 : i32
      %dma_wait3A_278 = tpu.memref_slice %arg23[%arg1, %dma_wait3A_277] : memref<16x10240xf32, #tpu.memory_space<vmem_shared>> -> memref<1x10240xf32, #tpu.memory_space<vmem_shared>>
      %dma_wait3A_279 = tpu.memref_squeeze %dma_wait3A_278 : memref<1x10240xf32, #tpu.memory_space<vmem_shared>> -> memref<10240xf32, #tpu.memory_space<vmem_shared>>
      tpu.wait_dma2 semaphore(%run_scoped3A : memref<!tpu.dma_semaphore, #tpu.memory_space<semaphore_mem>>) src(%arg5 : memref<10240xf32, #tpu.memory_space<vmem>>) dst(%dma_wait3A_279 : memref<10240xf32, #tpu.memory_space<vmem_shared>>)
      tpu.yield
    }) : () -> ()
    %barrier3A = arith.constant 0 : index
    tpu.barrier barrier_id(%barrier3A)
    %mul3A_35 = arith.constant 640 : i32
    %mul3A_36 = arith.muli %arg1, %mul3A_35 : i32
    %dma_start3A = arith.constant 0 : i32
    %dma_start3A_37 = tpu.memref_slice %arg23[%dma_start3A, %mul3A_36] : memref<16x10240xf32, #tpu.memory_space<vmem_shared>> -> memref<1x640xf32, #tpu.memory_space<vmem_shared>>
    %dma_start3A_38 = tpu.memref_squeeze %dma_start3A_37 : memref<1x640xf32, #tpu.memory_space<vmem_shared>> -> memref<640xf32, #tpu.memory_space<vmem_shared>>
    %dma_start3A_39 = tpu.memref_slice %arg23[%dma_start3A, %mul3A_36] : memref<16x10240xf32, #tpu.memory_space<vmem_shared>> -> memref<1x640xf32, #tpu.memory_space<vmem_shared>>
    %dma_start3A_40 = tpu.memref_squeeze %dma_start3A_39 : memref<1x640xf32, #tpu.memory_space<vmem_shared>> -> memref<640xf32, #tpu.memory_space<vmem_shared>>
    tpu.enqueue_dma source(%dma_start3A_40 : memref<640xf32, #tpu.memory_space<vmem_shared>>) target(%arg6 : memref<640xf32, #tpu.memory_space<vmem>>) target_semaphore(%arg24 : memref<!tpu.dma_semaphore, #tpu.memory_space<semaphore_mem>>)
    %mul3A_41 = arith.constant 640 : i32
    %mul3A_42 = arith.muli %arg1, %mul3A_41 : i32
    %dma_start3A_43 = arith.constant 1 : i32
    %dma_start3A_44 = tpu.memref_slice %arg23[%dma_start3A_43, %mul3A_42] : memref<16x10240xf32, #tpu.memory_space<vmem_shared>> -> memref<1x640xf32, #tpu.memory_space<vmem_shared>>
    %dma_start3A_45 = tpu.memref_squeeze %dma_start3A_44 : memref<1x640xf32, #tpu.memory_space<vmem_shared>> -> memref<640xf32, #tpu.memory_space<vmem_shared>>
    %dma_start3A_46 = tpu.memref_slice %arg23[%dma_start3A_43, %mul3A_42] : memref<16x10240xf32, #tpu.memory_space<vmem_shared>> -> memref<1x640xf32, #tpu.memory_space<vmem_shared>>
    %dma_start3A_47 = tpu.memref_squeeze %dma_start3A_46 : memref<1x640xf32, #tpu.memory_space<vmem_shared>> -> memref<640xf32, #tpu.memory_space<vmem_shared>>
    tpu.enqueue_dma source(%dma_start3A_47 : memref<640xf32, #tpu.memory_space<vmem_shared>>) target(%arg7 : memref<640xf32, #tpu.memory_space<vmem>>) target_semaphore(%arg24 : memref<!tpu.dma_semaphore, #tpu.memory_space<semaphore_mem>>)
    %mul3A_48 = arith.constant 640 : i32
    %mul3A_49 = arith.muli %arg1, %mul3A_48 : i32
    %dma_start3A_50 = arith.constant 2 : i32
    %dma_start3A_51 = tpu.memref_slice %arg23[%dma_start3A_50, %mul3A_49] : memref<16x10240xf32, #tpu.memory_space<vmem_shared>> -> memref<1x640xf32, #tpu.memory_space<vmem_shared>>
    %dma_start3A_52 = tpu.memref_squeeze %dma_start3A_51 : memref<1x640xf32, #tpu.memory_space<vmem_shared>> -> memref<640xf32, #tpu.memory_space<vmem_shared>>
    %dma_start3A_53 = tpu.memref_slice %arg23[%dma_start3A_50, %mul3A_49] : memref<16x10240xf32, #tpu.memory_space<vmem_shared>> -> memref<1x640xf32, #tpu.memory_space<vmem_shared>>
    %dma_start3A_54 = tpu.memref_squeeze %dma_start3A_53 : memref<1x640xf32, #tpu.memory_space<vmem_shared>> -> memref<640xf32, #tpu.memory_space<vmem_shared>>
    tpu.enqueue_dma source(%dma_start3A_54 : memref<640xf32, #tpu.memory_space<vmem_shared>>) target(%arg8 : memref<640xf32, #tpu.memory_space<vmem>>) target_semaphore(%arg24 : memref<!tpu.dma_semaphore, #tpu.memory_space<semaphore_mem>>)
    %mul3A_55 = arith.constant 640 : i32
    %mul3A_56 = arith.muli %arg1, %mul3A_55 : i32
    %dma_start3A_57 = arith.constant 3 : i32
    %dma_start3A_58 = tpu.memref_slice %arg23[%dma_start3A_57, %mul3A_56] : memref<16x10240xf32, #tpu.memory_space<vmem_shared>> -> memref<1x640xf32, #tpu.memory_space<vmem_shared>>
    %dma_start3A_59 = tpu.memref_squeeze %dma_start3A_58 : memref<1x640xf32, #tpu.memory_space<vmem_shared>> -> memref<640xf32, #tpu.memory_space<vmem_shared>>
    %dma_start3A_60 = tpu.memref_slice %arg23[%dma_start3A_57, %mul3A_56] : memref<16x10240xf32, #tpu.memory_space<vmem_shared>> -> memref<1x640xf32, #tpu.memory_space<vmem_shared>>
    %dma_start3A_61 = tpu.memref_squeeze %dma_start3A_60 : memref<1x640xf32, #tpu.memory_space<vmem_shared>> -> memref<640xf32, #tpu.memory_space<vmem_shared>>
    tpu.enqueue_dma source(%dma_start3A_61 : memref<640xf32, #tpu.memory_space<vmem_shared>>) target(%arg9 : memref<640xf32, #tpu.memory_space<vmem>>) target_semaphore(%arg24 : memref<!tpu.dma_semaphore, #tpu.memory_space<semaphore_mem>>)
    %mul3A_62 = arith.constant 640 : i32
    %mul3A_63 = arith.muli %arg1, %mul3A_62 : i32
    %dma_start3A_64 = arith.constant 4 : i32
    %dma_start3A_65 = tpu.memref_slice %arg23[%dma_start3A_64, %mul3A_63] : memref<16x10240xf32, #tpu.memory_space<vmem_shared>> -> memref<1x640xf32, #tpu.memory_space<vmem_shared>>
    %dma_start3A_66 = tpu.memref_squeeze %dma_start3A_65 : memref<1x640xf32, #tpu.memory_space<vmem_shared>> -> memref<640xf32, #tpu.memory_space<vmem_shared>>
    %dma_start3A_67 = tpu.memref_slice %arg23[%dma_start3A_64, %mul3A_63] : memref<16x10240xf32, #tpu.memory_space<vmem_shared>> -> memref<1x640xf32, #tpu.memory_space<vmem_shared>>
    %dma_start3A_68 = tpu.memref_squeeze %dma_start3A_67 : memref<1x640xf32, #tpu.memory_space<vmem_shared>> -> memref<640xf32, #tpu.memory_space<vmem_shared>>
    tpu.enqueue_dma source(%dma_start3A_68 : memref<640xf32, #tpu.memory_space<vmem_shared>>) target(%arg10 : memref<640xf32, #tpu.memory_space<vmem>>) target_semaphore(%arg24 : memref<!tpu.dma_semaphore, #tpu.memory_space<semaphore_mem>>)
    %mul3A_69 = arith.constant 640 : i32
    %mul3A_70 = arith.muli %arg1, %mul3A_69 : i32
    %dma_start3A_71 = arith.constant 5 : i32
    %dma_start3A_72 = tpu.memref_slice %arg23[%dma_start3A_71, %mul3A_70] : memref<16x10240xf32, #tpu.memory_space<vmem_shared>> -> memref<1x640xf32, #tpu.memory_space<vmem_shared>>
    %dma_start3A_73 = tpu.memref_squeeze %dma_start3A_72 : memref<1x640xf32, #tpu.memory_space<vmem_shared>> -> memref<640xf32, #tpu.memory_space<vmem_shared>>
    %dma_start3A_74 = tpu.memref_slice %arg23[%dma_start3A_71, %mul3A_70] : memref<16x10240xf32, #tpu.memory_space<vmem_shared>> -> memref<1x640xf32, #tpu.memory_space<vmem_shared>>
    %dma_start3A_75 = tpu.memref_squeeze %dma_start3A_74 : memref<1x640xf32, #tpu.memory_space<vmem_shared>> -> memref<640xf32, #tpu.memory_space<vmem_shared>>
    tpu.enqueue_dma source(%dma_start3A_75 : memref<640xf32, #tpu.memory_space<vmem_shared>>) target(%arg11 : memref<640xf32, #tpu.memory_space<vmem>>) target_semaphore(%arg24 : memref<!tpu.dma_semaphore, #tpu.memory_space<semaphore_mem>>)
    %mul3A_76 = arith.constant 640 : i32
    %mul3A_77 = arith.muli %arg1, %mul3A_76 : i32
    %dma_start3A_78 = arith.constant 6 : i32
    %dma_start3A_79 = tpu.memref_slice %arg23[%dma_start3A_78, %mul3A_77] : memref<16x10240xf32, #tpu.memory_space<vmem_shared>> -> memref<1x640xf32, #tpu.memory_space<vmem_shared>>
    %dma_start3A_80 = tpu.memref_squeeze %dma_start3A_79 : memref<1x640xf32, #tpu.memory_space<vmem_shared>> -> memref<640xf32, #tpu.memory_space<vmem_shared>>
    %dma_start3A_81 = tpu.memref_slice %arg23[%dma_start3A_78, %mul3A_77] : memref<16x10240xf32, #tpu.memory_space<vmem_shared>> -> memref<1x640xf32, #tpu.memory_space<vmem_shared>>
    %dma_start3A_82 = tpu.memref_squeeze %dma_start3A_81 : memref<1x640xf32, #tpu.memory_space<vmem_shared>> -> memref<640xf32, #tpu.memory_space<vmem_shared>>
    tpu.enqueue_dma source(%dma_start3A_82 : memref<640xf32, #tpu.memory_space<vmem_shared>>) target(%arg12 : memref<640xf32, #tpu.memory_space<vmem>>) target_semaphore(%arg24 : memref<!tpu.dma_semaphore, #tpu.memory_space<semaphore_mem>>)
    %mul3A_83 = arith.constant 640 : i32
    %mul3A_84 = arith.muli %arg1, %mul3A_83 : i32
    %dma_start3A_85 = arith.constant 7 : i32
    %dma_start3A_86 = tpu.memref_slice %arg23[%dma_start3A_85, %mul3A_84] : memref<16x10240xf32, #tpu.memory_space<vmem_shared>> -> memref<1x640xf32, #tpu.memory_space<vmem_shared>>
    %dma_start3A_87 = tpu.memref_squeeze %dma_start3A_86 : memref<1x640xf32, #tpu.memory_space<vmem_shared>> -> memref<640xf32, #tpu.memory_space<vmem_shared>>
    %dma_start3A_88 = tpu.memref_slice %arg23[%dma_start3A_85, %mul3A_84] : memref<16x10240xf32, #tpu.memory_space<vmem_shared>> -> memref<1x640xf32, #tpu.memory_space<vmem_shared>>
    %dma_start3A_89 = tpu.memref_squeeze %dma_start3A_88 : memref<1x640xf32, #tpu.memory_space<vmem_shared>> -> memref<640xf32, #tpu.memory_space<vmem_shared>>
    tpu.enqueue_dma source(%dma_start3A_89 : memref<640xf32, #tpu.memory_space<vmem_shared>>) target(%arg13 : memref<640xf32, #tpu.memory_space<vmem>>) target_semaphore(%arg24 : memref<!tpu.dma_semaphore, #tpu.memory_space<semaphore_mem>>)
    %mul3A_90 = arith.constant 640 : i32
    %mul3A_91 = arith.muli %arg1, %mul3A_90 : i32
    %dma_start3A_92 = arith.constant 8 : i32
    %dma_start3A_93 = tpu.memref_slice %arg23[%dma_start3A_92, %mul3A_91] : memref<16x10240xf32, #tpu.memory_space<vmem_shared>> -> memref<1x640xf32, #tpu.memory_space<vmem_shared>>
    %dma_start3A_94 = tpu.memref_squeeze %dma_start3A_93 : memref<1x640xf32, #tpu.memory_space<vmem_shared>> -> memref<640xf32, #tpu.memory_space<vmem_shared>>
    %dma_start3A_95 = tpu.memref_slice %arg23[%dma_start3A_92, %mul3A_91] : memref<16x10240xf32, #tpu.memory_space<vmem_shared>> -> memref<1x640xf32, #tpu.memory_space<vmem_shared>>
    %dma_start3A_96 = tpu.memref_squeeze %dma_start3A_95 : memref<1x640xf32, #tpu.memory_space<vmem_shared>> -> memref<640xf32, #tpu.memory_space<vmem_shared>>
    tpu.enqueue_dma source(%dma_start3A_96 : memref<640xf32, #tpu.memory_space<vmem_shared>>) target(%arg14 : memref<640xf32, #tpu.memory_space<vmem>>) target_semaphore(%arg24 : memref<!tpu.dma_semaphore, #tpu.memory_space<semaphore_mem>>)
    %mul3A_97 = arith.constant 640 : i32
    %mul3A_98 = arith.muli %arg1, %mul3A_97 : i32
    %dma_start3A_99 = arith.constant 9 : i32
    %dma_start3A_100 = tpu.memref_slice %arg23[%dma_start3A_99, %mul3A_98] : memref<16x10240xf32, #tpu.memory_space<vmem_shared>> -> memref<1x640xf32, #tpu.memory_space<vmem_shared>>
    %dma_start3A_101 = tpu.memref_squeeze %dma_start3A_100 : memref<1x640xf32, #tpu.memory_space<vmem_shared>> -> memref<640xf32, #tpu.memory_space<vmem_shared>>
    %dma_start3A_102 = tpu.memref_slice %arg23[%dma_start3A_99, %mul3A_98] : memref<16x10240xf32, #tpu.memory_space<vmem_shared>> -> memref<1x640xf32, #tpu.memory_space<vmem_shared>>
    %dma_start3A_103 = tpu.memref_squeeze %dma_start3A_102 : memref<1x640xf32, #tpu.memory_space<vmem_shared>> -> memref<640xf32, #tpu.memory_space<vmem_shared>>
    tpu.enqueue_dma source(%dma_start3A_103 : memref<640xf32, #tpu.memory_space<vmem_shared>>) target(%arg15 : memref<640xf32, #tpu.memory_space<vmem>>) target_semaphore(%arg24 : memref<!tpu.dma_semaphore, #tpu.memory_space<semaphore_mem>>)
    %mul3A_104 = arith.constant 640 : i32
    %mul3A_105 = arith.muli %arg1, %mul3A_104 : i32
    %dma_start3A_106 = arith.constant 10 : i32
    %dma_start3A_107 = tpu.memref_slice %arg23[%dma_start3A_106, %mul3A_105] : memref<16x10240xf32, #tpu.memory_space<vmem_shared>> -> memref<1x640xf32, #tpu.memory_space<vmem_shared>>
    %dma_start3A_108 = tpu.memref_squeeze %dma_start3A_107 : memref<1x640xf32, #tpu.memory_space<vmem_shared>> -> memref<640xf32, #tpu.memory_space<vmem_shared>>
    %dma_start3A_109 = tpu.memref_slice %arg23[%dma_start3A_106, %mul3A_105] : memref<16x10240xf32, #tpu.memory_space<vmem_shared>> -> memref<1x640xf32, #tpu.memory_space<vmem_shared>>
    %dma_start3A_110 = tpu.memref_squeeze %dma_start3A_109 : memref<1x640xf32, #tpu.memory_space<vmem_shared>> -> memref<640xf32, #tpu.memory_space<vmem_shared>>
    tpu.enqueue_dma source(%dma_start3A_110 : memref<640xf32, #tpu.memory_space<vmem_shared>>) target(%arg16 : memref<640xf32, #tpu.memory_space<vmem>>) target_semaphore(%arg24 : memref<!tpu.dma_semaphore, #tpu.memory_space<semaphore_mem>>)
    %mul3A_111 = arith.constant 640 : i32
    %mul3A_112 = arith.muli %arg1, %mul3A_111 : i32
    %dma_start3A_113 = arith.constant 11 : i32
    %dma_start3A_114 = tpu.memref_slice %arg23[%dma_start3A_113, %mul3A_112] : memref<16x10240xf32, #tpu.memory_space<vmem_shared>> -> memref<1x640xf32, #tpu.memory_space<vmem_shared>>
    %dma_start3A_115 = tpu.memref_squeeze %dma_start3A_114 : memref<1x640xf32, #tpu.memory_space<vmem_shared>> -> memref<640xf32, #tpu.memory_space<vmem_shared>>
    %dma_start3A_116 = tpu.memref_slice %arg23[%dma_start3A_113, %mul3A_112] : memref<16x10240xf32, #tpu.memory_space<vmem_shared>> -> memref<1x640xf32, #tpu.memory_space<vmem_shared>>
    %dma_start3A_117 = tpu.memref_squeeze %dma_start3A_116 : memref<1x640xf32, #tpu.memory_space<vmem_shared>> -> memref<640xf32, #tpu.memory_space<vmem_shared>>
    tpu.enqueue_dma source(%dma_start3A_117 : memref<640xf32, #tpu.memory_space<vmem_shared>>) target(%arg17 : memref<640xf32, #tpu.memory_space<vmem>>) target_semaphore(%arg24 : memref<!tpu.dma_semaphore, #tpu.memory_space<semaphore_mem>>)
    %mul3A_118 = arith.constant 640 : i32
    %mul3A_119 = arith.muli %arg1, %mul3A_118 : i32
    %dma_start3A_120 = arith.constant 12 : i32
    %dma_start3A_121 = tpu.memref_slice %arg23[%dma_start3A_120, %mul3A_119] : memref<16x10240xf32, #tpu.memory_space<vmem_shared>> -> memref<1x640xf32, #tpu.memory_space<vmem_shared>>
    %dma_start3A_122 = tpu.memref_squeeze %dma_start3A_121 : memref<1x640xf32, #tpu.memory_space<vmem_shared>> -> memref<640xf32, #tpu.memory_space<vmem_shared>>
    %dma_start3A_123 = tpu.memref_slice %arg23[%dma_start3A_120, %mul3A_119] : memref<16x10240xf32, #tpu.memory_space<vmem_shared>> -> memref<1x640xf32, #tpu.memory_space<vmem_shared>>
    %dma_start3A_124 = tpu.memref_squeeze %dma_start3A_123 : memref<1x640xf32, #tpu.memory_space<vmem_shared>> -> memref<640xf32, #tpu.memory_space<vmem_shared>>
    tpu.enqueue_dma source(%dma_start3A_124 : memref<640xf32, #tpu.memory_space<vmem_shared>>) target(%arg18 : memref<640xf32, #tpu.memory_space<vmem>>) target_semaphore(%arg24 : memref<!tpu.dma_semaphore, #tpu.memory_space<semaphore_mem>>)
    %mul3A_125 = arith.constant 640 : i32
    %mul3A_126 = arith.muli %arg1, %mul3A_125 : i32
    %dma_start3A_127 = arith.constant 13 : i32
    %dma_start3A_128 = tpu.memref_slice %arg23[%dma_start3A_127, %mul3A_126] : memref<16x10240xf32, #tpu.memory_space<vmem_shared>> -> memref<1x640xf32, #tpu.memory_space<vmem_shared>>
    %dma_start3A_129 = tpu.memref_squeeze %dma_start3A_128 : memref<1x640xf32, #tpu.memory_space<vmem_shared>> -> memref<640xf32, #tpu.memory_space<vmem_shared>>
    %dma_start3A_130 = tpu.memref_slice %arg23[%dma_start3A_127, %mul3A_126] : memref<16x10240xf32, #tpu.memory_space<vmem_shared>> -> memref<1x640xf32, #tpu.memory_space<vmem_shared>>
    %dma_start3A_131 = tpu.memref_squeeze %dma_start3A_130 : memref<1x640xf32, #tpu.memory_space<vmem_shared>> -> memref<640xf32, #tpu.memory_space<vmem_shared>>
    tpu.enqueue_dma source(%dma_start3A_131 : memref<640xf32, #tpu.memory_space<vmem_shared>>) target(%arg19 : memref<640xf32, #tpu.memory_space<vmem>>) target_semaphore(%arg24 : memref<!tpu.dma_semaphore, #tpu.memory_space<semaphore_mem>>)
    %mul3A_132 = arith.constant 640 : i32
    %mul3A_133 = arith.muli %arg1, %mul3A_132 : i32
    %dma_start3A_134 = arith.constant 14 : i32
    %dma_start3A_135 = tpu.memref_slice %arg23[%dma_start3A_134, %mul3A_133] : memref<16x10240xf32, #tpu.memory_space<vmem_shared>> -> memref<1x640xf32, #tpu.memory_space<vmem_shared>>
    %dma_start3A_136 = tpu.memref_squeeze %dma_start3A_135 : memref<1x640xf32, #tpu.memory_space<vmem_shared>> -> memref<640xf32, #tpu.memory_space<vmem_shared>>
    %dma_start3A_137 = tpu.memref_slice %arg23[%dma_start3A_134, %mul3A_133] : memref<16x10240xf32, #tpu.memory_space<vmem_shared>> -> memref<1x640xf32, #tpu.memory_space<vmem_shared>>
    %dma_start3A_138 = tpu.memref_squeeze %dma_start3A_137 : memref<1x640xf32, #tpu.memory_space<vmem_shared>> -> memref<640xf32, #tpu.memory_space<vmem_shared>>
    tpu.enqueue_dma source(%dma_start3A_138 : memref<640xf32, #tpu.memory_space<vmem_shared>>) target(%arg20 : memref<640xf32, #tpu.memory_space<vmem>>) target_semaphore(%arg24 : memref<!tpu.dma_semaphore, #tpu.memory_space<semaphore_mem>>)
    %mul3A_139 = arith.constant 640 : i32
    %mul3A_140 = arith.muli %arg1, %mul3A_139 : i32
    %dma_start3A_141 = arith.constant 15 : i32
    %dma_start3A_142 = tpu.memref_slice %arg23[%dma_start3A_141, %mul3A_140] : memref<16x10240xf32, #tpu.memory_space<vmem_shared>> -> memref<1x640xf32, #tpu.memory_space<vmem_shared>>
    %dma_start3A_143 = tpu.memref_squeeze %dma_start3A_142 : memref<1x640xf32, #tpu.memory_space<vmem_shared>> -> memref<640xf32, #tpu.memory_space<vmem_shared>>
    %dma_start3A_144 = tpu.memref_slice %arg23[%dma_start3A_141, %mul3A_140] : memref<16x10240xf32, #tpu.memory_space<vmem_shared>> -> memref<1x640xf32, #tpu.memory_space<vmem_shared>>
    %dma_start3A_145 = tpu.memref_squeeze %dma_start3A_144 : memref<1x640xf32, #tpu.memory_space<vmem_shared>> -> memref<640xf32, #tpu.memory_space<vmem_shared>>
    tpu.enqueue_dma source(%dma_start3A_145 : memref<640xf32, #tpu.memory_space<vmem_shared>>) target(%arg21 : memref<640xf32, #tpu.memory_space<vmem>>) target_semaphore(%arg24 : memref<!tpu.dma_semaphore, #tpu.memory_space<semaphore_mem>>)
    %mul3A_146 = arith.constant 640 : i32
    %mul3A_147 = arith.muli %arg1, %mul3A_146 : i32
    %dma_wait3A = arith.constant 0 : i32
    %dma_wait3A_148 = tpu.memref_slice %arg23[%dma_wait3A, %mul3A_147] : memref<16x10240xf32, #tpu.memory_space<vmem_shared>> -> memref<1x640xf32, #tpu.memory_space<vmem_shared>>
    %dma_wait3A_149 = tpu.memref_squeeze %dma_wait3A_148 : memref<1x640xf32, #tpu.memory_space<vmem_shared>> -> memref<640xf32, #tpu.memory_space<vmem_shared>>
    %dma_wait3A_150 = tpu.memref_slice %arg23[%dma_wait3A, %mul3A_147] : memref<16x10240xf32, #tpu.memory_space<vmem_shared>> -> memref<1x640xf32, #tpu.memory_space<vmem_shared>>
    %dma_wait3A_151 = tpu.memref_squeeze %dma_wait3A_150 : memref<1x640xf32, #tpu.memory_space<vmem_shared>> -> memref<640xf32, #tpu.memory_space<vmem_shared>>
    tpu.wait_dma2 semaphore(%arg24 : memref<!tpu.dma_semaphore, #tpu.memory_space<semaphore_mem>>) src(%dma_wait3A_151 : memref<640xf32, #tpu.memory_space<vmem_shared>>) dst(%arg6 : memref<640xf32, #tpu.memory_space<vmem>>)
    %mul3A_152 = arith.constant 640 : i32
    %mul3A_153 = arith.muli %arg1, %mul3A_152 : i32
    %dma_wait3A_154 = arith.constant 1 : i32
    %dma_wait3A_155 = tpu.memref_slice %arg23[%dma_wait3A_154, %mul3A_153] : memref<16x10240xf32, #tpu.memory_space<vmem_shared>> -> memref<1x640xf32, #tpu.memory_space<vmem_shared>>
    %dma_wait3A_156 = tpu.memref_squeeze %dma_wait3A_155 : memref<1x640xf32, #tpu.memory_space<vmem_shared>> -> memref<640xf32, #tpu.memory_space<vmem_shared>>
    %dma_wait3A_157 = tpu.memref_slice %arg23[%dma_wait3A_154, %mul3A_153] : memref<16x10240xf32, #tpu.memory_space<vmem_shared>> -> memref<1x640xf32, #tpu.memory_space<vmem_shared>>
    %dma_wait3A_158 = tpu.memref_squeeze %dma_wait3A_157 : memref<1x640xf32, #tpu.memory_space<vmem_shared>> -> memref<640xf32, #tpu.memory_space<vmem_shared>>
    tpu.wait_dma2 semaphore(%arg24 : memref<!tpu.dma_semaphore, #tpu.memory_space<semaphore_mem>>) src(%dma_wait3A_158 : memref<640xf32, #tpu.memory_space<vmem_shared>>) dst(%arg7 : memref<640xf32, #tpu.memory_space<vmem>>)
    %mul3A_159 = arith.constant 640 : i32
    %mul3A_160 = arith.muli %arg1, %mul3A_159 : i32
    %dma_wait3A_161 = arith.constant 2 : i32
    %dma_wait3A_162 = tpu.memref_slice %arg23[%dma_wait3A_161, %mul3A_160] : memref<16x10240xf32, #tpu.memory_space<vmem_shared>> -> memref<1x640xf32, #tpu.memory_space<vmem_shared>>
    %dma_wait3A_163 = tpu.memref_squeeze %dma_wait3A_162 : memref<1x640xf32, #tpu.memory_space<vmem_shared>> -> memref<640xf32, #tpu.memory_space<vmem_shared>>
    %dma_wait3A_164 = tpu.memref_slice %arg23[%dma_wait3A_161, %mul3A_160] : memref<16x10240xf32, #tpu.memory_space<vmem_shared>> -> memref<1x640xf32, #tpu.memory_space<vmem_shared>>
    %dma_wait3A_165 = tpu.memref_squeeze %dma_wait3A_164 : memref<1x640xf32, #tpu.memory_space<vmem_shared>> -> memref<640xf32, #tpu.memory_space<vmem_shared>>
    tpu.wait_dma2 semaphore(%arg24 : memref<!tpu.dma_semaphore, #tpu.memory_space<semaphore_mem>>) src(%dma_wait3A_165 : memref<640xf32, #tpu.memory_space<vmem_shared>>) dst(%arg8 : memref<640xf32, #tpu.memory_space<vmem>>)
    %mul3A_166 = arith.constant 640 : i32
    %mul3A_167 = arith.muli %arg1, %mul3A_166 : i32
    %dma_wait3A_168 = arith.constant 3 : i32
    %dma_wait3A_169 = tpu.memref_slice %arg23[%dma_wait3A_168, %mul3A_167] : memref<16x10240xf32, #tpu.memory_space<vmem_shared>> -> memref<1x640xf32, #tpu.memory_space<vmem_shared>>
    %dma_wait3A_170 = tpu.memref_squeeze %dma_wait3A_169 : memref<1x640xf32, #tpu.memory_space<vmem_shared>> -> memref<640xf32, #tpu.memory_space<vmem_shared>>
    %dma_wait3A_171 = tpu.memref_slice %arg23[%dma_wait3A_168, %mul3A_167] : memref<16x10240xf32, #tpu.memory_space<vmem_shared>> -> memref<1x640xf32, #tpu.memory_space<vmem_shared>>
    %dma_wait3A_172 = tpu.memref_squeeze %dma_wait3A_171 : memref<1x640xf32, #tpu.memory_space<vmem_shared>> -> memref<640xf32, #tpu.memory_space<vmem_shared>>
    tpu.wait_dma2 semaphore(%arg24 : memref<!tpu.dma_semaphore, #tpu.memory_space<semaphore_mem>>) src(%dma_wait3A_172 : memref<640xf32, #tpu.memory_space<vmem_shared>>) dst(%arg9 : memref<640xf32, #tpu.memory_space<vmem>>)
    %mul3A_173 = arith.constant 640 : i32
    %mul3A_174 = arith.muli %arg1, %mul3A_173 : i32
    %dma_wait3A_175 = arith.constant 4 : i32
    %dma_wait3A_176 = tpu.memref_slice %arg23[%dma_wait3A_175, %mul3A_174] : memref<16x10240xf32, #tpu.memory_space<vmem_shared>> -> memref<1x640xf32, #tpu.memory_space<vmem_shared>>
    %dma_wait3A_177 = tpu.memref_squeeze %dma_wait3A_176 : memref<1x640xf32, #tpu.memory_space<vmem_shared>> -> memref<640xf32, #tpu.memory_space<vmem_shared>>
    %dma_wait3A_178 = tpu.memref_slice %arg23[%dma_wait3A_175, %mul3A_174] : memref<16x10240xf32, #tpu.memory_space<vmem_shared>> -> memref<1x640xf32, #tpu.memory_space<vmem_shared>>
    %dma_wait3A_179 = tpu.memref_squeeze %dma_wait3A_178 : memref<1x640xf32, #tpu.memory_space<vmem_shared>> -> memref<640xf32, #tpu.memory_space<vmem_shared>>
    tpu.wait_dma2 semaphore(%arg24 : memref<!tpu.dma_semaphore, #tpu.memory_space<semaphore_mem>>) src(%dma_wait3A_179 : memref<640xf32, #tpu.memory_space<vmem_shared>>) dst(%arg10 : memref<640xf32, #tpu.memory_space<vmem>>)
    %mul3A_180 = arith.constant 640 : i32
    %mul3A_181 = arith.muli %arg1, %mul3A_180 : i32
    %dma_wait3A_182 = arith.constant 5 : i32
    %dma_wait3A_183 = tpu.memref_slice %arg23[%dma_wait3A_182, %mul3A_181] : memref<16x10240xf32, #tpu.memory_space<vmem_shared>> -> memref<1x640xf32, #tpu.memory_space<vmem_shared>>
    %dma_wait3A_184 = tpu.memref_squeeze %dma_wait3A_183 : memref<1x640xf32, #tpu.memory_space<vmem_shared>> -> memref<640xf32, #tpu.memory_space<vmem_shared>>
    %dma_wait3A_185 = tpu.memref_slice %arg23[%dma_wait3A_182, %mul3A_181] : memref<16x10240xf32, #tpu.memory_space<vmem_shared>> -> memref<1x640xf32, #tpu.memory_space<vmem_shared>>
    %dma_wait3A_186 = tpu.memref_squeeze %dma_wait3A_185 : memref<1x640xf32, #tpu.memory_space<vmem_shared>> -> memref<640xf32, #tpu.memory_space<vmem_shared>>
    tpu.wait_dma2 semaphore(%arg24 : memref<!tpu.dma_semaphore, #tpu.memory_space<semaphore_mem>>) src(%dma_wait3A_186 : memref<640xf32, #tpu.memory_space<vmem_shared>>) dst(%arg11 : memref<640xf32, #tpu.memory_space<vmem>>)
    %mul3A_187 = arith.constant 640 : i32
    %mul3A_188 = arith.muli %arg1, %mul3A_187 : i32
    %dma_wait3A_189 = arith.constant 6 : i32
    %dma_wait3A_190 = tpu.memref_slice %arg23[%dma_wait3A_189, %mul3A_188] : memref<16x10240xf32, #tpu.memory_space<vmem_shared>> -> memref<1x640xf32, #tpu.memory_space<vmem_shared>>
    %dma_wait3A_191 = tpu.memref_squeeze %dma_wait3A_190 : memref<1x640xf32, #tpu.memory_space<vmem_shared>> -> memref<640xf32, #tpu.memory_space<vmem_shared>>
    %dma_wait3A_192 = tpu.memref_slice %arg23[%dma_wait3A_189, %mul3A_188] : memref<16x10240xf32, #tpu.memory_space<vmem_shared>> -> memref<1x640xf32, #tpu.memory_space<vmem_shared>>
    %dma_wait3A_193 = tpu.memref_squeeze %dma_wait3A_192 : memref<1x640xf32, #tpu.memory_space<vmem_shared>> -> memref<640xf32, #tpu.memory_space<vmem_shared>>
    tpu.wait_dma2 semaphore(%arg24 : memref<!tpu.dma_semaphore, #tpu.memory_space<semaphore_mem>>) src(%dma_wait3A_193 : memref<640xf32, #tpu.memory_space<vmem_shared>>) dst(%arg12 : memref<640xf32, #tpu.memory_space<vmem>>)
    %mul3A_194 = arith.constant 640 : i32
    %mul3A_195 = arith.muli %arg1, %mul3A_194 : i32
    %dma_wait3A_196 = arith.constant 7 : i32
    %dma_wait3A_197 = tpu.memref_slice %arg23[%dma_wait3A_196, %mul3A_195] : memref<16x10240xf32, #tpu.memory_space<vmem_shared>> -> memref<1x640xf32, #tpu.memory_space<vmem_shared>>
    %dma_wait3A_198 = tpu.memref_squeeze %dma_wait3A_197 : memref<1x640xf32, #tpu.memory_space<vmem_shared>> -> memref<640xf32, #tpu.memory_space<vmem_shared>>
    %dma_wait3A_199 = tpu.memref_slice %arg23[%dma_wait3A_196, %mul3A_195] : memref<16x10240xf32, #tpu.memory_space<vmem_shared>> -> memref<1x640xf32, #tpu.memory_space<vmem_shared>>
    %dma_wait3A_200 = tpu.memref_squeeze %dma_wait3A_199 : memref<1x640xf32, #tpu.memory_space<vmem_shared>> -> memref<640xf32, #tpu.memory_space<vmem_shared>>
    tpu.wait_dma2 semaphore(%arg24 : memref<!tpu.dma_semaphore, #tpu.memory_space<semaphore_mem>>) src(%dma_wait3A_200 : memref<640xf32, #tpu.memory_space<vmem_shared>>) dst(%arg13 : memref<640xf32, #tpu.memory_space<vmem>>)
    %mul3A_201 = arith.constant 640 : i32
    %mul3A_202 = arith.muli %arg1, %mul3A_201 : i32
    %dma_wait3A_203 = arith.constant 8 : i32
    %dma_wait3A_204 = tpu.memref_slice %arg23[%dma_wait3A_203, %mul3A_202] : memref<16x10240xf32, #tpu.memory_space<vmem_shared>> -> memref<1x640xf32, #tpu.memory_space<vmem_shared>>
    %dma_wait3A_205 = tpu.memref_squeeze %dma_wait3A_204 : memref<1x640xf32, #tpu.memory_space<vmem_shared>> -> memref<640xf32, #tpu.memory_space<vmem_shared>>
    %dma_wait3A_206 = tpu.memref_slice %arg23[%dma_wait3A_203, %mul3A_202] : memref<16x10240xf32, #tpu.memory_space<vmem_shared>> -> memref<1x640xf32, #tpu.memory_space<vmem_shared>>
    %dma_wait3A_207 = tpu.memref_squeeze %dma_wait3A_206 : memref<1x640xf32, #tpu.memory_space<vmem_shared>> -> memref<640xf32, #tpu.memory_space<vmem_shared>>
    tpu.wait_dma2 semaphore(%arg24 : memref<!tpu.dma_semaphore, #tpu.memory_space<semaphore_mem>>) src(%dma_wait3A_207 : memref<640xf32, #tpu.memory_space<vmem_shared>>) dst(%arg14 : memref<640xf32, #tpu.memory_space<vmem>>)
    %mul3A_208 = arith.constant 640 : i32
    %mul3A_209 = arith.muli %arg1, %mul3A_208 : i32
    %dma_wait3A_210 = arith.constant 9 : i32
    %dma_wait3A_211 = tpu.memref_slice %arg23[%dma_wait3A_210, %mul3A_209] : memref<16x10240xf32, #tpu.memory_space<vmem_shared>> -> memref<1x640xf32, #tpu.memory_space<vmem_shared>>
    %dma_wait3A_212 = tpu.memref_squeeze %dma_wait3A_211 : memref<1x640xf32, #tpu.memory_space<vmem_shared>> -> memref<640xf32, #tpu.memory_space<vmem_shared>>
    %dma_wait3A_213 = tpu.memref_slice %arg23[%dma_wait3A_210, %mul3A_209] : memref<16x10240xf32, #tpu.memory_space<vmem_shared>> -> memref<1x640xf32, #tpu.memory_space<vmem_shared>>
    %dma_wait3A_214 = tpu.memref_squeeze %dma_wait3A_213 : memref<1x640xf32, #tpu.memory_space<vmem_shared>> -> memref<640xf32, #tpu.memory_space<vmem_shared>>
    tpu.wait_dma2 semaphore(%arg24 : memref<!tpu.dma_semaphore, #tpu.memory_space<semaphore_mem>>) src(%dma_wait3A_214 : memref<640xf32, #tpu.memory_space<vmem_shared>>) dst(%arg15 : memref<640xf32, #tpu.memory_space<vmem>>)
    %mul3A_215 = arith.constant 640 : i32
    %mul3A_216 = arith.muli %arg1, %mul3A_215 : i32
    %dma_wait3A_217 = arith.constant 10 : i32
    %dma_wait3A_218 = tpu.memref_slice %arg23[%dma_wait3A_217, %mul3A_216] : memref<16x10240xf32, #tpu.memory_space<vmem_shared>> -> memref<1x640xf32, #tpu.memory_space<vmem_shared>>
    %dma_wait3A_219 = tpu.memref_squeeze %dma_wait3A_218 : memref<1x640xf32, #tpu.memory_space<vmem_shared>> -> memref<640xf32, #tpu.memory_space<vmem_shared>>
    %dma_wait3A_220 = tpu.memref_slice %arg23[%dma_wait3A_217, %mul3A_216] : memref<16x10240xf32, #tpu.memory_space<vmem_shared>> -> memref<1x640xf32, #tpu.memory_space<vmem_shared>>
    %dma_wait3A_221 = tpu.memref_squeeze %dma_wait3A_220 : memref<1x640xf32, #tpu.memory_space<vmem_shared>> -> memref<640xf32, #tpu.memory_space<vmem_shared>>
    tpu.wait_dma2 semaphore(%arg24 : memref<!tpu.dma_semaphore, #tpu.memory_space<semaphore_mem>>) src(%dma_wait3A_221 : memref<640xf32, #tpu.memory_space<vmem_shared>>) dst(%arg16 : memref<640xf32, #tpu.memory_space<vmem>>)
    %mul3A_222 = arith.constant 640 : i32
    %mul3A_223 = arith.muli %arg1, %mul3A_222 : i32
    %dma_wait3A_224 = arith.constant 11 : i32
    %dma_wait3A_225 = tpu.memref_slice %arg23[%dma_wait3A_224, %mul3A_223] : memref<16x10240xf32, #tpu.memory_space<vmem_shared>> -> memref<1x640xf32, #tpu.memory_space<vmem_shared>>
    %dma_wait3A_226 = tpu.memref_squeeze %dma_wait3A_225 : memref<1x640xf32, #tpu.memory_space<vmem_shared>> -> memref<640xf32, #tpu.memory_space<vmem_shared>>
    %dma_wait3A_227 = tpu.memref_slice %arg23[%dma_wait3A_224, %mul3A_223] : memref<16x10240xf32, #tpu.memory_space<vmem_shared>> -> memref<1x640xf32, #tpu.memory_space<vmem_shared>>
    %dma_wait3A_228 = tpu.memref_squeeze %dma_wait3A_227 : memref<1x640xf32, #tpu.memory_space<vmem_shared>> -> memref<640xf32, #tpu.memory_space<vmem_shared>>
    tpu.wait_dma2 semaphore(%arg24 : memref<!tpu.dma_semaphore, #tpu.memory_space<semaphore_mem>>) src(%dma_wait3A_228 : memref<640xf32, #tpu.memory_space<vmem_shared>>) dst(%arg17 : memref<640xf32, #tpu.memory_space<vmem>>)
    %mul3A_229 = arith.constant 640 : i32
    %mul3A_230 = arith.muli %arg1, %mul3A_229 : i32
    %dma_wait3A_231 = arith.constant 12 : i32
    %dma_wait3A_232 = tpu.memref_slice %arg23[%dma_wait3A_231, %mul3A_230] : memref<16x10240xf32, #tpu.memory_space<vmem_shared>> -> memref<1x640xf32, #tpu.memory_space<vmem_shared>>
    %dma_wait3A_233 = tpu.memref_squeeze %dma_wait3A_232 : memref<1x640xf32, #tpu.memory_space<vmem_shared>> -> memref<640xf32, #tpu.memory_space<vmem_shared>>
    %dma_wait3A_234 = tpu.memref_slice %arg23[%dma_wait3A_231, %mul3A_230] : memref<16x10240xf32, #tpu.memory_space<vmem_shared>> -> memref<1x640xf32, #tpu.memory_space<vmem_shared>>
    %dma_wait3A_235 = tpu.memref_squeeze %dma_wait3A_234 : memref<1x640xf32, #tpu.memory_space<vmem_shared>> -> memref<640xf32, #tpu.memory_space<vmem_shared>>
    tpu.wait_dma2 semaphore(%arg24 : memref<!tpu.dma_semaphore, #tpu.memory_space<semaphore_mem>>) src(%dma_wait3A_235 : memref<640xf32, #tpu.memory_space<vmem_shared>>) dst(%arg18 : memref<640xf32, #tpu.memory_space<vmem>>)
    %mul3A_236 = arith.constant 640 : i32
    %mul3A_237 = arith.muli %arg1, %mul3A_236 : i32
    %dma_wait3A_238 = arith.constant 13 : i32
    %dma_wait3A_239 = tpu.memref_slice %arg23[%dma_wait3A_238, %mul3A_237] : memref<16x10240xf32, #tpu.memory_space<vmem_shared>> -> memref<1x640xf32, #tpu.memory_space<vmem_shared>>
    %dma_wait3A_240 = tpu.memref_squeeze %dma_wait3A_239 : memref<1x640xf32, #tpu.memory_space<vmem_shared>> -> memref<640xf32, #tpu.memory_space<vmem_shared>>
    %dma_wait3A_241 = tpu.memref_slice %arg23[%dma_wait3A_238, %mul3A_237] : memref<16x10240xf32, #tpu.memory_space<vmem_shared>> -> memref<1x640xf32, #tpu.memory_space<vmem_shared>>
    %dma_wait3A_242 = tpu.memref_squeeze %dma_wait3A_241 : memref<1x640xf32, #tpu.memory_space<vmem_shared>> -> memref<640xf32, #tpu.memory_space<vmem_shared>>
    tpu.wait_dma2 semaphore(%arg24 : memref<!tpu.dma_semaphore, #tpu.memory_space<semaphore_mem>>) src(%dma_wait3A_242 : memref<640xf32, #tpu.memory_space<vmem_shared>>) dst(%arg19 : memref<640xf32, #tpu.memory_space<vmem>>)
    %mul3A_243 = arith.constant 640 : i32
    %mul3A_244 = arith.muli %arg1, %mul3A_243 : i32
    %dma_wait3A_245 = arith.constant 14 : i32
    %dma_wait3A_246 = tpu.memref_slice %arg23[%dma_wait3A_245, %mul3A_244] : memref<16x10240xf32, #tpu.memory_space<vmem_shared>> -> memref<1x640xf32, #tpu.memory_space<vmem_shared>>
    %dma_wait3A_247 = tpu.memref_squeeze %dma_wait3A_246 : memref<1x640xf32, #tpu.memory_space<vmem_shared>> -> memref<640xf32, #tpu.memory_space<vmem_shared>>
    %dma_wait3A_248 = tpu.memref_slice %arg23[%dma_wait3A_245, %mul3A_244] : memref<16x10240xf32, #tpu.memory_space<vmem_shared>> -> memref<1x640xf32, #tpu.memory_space<vmem_shared>>
    %dma_wait3A_249 = tpu.memref_squeeze %dma_wait3A_248 : memref<1x640xf32, #tpu.memory_space<vmem_shared>> -> memref<640xf32, #tpu.memory_space<vmem_shared>>
    tpu.wait_dma2 semaphore(%arg24 : memref<!tpu.dma_semaphore, #tpu.memory_space<semaphore_mem>>) src(%dma_wait3A_249 : memref<640xf32, #tpu.memory_space<vmem_shared>>) dst(%arg20 : memref<640xf32, #tpu.memory_space<vmem>>)
    %mul3A_250 = arith.constant 640 : i32
    %mul3A_251 = arith.muli %arg1, %mul3A_250 : i32
    %dma_wait3A_252 = arith.constant 15 : i32
    %dma_wait3A_253 = tpu.memref_slice %arg23[%dma_wait3A_252, %mul3A_251] : memref<16x10240xf32, #tpu.memory_space<vmem_shared>> -> memref<1x640xf32, #tpu.memory_space<vmem_shared>>
    %dma_wait3A_254 = tpu.memref_squeeze %dma_wait3A_253 : memref<1x640xf32, #tpu.memory_space<vmem_shared>> -> memref<640xf32, #tpu.memory_space<vmem_shared>>
    %dma_wait3A_255 = tpu.memref_slice %arg23[%dma_wait3A_252, %mul3A_251] : memref<16x10240xf32, #tpu.memory_space<vmem_shared>> -> memref<1x640xf32, #tpu.memory_space<vmem_shared>>
    %dma_wait3A_256 = tpu.memref_squeeze %dma_wait3A_255 : memref<1x640xf32, #tpu.memory_space<vmem_shared>> -> memref<640xf32, #tpu.memory_space<vmem_shared>>
    tpu.wait_dma2 semaphore(%arg24 : memref<!tpu.dma_semaphore, #tpu.memory_space<semaphore_mem>>) src(%dma_wait3A_256 : memref<640xf32, #tpu.memory_space<vmem_shared>>) dst(%arg21 : memref<640xf32, #tpu.memory_space<vmem>>)
    %scan3A_257 = arith.constant 0 : i32
    %scan3A_258 = arith.constant 0 : i32
    %scan3A_259 = arith.constant 40 : i32
    %scan3A_260 = arith.addi %scan3A_258, %scan3A_259 : i32
    %scan3A_261 = arith.constant 1 : i32
    scf.for %scan3A_268 = %scan3A_258 to %scan3A_260 step %scan3A_261  : i32 {
      %mul3A_269 = arith.constant 16 : i32
      %mul3A_270 = arith.muli %scan3A_268, %mul3A_269 : i32
      %get3A = arith.index_cast %mul3A_270 : i32 to index
      %get3A_271 = tpu.vector_load %arg6[%get3A] {strides = array<i32>} : memref<640xf32, #tpu.memory_space<vmem>>, vector<16xf32>,
      %mul3A_272 = arith.constant 16 : i32
      %mul3A_273 = arith.muli %scan3A_268, %mul3A_272 : i32
      %get3A_274 = arith.index_cast %mul3A_273 : i32 to index
      %get3A_275 = tpu.vector_load %arg7[%get3A_274] {strides = array<i32>} : memref<640xf32, #tpu.memory_space<vmem>>, vector<16xf32>,
      %add3A_276 = arith.addf %get3A_271, %get3A_275 : vector<16xf32>
      %mul3A_277 = arith.constant 16 : i32
      %mul3A_278 = arith.muli %scan3A_268, %mul3A_277 : i32
      %get3A_279 = arith.index_cast %mul3A_278 : i32 to index
      %get3A_280 = tpu.vector_load %arg8[%get3A_279] {strides = array<i32>} : memref<640xf32, #tpu.memory_space<vmem>>, vector<16xf32>,
      %add3A_281 = arith.addf %add3A_276, %get3A_280 : vector<16xf32>
      %mul3A_282 = arith.constant 16 : i32
      %mul3A_283 = arith.muli %scan3A_268, %mul3A_282 : i32
      %get3A_284 = arith.index_cast %mul3A_283 : i32 to index
      %get3A_285 = tpu.vector_load %arg9[%get3A_284] {strides = array<i32>} : memref<640xf32, #tpu.memory_space<vmem>>, vector<16xf32>,
      %add3A_286 = arith.addf %add3A_281, %get3A_285 : vector<16xf32>
      %mul3A_287 = arith.constant 16 : i32
      %mul3A_288 = arith.muli %scan3A_268, %mul3A_287 : i32
      %get3A_289 = arith.index_cast %mul3A_288 : i32 to index
      %get3A_290 = tpu.vector_load %arg10[%get3A_289] {strides = array<i32>} : memref<640xf32, #tpu.memory_space<vmem>>, vector<16xf32>,
      %add3A_291 = arith.addf %add3A_286, %get3A_290 : vector<16xf32>
      %mul3A_292 = arith.constant 16 : i32
      %mul3A_293 = arith.muli %scan3A_268, %mul3A_292 : i32
      %get3A_294 = arith.index_cast %mul3A_293 : i32 to index
      %get3A_295 = tpu.vector_load %arg11[%get3A_294] {strides = array<i32>} : memref<640xf32, #tpu.memory_space<vmem>>, vector<16xf32>,
      %add3A_296 = arith.addf %add3A_291, %get3A_295 : vector<16xf32>
      %mul3A_297 = arith.constant 16 : i32
      %mul3A_298 = arith.muli %scan3A_268, %mul3A_297 : i32
      %get3A_299 = arith.index_cast %mul3A_298 : i32 to index
      %get3A_300 = tpu.vector_load %arg12[%get3A_299] {strides = array<i32>} : memref<640xf32, #tpu.memory_space<vmem>>, vector<16xf32>,
      %add3A_301 = arith.addf %add3A_296, %get3A_300 : vector<16xf32>
      %mul3A_302 = arith.constant 16 : i32
      %mul3A_303 = arith.muli %scan3A_268, %mul3A_302 : i32
      %get3A_304 = arith.index_cast %mul3A_303 : i32 to index
      %get3A_305 = tpu.vector_load %arg13[%get3A_304] {strides = array<i32>} : memref<640xf32, #tpu.memory_space<vmem>>, vector<16xf32>,
      %add3A_306 = arith.addf %add3A_301, %get3A_305 : vector<16xf32>
      %mul3A_307 = arith.constant 16 : i32
      %mul3A_308 = arith.muli %scan3A_268, %mul3A_307 : i32
      %get3A_309 = arith.index_cast %mul3A_308 : i32 to index
      %get3A_310 = tpu.vector_load %arg14[%get3A_309] {strides = array<i32>} : memref<640xf32, #tpu.memory_space<vmem>>, vector<16xf32>,
      %add3A_311 = arith.addf %add3A_306, %get3A_310 : vector<16xf32>
      %mul3A_312 = arith.constant 16 : i32
      %mul3A_313 = arith.muli %scan3A_268, %mul3A_312 : i32
      %get3A_314 = arith.index_cast %mul3A_313 : i32 to index
      %get3A_315 = tpu.vector_load %arg15[%get3A_314] {strides = array<i32>} : memref<640xf32, #tpu.memory_space<vmem>>, vector<16xf32>,
      %add3A_316 = arith.addf %add3A_311, %get3A_315 : vector<16xf32>
      %mul3A_317 = arith.constant 16 : i32
      %mul3A_318 = arith.muli %scan3A_268, %mul3A_317 : i32
      %get3A_319 = arith.index_cast %mul3A_318 : i32 to index
      %get3A_320 = tpu.vector_load %arg16[%get3A_319] {strides = array<i32>} : memref<640xf32, #tpu.memory_space<vmem>>, vector<16xf32>,
      %add3A_321 = arith.addf %add3A_316, %get3A_320 : vector<16xf32>
      %mul3A_322 = arith.constant 16 : i32
      %mul3A_323 = arith.muli %scan3A_268, %mul3A_322 : i32
      %get3A_324 = arith.index_cast %mul3A_323 : i32 to index
      %get3A_325 = tpu.vector_load %arg17[%get3A_324] {strides = array<i32>} : memref<640xf32, #tpu.memory_space<vmem>>, vector<16xf32>,
      %add3A_326 = arith.addf %add3A_321, %get3A_325 : vector<16xf32>
      %mul3A_327 = arith.constant 16 : i32
      %mul3A_328 = arith.muli %scan3A_268, %mul3A_327 : i32
      %get3A_329 = arith.index_cast %mul3A_328 : i32 to index
      %get3A_330 = tpu.vector_load %arg18[%get3A_329] {strides = array<i32>} : memref<640xf32, #tpu.memory_space<vmem>>, vector<16xf32>,
      %add3A_331 = arith.addf %add3A_326, %get3A_330 : vector<16xf32>
      %mul3A_332 = arith.constant 16 : i32
      %mul3A_333 = arith.muli %scan3A_268, %mul3A_332 : i32
      %get3A_334 = arith.index_cast %mul3A_333 : i32 to index
      %get3A_335 = tpu.vector_load %arg19[%get3A_334] {strides = array<i32>} : memref<640xf32, #tpu.memory_space<vmem>>, vector<16xf32>,
      %add3A_336 = arith.addf %add3A_331, %get3A_335 : vector<16xf32>
      %mul3A_337 = arith.constant 16 : i32
      %mul3A_338 = arith.muli %scan3A_268, %mul3A_337 : i32
      %get3A_339 = arith.index_cast %mul3A_338 : i32 to index
      %get3A_340 = tpu.vector_load %arg20[%get3A_339] {strides = array<i32>} : memref<640xf32, #tpu.memory_space<vmem>>, vector<16xf32>,
      %add3A_341 = arith.addf %add3A_336, %get3A_340 : vector<16xf32>
      %mul3A_342 = arith.constant 16 : i32
      %mul3A_343 = arith.muli %scan3A_268, %mul3A_342 : i32
      %get3A_344 = arith.index_cast %mul3A_343 : i32 to index
      %get3A_345 = tpu.vector_load %arg21[%get3A_344] {strides = array<i32>} : memref<640xf32, #tpu.memory_space<vmem>>, vector<16xf32>,
      %add3A_346 = arith.addf %add3A_341, %get3A_345 : vector<16xf32>
      %mul3A_347 = arith.constant 16 : i32
      %mul3A_348 = arith.muli %scan3A_268, %mul3A_347 : i32
      %swap3A = arith.index_cast %mul3A_348 : i32 to index
      %swap3A_349 = tpu.vector_load %arg22[%swap3A] {strides = array<i32>} : memref<640xf32, #tpu.memory_space<vmem>>, vector<16xf32>,
      tpu.vector_store %arg22[%swap3A], %add3A_346 {strides = array<i32>} : memref<640xf32, #tpu.memory_space<vmem>>, vector<16xf32>,
    }
    %scan3A_262 = arith.constant 40 : i32
    %mul3A_263 = arith.constant 10240 : i32
    %mul3A_264 = arith.muli %arg0, %mul3A_263 : i32
    %mul3A_265 = arith.constant 640 : i32
    %mul3A_266 = arith.muli %arg1, %mul3A_265 : i32
    %add3A_267 = arith.addi %mul3A_264, %mul3A_266 : i32
    "tpu.region"() ({
      %run_scoped3A = tpu.sem_alloc : memref<!tpu.dma_semaphore, #tpu.memory_space<semaphore_mem>>
      %dma_start3A_268 = tpu.memref_slice %arg3[%add3A_267] : memref<20480xf32, #tpu.memory_space<hbm>> -> memref<640xf32, #tpu.memory_space<hbm>>
      %dma_start3A_269 = tpu.memref_slice %arg3[%add3A_267] : memref<20480xf32, #tpu.memory_space<hbm>> -> memref<640xf32, #tpu.memory_space<hbm>>
      tpu.enqueue_dma source(%arg22 : memref<640xf32, #tpu.memory_space<vmem>>) target(%dma_start3A_269 : memref<640xf32, #tpu.memory_space<hbm>>) target_semaphore(%run_scoped3A : memref<!tpu.dma_semaphore, #tpu.memory_space<semaphore_mem>>)
      %dma_wait3A_270 = tpu.memref_slice %arg3[%add3A_267] : memref<20480xf32, #tpu.memory_space<hbm>> -> memref<640xf32, #tpu.memory_space<hbm>>
      %dma_wait3A_271 = tpu.memref_slice %arg3[%add3A_267] : memref<20480xf32, #tpu.memory_space<hbm>> -> memref<640xf32, #tpu.memory_space<hbm>>
      tpu.wait_dma2 semaphore(%run_scoped3A : memref<!tpu.dma_semaphore, #tpu.memory_space<semaphore_mem>>) src(%arg22 : memref<640xf32, #tpu.memory_space<vmem>>) dst(%dma_wait3A_271 : memref<640xf32, #tpu.memory_space<hbm>>)
      tpu.yield
    }) : () -> ()
    return
  }
}

#map = affine_map<(d0, d1) -> (0, 0)>
module attributes {stable_mosaic.version = 14 : i64} {
  func.func @_sc_agg(%arg0: i32, %arg1: i32, %arg2: memref<10000x128xf32, #tpu.memory_space<hbm>>, %arg3: memref<2x320000xi32, #tpu.memory_space<hbm>>, %arg4: memref<640x128xf32, #tpu.memory_space<hbm>>, %arg5: memref<20480x128xf32, #tpu.memory_space<hbm>>, %arg6: memref<128xi32, #tpu.memory_space<vmem>>, %arg7: memref<128xi32, #tpu.memory_space<vmem>>, %arg8: memref<128xi32, #tpu.memory_space<vmem>>, %arg9: memref<128xi32, #tpu.memory_space<vmem>>, %arg10: memref<128xi32, #tpu.memory_space<vmem>>, %arg11: memref<128xi32, #tpu.memory_space<vmem>>, %arg12: memref<128xi32, #tpu.memory_space<vmem>>, %arg13: memref<128xi32, #tpu.memory_space<vmem>>, %arg14: memref<128x128xf32, #tpu.memory_space<vmem>>, %arg15: memref<128x128xf32, #tpu.memory_space<vmem>>, %arg16: memref<10240x128xf32, #tpu.memory_space<vmem_shared>>, %arg17: memref<!tpu.dma_semaphore, #tpu.memory_space<semaphore_mem>>, %arg18: memref<!tpu.dma_semaphore, #tpu.memory_space<semaphore_mem>>, %arg19: memref<!tpu.dma_semaphore, #tpu.memory_space<semaphore_mem>>, %arg20: memref<!tpu.dma_semaphore, #tpu.memory_space<semaphore_mem>>, %arg21: memref<!tpu.dma_semaphore, #tpu.memory_space<semaphore_mem>>, %arg22: memref<!tpu.dma_semaphore, #tpu.memory_space<semaphore_mem>>, %arg23: memref<!tpu.dma_semaphore, #tpu.memory_space<semaphore_mem>>, %arg24: memref<!tpu.dma_semaphore, #tpu.memory_space<semaphore_mem>>) attributes {dimension_semantics = [#tpu.dimension_semantics<core_parallel>, #tpu.dimension_semantics<subcore_parallel>], iteration_bounds = array<i64: 2, 16>, scalar_prefetch = 0 : i64, scratch_operands = 19 : i64, tpu.core_type = #tpu.core_type<sc_vector_subcore>, window_params = [{transform_indices = #map}, {transform_indices = #map}, {transform_indices = #map}, {transform_indices = #map}]} {
    %mul3A = arith.constant 16 : i32
    %mul3A_0 = arith.muli %arg0, %mul3A : i32
    %add3A = arith.addi %mul3A_0, %arg1 : i32
    %eq3A = arith.constant 31 : i32
    %eq3A_1 = arith.cmpi eq, %add3A, %eq3A : i32
    %jit3A = arith.constant 20 : i32
    %jit3A_2 = arith.constant 80 : i32
    %select_n3A = arith.select %eq3A_1, %jit3A, %jit3A_2 : i32
    %mul3A_3 = arith.constant 10240 : i32
    %mul3A_4 = arith.muli %add3A, %mul3A_3 : i32
    %add3A_5 = arith.constant 0 : i32
    %add3A_6 = arith.addi %mul3A_4, %add3A_5 : i32
    %dma_start3A = arith.constant 0 : i32
    %dma_start3A_7 = tpu.memref_slice %arg3[%dma_start3A, %add3A_6] : memref<2x320000xi32, #tpu.memory_space<hbm>> -> memref<1x128xi32, #tpu.memory_space<hbm>>
    %dma_start3A_8 = tpu.memref_squeeze %dma_start3A_7 : memref<1x128xi32, #tpu.memory_space<hbm>> -> memref<128xi32, #tpu.memory_space<hbm>>
    %dma_start3A_9 = tpu.memref_slice %arg3[%dma_start3A, %add3A_6] : memref<2x320000xi32, #tpu.memory_space<hbm>> -> memref<1x128xi32, #tpu.memory_space<hbm>>
    %dma_start3A_10 = tpu.memref_squeeze %dma_start3A_9 : memref<1x128xi32, #tpu.memory_space<hbm>> -> memref<128xi32, #tpu.memory_space<hbm>>
    tpu.enqueue_dma source(%dma_start3A_10 : memref<128xi32, #tpu.memory_space<hbm>>) target(%arg6 : memref<128xi32, #tpu.memory_space<vmem>>) target_semaphore(%arg17 : memref<!tpu.dma_semaphore, #tpu.memory_space<semaphore_mem>>)
    %add3A_11 = arith.constant 0 : i32
    %add3A_12 = arith.addi %mul3A_4, %add3A_11 : i32
    %dma_start3A_13 = arith.constant 1 : i32
    %dma_start3A_14 = tpu.memref_slice %arg3[%dma_start3A_13, %add3A_12] : memref<2x320000xi32, #tpu.memory_space<hbm>> -> memref<1x128xi32, #tpu.memory_space<hbm>>
    %dma_start3A_15 = tpu.memref_squeeze %dma_start3A_14 : memref<1x128xi32, #tpu.memory_space<hbm>> -> memref<128xi32, #tpu.memory_space<hbm>>
    %dma_start3A_16 = tpu.memref_slice %arg3[%dma_start3A_13, %add3A_12] : memref<2x320000xi32, #tpu.memory_space<hbm>> -> memref<1x128xi32, #tpu.memory_space<hbm>>
    %dma_start3A_17 = tpu.memref_squeeze %dma_start3A_16 : memref<1x128xi32, #tpu.memory_space<hbm>> -> memref<128xi32, #tpu.memory_space<hbm>>
    tpu.enqueue_dma source(%dma_start3A_17 : memref<128xi32, #tpu.memory_space<hbm>>) target(%arg10 : memref<128xi32, #tpu.memory_space<vmem>>) target_semaphore(%arg17 : memref<!tpu.dma_semaphore, #tpu.memory_space<semaphore_mem>>)
    %add3A_18 = arith.constant 128 : i32
    %add3A_19 = arith.addi %mul3A_4, %add3A_18 : i32
    %dma_start3A_20 = arith.constant 0 : i32
    %dma_start3A_21 = tpu.memref_slice %arg3[%dma_start3A_20, %add3A_19] : memref<2x320000xi32, #tpu.memory_space<hbm>> -> memref<1x128xi32, #tpu.memory_space<hbm>>
    %dma_start3A_22 = tpu.memref_squeeze %dma_start3A_21 : memref<1x128xi32, #tpu.memory_space<hbm>> -> memref<128xi32, #tpu.memory_space<hbm>>
    %dma_start3A_23 = tpu.memref_slice %arg3[%dma_start3A_20, %add3A_19] : memref<2x320000xi32, #tpu.memory_space<hbm>> -> memref<1x128xi32, #tpu.memory_space<hbm>>
    %dma_start3A_24 = tpu.memref_squeeze %dma_start3A_23 : memref<1x128xi32, #tpu.memory_space<hbm>> -> memref<128xi32, #tpu.memory_space<hbm>>
    tpu.enqueue_dma source(%dma_start3A_24 : memref<128xi32, #tpu.memory_space<hbm>>) target(%arg7 : memref<128xi32, #tpu.memory_space<vmem>>) target_semaphore(%arg18 : memref<!tpu.dma_semaphore, #tpu.memory_space<semaphore_mem>>)
    %add3A_25 = arith.constant 128 : i32
    %add3A_26 = arith.addi %mul3A_4, %add3A_25 : i32
    %dma_start3A_27 = arith.constant 1 : i32
    %dma_start3A_28 = tpu.memref_slice %arg3[%dma_start3A_27, %add3A_26] : memref<2x320000xi32, #tpu.memory_space<hbm>> -> memref<1x128xi32, #tpu.memory_space<hbm>>
    %dma_start3A_29 = tpu.memref_squeeze %dma_start3A_28 : memref<1x128xi32, #tpu.memory_space<hbm>> -> memref<128xi32, #tpu.memory_space<hbm>>
    %dma_start3A_30 = tpu.memref_slice %arg3[%dma_start3A_27, %add3A_26] : memref<2x320000xi32, #tpu.memory_space<hbm>> -> memref<1x128xi32, #tpu.memory_space<hbm>>
    %dma_start3A_31 = tpu.memref_squeeze %dma_start3A_30 : memref<1x128xi32, #tpu.memory_space<hbm>> -> memref<128xi32, #tpu.memory_space<hbm>>
    tpu.enqueue_dma source(%dma_start3A_31 : memref<128xi32, #tpu.memory_space<hbm>>) target(%arg11 : memref<128xi32, #tpu.memory_space<vmem>>) target_semaphore(%arg18 : memref<!tpu.dma_semaphore, #tpu.memory_space<semaphore_mem>>)
    %add3A_32 = arith.constant 256 : i32
    %add3A_33 = arith.addi %mul3A_4, %add3A_32 : i32
    %dma_start3A_34 = arith.constant 0 : i32
    %dma_start3A_35 = tpu.memref_slice %arg3[%dma_start3A_34, %add3A_33] : memref<2x320000xi32, #tpu.memory_space<hbm>> -> memref<1x128xi32, #tpu.memory_space<hbm>>
    %dma_start3A_36 = tpu.memref_squeeze %dma_start3A_35 : memref<1x128xi32, #tpu.memory_space<hbm>> -> memref<128xi32, #tpu.memory_space<hbm>>
    %dma_start3A_37 = tpu.memref_slice %arg3[%dma_start3A_34, %add3A_33] : memref<2x320000xi32, #tpu.memory_space<hbm>> -> memref<1x128xi32, #tpu.memory_space<hbm>>
    %dma_start3A_38 = tpu.memref_squeeze %dma_start3A_37 : memref<1x128xi32, #tpu.memory_space<hbm>> -> memref<128xi32, #tpu.memory_space<hbm>>
    tpu.enqueue_dma source(%dma_start3A_38 : memref<128xi32, #tpu.memory_space<hbm>>) target(%arg8 : memref<128xi32, #tpu.memory_space<vmem>>) target_semaphore(%arg19 : memref<!tpu.dma_semaphore, #tpu.memory_space<semaphore_mem>>)
    %add3A_39 = arith.constant 256 : i32
    %add3A_40 = arith.addi %mul3A_4, %add3A_39 : i32
    %dma_start3A_41 = arith.constant 1 : i32
    %dma_start3A_42 = tpu.memref_slice %arg3[%dma_start3A_41, %add3A_40] : memref<2x320000xi32, #tpu.memory_space<hbm>> -> memref<1x128xi32, #tpu.memory_space<hbm>>
    %dma_start3A_43 = tpu.memref_squeeze %dma_start3A_42 : memref<1x128xi32, #tpu.memory_space<hbm>> -> memref<128xi32, #tpu.memory_space<hbm>>
    %dma_start3A_44 = tpu.memref_slice %arg3[%dma_start3A_41, %add3A_40] : memref<2x320000xi32, #tpu.memory_space<hbm>> -> memref<1x128xi32, #tpu.memory_space<hbm>>
    %dma_start3A_45 = tpu.memref_squeeze %dma_start3A_44 : memref<1x128xi32, #tpu.memory_space<hbm>> -> memref<128xi32, #tpu.memory_space<hbm>>
    tpu.enqueue_dma source(%dma_start3A_45 : memref<128xi32, #tpu.memory_space<hbm>>) target(%arg12 : memref<128xi32, #tpu.memory_space<vmem>>) target_semaphore(%arg19 : memref<!tpu.dma_semaphore, #tpu.memory_space<semaphore_mem>>)
    %add3A_46 = arith.constant 384 : i32
    %add3A_47 = arith.addi %mul3A_4, %add3A_46 : i32
    %dma_start3A_48 = arith.constant 0 : i32
    %dma_start3A_49 = tpu.memref_slice %arg3[%dma_start3A_48, %add3A_47] : memref<2x320000xi32, #tpu.memory_space<hbm>> -> memref<1x128xi32, #tpu.memory_space<hbm>>
    %dma_start3A_50 = tpu.memref_squeeze %dma_start3A_49 : memref<1x128xi32, #tpu.memory_space<hbm>> -> memref<128xi32, #tpu.memory_space<hbm>>
    %dma_start3A_51 = tpu.memref_slice %arg3[%dma_start3A_48, %add3A_47] : memref<2x320000xi32, #tpu.memory_space<hbm>> -> memref<1x128xi32, #tpu.memory_space<hbm>>
    %dma_start3A_52 = tpu.memref_squeeze %dma_start3A_51 : memref<1x128xi32, #tpu.memory_space<hbm>> -> memref<128xi32, #tpu.memory_space<hbm>>
    tpu.enqueue_dma source(%dma_start3A_52 : memref<128xi32, #tpu.memory_space<hbm>>) target(%arg9 : memref<128xi32, #tpu.memory_space<vmem>>) target_semaphore(%arg20 : memref<!tpu.dma_semaphore, #tpu.memory_space<semaphore_mem>>)
    %add3A_53 = arith.constant 384 : i32
    %add3A_54 = arith.addi %mul3A_4, %add3A_53 : i32
    %dma_start3A_55 = arith.constant 1 : i32
    %dma_start3A_56 = tpu.memref_slice %arg3[%dma_start3A_55, %add3A_54] : memref<2x320000xi32, #tpu.memory_space<hbm>> -> memref<1x128xi32, #tpu.memory_space<hbm>>
    %dma_start3A_57 = tpu.memref_squeeze %dma_start3A_56 : memref<1x128xi32, #tpu.memory_space<hbm>> -> memref<128xi32, #tpu.memory_space<hbm>>
    %dma_start3A_58 = tpu.memref_slice %arg3[%dma_start3A_55, %add3A_54] : memref<2x320000xi32, #tpu.memory_space<hbm>> -> memref<1x128xi32, #tpu.memory_space<hbm>>
    %dma_start3A_59 = tpu.memref_squeeze %dma_start3A_58 : memref<1x128xi32, #tpu.memory_space<hbm>> -> memref<128xi32, #tpu.memory_space<hbm>>
    tpu.enqueue_dma source(%dma_start3A_59 : memref<128xi32, #tpu.memory_space<hbm>>) target(%arg13 : memref<128xi32, #tpu.memory_space<vmem>>) target_semaphore(%arg20 : memref<!tpu.dma_semaphore, #tpu.memory_space<semaphore_mem>>)
    %dma_wait3A = arith.constant 0 : i32
    %dma_wait3A_60 = tpu.memref_slice %arg3[%dma_wait3A, %mul3A_4] : memref<2x320000xi32, #tpu.memory_space<hbm>> -> memref<1x128xi32, #tpu.memory_space<hbm>>
    %dma_wait3A_61 = tpu.memref_squeeze %dma_wait3A_60 : memref<1x128xi32, #tpu.memory_space<hbm>> -> memref<128xi32, #tpu.memory_space<hbm>>
    %dma_wait3A_62 = tpu.memref_slice %arg3[%dma_wait3A, %mul3A_4] : memref<2x320000xi32, #tpu.memory_space<hbm>> -> memref<1x128xi32, #tpu.memory_space<hbm>>
    %dma_wait3A_63 = tpu.memref_squeeze %dma_wait3A_62 : memref<1x128xi32, #tpu.memory_space<hbm>> -> memref<128xi32, #tpu.memory_space<hbm>>
    tpu.wait_dma2 semaphore(%arg17 : memref<!tpu.dma_semaphore, #tpu.memory_space<semaphore_mem>>) src(%dma_wait3A_63 : memref<128xi32, #tpu.memory_space<hbm>>) dst(%arg6 : memref<128xi32, #tpu.memory_space<vmem>>)
    %dma_wait3A_64 = arith.constant 1 : i32
    %dma_wait3A_65 = tpu.memref_slice %arg3[%dma_wait3A_64, %mul3A_4] : memref<2x320000xi32, #tpu.memory_space<hbm>> -> memref<1x128xi32, #tpu.memory_space<hbm>>
    %dma_wait3A_66 = tpu.memref_squeeze %dma_wait3A_65 : memref<1x128xi32, #tpu.memory_space<hbm>> -> memref<128xi32, #tpu.memory_space<hbm>>
    %dma_wait3A_67 = tpu.memref_slice %arg3[%dma_wait3A_64, %mul3A_4] : memref<2x320000xi32, #tpu.memory_space<hbm>> -> memref<1x128xi32, #tpu.memory_space<hbm>>
    %dma_wait3A_68 = tpu.memref_squeeze %dma_wait3A_67 : memref<1x128xi32, #tpu.memory_space<hbm>> -> memref<128xi32, #tpu.memory_space<hbm>>
    tpu.wait_dma2 semaphore(%arg17 : memref<!tpu.dma_semaphore, #tpu.memory_space<semaphore_mem>>) src(%dma_wait3A_68 : memref<128xi32, #tpu.memory_space<hbm>>) dst(%arg10 : memref<128xi32, #tpu.memory_space<vmem>>)
    %dma_start3A_69 = arith.constant 0 : i32
    %dma_start3A_70 = arith.constant 0 : i32
    %dma_start3A_71 = tpu.memref_slice %arg2[%dma_start3A_69, %dma_start3A_70] : memref<10000x128xf32, #tpu.memory_space<hbm>> -> memref<10000x128xf32, #tpu.memory_space<hbm>>
    tpu.enqueue_indirect_dma source(%dma_start3A_71 : memref<10000x128xf32, #tpu.memory_space<hbm>>) target(%arg14 : memref<128x128xf32, #tpu.memory_space<vmem>>) offsets(%arg6 : memref<128xi32, #tpu.memory_space<vmem>>) semaphore(%arg21 : memref<!tpu.dma_semaphore, #tpu.memory_space<semaphore_mem>>)
    %dma_wait3A_72 = arith.constant 0 : i32
    %dma_wait3A_73 = tpu.memref_slice %arg3[%dma_wait3A_72, %mul3A_4] : memref<2x320000xi32, #tpu.memory_space<hbm>> -> memref<1x128xi32, #tpu.memory_space<hbm>>
    %dma_wait3A_74 = tpu.memref_squeeze %dma_wait3A_73 : memref<1x128xi32, #tpu.memory_space<hbm>> -> memref<128xi32, #tpu.memory_space<hbm>>
    %dma_wait3A_75 = tpu.memref_slice %arg3[%dma_wait3A_72, %mul3A_4] : memref<2x320000xi32, #tpu.memory_space<hbm>> -> memref<1x128xi32, #tpu.memory_space<hbm>>
    %dma_wait3A_76 = tpu.memref_squeeze %dma_wait3A_75 : memref<1x128xi32, #tpu.memory_space<hbm>> -> memref<128xi32, #tpu.memory_space<hbm>>
    tpu.wait_dma2 semaphore(%arg18 : memref<!tpu.dma_semaphore, #tpu.memory_space<semaphore_mem>>) src(%dma_wait3A_76 : memref<128xi32, #tpu.memory_space<hbm>>) dst(%arg7 : memref<128xi32, #tpu.memory_space<vmem>>)
    %dma_wait3A_77 = arith.constant 1 : i32
    %dma_wait3A_78 = tpu.memref_slice %arg3[%dma_wait3A_77, %mul3A_4] : memref<2x320000xi32, #tpu.memory_space<hbm>> -> memref<1x128xi32, #tpu.memory_space<hbm>>
    %dma_wait3A_79 = tpu.memref_squeeze %dma_wait3A_78 : memref<1x128xi32, #tpu.memory_space<hbm>> -> memref<128xi32, #tpu.memory_space<hbm>>
    %dma_wait3A_80 = tpu.memref_slice %arg3[%dma_wait3A_77, %mul3A_4] : memref<2x320000xi32, #tpu.memory_space<hbm>> -> memref<1x128xi32, #tpu.memory_space<hbm>>
    %dma_wait3A_81 = tpu.memref_squeeze %dma_wait3A_80 : memref<1x128xi32, #tpu.memory_space<hbm>> -> memref<128xi32, #tpu.memory_space<hbm>>
    tpu.wait_dma2 semaphore(%arg18 : memref<!tpu.dma_semaphore, #tpu.memory_space<semaphore_mem>>) src(%dma_wait3A_81 : memref<128xi32, #tpu.memory_space<hbm>>) dst(%arg11 : memref<128xi32, #tpu.memory_space<vmem>>)
    %dma_start3A_82 = arith.constant 0 : i32
    %dma_start3A_83 = arith.constant 0 : i32
    %dma_start3A_84 = tpu.memref_slice %arg2[%dma_start3A_82, %dma_start3A_83] : memref<10000x128xf32, #tpu.memory_space<hbm>> -> memref<10000x128xf32, #tpu.memory_space<hbm>>
    tpu.enqueue_indirect_dma source(%dma_start3A_84 : memref<10000x128xf32, #tpu.memory_space<hbm>>) target(%arg15 : memref<128x128xf32, #tpu.memory_space<vmem>>) offsets(%arg7 : memref<128xi32, #tpu.memory_space<vmem>>) semaphore(%arg22 : memref<!tpu.dma_semaphore, #tpu.memory_space<semaphore_mem>>)
    %mul3A_85 = arith.constant 640 : i32
    %mul3A_86 = arith.muli %arg1, %mul3A_85 : i32
    "tpu.region"() ({
      %run_scoped3A = tpu.sem_alloc : memref<!tpu.dma_semaphore, #tpu.memory_space<semaphore_mem>>
      %dma_start3A_184 = arith.constant 0 : i32
      %dma_start3A_185 = tpu.memref_slice %arg16[%mul3A_86, %dma_start3A_184] : memref<10240x128xf32, #tpu.memory_space<vmem_shared>> -> memref<640x128xf32, #tpu.memory_space<vmem_shared>>
      tpu.enqueue_dma source(%arg4 : memref<640x128xf32, #tpu.memory_space<hbm>>) target(%dma_start3A_185 : memref<640x128xf32, #tpu.memory_space<vmem_shared>>) target_semaphore(%run_scoped3A : memref<!tpu.dma_semaphore, #tpu.memory_space<semaphore_mem>>)
      %dma_wait3A_186 = arith.constant 0 : i32
      %dma_wait3A_187 = tpu.memref_slice %arg16[%mul3A_86, %dma_wait3A_186] : memref<10240x128xf32, #tpu.memory_space<vmem_shared>> -> memref<640x128xf32, #tpu.memory_space<vmem_shared>>
      tpu.wait_dma2 semaphore(%run_scoped3A : memref<!tpu.dma_semaphore, #tpu.memory_space<semaphore_mem>>) src(%arg4 : memref<640x128xf32, #tpu.memory_space<hbm>>) dst(%dma_wait3A_187 : memref<640x128xf32, #tpu.memory_space<vmem_shared>>)
      tpu.yield
    }) : () -> ()
    %barrier3A = arith.constant 0 : index
    tpu.barrier barrier_id(%barrier3A)
    %dma_wait3A_87 = arith.constant 0 : i32
    %dma_wait3A_88 = arith.constant 0 : i32
    %dma_wait3A_89 = tpu.memref_slice %arg2[%dma_wait3A_87, %dma_wait3A_88] : memref<10000x128xf32, #tpu.memory_space<hbm>> -> memref<10000x128xf32, #tpu.memory_space<hbm>>
    tpu.wait_indirect_dma semaphore(%arg21 : memref<!tpu.dma_semaphore, #tpu.memory_space<semaphore_mem>>) src(%dma_wait3A_89 : memref<10000x128xf32, #tpu.memory_space<hbm>>) dst(%arg14 : memref<128x128xf32, #tpu.memory_space<vmem>>)
    %dma_start3A_90 = arith.constant 0 : i32
    %dma_start3A_91 = arith.constant 0 : i32
    %dma_start3A_92 = tpu.memref_slice %arg16[%dma_start3A_90, %dma_start3A_91] : memref<10240x128xf32, #tpu.memory_space<vmem_shared>> -> memref<10240x128xf32, #tpu.memory_space<vmem_shared>>
    tpu.enqueue_indirect_dma source(%arg14 : memref<128x128xf32, #tpu.memory_space<vmem>>) target(%dma_start3A_92 : memref<10240x128xf32, #tpu.memory_space<vmem_shared>>) offsets(%arg10 : memref<128xi32, #tpu.memory_space<vmem>>) semaphore(%arg23 : memref<!tpu.dma_semaphore, #tpu.memory_space<semaphore_mem>>) {add = true}
    %dma_wait3A_93 = arith.constant 0 : i32
    %dma_wait3A_94 = arith.constant 0 : i32
    %dma_wait3A_95 = tpu.memref_slice %arg16[%dma_wait3A_93, %dma_wait3A_94] : memref<10240x128xf32, #tpu.memory_space<vmem_shared>> -> memref<10240x128xf32, #tpu.memory_space<vmem_shared>>
    tpu.wait_indirect_dma semaphore(%arg23 : memref<!tpu.dma_semaphore, #tpu.memory_space<semaphore_mem>>) src(%arg14 : memref<128x128xf32, #tpu.memory_space<vmem>>) dst(%dma_wait3A_95 : memref<10240x128xf32, #tpu.memory_space<vmem_shared>>)
    %dma_wait3A_96 = arith.constant 0 : i32
    %dma_wait3A_97 = tpu.memref_slice %arg3[%dma_wait3A_96, %mul3A_4] : memref<2x320000xi32, #tpu.memory_space<hbm>> -> memref<1x128xi32, #tpu.memory_space<hbm>>
    %dma_wait3A_98 = tpu.memref_squeeze %dma_wait3A_97 : memref<1x128xi32, #tpu.memory_space<hbm>> -> memref<128xi32, #tpu.memory_space<hbm>>
    %dma_wait3A_99 = tpu.memref_slice %arg3[%dma_wait3A_96, %mul3A_4] : memref<2x320000xi32, #tpu.memory_space<hbm>> -> memref<1x128xi32, #tpu.memory_space<hbm>>
    %dma_wait3A_100 = tpu.memref_squeeze %dma_wait3A_99 : memref<1x128xi32, #tpu.memory_space<hbm>> -> memref<128xi32, #tpu.memory_space<hbm>>
    tpu.wait_dma2 semaphore(%arg19 : memref<!tpu.dma_semaphore, #tpu.memory_space<semaphore_mem>>) src(%dma_wait3A_100 : memref<128xi32, #tpu.memory_space<hbm>>) dst(%arg8 : memref<128xi32, #tpu.memory_space<vmem>>)
    %dma_wait3A_101 = arith.constant 1 : i32
    %dma_wait3A_102 = tpu.memref_slice %arg3[%dma_wait3A_101, %mul3A_4] : memref<2x320000xi32, #tpu.memory_space<hbm>> -> memref<1x128xi32, #tpu.memory_space<hbm>>
    %dma_wait3A_103 = tpu.memref_squeeze %dma_wait3A_102 : memref<1x128xi32, #tpu.memory_space<hbm>> -> memref<128xi32, #tpu.memory_space<hbm>>
    %dma_wait3A_104 = tpu.memref_slice %arg3[%dma_wait3A_101, %mul3A_4] : memref<2x320000xi32, #tpu.memory_space<hbm>> -> memref<1x128xi32, #tpu.memory_space<hbm>>
    %dma_wait3A_105 = tpu.memref_squeeze %dma_wait3A_104 : memref<1x128xi32, #tpu.memory_space<hbm>> -> memref<128xi32, #tpu.memory_space<hbm>>
    tpu.wait_dma2 semaphore(%arg19 : memref<!tpu.dma_semaphore, #tpu.memory_space<semaphore_mem>>) src(%dma_wait3A_105 : memref<128xi32, #tpu.memory_space<hbm>>) dst(%arg12 : memref<128xi32, #tpu.memory_space<vmem>>)
    %dma_start3A_106 = arith.constant 0 : i32
    %dma_start3A_107 = arith.constant 0 : i32
    %dma_start3A_108 = tpu.memref_slice %arg2[%dma_start3A_106, %dma_start3A_107] : memref<10000x128xf32, #tpu.memory_space<hbm>> -> memref<10000x128xf32, #tpu.memory_space<hbm>>
    tpu.enqueue_indirect_dma source(%dma_start3A_108 : memref<10000x128xf32, #tpu.memory_space<hbm>>) target(%arg14 : memref<128x128xf32, #tpu.memory_space<vmem>>) offsets(%arg8 : memref<128xi32, #tpu.memory_space<vmem>>) semaphore(%arg21 : memref<!tpu.dma_semaphore, #tpu.memory_space<semaphore_mem>>)
    %dma_wait3A_109 = arith.constant 0 : i32
    %dma_wait3A_110 = arith.constant 0 : i32
    %dma_wait3A_111 = tpu.memref_slice %arg2[%dma_wait3A_109, %dma_wait3A_110] : memref<10000x128xf32, #tpu.memory_space<hbm>> -> memref<10000x128xf32, #tpu.memory_space<hbm>>
    tpu.wait_indirect_dma semaphore(%arg22 : memref<!tpu.dma_semaphore, #tpu.memory_space<semaphore_mem>>) src(%dma_wait3A_111 : memref<10000x128xf32, #tpu.memory_space<hbm>>) dst(%arg15 : memref<128x128xf32, #tpu.memory_space<vmem>>)
    %dma_start3A_112 = arith.constant 0 : i32
    %dma_start3A_113 = arith.constant 0 : i32
    %dma_start3A_114 = tpu.memref_slice %arg16[%dma_start3A_112, %dma_start3A_113] : memref<10240x128xf32, #tpu.memory_space<vmem_shared>> -> memref<10240x128xf32, #tpu.memory_space<vmem_shared>>
    tpu.enqueue_indirect_dma source(%arg15 : memref<128x128xf32, #tpu.memory_space<vmem>>) target(%dma_start3A_114 : memref<10240x128xf32, #tpu.memory_space<vmem_shared>>) offsets(%arg11 : memref<128xi32, #tpu.memory_space<vmem>>) semaphore(%arg24 : memref<!tpu.dma_semaphore, #tpu.memory_space<semaphore_mem>>) {add = true}
    %jit3A_115 = arith.constant 4 : i32
    %div3A = arith.divsi %select_n3A, %jit3A_115 : i32
    %sign3A = arith.constant 0 : i32
    %sign3A_116 = arith.cmpi sgt, %select_n3A, %sign3A : i32
    %sign3A_117 = arith.extui %sign3A_116 : i1 to i32
    %sign3A_118 = arith.constant 0 : i32
    %sign3A_119 = arith.cmpi slt, %select_n3A, %sign3A_118 : i32
    %sign3A_120 = arith.extui %sign3A_119 : i1 to i32
    %sign3A_121 = arith.subi %sign3A_117, %sign3A_120 : i32
    %sign3A_122 = arith.constant 0 : i32
    %sign3A_123 = arith.cmpi sgt, %jit3A_115, %sign3A_122 : i32
    %sign3A_124 = arith.extui %sign3A_123 : i1 to i32
    %sign3A_125 = arith.constant 0 : i32
    %sign3A_126 = arith.cmpi slt, %jit3A_115, %sign3A_125 : i32
    %sign3A_127 = arith.extui %sign3A_126 : i1 to i32
    %sign3A_128 = arith.subi %sign3A_124, %sign3A_127 : i32
    %ne3A = arith.cmpi ne, %sign3A_121, %sign3A_128 : i32
    %rem3A = arith.remsi %select_n3A, %jit3A_115 : i32
    %ne3A_129 = arith.constant 0 : i32
    %ne3A_130 = arith.cmpi ne, %rem3A, %ne3A_129 : i32
    %and3A = arith.andi %ne3A, %ne3A_130 : i1
    %sub3A = arith.constant 1 : i32
    %sub3A_131 = arith.subi %div3A, %sub3A : i32
    %select_n3A_132 = arith.select %and3A, %sub3A_131, %div3A : i32
    %while3A = arith.constant 0 : i32
    %while3A_133 = arith.constant 1 : i32
    %while3A_134 = arith.subi %select_n3A_132, %while3A_133 : i32
    %while3A_135 = arith.addi %while3A_133, %while3A_134 : i32
    %while3A_136 = arith.constant 1 : i32
    %while3A_137 = arith.divsi %while3A_134, %while3A_136 : i32
    %while3A_138 = arith.muli %while3A_137, %while3A_136 : i32
    %while3A_139 = arith.addi %while3A_133, %while3A_138 : i32
    %while3A_140 = arith.constant 1 : i32
    scf.for %while3A_184 = %while3A_133 to %while3A_139 step %while3A_140  : i32 {
      %mul3A_185 = arith.constant 4 : i32
      %mul3A_186 = arith.muli %while3A_184, %mul3A_185 : i32
      %add3A_187 = arith.constant 0 : i32
      %add3A_188 = arith.addi %mul3A_186, %add3A_187 : i32
      %dma_wait3A_189 = arith.constant 0 : i32
      %dma_wait3A_190 = arith.constant 0 : i32
      %dma_wait3A_191 = tpu.memref_slice %arg16[%dma_wait3A_189, %dma_wait3A_190] : memref<10240x128xf32, #tpu.memory_space<vmem_shared>> -> memref<10240x128xf32, #tpu.memory_space<vmem_shared>>
      tpu.wait_indirect_dma semaphore(%arg24 : memref<!tpu.dma_semaphore, #tpu.memory_space<semaphore_mem>>) src(%arg15 : memref<128x128xf32, #tpu.memory_space<vmem>>) dst(%dma_wait3A_191 : memref<10240x128xf32, #tpu.memory_space<vmem_shared>>)
      %mul3A_192 = arith.constant 128 : i32
      %mul3A_193 = arith.muli %add3A_188, %mul3A_192 : i32
      %add3A_194 = arith.addi %mul3A_4, %mul3A_193 : i32
      %dma_start3A_195 = arith.constant 0 : i32
      %dma_start3A_196 = tpu.memref_slice %arg3[%dma_start3A_195, %add3A_194] : memref<2x320000xi32, #tpu.memory_space<hbm>> -> memref<1x128xi32, #tpu.memory_space<hbm>>
      %dma_start3A_197 = tpu.memref_squeeze %dma_start3A_196 : memref<1x128xi32, #tpu.memory_space<hbm>> -> memref<128xi32, #tpu.memory_space<hbm>>
      %dma_start3A_198 = tpu.memref_slice %arg3[%dma_start3A_195, %add3A_194] : memref<2x320000xi32, #tpu.memory_space<hbm>> -> memref<1x128xi32, #tpu.memory_space<hbm>>
      %dma_start3A_199 = tpu.memref_squeeze %dma_start3A_198 : memref<1x128xi32, #tpu.memory_space<hbm>> -> memref<128xi32, #tpu.memory_space<hbm>>
      tpu.enqueue_dma source(%dma_start3A_199 : memref<128xi32, #tpu.memory_space<hbm>>) target(%arg6 : memref<128xi32, #tpu.memory_space<vmem>>) target_semaphore(%arg17 : memref<!tpu.dma_semaphore, #tpu.memory_space<semaphore_mem>>)
      %mul3A_200 = arith.constant 128 : i32
      %mul3A_201 = arith.muli %add3A_188, %mul3A_200 : i32
      %add3A_202 = arith.addi %mul3A_4, %mul3A_201 : i32
      %dma_start3A_203 = arith.constant 1 : i32
      %dma_start3A_204 = tpu.memref_slice %arg3[%dma_start3A_203, %add3A_202] : memref<2x320000xi32, #tpu.memory_space<hbm>> -> memref<1x128xi32, #tpu.memory_space<hbm>>
      %dma_start3A_205 = tpu.memref_squeeze %dma_start3A_204 : memref<1x128xi32, #tpu.memory_space<hbm>> -> memref<128xi32, #tpu.memory_space<hbm>>
      %dma_start3A_206 = tpu.memref_slice %arg3[%dma_start3A_203, %add3A_202] : memref<2x320000xi32, #tpu.memory_space<hbm>> -> memref<1x128xi32, #tpu.memory_space<hbm>>
      %dma_start3A_207 = tpu.memref_squeeze %dma_start3A_206 : memref<1x128xi32, #tpu.memory_space<hbm>> -> memref<128xi32, #tpu.memory_space<hbm>>
      tpu.enqueue_dma source(%dma_start3A_207 : memref<128xi32, #tpu.memory_space<hbm>>) target(%arg10 : memref<128xi32, #tpu.memory_space<vmem>>) target_semaphore(%arg17 : memref<!tpu.dma_semaphore, #tpu.memory_space<semaphore_mem>>)
      %dma_wait3A_208 = arith.constant 0 : i32
      %dma_wait3A_209 = tpu.memref_slice %arg3[%dma_wait3A_208, %mul3A_4] : memref<2x320000xi32, #tpu.memory_space<hbm>> -> memref<1x128xi32, #tpu.memory_space<hbm>>
      %dma_wait3A_210 = tpu.memref_squeeze %dma_wait3A_209 : memref<1x128xi32, #tpu.memory_space<hbm>> -> memref<128xi32, #tpu.memory_space<hbm>>
      %dma_wait3A_211 = tpu.memref_slice %arg3[%dma_wait3A_208, %mul3A_4] : memref<2x320000xi32, #tpu.memory_space<hbm>> -> memref<1x128xi32, #tpu.memory_space<hbm>>
      %dma_wait3A_212 = tpu.memref_squeeze %dma_wait3A_211 : memref<1x128xi32, #tpu.memory_space<hbm>> -> memref<128xi32, #tpu.memory_space<hbm>>
      tpu.wait_dma2 semaphore(%arg20 : memref<!tpu.dma_semaphore, #tpu.memory_space<semaphore_mem>>) src(%dma_wait3A_212 : memref<128xi32, #tpu.memory_space<hbm>>) dst(%arg9 : memref<128xi32, #tpu.memory_space<vmem>>)
      %dma_wait3A_213 = arith.constant 1 : i32
      %dma_wait3A_214 = tpu.memref_slice %arg3[%dma_wait3A_213, %mul3A_4] : memref<2x320000xi32, #tpu.memory_space<hbm>> -> memref<1x128xi32, #tpu.memory_space<hbm>>
      %dma_wait3A_215 = tpu.memref_squeeze %dma_wait3A_214 : memref<1x128xi32, #tpu.memory_space<hbm>> -> memref<128xi32, #tpu.memory_space<hbm>>
      %dma_wait3A_216 = tpu.memref_slice %arg3[%dma_wait3A_213, %mul3A_4] : memref<2x320000xi32, #tpu.memory_space<hbm>> -> memref<1x128xi32, #tpu.memory_space<hbm>>
      %dma_wait3A_217 = tpu.memref_squeeze %dma_wait3A_216 : memref<1x128xi32, #tpu.memory_space<hbm>> -> memref<128xi32, #tpu.memory_space<hbm>>
      tpu.wait_dma2 semaphore(%arg20 : memref<!tpu.dma_semaphore, #tpu.memory_space<semaphore_mem>>) src(%dma_wait3A_217 : memref<128xi32, #tpu.memory_space<hbm>>) dst(%arg13 : memref<128xi32, #tpu.memory_space<vmem>>)
      %dma_start3A_218 = arith.constant 0 : i32
      %dma_start3A_219 = arith.constant 0 : i32
      %dma_start3A_220 = tpu.memref_slice %arg2[%dma_start3A_218, %dma_start3A_219] : memref<10000x128xf32, #tpu.memory_space<hbm>> -> memref<10000x128xf32, #tpu.memory_space<hbm>>
      tpu.enqueue_indirect_dma source(%dma_start3A_220 : memref<10000x128xf32, #tpu.memory_space<hbm>>) target(%arg15 : memref<128x128xf32, #tpu.memory_space<vmem>>) offsets(%arg9 : memref<128xi32, #tpu.memory_space<vmem>>) semaphore(%arg22 : memref<!tpu.dma_semaphore, #tpu.memory_space<semaphore_mem>>)
      %dma_wait3A_221 = arith.constant 0 : i32
      %dma_wait3A_222 = arith.constant 0 : i32
      %dma_wait3A_223 = tpu.memref_slice %arg2[%dma_wait3A_221, %dma_wait3A_222] : memref<10000x128xf32, #tpu.memory_space<hbm>> -> memref<10000x128xf32, #tpu.memory_space<hbm>>
      tpu.wait_indirect_dma semaphore(%arg21 : memref<!tpu.dma_semaphore, #tpu.memory_space<semaphore_mem>>) src(%dma_wait3A_223 : memref<10000x128xf32, #tpu.memory_space<hbm>>) dst(%arg14 : memref<128x128xf32, #tpu.memory_space<vmem>>)
      %dma_start3A_224 = arith.constant 0 : i32
      %dma_start3A_225 = arith.constant 0 : i32
      %dma_start3A_226 = tpu.memref_slice %arg16[%dma_start3A_224, %dma_start3A_225] : memref<10240x128xf32, #tpu.memory_space<vmem_shared>> -> memref<10240x128xf32, #tpu.memory_space<vmem_shared>>
      tpu.enqueue_indirect_dma source(%arg14 : memref<128x128xf32, #tpu.memory_space<vmem>>) target(%dma_start3A_226 : memref<10240x128xf32, #tpu.memory_space<vmem_shared>>) offsets(%arg12 : memref<128xi32, #tpu.memory_space<vmem>>) semaphore(%arg23 : memref<!tpu.dma_semaphore, #tpu.memory_space<semaphore_mem>>) {add = true}
      %mul3A_227 = arith.constant 4 : i32
      %mul3A_228 = arith.muli %while3A_184, %mul3A_227 : i32
      %add3A_229 = arith.constant 1 : i32
      %add3A_230 = arith.addi %mul3A_228, %add3A_229 : i32
      %dma_wait3A_231 = arith.constant 0 : i32
      %dma_wait3A_232 = arith.constant 0 : i32
      %dma_wait3A_233 = tpu.memref_slice %arg16[%dma_wait3A_231, %dma_wait3A_232] : memref<10240x128xf32, #tpu.memory_space<vmem_shared>> -> memref<10240x128xf32, #tpu.memory_space<vmem_shared>>
      tpu.wait_indirect_dma semaphore(%arg23 : memref<!tpu.dma_semaphore, #tpu.memory_space<semaphore_mem>>) src(%arg14 : memref<128x128xf32, #tpu.memory_space<vmem>>) dst(%dma_wait3A_233 : memref<10240x128xf32, #tpu.memory_space<vmem_shared>>)
      %mul3A_234 = arith.constant 128 : i32
      %mul3A_235 = arith.muli %add3A_230, %mul3A_234 : i32
      %add3A_236 = arith.addi %mul3A_4, %mul3A_235 : i32
      %dma_start3A_237 = arith.constant 0 : i32
      %dma_start3A_238 = tpu.memref_slice %arg3[%dma_start3A_237, %add3A_236] : memref<2x320000xi32, #tpu.memory_space<hbm>> -> memref<1x128xi32, #tpu.memory_space<hbm>>
      %dma_start3A_239 = tpu.memref_squeeze %dma_start3A_238 : memref<1x128xi32, #tpu.memory_space<hbm>> -> memref<128xi32, #tpu.memory_space<hbm>>
      %dma_start3A_240 = tpu.memref_slice %arg3[%dma_start3A_237, %add3A_236] : memref<2x320000xi32, #tpu.memory_space<hbm>> -> memref<1x128xi32, #tpu.memory_space<hbm>>
      %dma_start3A_241 = tpu.memref_squeeze %dma_start3A_240 : memref<1x128xi32, #tpu.memory_space<hbm>> -> memref<128xi32, #tpu.memory_space<hbm>>
      tpu.enqueue_dma source(%dma_start3A_241 : memref<128xi32, #tpu.memory_space<hbm>>) target(%arg7 : memref<128xi32, #tpu.memory_space<vmem>>) target_semaphore(%arg18 : memref<!tpu.dma_semaphore, #tpu.memory_space<semaphore_mem>>)
      %mul3A_242 = arith.constant 128 : i32
      %mul3A_243 = arith.muli %add3A_230, %mul3A_242 : i32
      %add3A_244 = arith.addi %mul3A_4, %mul3A_243 : i32
      %dma_start3A_245 = arith.constant 1 : i32
      %dma_start3A_246 = tpu.memref_slice %arg3[%dma_start3A_245, %add3A_244] : memref<2x320000xi32, #tpu.memory_space<hbm>> -> memref<1x128xi32, #tpu.memory_space<hbm>>
      %dma_start3A_247 = tpu.memref_squeeze %dma_start3A_246 : memref<1x128xi32, #tpu.memory_space<hbm>> -> memref<128xi32, #tpu.memory_space<hbm>>
      %dma_start3A_248 = tpu.memref_slice %arg3[%dma_start3A_245, %add3A_244] : memref<2x320000xi32, #tpu.memory_space<hbm>> -> memref<1x128xi32, #tpu.memory_space<hbm>>
      %dma_start3A_249 = tpu.memref_squeeze %dma_start3A_248 : memref<1x128xi32, #tpu.memory_space<hbm>> -> memref<128xi32, #tpu.memory_space<hbm>>
      tpu.enqueue_dma source(%dma_start3A_249 : memref<128xi32, #tpu.memory_space<hbm>>) target(%arg11 : memref<128xi32, #tpu.memory_space<vmem>>) target_semaphore(%arg18 : memref<!tpu.dma_semaphore, #tpu.memory_space<semaphore_mem>>)
      %dma_wait3A_250 = arith.constant 0 : i32
      %dma_wait3A_251 = tpu.memref_slice %arg3[%dma_wait3A_250, %mul3A_4] : memref<2x320000xi32, #tpu.memory_space<hbm>> -> memref<1x128xi32, #tpu.memory_space<hbm>>
      %dma_wait3A_252 = tpu.memref_squeeze %dma_wait3A_251 : memref<1x128xi32, #tpu.memory_space<hbm>> -> memref<128xi32, #tpu.memory_space<hbm>>
      %dma_wait3A_253 = tpu.memref_slice %arg3[%dma_wait3A_250, %mul3A_4] : memref<2x320000xi32, #tpu.memory_space<hbm>> -> memref<1x128xi32, #tpu.memory_space<hbm>>
      %dma_wait3A_254 = tpu.memref_squeeze %dma_wait3A_253 : memref<1x128xi32, #tpu.memory_space<hbm>> -> memref<128xi32, #tpu.memory_space<hbm>>
      tpu.wait_dma2 semaphore(%arg17 : memref<!tpu.dma_semaphore, #tpu.memory_space<semaphore_mem>>) src(%dma_wait3A_254 : memref<128xi32, #tpu.memory_space<hbm>>) dst(%arg6 : memref<128xi32, #tpu.memory_space<vmem>>)
      %dma_wait3A_255 = arith.constant 1 : i32
      %dma_wait3A_256 = tpu.memref_slice %arg3[%dma_wait3A_255, %mul3A_4] : memref<2x320000xi32, #tpu.memory_space<hbm>> -> memref<1x128xi32, #tpu.memory_space<hbm>>
      %dma_wait3A_257 = tpu.memref_squeeze %dma_wait3A_256 : memref<1x128xi32, #tpu.memory_space<hbm>> -> memref<128xi32, #tpu.memory_space<hbm>>
      %dma_wait3A_258 = tpu.memref_slice %arg3[%dma_wait3A_255, %mul3A_4] : memref<2x320000xi32, #tpu.memory_space<hbm>> -> memref<1x128xi32, #tpu.memory_space<hbm>>
      %dma_wait3A_259 = tpu.memref_squeeze %dma_wait3A_258 : memref<1x128xi32, #tpu.memory_space<hbm>> -> memref<128xi32, #tpu.memory_space<hbm>>
      tpu.wait_dma2 semaphore(%arg17 : memref<!tpu.dma_semaphore, #tpu.memory_space<semaphore_mem>>) src(%dma_wait3A_259 : memref<128xi32, #tpu.memory_space<hbm>>) dst(%arg10 : memref<128xi32, #tpu.memory_space<vmem>>)
      %dma_start3A_260 = arith.constant 0 : i32
      %dma_start3A_261 = arith.constant 0 : i32
      %dma_start3A_262 = tpu.memref_slice %arg2[%dma_start3A_260, %dma_start3A_261] : memref<10000x128xf32, #tpu.memory_space<hbm>> -> memref<10000x128xf32, #tpu.memory_space<hbm>>
      tpu.enqueue_indirect_dma source(%dma_start3A_262 : memref<10000x128xf32, #tpu.memory_space<hbm>>) target(%arg14 : memref<128x128xf32, #tpu.memory_space<vmem>>) offsets(%arg6 : memref<128xi32, #tpu.memory_space<vmem>>) semaphore(%arg21 : memref<!tpu.dma_semaphore, #tpu.memory_space<semaphore_mem>>)
      %dma_wait3A_263 = arith.constant 0 : i32
      %dma_wait3A_264 = arith.constant 0 : i32
      %dma_wait3A_265 = tpu.memref_slice %arg2[%dma_wait3A_263, %dma_wait3A_264] : memref<10000x128xf32, #tpu.memory_space<hbm>> -> memref<10000x128xf32, #tpu.memory_space<hbm>>
      tpu.wait_indirect_dma semaphore(%arg22 : memref<!tpu.dma_semaphore, #tpu.memory_space<semaphore_mem>>) src(%dma_wait3A_265 : memref<10000x128xf32, #tpu.memory_space<hbm>>) dst(%arg15 : memref<128x128xf32, #tpu.memory_space<vmem>>)
      %dma_start3A_266 = arith.constant 0 : i32
      %dma_start3A_267 = arith.constant 0 : i32
      %dma_start3A_268 = tpu.memref_slice %arg16[%dma_start3A_266, %dma_start3A_267] : memref<10240x128xf32, #tpu.memory_space<vmem_shared>> -> memref<10240x128xf32, #tpu.memory_space<vmem_shared>>
      tpu.enqueue_indirect_dma source(%arg15 : memref<128x128xf32, #tpu.memory_space<vmem>>) target(%dma_start3A_268 : memref<10240x128xf32, #tpu.memory_space<vmem_shared>>) offsets(%arg13 : memref<128xi32, #tpu.memory_space<vmem>>) semaphore(%arg24 : memref<!tpu.dma_semaphore, #tpu.memory_space<semaphore_mem>>) {add = true}
      %mul3A_269 = arith.constant 4 : i32
      %mul3A_270 = arith.muli %while3A_184, %mul3A_269 : i32
      %add3A_271 = arith.constant 2 : i32
      %add3A_272 = arith.addi %mul3A_270, %add3A_271 : i32
      %dma_wait3A_273 = arith.constant 0 : i32
      %dma_wait3A_274 = arith.constant 0 : i32
      %dma_wait3A_275 = tpu.memref_slice %arg16[%dma_wait3A_273, %dma_wait3A_274] : memref<10240x128xf32, #tpu.memory_space<vmem_shared>> -> memref<10240x128xf32, #tpu.memory_space<vmem_shared>>
      tpu.wait_indirect_dma semaphore(%arg24 : memref<!tpu.dma_semaphore, #tpu.memory_space<semaphore_mem>>) src(%arg15 : memref<128x128xf32, #tpu.memory_space<vmem>>) dst(%dma_wait3A_275 : memref<10240x128xf32, #tpu.memory_space<vmem_shared>>)
      %mul3A_276 = arith.constant 128 : i32
      %mul3A_277 = arith.muli %add3A_272, %mul3A_276 : i32
      %add3A_278 = arith.addi %mul3A_4, %mul3A_277 : i32
      %dma_start3A_279 = arith.constant 0 : i32
      %dma_start3A_280 = tpu.memref_slice %arg3[%dma_start3A_279, %add3A_278] : memref<2x320000xi32, #tpu.memory_space<hbm>> -> memref<1x128xi32, #tpu.memory_space<hbm>>
      %dma_start3A_281 = tpu.memref_squeeze %dma_start3A_280 : memref<1x128xi32, #tpu.memory_space<hbm>> -> memref<128xi32, #tpu.memory_space<hbm>>
      %dma_start3A_282 = tpu.memref_slice %arg3[%dma_start3A_279, %add3A_278] : memref<2x320000xi32, #tpu.memory_space<hbm>> -> memref<1x128xi32, #tpu.memory_space<hbm>>
      %dma_start3A_283 = tpu.memref_squeeze %dma_start3A_282 : memref<1x128xi32, #tpu.memory_space<hbm>> -> memref<128xi32, #tpu.memory_space<hbm>>
      tpu.enqueue_dma source(%dma_start3A_283 : memref<128xi32, #tpu.memory_space<hbm>>) target(%arg8 : memref<128xi32, #tpu.memory_space<vmem>>) target_semaphore(%arg19 : memref<!tpu.dma_semaphore, #tpu.memory_space<semaphore_mem>>)
      %mul3A_284 = arith.constant 128 : i32
      %mul3A_285 = arith.muli %add3A_272, %mul3A_284 : i32
      %add3A_286 = arith.addi %mul3A_4, %mul3A_285 : i32
      %dma_start3A_287 = arith.constant 1 : i32
      %dma_start3A_288 = tpu.memref_slice %arg3[%dma_start3A_287, %add3A_286] : memref<2x320000xi32, #tpu.memory_space<hbm>> -> memref<1x128xi32, #tpu.memory_space<hbm>>
      %dma_start3A_289 = tpu.memref_squeeze %dma_start3A_288 : memref<1x128xi32, #tpu.memory_space<hbm>> -> memref<128xi32, #tpu.memory_space<hbm>>
      %dma_start3A_290 = tpu.memref_slice %arg3[%dma_start3A_287, %add3A_286] : memref<2x320000xi32, #tpu.memory_space<hbm>> -> memref<1x128xi32, #tpu.memory_space<hbm>>
      %dma_start3A_291 = tpu.memref_squeeze %dma_start3A_290 : memref<1x128xi32, #tpu.memory_space<hbm>> -> memref<128xi32, #tpu.memory_space<hbm>>
      tpu.enqueue_dma source(%dma_start3A_291 : memref<128xi32, #tpu.memory_space<hbm>>) target(%arg12 : memref<128xi32, #tpu.memory_space<vmem>>) target_semaphore(%arg19 : memref<!tpu.dma_semaphore, #tpu.memory_space<semaphore_mem>>)
      %dma_wait3A_292 = arith.constant 0 : i32
      %dma_wait3A_293 = tpu.memref_slice %arg3[%dma_wait3A_292, %mul3A_4] : memref<2x320000xi32, #tpu.memory_space<hbm>> -> memref<1x128xi32, #tpu.memory_space<hbm>>
      %dma_wait3A_294 = tpu.memref_squeeze %dma_wait3A_293 : memref<1x128xi32, #tpu.memory_space<hbm>> -> memref<128xi32, #tpu.memory_space<hbm>>
      %dma_wait3A_295 = tpu.memref_slice %arg3[%dma_wait3A_292, %mul3A_4] : memref<2x320000xi32, #tpu.memory_space<hbm>> -> memref<1x128xi32, #tpu.memory_space<hbm>>
      %dma_wait3A_296 = tpu.memref_squeeze %dma_wait3A_295 : memref<1x128xi32, #tpu.memory_space<hbm>> -> memref<128xi32, #tpu.memory_space<hbm>>
      tpu.wait_dma2 semaphore(%arg18 : memref<!tpu.dma_semaphore, #tpu.memory_space<semaphore_mem>>) src(%dma_wait3A_296 : memref<128xi32, #tpu.memory_space<hbm>>) dst(%arg7 : memref<128xi32, #tpu.memory_space<vmem>>)
      %dma_wait3A_297 = arith.constant 1 : i32
      %dma_wait3A_298 = tpu.memref_slice %arg3[%dma_wait3A_297, %mul3A_4] : memref<2x320000xi32, #tpu.memory_space<hbm>> -> memref<1x128xi32, #tpu.memory_space<hbm>>
      %dma_wait3A_299 = tpu.memref_squeeze %dma_wait3A_298 : memref<1x128xi32, #tpu.memory_space<hbm>> -> memref<128xi32, #tpu.memory_space<hbm>>
      %dma_wait3A_300 = tpu.memref_slice %arg3[%dma_wait3A_297, %mul3A_4] : memref<2x320000xi32, #tpu.memory_space<hbm>> -> memref<1x128xi32, #tpu.memory_space<hbm>>
      %dma_wait3A_301 = tpu.memref_squeeze %dma_wait3A_300 : memref<1x128xi32, #tpu.memory_space<hbm>> -> memref<128xi32, #tpu.memory_space<hbm>>
      tpu.wait_dma2 semaphore(%arg18 : memref<!tpu.dma_semaphore, #tpu.memory_space<semaphore_mem>>) src(%dma_wait3A_301 : memref<128xi32, #tpu.memory_space<hbm>>) dst(%arg11 : memref<128xi32, #tpu.memory_space<vmem>>)
      %dma_start3A_302 = arith.constant 0 : i32
      %dma_start3A_303 = arith.constant 0 : i32
      %dma_start3A_304 = tpu.memref_slice %arg2[%dma_start3A_302, %dma_start3A_303] : memref<10000x128xf32, #tpu.memory_space<hbm>> -> memref<10000x128xf32, #tpu.memory_space<hbm>>
      tpu.enqueue_indirect_dma source(%dma_start3A_304 : memref<10000x128xf32, #tpu.memory_space<hbm>>) target(%arg15 : memref<128x128xf32, #tpu.memory_space<vmem>>) offsets(%arg7 : memref<128xi32, #tpu.memory_space<vmem>>) semaphore(%arg22 : memref<!tpu.dma_semaphore, #tpu.memory_space<semaphore_mem>>)
      %dma_wait3A_305 = arith.constant 0 : i32
      %dma_wait3A_306 = arith.constant 0 : i32
      %dma_wait3A_307 = tpu.memref_slice %arg2[%dma_wait3A_305, %dma_wait3A_306] : memref<10000x128xf32, #tpu.memory_space<hbm>> -> memref<10000x128xf32, #tpu.memory_space<hbm>>
      tpu.wait_indirect_dma semaphore(%arg21 : memref<!tpu.dma_semaphore, #tpu.memory_space<semaphore_mem>>) src(%dma_wait3A_307 : memref<10000x128xf32, #tpu.memory_space<hbm>>) dst(%arg14 : memref<128x128xf32, #tpu.memory_space<vmem>>)
      %dma_start3A_308 = arith.constant 0 : i32
      %dma_start3A_309 = arith.constant 0 : i32
      %dma_start3A_310 = tpu.memref_slice %arg16[%dma_start3A_308, %dma_start3A_309] : memref<10240x128xf32, #tpu.memory_space<vmem_shared>> -> memref<10240x128xf32, #tpu.memory_space<vmem_shared>>
      tpu.enqueue_indirect_dma source(%arg14 : memref<128x128xf32, #tpu.memory_space<vmem>>) target(%dma_start3A_310 : memref<10240x128xf32, #tpu.memory_space<vmem_shared>>) offsets(%arg10 : memref<128xi32, #tpu.memory_space<vmem>>) semaphore(%arg23 : memref<!tpu.dma_semaphore, #tpu.memory_space<semaphore_mem>>) {add = true}
      %mul3A_311 = arith.constant 4 : i32
      %mul3A_312 = arith.muli %while3A_184, %mul3A_311 : i32
      %add3A_313 = arith.constant 3 : i32
      %add3A_314 = arith.addi %mul3A_312, %add3A_313 : i32
      %dma_wait3A_315 = arith.constant 0 : i32
      %dma_wait3A_316 = arith.constant 0 : i32
      %dma_wait3A_317 = tpu.memref_slice %arg16[%dma_wait3A_315, %dma_wait3A_316] : memref<10240x128xf32, #tpu.memory_space<vmem_shared>> -> memref<10240x128xf32, #tpu.memory_space<vmem_shared>>
      tpu.wait_indirect_dma semaphore(%arg23 : memref<!tpu.dma_semaphore, #tpu.memory_space<semaphore_mem>>) src(%arg14 : memref<128x128xf32, #tpu.memory_space<vmem>>) dst(%dma_wait3A_317 : memref<10240x128xf32, #tpu.memory_space<vmem_shared>>)
      %mul3A_318 = arith.constant 128 : i32
      %mul3A_319 = arith.muli %add3A_314, %mul3A_318 : i32
      %add3A_320 = arith.addi %mul3A_4, %mul3A_319 : i32
      %dma_start3A_321 = arith.constant 0 : i32
      %dma_start3A_322 = tpu.memref_slice %arg3[%dma_start3A_321, %add3A_320] : memref<2x320000xi32, #tpu.memory_space<hbm>> -> memref<1x128xi32, #tpu.memory_space<hbm>>
      %dma_start3A_323 = tpu.memref_squeeze %dma_start3A_322 : memref<1x128xi32, #tpu.memory_space<hbm>> -> memref<128xi32, #tpu.memory_space<hbm>>
      %dma_start3A_324 = tpu.memref_slice %arg3[%dma_start3A_321, %add3A_320] : memref<2x320000xi32, #tpu.memory_space<hbm>> -> memref<1x128xi32, #tpu.memory_space<hbm>>
      %dma_start3A_325 = tpu.memref_squeeze %dma_start3A_324 : memref<1x128xi32, #tpu.memory_space<hbm>> -> memref<128xi32, #tpu.memory_space<hbm>>
      tpu.enqueue_dma source(%dma_start3A_325 : memref<128xi32, #tpu.memory_space<hbm>>) target(%arg9 : memref<128xi32, #tpu.memory_space<vmem>>) target_semaphore(%arg20 : memref<!tpu.dma_semaphore, #tpu.memory_space<semaphore_mem>>)
      %mul3A_326 = arith.constant 128 : i32
      %mul3A_327 = arith.muli %add3A_314, %mul3A_326 : i32
      %add3A_328 = arith.addi %mul3A_4, %mul3A_327 : i32
      %dma_start3A_329 = arith.constant 1 : i32
      %dma_start3A_330 = tpu.memref_slice %arg3[%dma_start3A_329, %add3A_328] : memref<2x320000xi32, #tpu.memory_space<hbm>> -> memref<1x128xi32, #tpu.memory_space<hbm>>
      %dma_start3A_331 = tpu.memref_squeeze %dma_start3A_330 : memref<1x128xi32, #tpu.memory_space<hbm>> -> memref<128xi32, #tpu.memory_space<hbm>>
      %dma_start3A_332 = tpu.memref_slice %arg3[%dma_start3A_329, %add3A_328] : memref<2x320000xi32, #tpu.memory_space<hbm>> -> memref<1x128xi32, #tpu.memory_space<hbm>>
      %dma_start3A_333 = tpu.memref_squeeze %dma_start3A_332 : memref<1x128xi32, #tpu.memory_space<hbm>> -> memref<128xi32, #tpu.memory_space<hbm>>
      tpu.enqueue_dma source(%dma_start3A_333 : memref<128xi32, #tpu.memory_space<hbm>>) target(%arg13 : memref<128xi32, #tpu.memory_space<vmem>>) target_semaphore(%arg20 : memref<!tpu.dma_semaphore, #tpu.memory_space<semaphore_mem>>)
      %dma_wait3A_334 = arith.constant 0 : i32
      %dma_wait3A_335 = tpu.memref_slice %arg3[%dma_wait3A_334, %mul3A_4] : memref<2x320000xi32, #tpu.memory_space<hbm>> -> memref<1x128xi32, #tpu.memory_space<hbm>>
      %dma_wait3A_336 = tpu.memref_squeeze %dma_wait3A_335 : memref<1x128xi32, #tpu.memory_space<hbm>> -> memref<128xi32, #tpu.memory_space<hbm>>
      %dma_wait3A_337 = tpu.memref_slice %arg3[%dma_wait3A_334, %mul3A_4] : memref<2x320000xi32, #tpu.memory_space<hbm>> -> memref<1x128xi32, #tpu.memory_space<hbm>>
      %dma_wait3A_338 = tpu.memref_squeeze %dma_wait3A_337 : memref<1x128xi32, #tpu.memory_space<hbm>> -> memref<128xi32, #tpu.memory_space<hbm>>
      tpu.wait_dma2 semaphore(%arg19 : memref<!tpu.dma_semaphore, #tpu.memory_space<semaphore_mem>>) src(%dma_wait3A_338 : memref<128xi32, #tpu.memory_space<hbm>>) dst(%arg8 : memref<128xi32, #tpu.memory_space<vmem>>)
      %dma_wait3A_339 = arith.constant 1 : i32
      %dma_wait3A_340 = tpu.memref_slice %arg3[%dma_wait3A_339, %mul3A_4] : memref<2x320000xi32, #tpu.memory_space<hbm>> -> memref<1x128xi32, #tpu.memory_space<hbm>>
      %dma_wait3A_341 = tpu.memref_squeeze %dma_wait3A_340 : memref<1x128xi32, #tpu.memory_space<hbm>> -> memref<128xi32, #tpu.memory_space<hbm>>
      %dma_wait3A_342 = tpu.memref_slice %arg3[%dma_wait3A_339, %mul3A_4] : memref<2x320000xi32, #tpu.memory_space<hbm>> -> memref<1x128xi32, #tpu.memory_space<hbm>>
      %dma_wait3A_343 = tpu.memref_squeeze %dma_wait3A_342 : memref<1x128xi32, #tpu.memory_space<hbm>> -> memref<128xi32, #tpu.memory_space<hbm>>
      tpu.wait_dma2 semaphore(%arg19 : memref<!tpu.dma_semaphore, #tpu.memory_space<semaphore_mem>>) src(%dma_wait3A_343 : memref<128xi32, #tpu.memory_space<hbm>>) dst(%arg12 : memref<128xi32, #tpu.memory_space<vmem>>)
      %dma_start3A_344 = arith.constant 0 : i32
      %dma_start3A_345 = arith.constant 0 : i32
      %dma_start3A_346 = tpu.memref_slice %arg2[%dma_start3A_344, %dma_start3A_345] : memref<10000x128xf32, #tpu.memory_space<hbm>> -> memref<10000x128xf32, #tpu.memory_space<hbm>>
      tpu.enqueue_indirect_dma source(%dma_start3A_346 : memref<10000x128xf32, #tpu.memory_space<hbm>>) target(%arg14 : memref<128x128xf32, #tpu.memory_space<vmem>>) offsets(%arg8 : memref<128xi32, #tpu.memory_space<vmem>>) semaphore(%arg21 : memref<!tpu.dma_semaphore, #tpu.memory_space<semaphore_mem>>)
      %dma_wait3A_347 = arith.constant 0 : i32
      %dma_wait3A_348 = arith.constant 0 : i32
      %dma_wait3A_349 = tpu.memref_slice %arg2[%dma_wait3A_347, %dma_wait3A_348] : memref<10000x128xf32, #tpu.memory_space<hbm>> -> memref<10000x128xf32, #tpu.memory_space<hbm>>
      tpu.wait_indirect_dma semaphore(%arg22 : memref<!tpu.dma_semaphore, #tpu.memory_space<semaphore_mem>>) src(%dma_wait3A_349 : memref<10000x128xf32, #tpu.memory_space<hbm>>) dst(%arg15 : memref<128x128xf32, #tpu.memory_space<vmem>>)
      %dma_start3A_350 = arith.constant 0 : i32
      %dma_start3A_351 = arith.constant 0 : i32
      %dma_start3A_352 = tpu.memref_slice %arg16[%dma_start3A_350, %dma_start3A_351] : memref<10240x128xf32, #tpu.memory_space<vmem_shared>> -> memref<10240x128xf32, #tpu.memory_space<vmem_shared>>
      tpu.enqueue_indirect_dma source(%arg15 : memref<128x128xf32, #tpu.memory_space<vmem>>) target(%dma_start3A_352 : memref<10240x128xf32, #tpu.memory_space<vmem_shared>>) offsets(%arg11 : memref<128xi32, #tpu.memory_space<vmem>>) semaphore(%arg24 : memref<!tpu.dma_semaphore, #tpu.memory_space<semaphore_mem>>) {add = true}
    }
    %while3A_141 = arith.constant 1 : i32
    scf.for %while3A_184 = %while3A_139 to %while3A_135 step %while3A_141  : i32 {
      %mul3A_185 = arith.constant 4 : i32
      %mul3A_186 = arith.muli %while3A_184, %mul3A_185 : i32
      %add3A_187 = arith.constant 0 : i32
      %add3A_188 = arith.addi %mul3A_186, %add3A_187 : i32
      %dma_wait3A_189 = arith.constant 0 : i32
      %dma_wait3A_190 = arith.constant 0 : i32
      %dma_wait3A_191 = tpu.memref_slice %arg16[%dma_wait3A_189, %dma_wait3A_190] : memref<10240x128xf32, #tpu.memory_space<vmem_shared>> -> memref<10240x128xf32, #tpu.memory_space<vmem_shared>>
      tpu.wait_indirect_dma semaphore(%arg24 : memref<!tpu.dma_semaphore, #tpu.memory_space<semaphore_mem>>) src(%arg15 : memref<128x128xf32, #tpu.memory_space<vmem>>) dst(%dma_wait3A_191 : memref<10240x128xf32, #tpu.memory_space<vmem_shared>>)
      %mul3A_192 = arith.constant 128 : i32
      %mul3A_193 = arith.muli %add3A_188, %mul3A_192 : i32
      %add3A_194 = arith.addi %mul3A_4, %mul3A_193 : i32
      %dma_start3A_195 = arith.constant 0 : i32
      %dma_start3A_196 = tpu.memref_slice %arg3[%dma_start3A_195, %add3A_194] : memref<2x320000xi32, #tpu.memory_space<hbm>> -> memref<1x128xi32, #tpu.memory_space<hbm>>
      %dma_start3A_197 = tpu.memref_squeeze %dma_start3A_196 : memref<1x128xi32, #tpu.memory_space<hbm>> -> memref<128xi32, #tpu.memory_space<hbm>>
      %dma_start3A_198 = tpu.memref_slice %arg3[%dma_start3A_195, %add3A_194] : memref<2x320000xi32, #tpu.memory_space<hbm>> -> memref<1x128xi32, #tpu.memory_space<hbm>>
      %dma_start3A_199 = tpu.memref_squeeze %dma_start3A_198 : memref<1x128xi32, #tpu.memory_space<hbm>> -> memref<128xi32, #tpu.memory_space<hbm>>
      tpu.enqueue_dma source(%dma_start3A_199 : memref<128xi32, #tpu.memory_space<hbm>>) target(%arg6 : memref<128xi32, #tpu.memory_space<vmem>>) target_semaphore(%arg17 : memref<!tpu.dma_semaphore, #tpu.memory_space<semaphore_mem>>)
      %mul3A_200 = arith.constant 128 : i32
      %mul3A_201 = arith.muli %add3A_188, %mul3A_200 : i32
      %add3A_202 = arith.addi %mul3A_4, %mul3A_201 : i32
      %dma_start3A_203 = arith.constant 1 : i32
      %dma_start3A_204 = tpu.memref_slice %arg3[%dma_start3A_203, %add3A_202] : memref<2x320000xi32, #tpu.memory_space<hbm>> -> memref<1x128xi32, #tpu.memory_space<hbm>>
      %dma_start3A_205 = tpu.memref_squeeze %dma_start3A_204 : memref<1x128xi32, #tpu.memory_space<hbm>> -> memref<128xi32, #tpu.memory_space<hbm>>
      %dma_start3A_206 = tpu.memref_slice %arg3[%dma_start3A_203, %add3A_202] : memref<2x320000xi32, #tpu.memory_space<hbm>> -> memref<1x128xi32, #tpu.memory_space<hbm>>
      %dma_start3A_207 = tpu.memref_squeeze %dma_start3A_206 : memref<1x128xi32, #tpu.memory_space<hbm>> -> memref<128xi32, #tpu.memory_space<hbm>>
      tpu.enqueue_dma source(%dma_start3A_207 : memref<128xi32, #tpu.memory_space<hbm>>) target(%arg10 : memref<128xi32, #tpu.memory_space<vmem>>) target_semaphore(%arg17 : memref<!tpu.dma_semaphore, #tpu.memory_space<semaphore_mem>>)
      %dma_wait3A_208 = arith.constant 0 : i32
      %dma_wait3A_209 = tpu.memref_slice %arg3[%dma_wait3A_208, %mul3A_4] : memref<2x320000xi32, #tpu.memory_space<hbm>> -> memref<1x128xi32, #tpu.memory_space<hbm>>
      %dma_wait3A_210 = tpu.memref_squeeze %dma_wait3A_209 : memref<1x128xi32, #tpu.memory_space<hbm>> -> memref<128xi32, #tpu.memory_space<hbm>>
      %dma_wait3A_211 = tpu.memref_slice %arg3[%dma_wait3A_208, %mul3A_4] : memref<2x320000xi32, #tpu.memory_space<hbm>> -> memref<1x128xi32, #tpu.memory_space<hbm>>
      %dma_wait3A_212 = tpu.memref_squeeze %dma_wait3A_211 : memref<1x128xi32, #tpu.memory_space<hbm>> -> memref<128xi32, #tpu.memory_space<hbm>>
      tpu.wait_dma2 semaphore(%arg20 : memref<!tpu.dma_semaphore, #tpu.memory_space<semaphore_mem>>) src(%dma_wait3A_212 : memref<128xi32, #tpu.memory_space<hbm>>) dst(%arg9 : memref<128xi32, #tpu.memory_space<vmem>>)
      %dma_wait3A_213 = arith.constant 1 : i32
      %dma_wait3A_214 = tpu.memref_slice %arg3[%dma_wait3A_213, %mul3A_4] : memref<2x320000xi32, #tpu.memory_space<hbm>> -> memref<1x128xi32, #tpu.memory_space<hbm>>
      %dma_wait3A_215 = tpu.memref_squeeze %dma_wait3A_214 : memref<1x128xi32, #tpu.memory_space<hbm>> -> memref<128xi32, #tpu.memory_space<hbm>>
      %dma_wait3A_216 = tpu.memref_slice %arg3[%dma_wait3A_213, %mul3A_4] : memref<2x320000xi32, #tpu.memory_space<hbm>> -> memref<1x128xi32, #tpu.memory_space<hbm>>
      %dma_wait3A_217 = tpu.memref_squeeze %dma_wait3A_216 : memref<1x128xi32, #tpu.memory_space<hbm>> -> memref<128xi32, #tpu.memory_space<hbm>>
      tpu.wait_dma2 semaphore(%arg20 : memref<!tpu.dma_semaphore, #tpu.memory_space<semaphore_mem>>) src(%dma_wait3A_217 : memref<128xi32, #tpu.memory_space<hbm>>) dst(%arg13 : memref<128xi32, #tpu.memory_space<vmem>>)
      %dma_start3A_218 = arith.constant 0 : i32
      %dma_start3A_219 = arith.constant 0 : i32
      %dma_start3A_220 = tpu.memref_slice %arg2[%dma_start3A_218, %dma_start3A_219] : memref<10000x128xf32, #tpu.memory_space<hbm>> -> memref<10000x128xf32, #tpu.memory_space<hbm>>
      tpu.enqueue_indirect_dma source(%dma_start3A_220 : memref<10000x128xf32, #tpu.memory_space<hbm>>) target(%arg15 : memref<128x128xf32, #tpu.memory_space<vmem>>) offsets(%arg9 : memref<128xi32, #tpu.memory_space<vmem>>) semaphore(%arg22 : memref<!tpu.dma_semaphore, #tpu.memory_space<semaphore_mem>>)
      %dma_wait3A_221 = arith.constant 0 : i32
      %dma_wait3A_222 = arith.constant 0 : i32
      %dma_wait3A_223 = tpu.memref_slice %arg2[%dma_wait3A_221, %dma_wait3A_222] : memref<10000x128xf32, #tpu.memory_space<hbm>> -> memref<10000x128xf32, #tpu.memory_space<hbm>>
      tpu.wait_indirect_dma semaphore(%arg21 : memref<!tpu.dma_semaphore, #tpu.memory_space<semaphore_mem>>) src(%dma_wait3A_223 : memref<10000x128xf32, #tpu.memory_space<hbm>>) dst(%arg14 : memref<128x128xf32, #tpu.memory_space<vmem>>)
      %dma_start3A_224 = arith.constant 0 : i32
      %dma_start3A_225 = arith.constant 0 : i32
      %dma_start3A_226 = tpu.memref_slice %arg16[%dma_start3A_224, %dma_start3A_225] : memref<10240x128xf32, #tpu.memory_space<vmem_shared>> -> memref<10240x128xf32, #tpu.memory_space<vmem_shared>>
      tpu.enqueue_indirect_dma source(%arg14 : memref<128x128xf32, #tpu.memory_space<vmem>>) target(%dma_start3A_226 : memref<10240x128xf32, #tpu.memory_space<vmem_shared>>) offsets(%arg12 : memref<128xi32, #tpu.memory_space<vmem>>) semaphore(%arg23 : memref<!tpu.dma_semaphore, #tpu.memory_space<semaphore_mem>>) {add = true}
      %mul3A_227 = arith.constant 4 : i32
      %mul3A_228 = arith.muli %while3A_184, %mul3A_227 : i32
      %add3A_229 = arith.constant 1 : i32
      %add3A_230 = arith.addi %mul3A_228, %add3A_229 : i32
      %dma_wait3A_231 = arith.constant 0 : i32
      %dma_wait3A_232 = arith.constant 0 : i32
      %dma_wait3A_233 = tpu.memref_slice %arg16[%dma_wait3A_231, %dma_wait3A_232] : memref<10240x128xf32, #tpu.memory_space<vmem_shared>> -> memref<10240x128xf32, #tpu.memory_space<vmem_shared>>
      tpu.wait_indirect_dma semaphore(%arg23 : memref<!tpu.dma_semaphore, #tpu.memory_space<semaphore_mem>>) src(%arg14 : memref<128x128xf32, #tpu.memory_space<vmem>>) dst(%dma_wait3A_233 : memref<10240x128xf32, #tpu.memory_space<vmem_shared>>)
      %mul3A_234 = arith.constant 128 : i32
      %mul3A_235 = arith.muli %add3A_230, %mul3A_234 : i32
      %add3A_236 = arith.addi %mul3A_4, %mul3A_235 : i32
      %dma_start3A_237 = arith.constant 0 : i32
      %dma_start3A_238 = tpu.memref_slice %arg3[%dma_start3A_237, %add3A_236] : memref<2x320000xi32, #tpu.memory_space<hbm>> -> memref<1x128xi32, #tpu.memory_space<hbm>>
      %dma_start3A_239 = tpu.memref_squeeze %dma_start3A_238 : memref<1x128xi32, #tpu.memory_space<hbm>> -> memref<128xi32, #tpu.memory_space<hbm>>
      %dma_start3A_240 = tpu.memref_slice %arg3[%dma_start3A_237, %add3A_236] : memref<2x320000xi32, #tpu.memory_space<hbm>> -> memref<1x128xi32, #tpu.memory_space<hbm>>
      %dma_start3A_241 = tpu.memref_squeeze %dma_start3A_240 : memref<1x128xi32, #tpu.memory_space<hbm>> -> memref<128xi32, #tpu.memory_space<hbm>>
      tpu.enqueue_dma source(%dma_start3A_241 : memref<128xi32, #tpu.memory_space<hbm>>) target(%arg7 : memref<128xi32, #tpu.memory_space<vmem>>) target_semaphore(%arg18 : memref<!tpu.dma_semaphore, #tpu.memory_space<semaphore_mem>>)
      %mul3A_242 = arith.constant 128 : i32
      %mul3A_243 = arith.muli %add3A_230, %mul3A_242 : i32
      %add3A_244 = arith.addi %mul3A_4, %mul3A_243 : i32
      %dma_start3A_245 = arith.constant 1 : i32
      %dma_start3A_246 = tpu.memref_slice %arg3[%dma_start3A_245, %add3A_244] : memref<2x320000xi32, #tpu.memory_space<hbm>> -> memref<1x128xi32, #tpu.memory_space<hbm>>
      %dma_start3A_247 = tpu.memref_squeeze %dma_start3A_246 : memref<1x128xi32, #tpu.memory_space<hbm>> -> memref<128xi32, #tpu.memory_space<hbm>>
      %dma_start3A_248 = tpu.memref_slice %arg3[%dma_start3A_245, %add3A_244] : memref<2x320000xi32, #tpu.memory_space<hbm>> -> memref<1x128xi32, #tpu.memory_space<hbm>>
      %dma_start3A_249 = tpu.memref_squeeze %dma_start3A_248 : memref<1x128xi32, #tpu.memory_space<hbm>> -> memref<128xi32, #tpu.memory_space<hbm>>
      tpu.enqueue_dma source(%dma_start3A_249 : memref<128xi32, #tpu.memory_space<hbm>>) target(%arg11 : memref<128xi32, #tpu.memory_space<vmem>>) target_semaphore(%arg18 : memref<!tpu.dma_semaphore, #tpu.memory_space<semaphore_mem>>)
      %dma_wait3A_250 = arith.constant 0 : i32
      %dma_wait3A_251 = tpu.memref_slice %arg3[%dma_wait3A_250, %mul3A_4] : memref<2x320000xi32, #tpu.memory_space<hbm>> -> memref<1x128xi32, #tpu.memory_space<hbm>>
      %dma_wait3A_252 = tpu.memref_squeeze %dma_wait3A_251 : memref<1x128xi32, #tpu.memory_space<hbm>> -> memref<128xi32, #tpu.memory_space<hbm>>
      %dma_wait3A_253 = tpu.memref_slice %arg3[%dma_wait3A_250, %mul3A_4] : memref<2x320000xi32, #tpu.memory_space<hbm>> -> memref<1x128xi32, #tpu.memory_space<hbm>>
      %dma_wait3A_254 = tpu.memref_squeeze %dma_wait3A_253 : memref<1x128xi32, #tpu.memory_space<hbm>> -> memref<128xi32, #tpu.memory_space<hbm>>
      tpu.wait_dma2 semaphore(%arg17 : memref<!tpu.dma_semaphore, #tpu.memory_space<semaphore_mem>>) src(%dma_wait3A_254 : memref<128xi32, #tpu.memory_space<hbm>>) dst(%arg6 : memref<128xi32, #tpu.memory_space<vmem>>)
      %dma_wait3A_255 = arith.constant 1 : i32
      %dma_wait3A_256 = tpu.memref_slice %arg3[%dma_wait3A_255, %mul3A_4] : memref<2x320000xi32, #tpu.memory_space<hbm>> -> memref<1x128xi32, #tpu.memory_space<hbm>>
      %dma_wait3A_257 = tpu.memref_squeeze %dma_wait3A_256 : memref<1x128xi32, #tpu.memory_space<hbm>> -> memref<128xi32, #tpu.memory_space<hbm>>
      %dma_wait3A_258 = tpu.memref_slice %arg3[%dma_wait3A_255, %mul3A_4] : memref<2x320000xi32, #tpu.memory_space<hbm>> -> memref<1x128xi32, #tpu.memory_space<hbm>>
      %dma_wait3A_259 = tpu.memref_squeeze %dma_wait3A_258 : memref<1x128xi32, #tpu.memory_space<hbm>> -> memref<128xi32, #tpu.memory_space<hbm>>
      tpu.wait_dma2 semaphore(%arg17 : memref<!tpu.dma_semaphore, #tpu.memory_space<semaphore_mem>>) src(%dma_wait3A_259 : memref<128xi32, #tpu.memory_space<hbm>>) dst(%arg10 : memref<128xi32, #tpu.memory_space<vmem>>)
      %dma_start3A_260 = arith.constant 0 : i32
      %dma_start3A_261 = arith.constant 0 : i32
      %dma_start3A_262 = tpu.memref_slice %arg2[%dma_start3A_260, %dma_start3A_261] : memref<10000x128xf32, #tpu.memory_space<hbm>> -> memref<10000x128xf32, #tpu.memory_space<hbm>>
      tpu.enqueue_indirect_dma source(%dma_start3A_262 : memref<10000x128xf32, #tpu.memory_space<hbm>>) target(%arg14 : memref<128x128xf32, #tpu.memory_space<vmem>>) offsets(%arg6 : memref<128xi32, #tpu.memory_space<vmem>>) semaphore(%arg21 : memref<!tpu.dma_semaphore, #tpu.memory_space<semaphore_mem>>)
      %dma_wait3A_263 = arith.constant 0 : i32
      %dma_wait3A_264 = arith.constant 0 : i32
      %dma_wait3A_265 = tpu.memref_slice %arg2[%dma_wait3A_263, %dma_wait3A_264] : memref<10000x128xf32, #tpu.memory_space<hbm>> -> memref<10000x128xf32, #tpu.memory_space<hbm>>
      tpu.wait_indirect_dma semaphore(%arg22 : memref<!tpu.dma_semaphore, #tpu.memory_space<semaphore_mem>>) src(%dma_wait3A_265 : memref<10000x128xf32, #tpu.memory_space<hbm>>) dst(%arg15 : memref<128x128xf32, #tpu.memory_space<vmem>>)
      %dma_start3A_266 = arith.constant 0 : i32
      %dma_start3A_267 = arith.constant 0 : i32
      %dma_start3A_268 = tpu.memref_slice %arg16[%dma_start3A_266, %dma_start3A_267] : memref<10240x128xf32, #tpu.memory_space<vmem_shared>> -> memref<10240x128xf32, #tpu.memory_space<vmem_shared>>
      tpu.enqueue_indirect_dma source(%arg15 : memref<128x128xf32, #tpu.memory_space<vmem>>) target(%dma_start3A_268 : memref<10240x128xf32, #tpu.memory_space<vmem_shared>>) offsets(%arg13 : memref<128xi32, #tpu.memory_space<vmem>>) semaphore(%arg24 : memref<!tpu.dma_semaphore, #tpu.memory_space<semaphore_mem>>) {add = true}
      %mul3A_269 = arith.constant 4 : i32
      %mul3A_270 = arith.muli %while3A_184, %mul3A_269 : i32
      %add3A_271 = arith.constant 2 : i32
      %add3A_272 = arith.addi %mul3A_270, %add3A_271 : i32
      %dma_wait3A_273 = arith.constant 0 : i32
      %dma_wait3A_274 = arith.constant 0 : i32
      %dma_wait3A_275 = tpu.memref_slice %arg16[%dma_wait3A_273, %dma_wait3A_274] : memref<10240x128xf32, #tpu.memory_space<vmem_shared>> -> memref<10240x128xf32, #tpu.memory_space<vmem_shared>>
      tpu.wait_indirect_dma semaphore(%arg24 : memref<!tpu.dma_semaphore, #tpu.memory_space<semaphore_mem>>) src(%arg15 : memref<128x128xf32, #tpu.memory_space<vmem>>) dst(%dma_wait3A_275 : memref<10240x128xf32, #tpu.memory_space<vmem_shared>>)
      %mul3A_276 = arith.constant 128 : i32
      %mul3A_277 = arith.muli %add3A_272, %mul3A_276 : i32
      %add3A_278 = arith.addi %mul3A_4, %mul3A_277 : i32
      %dma_start3A_279 = arith.constant 0 : i32
      %dma_start3A_280 = tpu.memref_slice %arg3[%dma_start3A_279, %add3A_278] : memref<2x320000xi32, #tpu.memory_space<hbm>> -> memref<1x128xi32, #tpu.memory_space<hbm>>
      %dma_start3A_281 = tpu.memref_squeeze %dma_start3A_280 : memref<1x128xi32, #tpu.memory_space<hbm>> -> memref<128xi32, #tpu.memory_space<hbm>>
      %dma_start3A_282 = tpu.memref_slice %arg3[%dma_start3A_279, %add3A_278] : memref<2x320000xi32, #tpu.memory_space<hbm>> -> memref<1x128xi32, #tpu.memory_space<hbm>>
      %dma_start3A_283 = tpu.memref_squeeze %dma_start3A_282 : memref<1x128xi32, #tpu.memory_space<hbm>> -> memref<128xi32, #tpu.memory_space<hbm>>
      tpu.enqueue_dma source(%dma_start3A_283 : memref<128xi32, #tpu.memory_space<hbm>>) target(%arg8 : memref<128xi32, #tpu.memory_space<vmem>>) target_semaphore(%arg19 : memref<!tpu.dma_semaphore, #tpu.memory_space<semaphore_mem>>)
      %mul3A_284 = arith.constant 128 : i32
      %mul3A_285 = arith.muli %add3A_272, %mul3A_284 : i32
      %add3A_286 = arith.addi %mul3A_4, %mul3A_285 : i32
      %dma_start3A_287 = arith.constant 1 : i32
      %dma_start3A_288 = tpu.memref_slice %arg3[%dma_start3A_287, %add3A_286] : memref<2x320000xi32, #tpu.memory_space<hbm>> -> memref<1x128xi32, #tpu.memory_space<hbm>>
      %dma_start3A_289 = tpu.memref_squeeze %dma_start3A_288 : memref<1x128xi32, #tpu.memory_space<hbm>> -> memref<128xi32, #tpu.memory_space<hbm>>
      %dma_start3A_290 = tpu.memref_slice %arg3[%dma_start3A_287, %add3A_286] : memref<2x320000xi32, #tpu.memory_space<hbm>> -> memref<1x128xi32, #tpu.memory_space<hbm>>
      %dma_start3A_291 = tpu.memref_squeeze %dma_start3A_290 : memref<1x128xi32, #tpu.memory_space<hbm>> -> memref<128xi32, #tpu.memory_space<hbm>>
      tpu.enqueue_dma source(%dma_start3A_291 : memref<128xi32, #tpu.memory_space<hbm>>) target(%arg12 : memref<128xi32, #tpu.memory_space<vmem>>) target_semaphore(%arg19 : memref<!tpu.dma_semaphore, #tpu.memory_space<semaphore_mem>>)
      %dma_wait3A_292 = arith.constant 0 : i32
      %dma_wait3A_293 = tpu.memref_slice %arg3[%dma_wait3A_292, %mul3A_4] : memref<2x320000xi32, #tpu.memory_space<hbm>> -> memref<1x128xi32, #tpu.memory_space<hbm>>
      %dma_wait3A_294 = tpu.memref_squeeze %dma_wait3A_293 : memref<1x128xi32, #tpu.memory_space<hbm>> -> memref<128xi32, #tpu.memory_space<hbm>>
      %dma_wait3A_295 = tpu.memref_slice %arg3[%dma_wait3A_292, %mul3A_4] : memref<2x320000xi32, #tpu.memory_space<hbm>> -> memref<1x128xi32, #tpu.memory_space<hbm>>
      %dma_wait3A_296 = tpu.memref_squeeze %dma_wait3A_295 : memref<1x128xi32, #tpu.memory_space<hbm>> -> memref<128xi32, #tpu.memory_space<hbm>>
      tpu.wait_dma2 semaphore(%arg18 : memref<!tpu.dma_semaphore, #tpu.memory_space<semaphore_mem>>) src(%dma_wait3A_296 : memref<128xi32, #tpu.memory_space<hbm>>) dst(%arg7 : memref<128xi32, #tpu.memory_space<vmem>>)
      %dma_wait3A_297 = arith.constant 1 : i32
      %dma_wait3A_298 = tpu.memref_slice %arg3[%dma_wait3A_297, %mul3A_4] : memref<2x320000xi32, #tpu.memory_space<hbm>> -> memref<1x128xi32, #tpu.memory_space<hbm>>
      %dma_wait3A_299 = tpu.memref_squeeze %dma_wait3A_298 : memref<1x128xi32, #tpu.memory_space<hbm>> -> memref<128xi32, #tpu.memory_space<hbm>>
      %dma_wait3A_300 = tpu.memref_slice %arg3[%dma_wait3A_297, %mul3A_4] : memref<2x320000xi32, #tpu.memory_space<hbm>> -> memref<1x128xi32, #tpu.memory_space<hbm>>
      %dma_wait3A_301 = tpu.memref_squeeze %dma_wait3A_300 : memref<1x128xi32, #tpu.memory_space<hbm>> -> memref<128xi32, #tpu.memory_space<hbm>>
      tpu.wait_dma2 semaphore(%arg18 : memref<!tpu.dma_semaphore, #tpu.memory_space<semaphore_mem>>) src(%dma_wait3A_301 : memref<128xi32, #tpu.memory_space<hbm>>) dst(%arg11 : memref<128xi32, #tpu.memory_space<vmem>>)
      %dma_start3A_302 = arith.constant 0 : i32
      %dma_start3A_303 = arith.constant 0 : i32
      %dma_start3A_304 = tpu.memref_slice %arg2[%dma_start3A_302, %dma_start3A_303] : memref<10000x128xf32, #tpu.memory_space<hbm>> -> memref<10000x128xf32, #tpu.memory_space<hbm>>
      tpu.enqueue_indirect_dma source(%dma_start3A_304 : memref<10000x128xf32, #tpu.memory_space<hbm>>) target(%arg15 : memref<128x128xf32, #tpu.memory_space<vmem>>) offsets(%arg7 : memref<128xi32, #tpu.memory_space<vmem>>) semaphore(%arg22 : memref<!tpu.dma_semaphore, #tpu.memory_space<semaphore_mem>>)
      %dma_wait3A_305 = arith.constant 0 : i32
      %dma_wait3A_306 = arith.constant 0 : i32
      %dma_wait3A_307 = tpu.memref_slice %arg2[%dma_wait3A_305, %dma_wait3A_306] : memref<10000x128xf32, #tpu.memory_space<hbm>> -> memref<10000x128xf32, #tpu.memory_space<hbm>>
      tpu.wait_indirect_dma semaphore(%arg21 : memref<!tpu.dma_semaphore, #tpu.memory_space<semaphore_mem>>) src(%dma_wait3A_307 : memref<10000x128xf32, #tpu.memory_space<hbm>>) dst(%arg14 : memref<128x128xf32, #tpu.memory_space<vmem>>)
      %dma_start3A_308 = arith.constant 0 : i32
      %dma_start3A_309 = arith.constant 0 : i32
      %dma_start3A_310 = tpu.memref_slice %arg16[%dma_start3A_308, %dma_start3A_309] : memref<10240x128xf32, #tpu.memory_space<vmem_shared>> -> memref<10240x128xf32, #tpu.memory_space<vmem_shared>>
      tpu.enqueue_indirect_dma source(%arg14 : memref<128x128xf32, #tpu.memory_space<vmem>>) target(%dma_start3A_310 : memref<10240x128xf32, #tpu.memory_space<vmem_shared>>) offsets(%arg10 : memref<128xi32, #tpu.memory_space<vmem>>) semaphore(%arg23 : memref<!tpu.dma_semaphore, #tpu.memory_space<semaphore_mem>>) {add = true}
      %mul3A_311 = arith.constant 4 : i32
      %mul3A_312 = arith.muli %while3A_184, %mul3A_311 : i32
      %add3A_313 = arith.constant 3 : i32
      %add3A_314 = arith.addi %mul3A_312, %add3A_313 : i32
      %dma_wait3A_315 = arith.constant 0 : i32
      %dma_wait3A_316 = arith.constant 0 : i32
      %dma_wait3A_317 = tpu.memref_slice %arg16[%dma_wait3A_315, %dma_wait3A_316] : memref<10240x128xf32, #tpu.memory_space<vmem_shared>> -> memref<10240x128xf32, #tpu.memory_space<vmem_shared>>
      tpu.wait_indirect_dma semaphore(%arg23 : memref<!tpu.dma_semaphore, #tpu.memory_space<semaphore_mem>>) src(%arg14 : memref<128x128xf32, #tpu.memory_space<vmem>>) dst(%dma_wait3A_317 : memref<10240x128xf32, #tpu.memory_space<vmem_shared>>)
      %mul3A_318 = arith.constant 128 : i32
      %mul3A_319 = arith.muli %add3A_314, %mul3A_318 : i32
      %add3A_320 = arith.addi %mul3A_4, %mul3A_319 : i32
      %dma_start3A_321 = arith.constant 0 : i32
      %dma_start3A_322 = tpu.memref_slice %arg3[%dma_start3A_321, %add3A_320] : memref<2x320000xi32, #tpu.memory_space<hbm>> -> memref<1x128xi32, #tpu.memory_space<hbm>>
      %dma_start3A_323 = tpu.memref_squeeze %dma_start3A_322 : memref<1x128xi32, #tpu.memory_space<hbm>> -> memref<128xi32, #tpu.memory_space<hbm>>
      %dma_start3A_324 = tpu.memref_slice %arg3[%dma_start3A_321, %add3A_320] : memref<2x320000xi32, #tpu.memory_space<hbm>> -> memref<1x128xi32, #tpu.memory_space<hbm>>
      %dma_start3A_325 = tpu.memref_squeeze %dma_start3A_324 : memref<1x128xi32, #tpu.memory_space<hbm>> -> memref<128xi32, #tpu.memory_space<hbm>>
      tpu.enqueue_dma source(%dma_start3A_325 : memref<128xi32, #tpu.memory_space<hbm>>) target(%arg9 : memref<128xi32, #tpu.memory_space<vmem>>) target_semaphore(%arg20 : memref<!tpu.dma_semaphore, #tpu.memory_space<semaphore_mem>>)
      %mul3A_326 = arith.constant 128 : i32
      %mul3A_327 = arith.muli %add3A_314, %mul3A_326 : i32
      %add3A_328 = arith.addi %mul3A_4, %mul3A_327 : i32
      %dma_start3A_329 = arith.constant 1 : i32
      %dma_start3A_330 = tpu.memref_slice %arg3[%dma_start3A_329, %add3A_328] : memref<2x320000xi32, #tpu.memory_space<hbm>> -> memref<1x128xi32, #tpu.memory_space<hbm>>
      %dma_start3A_331 = tpu.memref_squeeze %dma_start3A_330 : memref<1x128xi32, #tpu.memory_space<hbm>> -> memref<128xi32, #tpu.memory_space<hbm>>
      %dma_start3A_332 = tpu.memref_slice %arg3[%dma_start3A_329, %add3A_328] : memref<2x320000xi32, #tpu.memory_space<hbm>> -> memref<1x128xi32, #tpu.memory_space<hbm>>
      %dma_start3A_333 = tpu.memref_squeeze %dma_start3A_332 : memref<1x128xi32, #tpu.memory_space<hbm>> -> memref<128xi32, #tpu.memory_space<hbm>>
      tpu.enqueue_dma source(%dma_start3A_333 : memref<128xi32, #tpu.memory_space<hbm>>) target(%arg13 : memref<128xi32, #tpu.memory_space<vmem>>) target_semaphore(%arg20 : memref<!tpu.dma_semaphore, #tpu.memory_space<semaphore_mem>>)
      %dma_wait3A_334 = arith.constant 0 : i32
      %dma_wait3A_335 = tpu.memref_slice %arg3[%dma_wait3A_334, %mul3A_4] : memref<2x320000xi32, #tpu.memory_space<hbm>> -> memref<1x128xi32, #tpu.memory_space<hbm>>
      %dma_wait3A_336 = tpu.memref_squeeze %dma_wait3A_335 : memref<1x128xi32, #tpu.memory_space<hbm>> -> memref<128xi32, #tpu.memory_space<hbm>>
      %dma_wait3A_337 = tpu.memref_slice %arg3[%dma_wait3A_334, %mul3A_4] : memref<2x320000xi32, #tpu.memory_space<hbm>> -> memref<1x128xi32, #tpu.memory_space<hbm>>
      %dma_wait3A_338 = tpu.memref_squeeze %dma_wait3A_337 : memref<1x128xi32, #tpu.memory_space<hbm>> -> memref<128xi32, #tpu.memory_space<hbm>>
      tpu.wait_dma2 semaphore(%arg19 : memref<!tpu.dma_semaphore, #tpu.memory_space<semaphore_mem>>) src(%dma_wait3A_338 : memref<128xi32, #tpu.memory_space<hbm>>) dst(%arg8 : memref<128xi32, #tpu.memory_space<vmem>>)
      %dma_wait3A_339 = arith.constant 1 : i32
      %dma_wait3A_340 = tpu.memref_slice %arg3[%dma_wait3A_339, %mul3A_4] : memref<2x320000xi32, #tpu.memory_space<hbm>> -> memref<1x128xi32, #tpu.memory_space<hbm>>
      %dma_wait3A_341 = tpu.memref_squeeze %dma_wait3A_340 : memref<1x128xi32, #tpu.memory_space<hbm>> -> memref<128xi32, #tpu.memory_space<hbm>>
      %dma_wait3A_342 = tpu.memref_slice %arg3[%dma_wait3A_339, %mul3A_4] : memref<2x320000xi32, #tpu.memory_space<hbm>> -> memref<1x128xi32, #tpu.memory_space<hbm>>
      %dma_wait3A_343 = tpu.memref_squeeze %dma_wait3A_342 : memref<1x128xi32, #tpu.memory_space<hbm>> -> memref<128xi32, #tpu.memory_space<hbm>>
      tpu.wait_dma2 semaphore(%arg19 : memref<!tpu.dma_semaphore, #tpu.memory_space<semaphore_mem>>) src(%dma_wait3A_343 : memref<128xi32, #tpu.memory_space<hbm>>) dst(%arg12 : memref<128xi32, #tpu.memory_space<vmem>>)
      %dma_start3A_344 = arith.constant 0 : i32
      %dma_start3A_345 = arith.constant 0 : i32
      %dma_start3A_346 = tpu.memref_slice %arg2[%dma_start3A_344, %dma_start3A_345] : memref<10000x128xf32, #tpu.memory_space<hbm>> -> memref<10000x128xf32, #tpu.memory_space<hbm>>
      tpu.enqueue_indirect_dma source(%dma_start3A_346 : memref<10000x128xf32, #tpu.memory_space<hbm>>) target(%arg14 : memref<128x128xf32, #tpu.memory_space<vmem>>) offsets(%arg8 : memref<128xi32, #tpu.memory_space<vmem>>) semaphore(%arg21 : memref<!tpu.dma_semaphore, #tpu.memory_space<semaphore_mem>>)
      %dma_wait3A_347 = arith.constant 0 : i32
      %dma_wait3A_348 = arith.constant 0 : i32
      %dma_wait3A_349 = tpu.memref_slice %arg2[%dma_wait3A_347, %dma_wait3A_348] : memref<10000x128xf32, #tpu.memory_space<hbm>> -> memref<10000x128xf32, #tpu.memory_space<hbm>>
      tpu.wait_indirect_dma semaphore(%arg22 : memref<!tpu.dma_semaphore, #tpu.memory_space<semaphore_mem>>) src(%dma_wait3A_349 : memref<10000x128xf32, #tpu.memory_space<hbm>>) dst(%arg15 : memref<128x128xf32, #tpu.memory_space<vmem>>)
      %dma_start3A_350 = arith.constant 0 : i32
      %dma_start3A_351 = arith.constant 0 : i32
      %dma_start3A_352 = tpu.memref_slice %arg16[%dma_start3A_350, %dma_start3A_351] : memref<10240x128xf32, #tpu.memory_space<vmem_shared>> -> memref<10240x128xf32, #tpu.memory_space<vmem_shared>>
      tpu.enqueue_indirect_dma source(%arg15 : memref<128x128xf32, #tpu.memory_space<vmem>>) target(%dma_start3A_352 : memref<10240x128xf32, #tpu.memory_space<vmem_shared>>) offsets(%arg11 : memref<128xi32, #tpu.memory_space<vmem>>) semaphore(%arg24 : memref<!tpu.dma_semaphore, #tpu.memory_space<semaphore_mem>>) {add = true}
    }
    %dma_wait3A_142 = arith.constant 0 : i32
    %dma_wait3A_143 = arith.constant 0 : i32
    %dma_wait3A_144 = tpu.memref_slice %arg16[%dma_wait3A_142, %dma_wait3A_143] : memref<10240x128xf32, #tpu.memory_space<vmem_shared>> -> memref<10240x128xf32, #tpu.memory_space<vmem_shared>>
    tpu.wait_indirect_dma semaphore(%arg24 : memref<!tpu.dma_semaphore, #tpu.memory_space<semaphore_mem>>) src(%arg15 : memref<128x128xf32, #tpu.memory_space<vmem>>) dst(%dma_wait3A_144 : memref<10240x128xf32, #tpu.memory_space<vmem_shared>>)
    %dma_wait3A_145 = arith.constant 0 : i32
    %dma_wait3A_146 = tpu.memref_slice %arg3[%dma_wait3A_145, %mul3A_4] : memref<2x320000xi32, #tpu.memory_space<hbm>> -> memref<1x128xi32, #tpu.memory_space<hbm>>
    %dma_wait3A_147 = tpu.memref_squeeze %dma_wait3A_146 : memref<1x128xi32, #tpu.memory_space<hbm>> -> memref<128xi32, #tpu.memory_space<hbm>>
    %dma_wait3A_148 = tpu.memref_slice %arg3[%dma_wait3A_145, %mul3A_4] : memref<2x320000xi32, #tpu.memory_space<hbm>> -> memref<1x128xi32, #tpu.memory_space<hbm>>
    %dma_wait3A_149 = tpu.memref_squeeze %dma_wait3A_148 : memref<1x128xi32, #tpu.memory_space<hbm>> -> memref<128xi32, #tpu.memory_space<hbm>>
    tpu.wait_dma2 semaphore(%arg20 : memref<!tpu.dma_semaphore, #tpu.memory_space<semaphore_mem>>) src(%dma_wait3A_149 : memref<128xi32, #tpu.memory_space<hbm>>) dst(%arg9 : memref<128xi32, #tpu.memory_space<vmem>>)
    %dma_wait3A_150 = arith.constant 1 : i32
    %dma_wait3A_151 = tpu.memref_slice %arg3[%dma_wait3A_150, %mul3A_4] : memref<2x320000xi32, #tpu.memory_space<hbm>> -> memref<1x128xi32, #tpu.memory_space<hbm>>
    %dma_wait3A_152 = tpu.memref_squeeze %dma_wait3A_151 : memref<1x128xi32, #tpu.memory_space<hbm>> -> memref<128xi32, #tpu.memory_space<hbm>>
    %dma_wait3A_153 = tpu.memref_slice %arg3[%dma_wait3A_150, %mul3A_4] : memref<2x320000xi32, #tpu.memory_space<hbm>> -> memref<1x128xi32, #tpu.memory_space<hbm>>
    %dma_wait3A_154 = tpu.memref_squeeze %dma_wait3A_153 : memref<1x128xi32, #tpu.memory_space<hbm>> -> memref<128xi32, #tpu.memory_space<hbm>>
    tpu.wait_dma2 semaphore(%arg20 : memref<!tpu.dma_semaphore, #tpu.memory_space<semaphore_mem>>) src(%dma_wait3A_154 : memref<128xi32, #tpu.memory_space<hbm>>) dst(%arg13 : memref<128xi32, #tpu.memory_space<vmem>>)
    %dma_start3A_155 = arith.constant 0 : i32
    %dma_start3A_156 = arith.constant 0 : i32
    %dma_start3A_157 = tpu.memref_slice %arg2[%dma_start3A_155, %dma_start3A_156] : memref<10000x128xf32, #tpu.memory_space<hbm>> -> memref<10000x128xf32, #tpu.memory_space<hbm>>
    tpu.enqueue_indirect_dma source(%dma_start3A_157 : memref<10000x128xf32, #tpu.memory_space<hbm>>) target(%arg15 : memref<128x128xf32, #tpu.memory_space<vmem>>) offsets(%arg9 : memref<128xi32, #tpu.memory_space<vmem>>) semaphore(%arg22 : memref<!tpu.dma_semaphore, #tpu.memory_space<semaphore_mem>>)
    %dma_wait3A_158 = arith.constant 0 : i32
    %dma_wait3A_159 = arith.constant 0 : i32
    %dma_wait3A_160 = tpu.memref_slice %arg2[%dma_wait3A_158, %dma_wait3A_159] : memref<10000x128xf32, #tpu.memory_space<hbm>> -> memref<10000x128xf32, #tpu.memory_space<hbm>>
    tpu.wait_indirect_dma semaphore(%arg21 : memref<!tpu.dma_semaphore, #tpu.memory_space<semaphore_mem>>) src(%dma_wait3A_160 : memref<10000x128xf32, #tpu.memory_space<hbm>>) dst(%arg14 : memref<128x128xf32, #tpu.memory_space<vmem>>)
    %dma_start3A_161 = arith.constant 0 : i32
    %dma_start3A_162 = arith.constant 0 : i32
    %dma_start3A_163 = tpu.memref_slice %arg16[%dma_start3A_161, %dma_start3A_162] : memref<10240x128xf32, #tpu.memory_space<vmem_shared>> -> memref<10240x128xf32, #tpu.memory_space<vmem_shared>>
    tpu.enqueue_indirect_dma source(%arg14 : memref<128x128xf32, #tpu.memory_space<vmem>>) target(%dma_start3A_163 : memref<10240x128xf32, #tpu.memory_space<vmem_shared>>) offsets(%arg12 : memref<128xi32, #tpu.memory_space<vmem>>) semaphore(%arg23 : memref<!tpu.dma_semaphore, #tpu.memory_space<semaphore_mem>>) {add = true}
    %dma_wait3A_164 = arith.constant 0 : i32
    %dma_wait3A_165 = arith.constant 0 : i32
    %dma_wait3A_166 = tpu.memref_slice %arg2[%dma_wait3A_164, %dma_wait3A_165] : memref<10000x128xf32, #tpu.memory_space<hbm>> -> memref<10000x128xf32, #tpu.memory_space<hbm>>
    tpu.wait_indirect_dma semaphore(%arg22 : memref<!tpu.dma_semaphore, #tpu.memory_space<semaphore_mem>>) src(%dma_wait3A_166 : memref<10000x128xf32, #tpu.memory_space<hbm>>) dst(%arg15 : memref<128x128xf32, #tpu.memory_space<vmem>>)
    %dma_start3A_167 = arith.constant 0 : i32
    %dma_start3A_168 = arith.constant 0 : i32
    %dma_start3A_169 = tpu.memref_slice %arg16[%dma_start3A_167, %dma_start3A_168] : memref<10240x128xf32, #tpu.memory_space<vmem_shared>> -> memref<10240x128xf32, #tpu.memory_space<vmem_shared>>
    tpu.enqueue_indirect_dma source(%arg15 : memref<128x128xf32, #tpu.memory_space<vmem>>) target(%dma_start3A_169 : memref<10240x128xf32, #tpu.memory_space<vmem_shared>>) offsets(%arg13 : memref<128xi32, #tpu.memory_space<vmem>>) semaphore(%arg24 : memref<!tpu.dma_semaphore, #tpu.memory_space<semaphore_mem>>) {add = true}
    %dma_wait3A_170 = arith.constant 0 : i32
    %dma_wait3A_171 = arith.constant 0 : i32
    %dma_wait3A_172 = tpu.memref_slice %arg16[%dma_wait3A_170, %dma_wait3A_171] : memref<10240x128xf32, #tpu.memory_space<vmem_shared>> -> memref<10240x128xf32, #tpu.memory_space<vmem_shared>>
    tpu.wait_indirect_dma semaphore(%arg23 : memref<!tpu.dma_semaphore, #tpu.memory_space<semaphore_mem>>) src(%arg14 : memref<128x128xf32, #tpu.memory_space<vmem>>) dst(%dma_wait3A_172 : memref<10240x128xf32, #tpu.memory_space<vmem_shared>>)
    %dma_wait3A_173 = arith.constant 0 : i32
    %dma_wait3A_174 = arith.constant 0 : i32
    %dma_wait3A_175 = tpu.memref_slice %arg16[%dma_wait3A_173, %dma_wait3A_174] : memref<10240x128xf32, #tpu.memory_space<vmem_shared>> -> memref<10240x128xf32, #tpu.memory_space<vmem_shared>>
    tpu.wait_indirect_dma semaphore(%arg24 : memref<!tpu.dma_semaphore, #tpu.memory_space<semaphore_mem>>) src(%arg15 : memref<128x128xf32, #tpu.memory_space<vmem>>) dst(%dma_wait3A_175 : memref<10240x128xf32, #tpu.memory_space<vmem_shared>>)
    %barrier3A_176 = arith.constant 0 : index
    tpu.barrier barrier_id(%barrier3A_176)
    %mul3A_177 = arith.constant 640 : i32
    %mul3A_178 = arith.muli %arg1, %mul3A_177 : i32
    %mul3A_179 = arith.constant 10240 : i32
    %mul3A_180 = arith.muli %arg0, %mul3A_179 : i32
    %mul3A_181 = arith.constant 640 : i32
    %mul3A_182 = arith.muli %arg1, %mul3A_181 : i32
    %add3A_183 = arith.addi %mul3A_180, %mul3A_182 : i32
    "tpu.region"() ({
      %run_scoped3A = tpu.sem_alloc : memref<!tpu.dma_semaphore, #tpu.memory_space<semaphore_mem>>
      %dma_start3A_184 = arith.constant 0 : i32
      %dma_start3A_185 = tpu.memref_slice %arg5[%add3A_183, %dma_start3A_184] : memref<20480x128xf32, #tpu.memory_space<hbm>> -> memref<640x128xf32, #tpu.memory_space<hbm>>
      %dma_start3A_186 = arith.constant 0 : i32
      %dma_start3A_187 = tpu.memref_slice %arg16[%mul3A_178, %dma_start3A_186] : memref<10240x128xf32, #tpu.memory_space<vmem_shared>> -> memref<640x128xf32, #tpu.memory_space<vmem_shared>>
      tpu.enqueue_dma source(%dma_start3A_187 : memref<640x128xf32, #tpu.memory_space<vmem_shared>>) target(%dma_start3A_185 : memref<640x128xf32, #tpu.memory_space<hbm>>) target_semaphore(%run_scoped3A : memref<!tpu.dma_semaphore, #tpu.memory_space<semaphore_mem>>)
      %dma_wait3A_188 = arith.constant 0 : i32
      %dma_wait3A_189 = tpu.memref_slice %arg5[%add3A_183, %dma_wait3A_188] : memref<20480x128xf32, #tpu.memory_space<hbm>> -> memref<640x128xf32, #tpu.memory_space<hbm>>
      %dma_wait3A_190 = arith.constant 0 : i32
      %dma_wait3A_191 = tpu.memref_slice %arg16[%mul3A_178, %dma_wait3A_190] : memref<10240x128xf32, #tpu.memory_space<vmem_shared>> -> memref<640x128xf32, #tpu.memory_space<vmem_shared>>
      tpu.wait_dma2 semaphore(%run_scoped3A : memref<!tpu.dma_semaphore, #tpu.memory_space<semaphore_mem>>) src(%dma_wait3A_191 : memref<640x128xf32, #tpu.memory_space<vmem_shared>>) dst(%dma_wait3A_189 : memref<640x128xf32, #tpu.memory_space<hbm>>)
      tpu.yield
    }) : () -> ()
    return
  }
}

module attributes {stable_mosaic.version = 14 : i64} {
  func.func @_k3_body(%arg0: i32, %arg1: memref<1024xf32, #tpu.memory_space<vmem>>, %arg2: memref<1024xf32, #tpu.memory_space<vmem>>, %arg3: memref<1024x128xf32, #tpu.memory_space<vmem>>, %arg4: memref<1024x128xf32, #tpu.memory_space<vmem>>, %arg5: memref<1024x128xf32, #tpu.memory_space<vmem>>, %arg6: memref<128xf32, #tpu.memory_space<vmem>>, %arg7: memref<1024x128xf32, #tpu.memory_space<vmem>>) attributes {dimension_semantics = [#tpu.dimension_semantics<arbitrary>], iteration_bounds = array<i64: 10>, scalar_prefetch = 0 : i64, scratch_operands = 0 : i64, tpu.core_type = #tpu.core_type<tc>, window_params = [{transform_indices = @transform_0, window_bounds = array<i64: 1024>}, {transform_indices = @transform_1, window_bounds = array<i64: 1024>}, {transform_indices = @transform_2, window_bounds = array<i64: 1024, 128>}, {transform_indices = @transform_3, window_bounds = array<i64: 1024, 128>}, {transform_indices = @transform_4, window_bounds = array<i64: 1024, 128>}, {pipeline_mode = #tpu.pipeline_mode<synchronous>, transform_indices = @transform_5, window_bounds = array<i64: 128>}, {transform_indices = @transform_6, window_bounds = array<i64: 1024, 128>}]} {
    %get3A = arith.constant 0 : index
    %get3A_0 = vector.load %arg1[%get3A] : memref<1024xf32, #tpu.memory_space<vmem>>, vector<1024xf32>
    %get3A_1 = arith.constant 0 : index
    %get3A_2 = vector.load %arg2[%get3A_1] : memref<1024xf32, #tpu.memory_space<vmem>>, vector<1024xf32>
    %add3A = arith.addf %get3A_0, %get3A_2 : vector<1024xf32>
    %add3A_3 = arith.constant 1.000000e+00 : f32
    %add3A_4 = vector.broadcast %add3A_3 : f32 to vector<1024xf32>
    %add3A_5 = arith.addf %add3A, %add3A_4 : vector<1024xf32>
    %rsqrt3A = math.rsqrt %add3A_5 : vector<1024xf32>
    %reshape3A = vector.shape_cast %rsqrt3A : vector<1024xf32> to vector<1024x1xf32>
    %get3A_6 = arith.constant 0 : index
    %get3A_7 = arith.constant 0 : index
    %get3A_8 = vector.load %arg3[%get3A_6, %get3A_7] : memref<1024x128xf32, #tpu.memory_space<vmem>>, vector<1024x128xf32>
    %get3A_9 = arith.constant 0 : index
    %get3A_10 = arith.constant 0 : index
    %get3A_11 = vector.load %arg4[%get3A_9, %get3A_10] : memref<1024x128xf32, #tpu.memory_space<vmem>>, vector<1024x128xf32>
    %add3A_12 = arith.addf %get3A_8, %get3A_11 : vector<1024x128xf32>
    %get3A_13 = arith.constant 0 : index
    %get3A_14 = arith.constant 0 : index
    %get3A_15 = vector.load %arg5[%get3A_13, %get3A_14] : memref<1024x128xf32, #tpu.memory_space<vmem>>, vector<1024x128xf32>
    %add3A_16 = arith.addf %add3A_12, %get3A_15 : vector<1024x128xf32>
    %mul3A = vector.broadcast %reshape3A : vector<1024x1xf32> to vector<1024x128xf32>
    %mul3A_17 = arith.mulf %mul3A, %add3A_16 : vector<1024x128xf32>
    %get3A_18 = arith.constant 0 : index
    %get3A_19 = vector.load %arg6[%get3A_18] : memref<128xf32, #tpu.memory_space<vmem>>, vector<128xf32>
    %broadcast_in_dim3A = vector.shape_cast %get3A_19 : vector<128xf32> to vector<1x128xf32>
    %add3A_20 = vector.broadcast %broadcast_in_dim3A : vector<1x128xf32> to vector<1024x128xf32>
    %add3A_21 = arith.addf %mul3A_17, %add3A_20 : vector<1024x128xf32>
    %swap3A = arith.constant 0 : index
    %swap3A_22 = arith.constant 0 : index
    %swap3A_23 = vector.load %arg7[%swap3A, %swap3A_22] : memref<1024x128xf32, #tpu.memory_space<vmem>>, vector<1024x128xf32>
    tpu.vector_store %arg7[%swap3A, %swap3A_22], %add3A_21 {strides = array<i32>} : memref<1024x128xf32, #tpu.memory_space<vmem>>, vector<1024x128xf32>,
    return
  }
  func.func @transform_0(%arg0: i32) -> i32 {
    %c0_i32 = arith.constant 0 : i32
    return %arg0 : i32
  }
  func.func @transform_1(%arg0: i32) -> i32 {
    %add3A = arith.constant 10 : i32
    %add3A_0 = arith.addi %arg0, %add3A : i32
    %c0_i32 = arith.constant 0 : i32
    return %add3A_0 : i32
  }
  func.func @transform_2(%arg0: i32) -> (i32, i32) {
    %c0_i32 = arith.constant 0 : i32
    %c0_i32_0 = arith.constant 0 : i32
    return %arg0, %c0_i32 : i32, i32
  }
  func.func @transform_3(%arg0: i32) -> (i32, i32) {
    %add3A = arith.constant 10 : i32
    %add3A_0 = arith.addi %arg0, %add3A : i32
    %c0_i32 = arith.constant 0 : i32
    %c0_i32_1 = arith.constant 0 : i32
    return %add3A_0, %c0_i32 : i32, i32
  }
  func.func @transform_4(%arg0: i32) -> (i32, i32) {
    %c0_i32 = arith.constant 0 : i32
    %c0_i32_0 = arith.constant 0 : i32
    return %arg0, %c0_i32 : i32, i32
  }
  func.func @transform_5(%arg0: i32) -> i32 {
    %c0_i32 = arith.constant 0 : i32
    %c0_i32_0 = arith.constant 0 : i32
    return %c0_i32 : i32
  }
  func.func @transform_6(%arg0: i32) -> (i32, i32) {
    %c0_i32 = arith.constant 0 : i32
    %c0_i32_0 = arith.constant 0 : i32
    return %arg0, %c0_i32 : i32, i32
  }
}

module attributes {stable_mosaic.version = 14 : i64} {
  func.func @_k2_body(%arg0: i32, %arg1: memref<1024xf32, #tpu.memory_space<vmem>>, %arg2: memref<1024xf32, #tpu.memory_space<vmem>>, %arg3: memref<1024x128xf32, #tpu.memory_space<vmem>>, %arg4: memref<1024x128xf32, #tpu.memory_space<vmem>>, %arg5: memref<1024x128xf32, #tpu.memory_space<vmem>>, %arg6: memref<128xf32, #tpu.memory_space<vmem>>, %arg7: memref<128x128xf32, #tpu.memory_space<vmem>>, %arg8: memref<1024x128xf32, #tpu.memory_space<vmem>>) attributes {dimension_semantics = [#tpu.dimension_semantics<arbitrary>], iteration_bounds = array<i64: 10>, scalar_prefetch = 0 : i64, scratch_operands = 0 : i64, tpu.core_type = #tpu.core_type<tc>, window_params = [{transform_indices = @transform_0, window_bounds = array<i64: 1024>}, {transform_indices = @transform_1, window_bounds = array<i64: 1024>}, {transform_indices = @transform_2, window_bounds = array<i64: 1024, 128>}, {transform_indices = @transform_3, window_bounds = array<i64: 1024, 128>}, {transform_indices = @transform_4, window_bounds = array<i64: 1024, 128>}, {pipeline_mode = #tpu.pipeline_mode<synchronous>, transform_indices = @transform_5, window_bounds = array<i64: 128>}, {pipeline_mode = #tpu.pipeline_mode<synchronous>, transform_indices = @transform_6, window_bounds = array<i64: 128, 128>}, {transform_indices = @transform_7, window_bounds = array<i64: 1024, 128>}]} {
    %get3A = arith.constant 0 : index
    %get3A_0 = vector.load %arg1[%get3A] : memref<1024xf32, #tpu.memory_space<vmem>>, vector<1024xf32>
    %get3A_1 = arith.constant 0 : index
    %get3A_2 = vector.load %arg2[%get3A_1] : memref<1024xf32, #tpu.memory_space<vmem>>, vector<1024xf32>
    %add3A = arith.addf %get3A_0, %get3A_2 : vector<1024xf32>
    %add3A_3 = arith.constant 1.000000e+00 : f32
    %add3A_4 = vector.broadcast %add3A_3 : f32 to vector<1024xf32>
    %add3A_5 = arith.addf %add3A, %add3A_4 : vector<1024xf32>
    %rsqrt3A = math.rsqrt %add3A_5 : vector<1024xf32>
    %reshape3A = vector.shape_cast %rsqrt3A : vector<1024xf32> to vector<1024x1xf32>
    %get3A_6 = arith.constant 0 : index
    %get3A_7 = arith.constant 0 : index
    %get3A_8 = vector.load %arg3[%get3A_6, %get3A_7] : memref<1024x128xf32, #tpu.memory_space<vmem>>, vector<1024x128xf32>
    %get3A_9 = arith.constant 0 : index
    %get3A_10 = arith.constant 0 : index
    %get3A_11 = vector.load %arg4[%get3A_9, %get3A_10] : memref<1024x128xf32, #tpu.memory_space<vmem>>, vector<1024x128xf32>
    %add3A_12 = arith.addf %get3A_8, %get3A_11 : vector<1024x128xf32>
    %get3A_13 = arith.constant 0 : index
    %get3A_14 = arith.constant 0 : index
    %get3A_15 = vector.load %arg5[%get3A_13, %get3A_14] : memref<1024x128xf32, #tpu.memory_space<vmem>>, vector<1024x128xf32>
    %add3A_16 = arith.addf %add3A_12, %get3A_15 : vector<1024x128xf32>
    %mul3A = vector.broadcast %reshape3A : vector<1024x1xf32> to vector<1024x128xf32>
    %mul3A_17 = arith.mulf %mul3A, %add3A_16 : vector<1024x128xf32>
    %get3A_18 = arith.constant 0 : index
    %get3A_19 = vector.load %arg6[%get3A_18] : memref<128xf32, #tpu.memory_space<vmem>>, vector<128xf32>
    %broadcast_in_dim3A = vector.shape_cast %get3A_19 : vector<128xf32> to vector<1x128xf32>
    %add3A_20 = vector.broadcast %broadcast_in_dim3A : vector<1x128xf32> to vector<1024x128xf32>
    %add3A_21 = arith.addf %mul3A_17, %add3A_20 : vector<1024x128xf32>
    %max3A = arith.constant 0.000000e+00 : f32
    %max3A_22 = vector.broadcast %max3A : f32 to vector<1024x128xf32>
    %max3A_23 = arith.maximumf %add3A_21, %max3A_22 : vector<1024x128xf32>
    %get3A_24 = arith.constant 0 : index
    %get3A_25 = arith.constant 0 : index
    %get3A_26 = vector.load %arg7[%get3A_24, %get3A_25] : memref<128x128xf32, #tpu.memory_space<vmem>>, vector<128x128xf32>
    %dot_general3A = arith.constant dense<0.000000e+00> : vector<1024x128xf32>
    %dot_general3A_27 = tpu.matmul %max3A_23, %get3A_26, %dot_general3A {dimension_numbers = #tpu.dot_dimension_numbers<[1], [0], [0], [1], [0, 0, 1, 1], [], []>, transpose_lhs_hint = false} : vector<1024x128xf32>, vector<128x128xf32>, vector<1024x128xf32> -> vector<1024x128xf32>
    %mul3A_28 = vector.broadcast %reshape3A : vector<1024x1xf32> to vector<1024x128xf32>
    %mul3A_29 = arith.mulf %dot_general3A_27, %mul3A_28 : vector<1024x128xf32>
    %swap3A = arith.constant 0 : index
    %swap3A_30 = arith.constant 0 : index
    %swap3A_31 = vector.load %arg8[%swap3A, %swap3A_30] : memref<1024x128xf32, #tpu.memory_space<vmem>>, vector<1024x128xf32>
    tpu.vector_store %arg8[%swap3A, %swap3A_30], %mul3A_29 {strides = array<i32>} : memref<1024x128xf32, #tpu.memory_space<vmem>>, vector<1024x128xf32>,
    return
  }
  func.func @transform_0(%arg0: i32) -> i32 {
    %c0_i32 = arith.constant 0 : i32
    return %arg0 : i32
  }
  func.func @transform_1(%arg0: i32) -> i32 {
    %add3A = arith.constant 10 : i32
    %add3A_0 = arith.addi %arg0, %add3A : i32
    %c0_i32 = arith.constant 0 : i32
    return %add3A_0 : i32
  }
  func.func @transform_2(%arg0: i32) -> (i32, i32) {
    %c0_i32 = arith.constant 0 : i32
    %c0_i32_0 = arith.constant 0 : i32
    return %arg0, %c0_i32 : i32, i32
  }
  func.func @transform_3(%arg0: i32) -> (i32, i32) {
    %add3A = arith.constant 10 : i32
    %add3A_0 = arith.addi %arg0, %add3A : i32
    %c0_i32 = arith.constant 0 : i32
    %c0_i32_1 = arith.constant 0 : i32
    return %add3A_0, %c0_i32 : i32, i32
  }
  func.func @transform_4(%arg0: i32) -> (i32, i32) {
    %c0_i32 = arith.constant 0 : i32
    %c0_i32_0 = arith.constant 0 : i32
    return %arg0, %c0_i32 : i32, i32
  }
  func.func @transform_5(%arg0: i32) -> i32 {
    %c0_i32 = arith.constant 0 : i32
    %c0_i32_0 = arith.constant 0 : i32
    return %c0_i32 : i32
  }
  func.func @transform_6(%arg0: i32) -> (i32, i32) {
    %c0_i32 = arith.constant 0 : i32
    %c0_i32_0 = arith.constant 0 : i32
    %c0_i32_1 = arith.constant 0 : i32
    return %c0_i32, %c0_i32_0 : i32, i32
  }
  func.func @transform_7(%arg0: i32) -> (i32, i32) {
    %c0_i32 = arith.constant 0 : i32
    %c0_i32_0 = arith.constant 0 : i32
    return %arg0, %c0_i32 : i32, i32
  }
}

module attributes {stable_mosaic.version = 14 : i64} {
  func.func @_k1_body(%arg0: i32, %arg1: memref<1024xf32, #tpu.memory_space<vmem>>, %arg2: memref<1024xf32, #tpu.memory_space<vmem>>, %arg3: memref<1024x128xf32, #tpu.memory_space<vmem>>, %arg4: memref<128x128xf32, #tpu.memory_space<vmem>>, %arg5: memref<1024x128xf32, #tpu.memory_space<vmem>>) attributes {dimension_semantics = [#tpu.dimension_semantics<arbitrary>], iteration_bounds = array<i64: 10>, scalar_prefetch = 0 : i64, scratch_operands = 0 : i64, tpu.core_type = #tpu.core_type<tc>, window_params = [{transform_indices = @transform_0, window_bounds = array<i64: 1024>}, {transform_indices = @transform_1, window_bounds = array<i64: 1024>}, {transform_indices = @transform_2, window_bounds = array<i64: 1024, 128>}, {pipeline_mode = #tpu.pipeline_mode<synchronous>, transform_indices = @transform_3, window_bounds = array<i64: 128, 128>}, {transform_indices = @transform_4, window_bounds = array<i64: 1024, 128>}]} {
    %get3A = arith.constant 0 : index
    %get3A_0 = arith.constant 0 : index
    %get3A_1 = vector.load %arg3[%get3A, %get3A_0] : memref<1024x128xf32, #tpu.memory_space<vmem>>, vector<1024x128xf32>
    %get3A_2 = arith.constant 0 : index
    %get3A_3 = arith.constant 0 : index
    %get3A_4 = vector.load %arg4[%get3A_2, %get3A_3] : memref<128x128xf32, #tpu.memory_space<vmem>>, vector<128x128xf32>
    %dot_general3A = arith.constant dense<0.000000e+00> : vector<1024x128xf32>
    %dot_general3A_5 = tpu.matmul %get3A_1, %get3A_4, %dot_general3A {dimension_numbers = #tpu.dot_dimension_numbers<[1], [0], [0], [1], [0, 0, 1, 1], [], []>, transpose_lhs_hint = false} : vector<1024x128xf32>, vector<128x128xf32>, vector<1024x128xf32> -> vector<1024x128xf32>
    %get3A_6 = arith.constant 0 : index
    %get3A_7 = vector.load %arg1[%get3A_6] : memref<1024xf32, #tpu.memory_space<vmem>>, vector<1024xf32>
    %get3A_8 = arith.constant 0 : index
    %get3A_9 = vector.load %arg2[%get3A_8] : memref<1024xf32, #tpu.memory_space<vmem>>, vector<1024xf32>
    %add3A = arith.addf %get3A_7, %get3A_9 : vector<1024xf32>
    %add3A_10 = arith.constant 1.000000e+00 : f32
    %add3A_11 = vector.broadcast %add3A_10 : f32 to vector<1024xf32>
    %add3A_12 = arith.addf %add3A, %add3A_11 : vector<1024xf32>
    %rsqrt3A = math.rsqrt %add3A_12 : vector<1024xf32>
    %reshape3A = vector.shape_cast %rsqrt3A : vector<1024xf32> to vector<1024x1xf32>
    %mul3A = vector.broadcast %reshape3A : vector<1024x1xf32> to vector<1024x128xf32>
    %mul3A_13 = arith.mulf %dot_general3A_5, %mul3A : vector<1024x128xf32>
    %swap3A = arith.constant 0 : index
    %swap3A_14 = arith.constant 0 : index
    %swap3A_15 = vector.load %arg5[%swap3A, %swap3A_14] : memref<1024x128xf32, #tpu.memory_space<vmem>>, vector<1024x128xf32>
    tpu.vector_store %arg5[%swap3A, %swap3A_14], %mul3A_13 {strides = array<i32>} : memref<1024x128xf32, #tpu.memory_space<vmem>>, vector<1024x128xf32>,
    return
  }
  func.func @transform_0(%arg0: i32) -> i32 {
    %c0_i32 = arith.constant 0 : i32
    return %arg0 : i32
  }
  func.func @transform_1(%arg0: i32) -> i32 {
    %add3A = arith.constant 10 : i32
    %add3A_0 = arith.addi %arg0, %add3A : i32
    %c0_i32 = arith.constant 0 : i32
    return %add3A_0 : i32
  }
  func.func @transform_2(%arg0: i32) -> (i32, i32) {
    %c0_i32 = arith.constant 0 : i32
    %c0_i32_0 = arith.constant 0 : i32
    return %arg0, %c0_i32 : i32, i32
  }
  func.func @transform_3(%arg0: i32) -> (i32, i32) {
    %c0_i32 = arith.constant 0 : i32
    %c0_i32_0 = arith.constant 0 : i32
    %c0_i32_1 = arith.constant 0 : i32
    return %c0_i32, %c0_i32_0 : i32, i32
  }
  func.func @transform_4(%arg0: i32) -> (i32, i32) {
    %c0_i32 = arith.constant 0 : i32
    %c0_i32_0 = arith.constant 0 : i32
    return %arg0, %c0_i32 : i32, i32
  }
}

</mosaic_0001>

<sc_bundles>
// kernel: kernel.11.cloned.1.call-start
scs
__scs_entry_jumppad:
0x0: {  	(pc) =	sbr.rel $0x88, $3  }
0x1: {  	(tag) =	ssettag $0x0;
	lr =	simm.s32 $0x1  }
0x2: {  	[smem:$0x3F9B] =	sst lr;
	_ =	strace $0xD0000000  }
0x3: {  	_ = 	snop  }
0x4: {  	_ = 	snop  }
0x5: {  	_ = 	snop  }
0x6: {  	_ = 	snop  }
0x7: {  	_ = 	snop  }
__scs_overlays_trampoline_lowered:
0x8: {  	[smem:$0x3FAA] =	sst s0  }
0x9: {  	[smem:$0x3FAB] =	sst s1  }
0xa: {  	[smem:$0x3FAC] =	sst s2  }
0xb: {  	[smem:$0x3FAD] =	sst s3  }
0xc: {  	[smem:$0x3FAE] =	sst s4  }
0xd: {  	[smem:$0x3FAF] =	sst s5  }
0xe: {  	[smem:$0x3FB0] =	sst s6  }
0xf: {  	[smem:$0x3FB1] =	sst s7  }
0x10: {  	[smem:$0x3FB2] =	sst s8  }
0x11: {  	[smem:$0x3FB3] =	sst s9;
	s0 =	simm.s32 @!p0 $0x0  }
0x12: {  	s1 =	sld [smem:$0x3F99];
	s0 =	simm.s32 @p0 $0x1  }
0x13: {  	[smem:$0x3FB4] =	sst s0;
	s0 =	simm.s32 @!p1 $0x0  }
0x14: {  	s2 =	sld [smem:$0x3F98];
	s0 =	simm.s32 @p1 $0x1  }
0x15: {  	[smem:$0x3FB5] =	sst s0;
	s0 =	simm.s32 @!p2 $0x0  }
0x16: {  	s3 =	sld [smem:$0x3FDB];
	s0 =	simm.s32 @p2 $0x1  }
0x17: {  	s4 =	simm.s32 $0x1BF5;
	[smem:$0x3FB7] =	sst s0  }
0x18: {  	s0 =	sld [smem:$0x3F9A];
	_ =	swait.ge [sflag:s4], $0x0  }
0x19: {  	s7 =	sld [smem:$0x3F9B]  }
0x1a: {  	s8 =	sadd.s32 $0xFFFFE003, lr  }
0x1b: {  	s9 =	sadd.s32 $0xFFFFFEF7, lr;
	s5 =	simm.s32 $0xFFFFFFFF;
	p2 =	slt.u32 s8, $0xFFFFF086  }
0x1c: {  	p1 =	slt.u32 s9, $0xF7A;
	s5 =	simm.s32 @!p2 $0x0  }
0x1d: {  	s5 =	simm.s32 @p1 $0x1;
	p0 =	seq.s32 s7, s2  }
0x1e: {  	s7 =	smul.u32 @!p0 $0xF7A, s2;
	p2 =	seq.s32 @!p0 s5, $0x0  }
0x1f: {  	s9 =	smul.u32 $0xF7A, s1;
	s8 =	simm.s32 @!p0 $0x1BF5;
	p2 =	por !p2, p0  }
0x20: {  	[sflag:s8] =	ssyncset.s32 @!p0 $0xFFFFF086;
	s6 =	sadd.s32 @!p0 s3, s7;
	s7 =	simm.s32 @!p0 $0x108  }
0x21: {  	s3 =	sadd.s32 s3, s9;
	s6 =	sadd.s32 @!p0 $0x88, s6;
	s7 =	simm.s32 @p2 $0x1082  }
0x22: {  	[simem:s7], [sflag:s8] =	dma.local @!p0 [hbm:s6], $0xF7A  }
0x23: {  	s9 =	sor.u32 $0xD0000000, s2;
	s6 =	simm.s32 $0x108;
	_ =	swait.ge @!p0 [sflag:s8], $0x0  }
0x24: {  	s3 =	sadd.s32 $0x88, s3;
	s6 =	simm.s32 @!p1 $0x1082;
	[sflag:s4] =	ssyncset.s32 $0xFFFFF086  }
0x25: {  	[simem:s6], [sflag:s4] =	dma.local [hbm:s3], $0xF7A  }
0x26: {  	[smem:$0x3F9B] =	sst s1;
	(tag) =	ssettag s2;
	_ =	strace s9  }
0x27: {  	s1 =	sld [smem:$0x3FAB]  }
0x28: {  	s2 =	sld [smem:$0x3FAC]  }
0x29: {  	s4 =	sld [smem:$0x3FAE]  }
0x2a: {  	p0 =	seq.s32 s5, $0x0;
	s5 =	sld [smem:$0x3FAF]  }
0x2b: {  	s6 =	sld [smem:$0x3FB0]  }
0x2c: {  	s7 =	sld [smem:$0x3FB1]  }
0x2d: {  	s3 =	simm.s32 $0x108;
	s8 =	sld [smem:$0x3FB2]  }
0x2e: {  	s3 =	simm.s32 @!p0 $0x1082;
	s9 =	sld [smem:$0x3FB3]  }
0x2f: {  	lr =	sadd.s32 s0, s3;
	s0 =	sld [smem:$0x3FAA]  }
0x30: {  	s3 =	sld [smem:$0x3FAD]  }
0x31: {  	[smem:$0x3FB6] =	sst s10  }
0x32: {  	s10 =	sld [smem:$0x3FB4];
	_ =	sdelay $0x3  }
0x33: {  	p0 =	seq.s32 s10, $0x1;
	s10 =	sld [smem:$0x3FB6];
	_ =	sdelay $0x3  }
0x34: {  	[smem:$0x3FB6] =	sst s10  }
0x35: {  	s10 =	sld [smem:$0x3FB5];
	_ =	sdelay $0x3  }
0x36: {  	p1 =	seq.s32 s10, $0x1;
	s10 =	sld [smem:$0x3FB6];
	_ =	sdelay $0x3  }
0x37: {  	[smem:$0x3FB6] =	sst s10  }
0x38: {  	s10 =	sld [smem:$0x3FB7]  }
0x39: {  	_ = 	snop;
	(pc) =	sbr.ind lr, $3  }
0x3a: {  	_ = 	snop  }
0x3b: {  	_ = 	snop  }
0x3c: {  	p2 =	seq.s32 s10, $0x1;
	s10 =	sld [smem:$0x3FB6]  }
0x3d: {  	_ =	shalt  }
0x3e: {  	_ =	shalt  }
0x3f: {  	_ =	shalt  }
0x40: {  	_ =	shalt  }
0x41: {  	_ =	shalt  }
0x42: {  	_ =	shalt  }
0x43: {  	_ =	shalt  }
0x44: {  	_ =	shalt  }
0x45: {  	_ =	shalt  }
0x46: {  	_ =	shalt  }
0x47: {  	_ =	shalt  }
0x48: {  	_ =	shalt  }
0x49: {  	_ =	shalt  }
0x4a: {  	_ =	shalt  }
0x4b: {  	_ =	shalt  }
0x4c: {  	_ =	shalt  }
0x4d: {  	_ =	shalt  }
0x4e: {  	_ =	shalt  }
0x4f: {  	_ =	shalt  }
0x50: {  	_ =	shalt  }
0x51: {  	_ =	shalt  }
0x52: {  	_ =	shalt  }
0x53: {  	_ =	shalt  }
0x54: {  	_ =	shalt  }
0x55: {  	_ =	shalt  }
0x56: {  	_ =	shalt  }
0x57: {  	_ =	shalt  }
0x58: {  	_ =	shalt  }
0x59: {  	_ =	shalt  }
0x5a: {  	_ =	shalt  }
0x5b: {  	_ =	shalt  }
0x5c: {  	_ =	shalt  }
0x5d: {  	_ =	shalt  }
0x5e: {  	_ =	shalt  }
0x5f: {  	_ =	shalt  }
0x60: {  	_ =	shalt  }
0x61: {  	_ =	shalt  }
0x62: {  	_ =	shalt  }
0x63: {  	_ =	shalt  }
0x64: {  	_ =	shalt  }
0x65: {  	_ =	shalt  }
0x66: {  	_ =	shalt  }
0x67: {  	_ =	shalt  }
0x68: {  	_ =	shalt  }
0x69: {  	_ =	shalt  }
0x6a: {  	_ =	shalt  }
0x6b: {  	_ =	shalt  }
0x6c: {  	_ =	shalt  }
0x6d: {  	_ =	shalt  }
0x6e: {  	_ =	shalt  }
0x6f: {  	_ =	shalt  }
0x70: {  	_ =	shalt  }
0x71: {  	_ =	shalt  }
0x72: {  	_ =	shalt  }
0x73: {  	_ =	shalt  }
0x74: {  	_ =	shalt  }
0x75: {  	_ =	shalt  }
0x76: {  	_ =	shalt  }
0x77: {  	_ =	shalt  }
0x78: {  	_ =	shalt  }
0x79: {  	_ =	shalt  }
0x7a: {  	_ =	shalt  }
0x7b: {  	_ =	shalt  }
0x7c: {  	_ =	shalt  }
0x7d: {  	_ =	shalt  }
0x7e: {  	_ =	shalt  }
0x7f: {  	_ =	shalt  }
0x80: {  	_ =	shalt  }
0x81: {  	_ =	shalt  }
0x82: {  	_ =	shalt  }
0x83: {  	_ =	shalt  }
0x84: {  	_ =	shalt  }
0x85: {  	_ =	shalt  }
0x86: {  	_ =	shalt  }
0x87: {  	_ =	shalt  }
.Lfunc_end0:
.L_simem_size_0:
called_computation.1_lowered:
.L_overlay_start_0:
0x88: {  	s2 =	sld [smem:$0x3FD9]  }
0x89: {  	s3 =	sld [smem:$0x3FFE];
	_ =	sdelay $0x1  }
0x8a: {  	s1 =	srdreg.scid  }
0x8b: {  	s0 =	sand.u32 $0x1, s1  }
0x8c: {  	s17 =	sshll.u32 s0, $0xA;
	s2 =	sadd.s32 s3, s2  }
0x8d: {  	s2 =	sadd.s32 s2, s17  }
0x8e: {  	[smem:$0x3FC2] =	sst s2  }
0x8f: {  	_ = 	snop  }
0x90: {  	s2 =	sld [smem:$0x3FC8]  }
0x91: {  	s18 =	sld [smem:$0x3FD0];
	(tm) =	ssettm $0x1  }
0x92: {  	s4 =	sld [smem:$0x3FFB];
	_ =	sdelay $0x3  }
0x93: {  	_ =	strace s4  }
0x94: {  	s4 =	sld [smem:$0x3FFC];
	_ =	sdelay $0x3  }
0x95: {  	_ =	strace s4  }
0x96: {  	s4 =	sld [smem:$0x3FFD];
	_ =	sdelay $0x3  }
0x97: {  	_ =	strace s4  }
0x98: {  	_ =	strace $0x8FFFFFFF  }
0x99: {  	s19 =	sld [smem:$0x3FDB];
	_ =	sdelay $0x1  }
0x9a: {  	s5 =	simm.s32 $_scs_section_size  }
0x9b: {  	s6 =	simm.s32 $_size__tile_overlayer_lowered;
	s7 =	simm.s32 $_tile_overlayer_lowered  }
0x9c: {  	s22 =	simm.s32 $0x1BFF;
	s21 =	sshll.u32 s7, $0x1;
	s4 =	sadd.s32 s5, s19  }
0x9d: {  	s8 =	simm.s32 $0x0;
	s20 =	sshll.u32 s6, $0x1;
	s6 =	sadd.s32 s21, s4  }
0x9e: {  	[timem:s8], [sflag:s22] =	dma.local [hbm:s6], s20  }
0x9f: {  	_ =	swait.ge [sflag:s22], s20  }
0xa0: {  	s5 =	ssub.s32 $0x0, s20;
	[sflag:s22] =	ssyncset.done $0x0  }
0xa1: {  	[sflag:s22] =	ssyncadd.s32 s5;
	_ =	sdelay $0x1  }
0xa2: {  	s23 =	simm.s32 $0x1B8B  }
0xa3: {  	_ =	swait.ge [sflag:s23], $0x1  }
0xa4: {  	[sflag:s23] =	ssyncset.done $0x0  }
0xa5: {  	s25 =	simm.s32 $0x1B8E;
	s24 =	sld [smem:$0x3FFE];
	[sflag:s23] =	ssyncadd.s32 $0xFFFFFFFF  }
0xa6: {  	s26 =	simm.s32 $execute0_lowered;
	[smem:$0x3FD2] =	sst s25  }
0xa7: {  	s6 =	sshll.u32 s26, $0x1;
	_ =	strace $0x80000049;
	[dreg:$0x1] =	wrdreg $0xFFFFFFFF  }
0xa8: {  	s28 =	simm.s32 $_size_execute0_lowered;
	s4 =	sadd.s32 s4, s6;
	[dreg:$0x0] =	wrdreg $0x0  }
0xa9: {  	s6 =	sshll.u32 s28, $0x1;
	[dreg:$0x2] =	wrdreg s4  }
0xaa: {  	[dreg:$0x3] =	wrdreg s6  }
0xab: {  	[dreg:$0x4] =	wrdreg $0xC0  }
0xac: {  	_ =	task [dreg:s8], $0x5FFFF  }
0xad: {  	[dreg:$0x1] =	wrdreg $0xFFFFFFFF  }
0xae: {  	[dreg:$0x0] =	wrdreg $0x60  }
0xaf: {  	[dreg:$0x2] =	wrdreg s18  }
0xb0: {  	[dreg:$0x3] =	wrdreg s2  }
0xb1: {  	[dreg:$0x4] =	wrdreg s24  }
0xb2: {  	[dreg:$0x5] =	wrdreg $0x84000  }
0xb3: {  	[dreg:$0x6] =	wrdreg $0x9  }
0xb4: {  	_ =	task.clear_ibuf [dreg:s8], $0x7FFFF;
	_ =	strace $0x90000049  }
0xb5: {  	s29 =	simm.s32 $0x9;
	_ =	strace $0x8000004B  }
0xb6: {  	_ =	swait.ge [sflag:s29], $0x1  }
0xb7: {  	[sflag:s29] =	ssyncadd.s32 $0xFFFFFFFF  }
0xb8: {  	_ =	strace $0x9000004B  }
0xb9: {  	_ =	sfence  }
0xba: {  	s30 =	sld [smem:$0x0];
	_ =	sdelay $0x2  }
0xbb: {  	s31 =	sshll.u32 s1, $0xD;
	s1 =	sshrl.u32 s1, $0x2  }
0xbc: {  	s3 =	sand.u32 $0x4000, s31;
	s1 =	sadd.s32 s1, s30  }
0xbd: {  	s0 =	sor.u32 s3, s0;
	s1 =	sshll.u32 s1, $0x11  }
0xbe: {  	s0 =	sor.u32 s1, s0  }
0xbf: {  	s0 =	sadd.s32 $0x8F2B, s0  }
0xc0: {  	[sflag:s0] =	ssyncadd.remote.s32 $0x1  }
0xc1: {  	_ =	sfence.sel $0xFFFF  }
0xc2: {  	[dreg:$0x0] =	wrdreg $0xFFFFFFFF;
	(pc) =	sbr.abs _section_cstart, $3  }
0xc3: {  	[dreg:$0x1] =	wrdreg $0xFFFFFFFF  }
0xc4: {  	_ =	task.clear_ibuf [dreg:s8], $0x2FFFF;
	_ =	strace $0x9FFFFFFF  }
0xc5: {  	(tm) =	ssettm $0x7FFFFFFF  }
tec
execute0_lowered:
.L_overlay_start_1:
0x0: {  	(tag) =	ssettag $0x1  }
0x1: {  	s1 =	rddreg [dreg:$0x0]  }
0x2: {  	s0 =	rddreg [dreg:$0x1]  }
0x3: {  	s2 =	rddreg [dreg:$0x2]  }
0x4: {  	s3 =	rddreg [dreg:$0x3]  }
0x5: {  	s4 =	srdreg.scid;
	s11 =	stileid.u32  }
0x6: {  	s28 =	simm.s32 $0x400;
	s29 =	simm.s32 $0x2;
	s30 =	simm.s32 $0x4400  }
0x7: {  	s31 =	simm.s32 $0x9;
	s5 =	sand.u32 $0x1, s4;
	s6 =	smul.u32 $0x2800, s11  }
0x8: {  	s4 =	simm.s32 $0x0;
	s10 =	sadd.s32 $0x2400, s2;
	s13 =	smul.u32 $0x50000, s11  }
0x9: {  	s17 =	smul.u32 $0x5000, s11;
	s7 =	sshll.u32 s5, $0x4;
	[smem:$0x7FF] =	sst s4  }
0xa: {  	s8 =	smul.u32 $0x28000, s5;
	s7 =	sor.u32 s11, s7;
	_ =	strace $0x8000004A  }
0xb: {  	[dreg:$0x8] =	wrdreg s10;
	s10 =	ssub.s32 $0x2, s5;
	s5 =	smul.u32 $0x50000, s5  }
0xc: {  	s9 =	smul.u32 $0x5000, s7;
	s8 =	sadd.s32 s6, s8;
	s12 =	sshrl.u32 s10, $0x1  }
0xd: {  	p0 =	seq.s32 s7, $0x1F;
	s7 =	simm.s32 $0x200;
	s2 =	sadd.s32 s8, s2  }
0xe: {  	s10 =	ssub.s32 s10, s12;
	s5 =	sadd.s32 s17, s5;
	s7 =	simm.s32 @!p0 $0x980  }
0xf: {  	s24 =	sor.u32 $0x380, s8;
	s25 =	sor.u32 $0x300, s8;
	s26 =	sor.u32 $0x280, s8  }
0x10: {  	s8 =	simm.s32 $0x8;
	s9 =	sshrl.u32 s9, $0x3;
	s5 =	sor.u32 $0x400, s5  }
0x11: {  	[dreg:$0x6] =	wrdreg s7;
	s17 =	smax.u32 s10, $0x1;
	s6 =	sadd.s32 s0, s9  }
0x12: {  	s7 =	sshrl.u32 s26, $0x2;
	s26 =	simm.s32 $0x1;
	s14 =	sadd.s32 $0x10, s6  }
0x13: {  	s10 =	simm.s32 $0x0;
	s15 =	sadd.s32 $0x20, s6;
	[dreg:$0x9] =	wrdreg s14  }
0x14: {  	s9 =	sshrl.u32 s13, $0x2;
	s16 =	sadd.s32 $0x30, s6;
	[dreg:$0xa] =	wrdreg s15  }
0x15: {  	s5 =	sshrl.u32 s5, $0x3;
	s18 =	sadd.s32 $0x40, s6;
	[dreg:$0xb] =	wrdreg s16  }
0x16: {  	s19 =	sadd.s32 $0x50, s6;
	s20 =	sadd.s32 $0x60, s6;
	[dreg:$0xc] =	wrdreg s18  }
0x17: {  	s21 =	sadd.s32 $0x70, s6;
	s22 =	sadd.s32 s9, s3;
	[dreg:$0xd] =	wrdreg s19  }
0x18: {  	s23 =	sadd.s32 s5, s0;
	s5 =	sshrl.u32 s25, $0x2;
	[dreg:$0xe] =	wrdreg s20  }
0x19: {  	s25 =	simm.s32 $0x380;
	s9 =	simm.s32 $0x4;
	[dreg:$0xf] =	wrdreg s21  }
0x1a: {  	[dreg:$0x10] =	wrdreg s22;
	s15 =	simm.s32 $0x200;
	s16 =	sadd.s32 $0x4C00, s2  }
0x1b: {  	[dreg:$0x5] =	wrdreg s23;
	s2 =	sshrl.u32 s24, $0x2;
	s18 =	sadd.s32 s5, s0  }
0x1c: {  	s19 =	sadd.s32 s7, s0;
	s20 =	simm.s32 $0x80;
	s21 =	simm.s32 $0x280  }
0x1d: {  	s22 =	simm.s32 $0x100;
	s23 =	simm.s32 $0x300;
	s24 =	simm.s32 $0x180  }
0x1e: {  	s5 =	simm.s32 $0x3;
	s7 =	simm.s32 $0x6;
	s2 =	sadd.s32 s2, s0  }
0x1f: {  	s0 =	simm.s32 $0x5;
	[dreg:$0x7] =	wrdreg s2;
	s2 =	simm.s32 $0x7  }
.LBB2_1:
0x20: {  	[tilespmem:s4], [sflag:$0x1] =	stream.linear.gather [hbm4b:s6+s4], $0x80, $0x38;
	[tilespmem:$0x1C400] =	vst v63  }
0x21: {  	s11 =	rddreg [dreg:$0x9]  }
0x22: {  	[tilespmem:s15], [sflag:$0x1] =	stream.linear.gather [hbm4b:s11+s4], $0x80, $0x38;
	[tilespmem:$0x1C400] =	vst v63  }
0x23: {  	s14 =	rddreg [dreg:$0xa]  }
0x24: {  	[tilespmem:s20], [sflag:$0x2] =	stream.linear.gather [hbm4b:s14+s4], $0x80, $0x38;
	[tilespmem:$0x1C400] =	vst v63  }
0x25: {  	s12 =	rddreg [dreg:$0xb]  }
0x26: {  	[tilespmem:s21], [sflag:$0x2] =	stream.linear.gather [hbm4b:s12+s4], $0x80, $0x38;
	[tilespmem:$0x1C400] =	vst v63  }
0x27: {  	s13 =	rddreg [dreg:$0xc]  }
0x28: {  	[tilespmem:s22], [sflag:$0x3] =	stream.linear.gather [hbm4b:s13+s4], $0x80, $0x38;
	[tilespmem:$0x1C400] =	vst v63  }
0x29: {  	s14 =	rddreg [dreg:$0xd]  }
0x2a: {  	[tilespmem:s23], [sflag:$0x3] =	stream.linear.gather [hbm4b:s14+s4], $0x80, $0x38;
	[tilespmem:$0x1C400] =	vst v63  }
0x2b: {  	s12 =	rddreg [dreg:$0xe]  }
0x2c: {  	[tilespmem:s24], [sflag:$0x4] =	stream.linear.gather [hbm4b:s12+s4], $0x80, $0x38;
	[tilespmem:$0x1C400] =	vst v63  }
0x2d: {  	s13 =	rddreg [dreg:$0xf]  }
0x2e: {  	[tilespmem:s25], [sflag:$0x4] =	stream.linear.gather [hbm4b:s13+s4], $0x80, $0x38;
	[tilespmem:$0x1C400] =	vst v63  }
0x2f: {  	_ =	swait.ge [sflag:s26], $0x80  }
0x30: {  	[sflag:s26] =	ssyncset.done $0x0  }
0x31: {  	[sflag:s26] =	ssyncadd.s32 $0xFFFFFF80  }
0x32: {  	_ =	swait.ge [sflag:s26], $0x80  }
0x33: {  	[sflag:s26] =	ssyncset.done $0x0  }
0x34: {  	[sflag:s26] =	ssyncadd.s32 $0xFFFFFF80  }
0x35: {  	[tilespmem:s28], [sflag:$0x5] =	stream.indirect.gather [hbm4b:s1+s20], $0x80, s4, s20, $0xb8;
	[tilespmem:$0x1C400] =	vst v63  }
0x36: {  	_ =	swait.ge [sflag:s29], $0x80  }
0x37: {  	[sflag:s29] =	ssyncset.done $0x0  }
0x38: {  	s14 =	stileid.u32;
	[sflag:s29] =	ssyncadd.s32 $0xFFFFFF80  }
0x39: {  	s11 =	sshll.u32 s14, $0x6;
	_ =	swait.ge [sflag:s29], $0x80  }
0x3a: {  	s11 =	sor.u32 $0x1C09, s11;
	[sflag:s29] =	ssyncset.done $0x0;
	s12 =	rddreg [dreg:$0x10]  }
0x3b: {  	s13 =	rddreg [dreg:$0x8];
	[sflag:s29] =	ssyncadd.s32 $0xFFFFFF80;
	s12 =	sshrl.u32 s12, $0x3  }
0x3c: {  	[tilespmem:s30], [sflag:$0x6] =	stream.indirect.gather [hbm4b:s1+s20], $0x80, s20, s20, $0xb8;
	[tilespmem:$0x1C400] =	vst v63  }
0x3d: {  	[spmem:s12], [sflag:s11] =	dma.local [hbm:s13], $0x2800  }
0x3e: {  	_ =	swait.ge [sflag:s31], $0x2800  }
0x3f: {  	[sflag:s31] =	ssyncset.done $0x0  }
0x40: {  	[sflag:s31] =	ssyncadd.s32 $0xFFFFD800  }
0x41: {  	[bflag:$0x0] =	sbarrier.arrive $0xFFFF  }
0x42: {  	_ =	swait.ge [sflag:s0], $0x4000  }
0x43: {  	[sflag:s0] =	ssyncset.done $0x0  }
0x44: {  	[sflag:s0] =	ssyncadd.s32 $0xFFFFC000  }
0x45: {  	[spmem:s3] =	stream.indirect.scatter.add.f32 [tilespmem:s28], [sflag:$0x7], $0x80, s15, s20, $0xb8;
	[tilespmem:$0x1C400] =	vst v63  }
0x46: {  	_ =	swait.ge [sflag:s2], $0x4000  }
0x47: {  	[sflag:s2] =	ssyncset.done $0x0  }
0x48: {  	[sflag:s2] =	ssyncadd.s32 $0xFFFFC000  }
0x49: {  	_ =	swait.ge [sflag:s5], $0x80  }
0x4a: {  	[sflag:s5] =	ssyncset.done $0x0  }
0x4b: {  	[sflag:s5] =	ssyncadd.s32 $0xFFFFFF80  }
0x4c: {  	_ =	swait.ge [sflag:s5], $0x80  }
0x4d: {  	[sflag:s5] =	ssyncset.done $0x0  }
0x4e: {  	[sflag:s5] =	ssyncadd.s32 $0xFFFFFF80  }
0x4f: {  	[tilespmem:s28], [sflag:$0x5] =	stream.indirect.gather [hbm4b:s1+s20], $0x80, s22, s20, $0xb8;
	[tilespmem:$0x1C400] =	vst v63  }
0x50: {  	_ =	swait.ge [sflag:s7], $0x4000  }
0x51: {  	[sflag:s7] =	ssyncset.done $0x0  }
0x52: {  	s13 =	simm.s32 $0x0;
	[sflag:s7] =	ssyncadd.s32 $0xFFFFC000  }
0x53: {  	[spmem:s3] =	stream.indirect.scatter.add.f32 [tilespmem:s30], [sflag:$0x8], $0x80, s21, s20, $0xb8;
	[tilespmem:$0x1C400] =	vst v63  }
.LBB2_2:
0x54: {  	_ =	swait.ge [sflag:s8], $0x4000  }
0x55: {  	s14 =	rddreg [dreg:$0x5];
	[sflag:s8] =	ssyncset.done $0x0  }
0x56: {  	[sflag:s8] =	ssyncadd.s32 $0xFFFFC000;
	s14 =	sadd.s32 s13, s14  }
0x57: {  	[tilespmem:s4], [sflag:$0x1] =	stream.linear.gather [hbm4b:s14+s4], $0x80, $0x38;
	[tilespmem:$0x1C400] =	vst v63  }
0x58: {  	s14 =	sadd.s32 $0x10, s14  }
0x59: {  	[tilespmem:s15], [sflag:$0x1] =	stream.linear.gather [hbm4b:s14+s4], $0x80, $0x38;
	[tilespmem:$0x1C400] =	vst v63  }
0x5a: {  	_ =	swait.ge [sflag:s9], $0x80  }
0x5b: {  	[sflag:s9] =	ssyncset.done $0x0  }
0x5c: {  	[sflag:s9] =	ssyncadd.s32 $0xFFFFFF80  }
0x5d: {  	_ =	swait.ge [sflag:s9], $0x80  }
0x5e: {  	[sflag:s9] =	ssyncset.done $0x0  }
0x5f: {  	[sflag:s9] =	ssyncadd.s32 $0xFFFFFF80  }
0x60: {  	[tilespmem:s30], [sflag:$0x6] =	stream.indirect.gather [hbm4b:s1+s20], $0x80, s24, s20, $0xb8;
	[tilespmem:$0x1C400] =	vst v63  }
0x61: {  	_ =	swait.ge [sflag:s0], $0x4000  }
0x62: {  	[sflag:s0] =	ssyncset.done $0x0  }
0x63: {  	[sflag:s0] =	ssyncadd.s32 $0xFFFFC000  }
0x64: {  	[spmem:s3] =	stream.indirect.scatter.add.f32 [tilespmem:s28], [sflag:$0x7], $0x80, s23, s20, $0xb8;
	[tilespmem:$0x1C400] =	vst v63  }
0x65: {  	_ =	swait.ge [sflag:s2], $0x4000  }
0x66: {  	[sflag:s2] =	ssyncset.done $0x0  }
0x67: {  	s14 =	sadd.s32 s13, s19;
	[sflag:s2] =	ssyncadd.s32 $0xFFFFC000  }
0x68: {  	[tilespmem:s20], [sflag:$0x2] =	stream.linear.gather [hbm4b:s14+s4], $0x80, $0x38;
	[tilespmem:$0x1C400] =	vst v63  }
0x69: {  	s14 =	sadd.s32 $0x10, s14  }
0x6a: {  	[tilespmem:s21], [sflag:$0x2] =	stream.linear.gather [hbm4b:s14+s4], $0x80, $0x38;
	[tilespmem:$0x1C400] =	vst v63  }
0x6b: {  	_ =	swait.ge [sflag:s26], $0x80  }
0x6c: {  	[sflag:s26] =	ssyncset.done $0x0  }
0x6d: {  	[sflag:s26] =	ssyncadd.s32 $0xFFFFFF80  }
0x6e: {  	_ =	swait.ge [sflag:s26], $0x80  }
0x6f: {  	[sflag:s26] =	ssyncset.done $0x0  }
0x70: {  	[sflag:s26] =	ssyncadd.s32 $0xFFFFFF80  }
0x71: {  	[tilespmem:s28], [sflag:$0x5] =	stream.indirect.gather [hbm4b:s1+s20], $0x80, s4, s20, $0xb8;
	[tilespmem:$0x1C400] =	vst v63  }
0x72: {  	_ =	swait.ge [sflag:s7], $0x4000  }
0x73: {  	[sflag:s7] =	ssyncset.done $0x0  }
0x74: {  	[sflag:s7] =	ssyncadd.s32 $0xFFFFC000  }
0x75: {  	[spmem:s3] =	stream.indirect.scatter.add.f32 [tilespmem:s30], [sflag:$0x8], $0x80, s25, s20, $0xb8;
	[tilespmem:$0x1C400] =	vst v63  }
0x76: {  	_ =	swait.ge [sflag:s8], $0x4000  }
0x77: {  	[sflag:s8] =	ssyncset.done $0x0  }
0x78: {  	s14 =	sadd.s32 s13, s18;
	[sflag:s8] =	ssyncadd.s32 $0xFFFFC000  }
0x79: {  	[tilespmem:s22], [sflag:$0x3] =	stream.linear.gather [hbm4b:s14+s4], $0x80, $0x38;
	[tilespmem:$0x1C400] =	vst v63  }
0x7a: {  	s14 =	sadd.s32 $0x10, s14  }
0x7b: {  	[tilespmem:s23], [sflag:$0x3] =	stream.linear.gather [hbm4b:s14+s4], $0x80, $0x38;
	[tilespmem:$0x1C400] =	vst v63  }
0x7c: {  	_ =	swait.ge [sflag:s29], $0x80  }
0x7d: {  	[sflag:s29] =	ssyncset.done $0x0  }
0x7e: {  	[sflag:s29] =	ssyncadd.s32 $0xFFFFFF80  }
0x7f: {  	_ =	swait.ge [sflag:s29], $0x80  }
0x80: {  	[sflag:s29] =	ssyncset.done $0x0  }
0x81: {  	[sflag:s29] =	ssyncadd.s32 $0xFFFFFF80  }
0x82: {  	[tilespmem:s30], [sflag:$0x6] =	stream.indirect.gather [hbm4b:s1+s20], $0x80, s20, s20, $0xb8;
	[tilespmem:$0x1C400] =	vst v63  }
0x83: {  	_ =	swait.ge [sflag:s0], $0x4000  }
0x84: {  	[sflag:s0] =	ssyncset.done $0x0  }
0x85: {  	[sflag:s0] =	ssyncadd.s32 $0xFFFFC000  }
0x86: {  	[spmem:s3] =	stream.indirect.scatter.add.f32 [tilespmem:s28], [sflag:$0x7], $0x80, s15, s20, $0xb8;
	[tilespmem:$0x1C400] =	vst v63  }
0x87: {  	_ =	swait.ge [sflag:s2], $0x4000  }
0x88: {  	s14 =	rddreg [dreg:$0x7];
	[sflag:s2] =	ssyncset.done $0x0  }
0x89: {  	[sflag:s2] =	ssyncadd.s32 $0xFFFFC000;
	s14 =	sadd.s32 s13, s14  }
0x8a: {  	[tilespmem:s24], [sflag:$0x4] =	stream.linear.gather [hbm4b:s14+s4], $0x80, $0x38;
	[tilespmem:$0x1C400] =	vst v63  }
0x8b: {  	s14 =	sadd.s32 $0x10, s14  }
0x8c: {  	[tilespmem:s25], [sflag:$0x4] =	stream.linear.gather [hbm4b:s14+s4], $0x80, $0x38;
	[tilespmem:$0x1C400] =	vst v63  }
0x8d: {  	_ =	swait.ge [sflag:s5], $0x80  }
0x8e: {  	[sflag:s5] =	ssyncset.done $0x0  }
0x8f: {  	[sflag:s5] =	ssyncadd.s32 $0xFFFFFF80  }
0x90: {  	_ =	swait.ge [sflag:s5], $0x80  }
0x91: {  	[sflag:s5] =	ssyncset.done $0x0  }
0x92: {  	[sflag:s5] =	ssyncadd.s32 $0xFFFFFF80  }
0x93: {  	[tilespmem:s28], [sflag:$0x5] =	stream.indirect.gather [hbm4b:s1+s20], $0x80, s22, s20, $0xb8;
	[tilespmem:$0x1C400] =	vst v63  }
0x94: {  	_ =	swait.ge [sflag:s7], $0x4000  }
0x95: {  	s13 =	sadd.s32 $0x80, s13;
	s14 =	rddreg [dreg:$0x6]  }
0x96: {  	p0 =	sne.s32 s14, s13  }
.Ltmp0:
0x97: {  	_ = 	snop;
	(pc) =	sbr.rel @p0 .LBB2_2-.Ltmp0, $4  }
0x98: {  	_ = 	snop  }
0x99: {  	[sflag:s7] =	ssyncset.done $0x0  }
0x9a: {  	[sflag:s7] =	ssyncadd.s32 $0xFFFFC000  }
0x9b: {  	[spmem:s3] =	stream.indirect.scatter.add.f32 [tilespmem:s30], [sflag:$0x8], $0x80, s21, s20, $0xb8;
	[tilespmem:$0x1C400] =	vst v63  }
0x9c: {  	_ =	swait.ge [sflag:s8], $0x4000  }
0x9d: {  	[sflag:s8] =	ssyncset.done $0x0  }
0x9e: {  	[sflag:s8] =	ssyncadd.s32 $0xFFFFC000  }
0x9f: {  	_ =	swait.ge [sflag:s9], $0x80  }
0xa0: {  	[sflag:s9] =	ssyncset.done $0x0  }
0xa1: {  	[sflag:s9] =	ssyncadd.s32 $0xFFFFFF80  }
0xa2: {  	_ =	swait.ge [sflag:s9], $0x80  }
0xa3: {  	[sflag:s9] =	ssyncset.done $0x0  }
0xa4: {  	[sflag:s9] =	ssyncadd.s32 $0xFFFFFF80  }
0xa5: {  	[tilespmem:s30], [sflag:$0x6] =	stream.indirect.gather [hbm4b:s1+s20], $0x80, s24, s20, $0xb8;
	[tilespmem:$0x1C400] =	vst v63  }
0xa6: {  	_ =	swait.ge [sflag:s0], $0x4000  }
0xa7: {  	[sflag:s0] =	ssyncset.done $0x0  }
0xa8: {  	[sflag:s0] =	ssyncadd.s32 $0xFFFFC000  }
0xa9: {  	[spmem:s3] =	stream.indirect.scatter.add.f32 [tilespmem:s28], [sflag:$0x7], $0x80, s23, s20, $0xb8;
	[tilespmem:$0x1C400] =	vst v63  }
0xaa: {  	_ =	swait.ge [sflag:s7], $0x4000  }
0xab: {  	[sflag:s7] =	ssyncset.done $0x0  }
0xac: {  	[sflag:s7] =	ssyncadd.s32 $0xFFFFC000  }
0xad: {  	[spmem:s3] =	stream.indirect.scatter.add.f32 [tilespmem:s30], [sflag:$0x8], $0x80, s25, s20, $0xb8;
	[tilespmem:$0x1C400] =	vst v63  }
0xae: {  	_ =	swait.ge [sflag:s2], $0x4000  }
0xaf: {  	[sflag:s2] =	ssyncset.done $0x0  }
0xb0: {  	[sflag:s2] =	ssyncadd.s32 $0xFFFFC000  }
0xb1: {  	_ =	swait.ge [sflag:s8], $0x4000  }
0xb2: {  	s10 =	sadd.s32 $0x1, s10;
	[sflag:s8] =	ssyncset.done $0x0  }
0xb3: {  	p0 =	sne.s32 s10, s17;
	[sflag:s8] =	ssyncadd.s32 $0xFFFFC000  }
.Ltmp1:
0xb4: {  	[bflag:$0x0] =	sbarrier.arrive $0xFFFF;
	(pc) =	sbr.rel @p0 .LBB2_1-.Ltmp1, $4  }
0xb5: {  	[hbm:s16], [sflag:s11] =	dma.local [spmem:s12], $0x2800  }
0xb6: {  	_ =	swait.ge [sflag:s31], $0x2800  }
0xb7: {  	[sflag:s31] =	ssyncset.done $0x0  }
0xb8: {  	[sflag:s31] =	ssyncadd.s32 $0xFFFFD800  }
0xb9: {  	_ =	sfence.sel $0x180000  }
0xba: {  	[bflag:$0x0] =	sbarrier.arrive $0xFFFF  }
0xbb: {  	_ =	strace $0x9000004A  }
0xbc: {  	s0 =	stileid.u32;
	[bflag:$0x2] =	sbarrier.arrive $0xFFFF  }
0xbd: {  	p0 =	sne.s32 s0, $0x0;
	s0 =	rddreg [dreg:$0x4]  }
0xbe: {  	s0 =	sadd.s32 @!p0 $0x100000, s0  }
0xbf: {  	[sflag:s0] =	ssyncadd.tile.s32 @!p0 $0x1;
	_ =	shalt  }
.Lfunc_end2:
_tile_overlayer_lowered:
.L_overlay_start_2:
0xc0: {  	(tag) =	ssettag $0x2  }
0xc1: {  	s0 =	rddreg [dreg:$0x0];
	s2 =	stileid.u32  }
0xc2: {  	s1 =	rddreg [dreg:$0x1];
	p0 =	sne.s32 s2, $0x0  }
0xc3: {  	s3 =	rddreg [dreg:$0x2];
	[bflag:$0x3] =	sbarrier.arrive $0xFFFF;
	s2 =	simm.s32 @!p0 $0x1C09  }
0xc4: {  	[timem:s3], [sflag:s2] =	dma.local @!p0 [hbm:s0], s1  }
0xc5: {  	s0 =	simm.s32 @!p0 $0x9  }
0xc6: {  	_ =	swait.ge @!p0 [sflag:s0], s1  }
0xc7: {  	s1 =	ssub.s32 @!p0 $0x0, s1;
	[sflag:s0] =	ssyncset.done @!p0 $0x0  }
0xc8: {  	[sflag:s0] =	ssyncadd.s32 @!p0 s1  }
0xc9: {  	[bflag:$0x3] =	sbarrier.arrive $0xFFFF  }
0xca: {  	_ =	shalt  }

// kernel: kernel.14.cloned.1.call-start
scs
__scs_entry_jumppad:
0x0: {  	(pc) =	sbr.rel $0x88, $3  }
0x1: {  	(tag) =	ssettag $0x0;
	lr =	simm.s32 $0x1  }
0x2: {  	[smem:$0x3F9B] =	sst lr;
	_ =	strace $0xD0000000  }
0x3: {  	_ = 	snop  }
0x4: {  	_ = 	snop  }
0x5: {  	_ = 	snop  }
0x6: {  	_ = 	snop  }
0x7: {  	_ = 	snop  }
__scs_overlays_trampoline_lowered:
0x8: {  	[smem:$0x3FAA] =	sst s0  }
0x9: {  	[smem:$0x3FAB] =	sst s1  }
0xa: {  	[smem:$0x3FAC] =	sst s2  }
0xb: {  	[smem:$0x3FAD] =	sst s3  }
0xc: {  	[smem:$0x3FAE] =	sst s4  }
0xd: {  	[smem:$0x3FAF] =	sst s5  }
0xe: {  	[smem:$0x3FB0] =	sst s6  }
0xf: {  	[smem:$0x3FB1] =	sst s7  }
0x10: {  	[smem:$0x3FB2] =	sst s8  }
0x11: {  	[smem:$0x3FB3] =	sst s9;
	s0 =	simm.s32 @!p0 $0x0  }
0x12: {  	s1 =	sld [smem:$0x3F99];
	s0 =	simm.s32 @p0 $0x1  }
0x13: {  	[smem:$0x3FB4] =	sst s0;
	s0 =	simm.s32 @!p1 $0x0  }
0x14: {  	s2 =	sld [smem:$0x3F98];
	s0 =	simm.s32 @p1 $0x1  }
0x15: {  	[smem:$0x3FB5] =	sst s0;
	s0 =	simm.s32 @!p2 $0x0  }
0x16: {  	s3 =	sld [smem:$0x3FDB];
	s0 =	simm.s32 @p2 $0x1  }
0x17: {  	s4 =	simm.s32 $0x1BF5;
	[smem:$0x3FB7] =	sst s0  }
0x18: {  	s0 =	sld [smem:$0x3F9A];
	_ =	swait.ge [sflag:s4], $0x0  }
0x19: {  	s7 =	sld [smem:$0x3F9B]  }
0x1a: {  	s8 =	sadd.s32 $0xFFFFE003, lr  }
0x1b: {  	s9 =	sadd.s32 $0xFFFFFEF7, lr;
	s5 =	simm.s32 $0xFFFFFFFF;
	p2 =	slt.u32 s8, $0xFFFFF086  }
0x1c: {  	p1 =	slt.u32 s9, $0xF7A;
	s5 =	simm.s32 @!p2 $0x0  }
0x1d: {  	s5 =	simm.s32 @p1 $0x1;
	p0 =	seq.s32 s7, s2  }
0x1e: {  	s7 =	smul.u32 @!p0 $0xF7A, s2;
	p2 =	seq.s32 @!p0 s5, $0x0  }
0x1f: {  	s9 =	smul.u32 $0xF7A, s1;
	s8 =	simm.s32 @!p0 $0x1BF5;
	p2 =	por !p2, p0  }
0x20: {  	[sflag:s8] =	ssyncset.s32 @!p0 $0xFFFFF086;
	s6 =	sadd.s32 @!p0 s3, s7;
	s7 =	simm.s32 @!p0 $0x108  }
0x21: {  	s3 =	sadd.s32 s3, s9;
	s6 =	sadd.s32 @!p0 $0x88, s6;
	s7 =	simm.s32 @p2 $0x1082  }
0x22: {  	[simem:s7], [sflag:s8] =	dma.local @!p0 [hbm:s6], $0xF7A  }
0x23: {  	s9 =	sor.u32 $0xD0000000, s2;
	s6 =	simm.s32 $0x108;
	_ =	swait.ge @!p0 [sflag:s8], $0x0  }
0x24: {  	s3 =	sadd.s32 $0x88, s3;
	s6 =	simm.s32 @!p1 $0x1082;
	[sflag:s4] =	ssyncset.s32 $0xFFFFF086  }
0x25: {  	[simem:s6], [sflag:s4] =	dma.local [hbm:s3], $0xF7A  }
0x26: {  	[smem:$0x3F9B] =	sst s1;
	(tag) =	ssettag s2;
	_ =	strace s9  }
0x27: {  	s1 =	sld [smem:$0x3FAB]  }
0x28: {  	s2 =	sld [smem:$0x3FAC]  }
0x29: {  	s4 =	sld [smem:$0x3FAE]  }
0x2a: {  	p0 =	seq.s32 s5, $0x0;
	s5 =	sld [smem:$0x3FAF]  }
0x2b: {  	s6 =	sld [smem:$0x3FB0]  }
0x2c: {  	s7 =	sld [smem:$0x3FB1]  }
0x2d: {  	s3 =	simm.s32 $0x108;
	s8 =	sld [smem:$0x3FB2]  }
0x2e: {  	s3 =	simm.s32 @!p0 $0x1082;
	s9 =	sld [smem:$0x3FB3]  }
0x2f: {  	lr =	sadd.s32 s0, s3;
	s0 =	sld [smem:$0x3FAA]  }
0x30: {  	s3 =	sld [smem:$0x3FAD]  }
0x31: {  	[smem:$0x3FB6] =	sst s10  }
0x32: {  	s10 =	sld [smem:$0x3FB4];
	_ =	sdelay $0x3  }
0x33: {  	p0 =	seq.s32 s10, $0x1;
	s10 =	sld [smem:$0x3FB6];
	_ =	sdelay $0x3  }
0x34: {  	[smem:$0x3FB6] =	sst s10  }
0x35: {  	s10 =	sld [smem:$0x3FB5];
	_ =	sdelay $0x3  }
0x36: {  	p1 =	seq.s32 s10, $0x1;
	s10 =	sld [smem:$0x3FB6];
	_ =	sdelay $0x3  }
0x37: {  	[smem:$0x3FB6] =	sst s10  }
0x38: {  	s10 =	sld [smem:$0x3FB7]  }
0x39: {  	_ = 	snop;
	(pc) =	sbr.ind lr, $3  }
0x3a: {  	_ = 	snop  }
0x3b: {  	_ = 	snop  }
0x3c: {  	p2 =	seq.s32 s10, $0x1;
	s10 =	sld [smem:$0x3FB6]  }
0x3d: {  	_ =	shalt  }
0x3e: {  	_ =	shalt  }
0x3f: {  	_ =	shalt  }
0x40: {  	_ =	shalt  }
0x41: {  	_ =	shalt  }
0x42: {  	_ =	shalt  }
0x43: {  	_ =	shalt  }
0x44: {  	_ =	shalt  }
0x45: {  	_ =	shalt  }
0x46: {  	_ =	shalt  }
0x47: {  	_ =	shalt  }
0x48: {  	_ =	shalt  }
0x49: {  	_ =	shalt  }
0x4a: {  	_ =	shalt  }
0x4b: {  	_ =	shalt  }
0x4c: {  	_ =	shalt  }
0x4d: {  	_ =	shalt  }
0x4e: {  	_ =	shalt  }
0x4f: {  	_ =	shalt  }
0x50: {  	_ =	shalt  }
0x51: {  	_ =	shalt  }
0x52: {  	_ =	shalt  }
0x53: {  	_ =	shalt  }
0x54: {  	_ =	shalt  }
0x55: {  	_ =	shalt  }
0x56: {  	_ =	shalt  }
0x57: {  	_ =	shalt  }
0x58: {  	_ =	shalt  }
0x59: {  	_ =	shalt  }
0x5a: {  	_ =	shalt  }
0x5b: {  	_ =	shalt  }
0x5c: {  	_ =	shalt  }
0x5d: {  	_ =	shalt  }
0x5e: {  	_ =	shalt  }
0x5f: {  	_ =	shalt  }
0x60: {  	_ =	shalt  }
0x61: {  	_ =	shalt  }
0x62: {  	_ =	shalt  }
0x63: {  	_ =	shalt  }
0x64: {  	_ =	shalt  }
0x65: {  	_ =	shalt  }
0x66: {  	_ =	shalt  }
0x67: {  	_ =	shalt  }
0x68: {  	_ =	shalt  }
0x69: {  	_ =	shalt  }
0x6a: {  	_ =	shalt  }
0x6b: {  	_ =	shalt  }
0x6c: {  	_ =	shalt  }
0x6d: {  	_ =	shalt  }
0x6e: {  	_ =	shalt  }
0x6f: {  	_ =	shalt  }
0x70: {  	_ =	shalt  }
0x71: {  	_ =	shalt  }
0x72: {  	_ =	shalt  }
0x73: {  	_ =	shalt  }
0x74: {  	_ =	shalt  }
0x75: {  	_ =	shalt  }
0x76: {  	_ =	shalt  }
0x77: {  	_ =	shalt  }
0x78: {  	_ =	shalt  }
0x79: {  	_ =	shalt  }
0x7a: {  	_ =	shalt  }
0x7b: {  	_ =	shalt  }
0x7c: {  	_ =	shalt  }
0x7d: {  	_ =	shalt  }
0x7e: {  	_ =	shalt  }
0x7f: {  	_ =	shalt  }
0x80: {  	_ =	shalt  }
0x81: {  	_ =	shalt  }
0x82: {  	_ =	shalt  }
0x83: {  	_ =	shalt  }
0x84: {  	_ =	shalt  }
0x85: {  	_ =	shalt  }
0x86: {  	_ =	shalt  }
0x87: {  	_ =	shalt  }
.Lfunc_end0:
.L_simem_size_0:
called_computation.2_lowered:
.L_overlay_start_0:
0x88: {  	s2 =	sld [smem:$0x3FD9]  }
0x89: {  	s3 =	sld [smem:$0x3FFE];
	_ =	sdelay $0x1  }
0x8a: {  	s1 =	srdreg.scid  }
0x8b: {  	s0 =	sand.u32 $0x1, s1  }
0x8c: {  	s17 =	sshll.u32 s0, $0xA;
	s2 =	sadd.s32 s3, s2  }
0x8d: {  	s2 =	sadd.s32 s2, s17  }
0x8e: {  	[smem:$0x3FC2] =	sst s2  }
0x8f: {  	_ = 	snop  }
0x90: {  	s2 =	sld [smem:$0x3FC8]  }
0x91: {  	s18 =	sld [smem:$0x3FD0];
	(tm) =	ssettm $0x1  }
0x92: {  	s4 =	sld [smem:$0x3FFB];
	_ =	sdelay $0x3  }
0x93: {  	_ =	strace s4  }
0x94: {  	s4 =	sld [smem:$0x3FFC];
	_ =	sdelay $0x3  }
0x95: {  	_ =	strace s4  }
0x96: {  	s4 =	sld [smem:$0x3FFD];
	_ =	sdelay $0x3  }
0x97: {  	_ =	strace s4  }
0x98: {  	_ =	strace $0x8FFFFFFF  }
0x99: {  	s19 =	sld [smem:$0x3FDB];
	_ =	sdelay $0x1  }
0x9a: {  	s5 =	simm.s32 $_scs_section_size  }
0x9b: {  	s6 =	simm.s32 $_size__tile_overlayer_lowered;
	s7 =	simm.s32 $_tile_overlayer_lowered  }
0x9c: {  	s22 =	simm.s32 $0x1BFF;
	s21 =	sshll.u32 s7, $0x1;
	s4 =	sadd.s32 s5, s19  }
0x9d: {  	s8 =	simm.s32 $0x0;
	s20 =	sshll.u32 s6, $0x1;
	s6 =	sadd.s32 s21, s4  }
0x9e: {  	[timem:s8], [sflag:s22] =	dma.local [hbm:s6], s20  }
0x9f: {  	_ =	swait.ge [sflag:s22], s20  }
0xa0: {  	s5 =	ssub.s32 $0x0, s20;
	[sflag:s22] =	ssyncset.done $0x0  }
0xa1: {  	[sflag:s22] =	ssyncadd.s32 s5;
	_ =	sdelay $0x1  }
0xa2: {  	s23 =	simm.s32 $0x1B8B  }
0xa3: {  	_ =	swait.ge [sflag:s23], $0x1  }
0xa4: {  	[sflag:s23] =	ssyncset.done $0x0  }
0xa5: {  	s25 =	simm.s32 $0x1B8E;
	s24 =	sld [smem:$0x3FFE];
	[sflag:s23] =	ssyncadd.s32 $0xFFFFFFFF  }
0xa6: {  	s26 =	simm.s32 $execute0_lowered;
	[smem:$0x3FD2] =	sst s25  }
0xa7: {  	s6 =	sshll.u32 s26, $0x1;
	_ =	strace $0x8000004C;
	[dreg:$0x1] =	wrdreg $0xFFFFFFFF  }
0xa8: {  	s28 =	simm.s32 $_size_execute0_lowered;
	s4 =	sadd.s32 s4, s6;
	[dreg:$0x0] =	wrdreg $0x0  }
0xa9: {  	s6 =	sshll.u32 s28, $0x1;
	[dreg:$0x2] =	wrdreg s4  }
0xaa: {  	[dreg:$0x3] =	wrdreg s6  }
0xab: {  	[dreg:$0x4] =	wrdreg $0xC0  }
0xac: {  	_ =	task [dreg:s8], $0x5FFFF  }
0xad: {  	[dreg:$0x1] =	wrdreg $0xFFFFFFFF  }
0xae: {  	[dreg:$0x0] =	wrdreg $0x60  }
0xaf: {  	[dreg:$0x2] =	wrdreg s18  }
0xb0: {  	[dreg:$0x3] =	wrdreg s2  }
0xb1: {  	[dreg:$0x4] =	wrdreg s24  }
0xb2: {  	[dreg:$0x5] =	wrdreg $0x84000  }
0xb3: {  	[dreg:$0x6] =	wrdreg $0x9  }
0xb4: {  	_ =	task.clear_ibuf [dreg:s8], $0x7FFFF;
	_ =	strace $0x9000004C  }
0xb5: {  	s29 =	simm.s32 $0x9;
	_ =	strace $0x8000004E  }
0xb6: {  	_ =	swait.ge [sflag:s29], $0x1  }
0xb7: {  	[sflag:s29] =	ssyncadd.s32 $0xFFFFFFFF  }
0xb8: {  	_ =	strace $0x9000004E  }
0xb9: {  	_ =	sfence  }
0xba: {  	s30 =	sld [smem:$0x0];
	_ =	sdelay $0x2  }
0xbb: {  	s31 =	sshll.u32 s1, $0xD;
	s1 =	sshrl.u32 s1, $0x2  }
0xbc: {  	s3 =	sand.u32 $0x4000, s31;
	s1 =	sadd.s32 s1, s30  }
0xbd: {  	s0 =	sor.u32 s3, s0;
	s1 =	sshll.u32 s1, $0x11  }
0xbe: {  	s0 =	sor.u32 s1, s0  }
0xbf: {  	s0 =	sadd.s32 $0x8F2B, s0  }
0xc0: {  	[sflag:s0] =	ssyncadd.remote.s32 $0x1  }
0xc1: {  	_ =	sfence.sel $0xFFFF  }
0xc2: {  	[dreg:$0x0] =	wrdreg $0xFFFFFFFF;
	(pc) =	sbr.abs _section_cstart, $3  }
0xc3: {  	[dreg:$0x1] =	wrdreg $0xFFFFFFFF  }
0xc4: {  	_ =	task.clear_ibuf [dreg:s8], $0x2FFFF;
	_ =	strace $0x9FFFFFFF  }
0xc5: {  	(tm) =	ssettm $0x7FFFFFFF  }
tec
execute0_lowered:
.L_overlay_start_1:
0x0: {  	(tag) =	ssettag $0x1  }
0x1: {  	s1 =	rddreg [dreg:$0x0]  }
0x2: {  	s0 =	rddreg [dreg:$0x1]  }
0x3: {  	s2 =	rddreg [dreg:$0x2]  }
0x4: {  	s3 =	rddreg [dreg:$0x3]  }
0x5: {  	s4 =	srdreg.scid;
	s11 =	stileid.u32  }
0x6: {  	s28 =	simm.s32 $0x400;
	s29 =	simm.s32 $0x2;
	s30 =	simm.s32 $0x4400  }
0x7: {  	s31 =	simm.s32 $0x9;
	s5 =	sand.u32 $0x1, s4;
	s6 =	smul.u32 $0x2800, s11  }
0x8: {  	s4 =	simm.s32 $0x0;
	s10 =	sadd.s32 $0x2400, s2;
	s13 =	smul.u32 $0x50000, s11  }
0x9: {  	s17 =	smul.u32 $0x5000, s11;
	s7 =	sshll.u32 s5, $0x4;
	[smem:$0x7FF] =	sst s4  }
0xa: {  	s8 =	smul.u32 $0x28000, s5;
	s7 =	sor.u32 s11, s7;
	_ =	strace $0x8000004D  }
0xb: {  	[dreg:$0x8] =	wrdreg s10;
	s10 =	ssub.s32 $0x2, s5;
	s5 =	smul.u32 $0x50000, s5  }
0xc: {  	s9 =	smul.u32 $0x5000, s7;
	s8 =	sadd.s32 s6, s8;
	s12 =	sshrl.u32 s10, $0x1  }
0xd: {  	p0 =	seq.s32 s7, $0x1F;
	s7 =	simm.s32 $0x200;
	s2 =	sadd.s32 s8, s2  }
0xe: {  	s10 =	ssub.s32 s10, s12;
	s5 =	sadd.s32 s17, s5;
	s7 =	simm.s32 @!p0 $0x980  }
0xf: {  	s24 =	sor.u32 $0x380, s8;
	s25 =	sor.u32 $0x300, s8;
	s26 =	sor.u32 $0x280, s8  }
0x10: {  	s8 =	simm.s32 $0x8;
	s9 =	sshrl.u32 s9, $0x3;
	s5 =	sor.u32 $0x400, s5  }
0x11: {  	[dreg:$0x6] =	wrdreg s7;
	s17 =	smax.u32 s10, $0x1;
	s6 =	sadd.s32 s0, s9  }
0x12: {  	s7 =	sshrl.u32 s26, $0x2;
	s26 =	simm.s32 $0x1;
	s14 =	sadd.s32 $0x10, s6  }
0x13: {  	s10 =	simm.s32 $0x0;
	s15 =	sadd.s32 $0x20, s6;
	[dreg:$0x9] =	wrdreg s14  }
0x14: {  	s9 =	sshrl.u32 s13, $0x2;
	s16 =	sadd.s32 $0x30, s6;
	[dreg:$0xa] =	wrdreg s15  }
0x15: {  	s5 =	sshrl.u32 s5, $0x3;
	s18 =	sadd.s32 $0x40, s6;
	[dreg:$0xb] =	wrdreg s16  }
0x16: {  	s19 =	sadd.s32 $0x50, s6;
	s20 =	sadd.s32 $0x60, s6;
	[dreg:$0xc] =	wrdreg s18  }
0x17: {  	s21 =	sadd.s32 $0x70, s6;
	s22 =	sadd.s32 s9, s3;
	[dreg:$0xd] =	wrdreg s19  }
0x18: {  	s23 =	sadd.s32 s5, s0;
	s5 =	sshrl.u32 s25, $0x2;
	[dreg:$0xe] =	wrdreg s20  }
0x19: {  	s25 =	simm.s32 $0x380;
	s9 =	simm.s32 $0x4;
	[dreg:$0xf] =	wrdreg s21  }
0x1a: {  	[dreg:$0x10] =	wrdreg s22;
	s15 =	simm.s32 $0x200;
	s16 =	sadd.s32 $0x4C00, s2  }
0x1b: {  	[dreg:$0x5] =	wrdreg s23;
	s2 =	sshrl.u32 s24, $0x2;
	s18 =	sadd.s32 s5, s0  }
0x1c: {  	s19 =	sadd.s32 s7, s0;
	s20 =	simm.s32 $0x80;
	s21 =	simm.s32 $0x280  }
0x1d: {  	s22 =	simm.s32 $0x100;
	s23 =	simm.s32 $0x300;
	s24 =	simm.s32 $0x180  }
0x1e: {  	s5 =	simm.s32 $0x3;
	s7 =	simm.s32 $0x6;
	s2 =	sadd.s32 s2, s0  }
0x1f: {  	s0 =	simm.s32 $0x5;
	[dreg:$0x7] =	wrdreg s2;
	s2 =	simm.s32 $0x7  }
.LBB2_1:
0x20: {  	[tilespmem:s4], [sflag:$0x1] =	stream.linear.gather [hbm4b:s6+s4], $0x80, $0x38;
	[tilespmem:$0x1C400] =	vst v63  }
0x21: {  	s11 =	rddreg [dreg:$0x9]  }
0x22: {  	[tilespmem:s15], [sflag:$0x1] =	stream.linear.gather [hbm4b:s11+s4], $0x80, $0x38;
	[tilespmem:$0x1C400] =	vst v63  }
0x23: {  	s14 =	rddreg [dreg:$0xa]  }
0x24: {  	[tilespmem:s20], [sflag:$0x2] =	stream.linear.gather [hbm4b:s14+s4], $0x80, $0x38;
	[tilespmem:$0x1C400] =	vst v63  }
0x25: {  	s12 =	rddreg [dreg:$0xb]  }
0x26: {  	[tilespmem:s21], [sflag:$0x2] =	stream.linear.gather [hbm4b:s12+s4], $0x80, $0x38;
	[tilespmem:$0x1C400] =	vst v63  }
0x27: {  	s13 =	rddreg [dreg:$0xc]  }
0x28: {  	[tilespmem:s22], [sflag:$0x3] =	stream.linear.gather [hbm4b:s13+s4], $0x80, $0x38;
	[tilespmem:$0x1C400] =	vst v63  }
0x29: {  	s14 =	rddreg [dreg:$0xd]  }
0x2a: {  	[tilespmem:s23], [sflag:$0x3] =	stream.linear.gather [hbm4b:s14+s4], $0x80, $0x38;
	[tilespmem:$0x1C400] =	vst v63  }
0x2b: {  	s12 =	rddreg [dreg:$0xe]  }
0x2c: {  	[tilespmem:s24], [sflag:$0x4] =	stream.linear.gather [hbm4b:s12+s4], $0x80, $0x38;
	[tilespmem:$0x1C400] =	vst v63  }
0x2d: {  	s13 =	rddreg [dreg:$0xf]  }
0x2e: {  	[tilespmem:s25], [sflag:$0x4] =	stream.linear.gather [hbm4b:s13+s4], $0x80, $0x38;
	[tilespmem:$0x1C400] =	vst v63  }
0x2f: {  	_ =	swait.ge [sflag:s26], $0x80  }
0x30: {  	[sflag:s26] =	ssyncset.done $0x0  }
0x31: {  	[sflag:s26] =	ssyncadd.s32 $0xFFFFFF80  }
0x32: {  	_ =	swait.ge [sflag:s26], $0x80  }
0x33: {  	[sflag:s26] =	ssyncset.done $0x0  }
0x34: {  	[sflag:s26] =	ssyncadd.s32 $0xFFFFFF80  }
0x35: {  	[tilespmem:s28], [sflag:$0x5] =	stream.indirect.gather [hbm4b:s1+s20], $0x80, s4, s20, $0xb8;
	[tilespmem:$0x1C400] =	vst v63  }
0x36: {  	_ =	swait.ge [sflag:s29], $0x80  }
0x37: {  	[sflag:s29] =	ssyncset.done $0x0  }
0x38: {  	s14 =	stileid.u32;
	[sflag:s29] =	ssyncadd.s32 $0xFFFFFF80  }
0x39: {  	s11 =	sshll.u32 s14, $0x6;
	_ =	swait.ge [sflag:s29], $0x80  }
0x3a: {  	s11 =	sor.u32 $0x1C09, s11;
	[sflag:s29] =	ssyncset.done $0x0;
	s12 =	rddreg [dreg:$0x10]  }
0x3b: {  	s13 =	rddreg [dreg:$0x8];
	[sflag:s29] =	ssyncadd.s32 $0xFFFFFF80;
	s12 =	sshrl.u32 s12, $0x3  }
0x3c: {  	[tilespmem:s30], [sflag:$0x6] =	stream.indirect.gather [hbm4b:s1+s20], $0x80, s20, s20, $0xb8;
	[tilespmem:$0x1C400] =	vst v63  }
0x3d: {  	[spmem:s12], [sflag:s11] =	dma.local [hbm:s13], $0x2800  }
0x3e: {  	_ =	swait.ge [sflag:s31], $0x2800  }
0x3f: {  	[sflag:s31] =	ssyncset.done $0x0  }
0x40: {  	[sflag:s31] =	ssyncadd.s32 $0xFFFFD800  }
0x41: {  	[bflag:$0x0] =	sbarrier.arrive $0xFFFF  }
0x42: {  	_ =	swait.ge [sflag:s0], $0x4000  }
0x43: {  	[sflag:s0] =	ssyncset.done $0x0  }
0x44: {  	[sflag:s0] =	ssyncadd.s32 $0xFFFFC000  }
0x45: {  	[spmem:s3] =	stream.indirect.scatter.add.f32 [tilespmem:s28], [sflag:$0x7], $0x80, s15, s20, $0xb8;
	[tilespmem:$0x1C400] =	vst v63  }
0x46: {  	_ =	swait.ge [sflag:s2], $0x4000  }
0x47: {  	[sflag:s2] =	ssyncset.done $0x0  }
0x48: {  	[sflag:s2] =	ssyncadd.s32 $0xFFFFC000  }
0x49: {  	_ =	swait.ge [sflag:s5], $0x80  }
0x4a: {  	[sflag:s5] =	ssyncset.done $0x0  }
0x4b: {  	[sflag:s5] =	ssyncadd.s32 $0xFFFFFF80  }
0x4c: {  	_ =	swait.ge [sflag:s5], $0x80  }
0x4d: {  	[sflag:s5] =	ssyncset.done $0x0  }
0x4e: {  	[sflag:s5] =	ssyncadd.s32 $0xFFFFFF80  }
0x4f: {  	[tilespmem:s28], [sflag:$0x5] =	stream.indirect.gather [hbm4b:s1+s20], $0x80, s22, s20, $0xb8;
	[tilespmem:$0x1C400] =	vst v63  }
0x50: {  	_ =	swait.ge [sflag:s7], $0x4000  }
0x51: {  	[sflag:s7] =	ssyncset.done $0x0  }
0x52: {  	s13 =	simm.s32 $0x0;
	[sflag:s7] =	ssyncadd.s32 $0xFFFFC000  }
0x53: {  	[spmem:s3] =	stream.indirect.scatter.add.f32 [tilespmem:s30], [sflag:$0x8], $0x80, s21, s20, $0xb8;
	[tilespmem:$0x1C400] =	vst v63  }
.LBB2_2:
0x54: {  	_ =	swait.ge [sflag:s8], $0x4000  }
0x55: {  	s14 =	rddreg [dreg:$0x5];
	[sflag:s8] =	ssyncset.done $0x0  }
0x56: {  	[sflag:s8] =	ssyncadd.s32 $0xFFFFC000;
	s14 =	sadd.s32 s13, s14  }
0x57: {  	[tilespmem:s4], [sflag:$0x1] =	stream.linear.gather [hbm4b:s14+s4], $0x80, $0x38;
	[tilespmem:$0x1C400] =	vst v63  }
0x58: {  	s14 =	sadd.s32 $0x10, s14  }
0x59: {  	[tilespmem:s15], [sflag:$0x1] =	stream.linear.gather [hbm4b:s14+s4], $0x80, $0x38;
	[tilespmem:$0x1C400] =	vst v63  }
0x5a: {  	_ =	swait.ge [sflag:s9], $0x80  }
0x5b: {  	[sflag:s9] =	ssyncset.done $0x0  }
0x5c: {  	[sflag:s9] =	ssyncadd.s32 $0xFFFFFF80  }
0x5d: {  	_ =	swait.ge [sflag:s9], $0x80  }
0x5e: {  	[sflag:s9] =	ssyncset.done $0x0  }
0x5f: {  	[sflag:s9] =	ssyncadd.s32 $0xFFFFFF80  }
0x60: {  	[tilespmem:s30], [sflag:$0x6] =	stream.indirect.gather [hbm4b:s1+s20], $0x80, s24, s20, $0xb8;
	[tilespmem:$0x1C400] =	vst v63  }
0x61: {  	_ =	swait.ge [sflag:s0], $0x4000  }
0x62: {  	[sflag:s0] =	ssyncset.done $0x0  }
0x63: {  	[sflag:s0] =	ssyncadd.s32 $0xFFFFC000  }
0x64: {  	[spmem:s3] =	stream.indirect.scatter.add.f32 [tilespmem:s28], [sflag:$0x7], $0x80, s23, s20, $0xb8;
	[tilespmem:$0x1C400] =	vst v63  }
0x65: {  	_ =	swait.ge [sflag:s2], $0x4000  }
0x66: {  	[sflag:s2] =	ssyncset.done $0x0  }
0x67: {  	s14 =	sadd.s32 s13, s19;
	[sflag:s2] =	ssyncadd.s32 $0xFFFFC000  }
0x68: {  	[tilespmem:s20], [sflag:$0x2] =	stream.linear.gather [hbm4b:s14+s4], $0x80, $0x38;
	[tilespmem:$0x1C400] =	vst v63  }
0x69: {  	s14 =	sadd.s32 $0x10, s14  }
0x6a: {  	[tilespmem:s21], [sflag:$0x2] =	stream.linear.gather [hbm4b:s14+s4], $0x80, $0x38;
	[tilespmem:$0x1C400] =	vst v63  }
0x6b: {  	_ =	swait.ge [sflag:s26], $0x80  }
0x6c: {  	[sflag:s26] =	ssyncset.done $0x0  }
0x6d: {  	[sflag:s26] =	ssyncadd.s32 $0xFFFFFF80  }
0x6e: {  	_ =	swait.ge [sflag:s26], $0x80  }
0x6f: {  	[sflag:s26] =	ssyncset.done $0x0  }
0x70: {  	[sflag:s26] =	ssyncadd.s32 $0xFFFFFF80  }
0x71: {  	[tilespmem:s28], [sflag:$0x5] =	stream.indirect.gather [hbm4b:s1+s20], $0x80, s4, s20, $0xb8;
	[tilespmem:$0x1C400] =	vst v63  }
0x72: {  	_ =	swait.ge [sflag:s7], $0x4000  }
0x73: {  	[sflag:s7] =	ssyncset.done $0x0  }
0x74: {  	[sflag:s7] =	ssyncadd.s32 $0xFFFFC000  }
0x75: {  	[spmem:s3] =	stream.indirect.scatter.add.f32 [tilespmem:s30], [sflag:$0x8], $0x80, s25, s20, $0xb8;
	[tilespmem:$0x1C400] =	vst v63  }
0x76: {  	_ =	swait.ge [sflag:s8], $0x4000  }
0x77: {  	[sflag:s8] =	ssyncset.done $0x0  }
0x78: {  	s14 =	sadd.s32 s13, s18;
	[sflag:s8] =	ssyncadd.s32 $0xFFFFC000  }
0x79: {  	[tilespmem:s22], [sflag:$0x3] =	stream.linear.gather [hbm4b:s14+s4], $0x80, $0x38;
	[tilespmem:$0x1C400] =	vst v63  }
0x7a: {  	s14 =	sadd.s32 $0x10, s14  }
0x7b: {  	[tilespmem:s23], [sflag:$0x3] =	stream.linear.gather [hbm4b:s14+s4], $0x80, $0x38;
	[tilespmem:$0x1C400] =	vst v63  }
0x7c: {  	_ =	swait.ge [sflag:s29], $0x80  }
0x7d: {  	[sflag:s29] =	ssyncset.done $0x0  }
0x7e: {  	[sflag:s29] =	ssyncadd.s32 $0xFFFFFF80  }
0x7f: {  	_ =	swait.ge [sflag:s29], $0x80  }
0x80: {  	[sflag:s29] =	ssyncset.done $0x0  }
0x81: {  	[sflag:s29] =	ssyncadd.s32 $0xFFFFFF80  }
0x82: {  	[tilespmem:s30], [sflag:$0x6] =	stream.indirect.gather [hbm4b:s1+s20], $0x80, s20, s20, $0xb8;
	[tilespmem:$0x1C400] =	vst v63  }
0x83: {  	_ =	swait.ge [sflag:s0], $0x4000  }
0x84: {  	[sflag:s0] =	ssyncset.done $0x0  }
0x85: {  	[sflag:s0] =	ssyncadd.s32 $0xFFFFC000  }
0x86: {  	[spmem:s3] =	stream.indirect.scatter.add.f32 [tilespmem:s28], [sflag:$0x7], $0x80, s15, s20, $0xb8;
	[tilespmem:$0x1C400] =	vst v63  }
0x87: {  	_ =	swait.ge [sflag:s2], $0x4000  }
0x88: {  	s14 =	rddreg [dreg:$0x7];
	[sflag:s2] =	ssyncset.done $0x0  }
0x89: {  	[sflag:s2] =	ssyncadd.s32 $0xFFFFC000;
	s14 =	sadd.s32 s13, s14  }
0x8a: {  	[tilespmem:s24], [sflag:$0x4] =	stream.linear.gather [hbm4b:s14+s4], $0x80, $0x38;
	[tilespmem:$0x1C400] =	vst v63  }
0x8b: {  	s14 =	sadd.s32 $0x10, s14  }
0x8c: {  	[tilespmem:s25], [sflag:$0x4] =	stream.linear.gather [hbm4b:s14+s4], $0x80, $0x38;
	[tilespmem:$0x1C400] =	vst v63  }
0x8d: {  	_ =	swait.ge [sflag:s5], $0x80  }
0x8e: {  	[sflag:s5] =	ssyncset.done $0x0  }
0x8f: {  	[sflag:s5] =	ssyncadd.s32 $0xFFFFFF80  }
0x90: {  	_ =	swait.ge [sflag:s5], $0x80  }
0x91: {  	[sflag:s5] =	ssyncset.done $0x0  }
0x92: {  	[sflag:s5] =	ssyncadd.s32 $0xFFFFFF80  }
0x93: {  	[tilespmem:s28], [sflag:$0x5] =	stream.indirect.gather [hbm4b:s1+s20], $0x80, s22, s20, $0xb8;
	[tilespmem:$0x1C400] =	vst v63  }
0x94: {  	_ =	swait.ge [sflag:s7], $0x4000  }
0x95: {  	s13 =	sadd.s32 $0x80, s13;
	s14 =	rddreg [dreg:$0x6]  }
0x96: {  	p0 =	sne.s32 s14, s13  }
.Ltmp0:
0x97: {  	_ = 	snop;
	(pc) =	sbr.rel @p0 .LBB2_2-.Ltmp0, $4  }
0x98: {  	_ = 	snop  }
0x99: {  	[sflag:s7] =	ssyncset.done $0x0  }
0x9a: {  	[sflag:s7] =	ssyncadd.s32 $0xFFFFC000  }
0x9b: {  	[spmem:s3] =	stream.indirect.scatter.add.f32 [tilespmem:s30], [sflag:$0x8], $0x80, s21, s20, $0xb8;
	[tilespmem:$0x1C400] =	vst v63  }
0x9c: {  	_ =	swait.ge [sflag:s8], $0x4000  }
0x9d: {  	[sflag:s8] =	ssyncset.done $0x0  }
0x9e: {  	[sflag:s8] =	ssyncadd.s32 $0xFFFFC000  }
0x9f: {  	_ =	swait.ge [sflag:s9], $0x80  }
0xa0: {  	[sflag:s9] =	ssyncset.done $0x0  }
0xa1: {  	[sflag:s9] =	ssyncadd.s32 $0xFFFFFF80  }
0xa2: {  	_ =	swait.ge [sflag:s9], $0x80  }
0xa3: {  	[sflag:s9] =	ssyncset.done $0x0  }
0xa4: {  	[sflag:s9] =	ssyncadd.s32 $0xFFFFFF80  }
0xa5: {  	[tilespmem:s30], [sflag:$0x6] =	stream.indirect.gather [hbm4b:s1+s20], $0x80, s24, s20, $0xb8;
	[tilespmem:$0x1C400] =	vst v63  }
0xa6: {  	_ =	swait.ge [sflag:s0], $0x4000  }
0xa7: {  	[sflag:s0] =	ssyncset.done $0x0  }
0xa8: {  	[sflag:s0] =	ssyncadd.s32 $0xFFFFC000  }
0xa9: {  	[spmem:s3] =	stream.indirect.scatter.add.f32 [tilespmem:s28], [sflag:$0x7], $0x80, s23, s20, $0xb8;
	[tilespmem:$0x1C400] =	vst v63  }
0xaa: {  	_ =	swait.ge [sflag:s7], $0x4000  }
0xab: {  	[sflag:s7] =	ssyncset.done $0x0  }
0xac: {  	[sflag:s7] =	ssyncadd.s32 $0xFFFFC000  }
0xad: {  	[spmem:s3] =	stream.indirect.scatter.add.f32 [tilespmem:s30], [sflag:$0x8], $0x80, s25, s20, $0xb8;
	[tilespmem:$0x1C400] =	vst v63  }
0xae: {  	_ =	swait.ge [sflag:s2], $0x4000  }
0xaf: {  	[sflag:s2] =	ssyncset.done $0x0  }
0xb0: {  	[sflag:s2] =	ssyncadd.s32 $0xFFFFC000  }
0xb1: {  	_ =	swait.ge [sflag:s8], $0x4000  }
0xb2: {  	s10 =	sadd.s32 $0x1, s10;
	[sflag:s8] =	ssyncset.done $0x0  }
0xb3: {  	p0 =	sne.s32 s10, s17;
	[sflag:s8] =	ssyncadd.s32 $0xFFFFC000  }
.Ltmp1:
0xb4: {  	[bflag:$0x0] =	sbarrier.arrive $0xFFFF;
	(pc) =	sbr.rel @p0 .LBB2_1-.Ltmp1, $4  }
0xb5: {  	[hbm:s16], [sflag:s11] =	dma.local [spmem:s12], $0x2800  }
0xb6: {  	_ =	swait.ge [sflag:s31], $0x2800  }
0xb7: {  	[sflag:s31] =	ssyncset.done $0x0  }
0xb8: {  	[sflag:s31] =	ssyncadd.s32 $0xFFFFD800  }
0xb9: {  	_ =	sfence.sel $0x180000  }
0xba: {  	[bflag:$0x0] =	sbarrier.arrive $0xFFFF  }
0xbb: {  	_ =	strace $0x9000004D  }
0xbc: {  	s0 =	stileid.u32;
	[bflag:$0x2] =	sbarrier.arrive $0xFFFF  }
0xbd: {  	p0 =	sne.s32 s0, $0x0;
	s0 =	rddreg [dreg:$0x4]  }
0xbe: {  	s0 =	sadd.s32 @!p0 $0x100000, s0  }
0xbf: {  	[sflag:s0] =	ssyncadd.tile.s32 @!p0 $0x1;
	_ =	shalt  }
.Lfunc_end2:
_tile_overlayer_lowered:
.L_overlay_start_2:
0xc0: {  	(tag) =	ssettag $0x2  }
0xc1: {  	s0 =	rddreg [dreg:$0x0];
	s2 =	stileid.u32  }
0xc2: {  	s1 =	rddreg [dreg:$0x1];
	p0 =	sne.s32 s2, $0x0  }
0xc3: {  	s3 =	rddreg [dreg:$0x2];
	[bflag:$0x3] =	sbarrier.arrive $0xFFFF;
	s2 =	simm.s32 @!p0 $0x1C09  }
0xc4: {  	[timem:s3], [sflag:s2] =	dma.local @!p0 [hbm:s0], s1  }
0xc5: {  	s0 =	simm.s32 @!p0 $0x9  }
0xc6: {  	_ =	swait.ge @!p0 [sflag:s0], s1  }
0xc7: {  	s1 =	ssub.s32 @!p0 $0x0, s1;
	[sflag:s0] =	ssyncset.done @!p0 $0x0  }
0xc8: {  	[sflag:s0] =	ssyncadd.s32 @!p0 s1  }
0xc9: {  	[bflag:$0x3] =	sbarrier.arrive $0xFFFF  }
0xca: {  	_ =	shalt  }

// kernel: kernel.8.cloned.1.call-start
scs
__scs_entry_jumppad:
0x0: {  	(pc) =	sbr.rel $0x88, $3  }
0x1: {  	(tag) =	ssettag $0x0;
	lr =	simm.s32 $0x1  }
0x2: {  	[smem:$0x3F9B] =	sst lr;
	_ =	strace $0xD0000000  }
0x3: {  	_ = 	snop  }
0x4: {  	_ = 	snop  }
0x5: {  	_ = 	snop  }
0x6: {  	_ = 	snop  }
0x7: {  	_ = 	snop  }
__scs_overlays_trampoline_lowered:
0x8: {  	[smem:$0x3FAA] =	sst s0  }
0x9: {  	[smem:$0x3FAB] =	sst s1  }
0xa: {  	[smem:$0x3FAC] =	sst s2  }
0xb: {  	[smem:$0x3FAD] =	sst s3  }
0xc: {  	[smem:$0x3FAE] =	sst s4  }
0xd: {  	[smem:$0x3FAF] =	sst s5  }
0xe: {  	[smem:$0x3FB0] =	sst s6  }
0xf: {  	[smem:$0x3FB1] =	sst s7  }
0x10: {  	[smem:$0x3FB2] =	sst s8  }
0x11: {  	[smem:$0x3FB3] =	sst s9;
	s0 =	simm.s32 @!p0 $0x0  }
0x12: {  	s1 =	sld [smem:$0x3F99];
	s0 =	simm.s32 @p0 $0x1  }
0x13: {  	[smem:$0x3FB4] =	sst s0;
	s0 =	simm.s32 @!p1 $0x0  }
0x14: {  	s2 =	sld [smem:$0x3F98];
	s0 =	simm.s32 @p1 $0x1  }
0x15: {  	[smem:$0x3FB5] =	sst s0;
	s0 =	simm.s32 @!p2 $0x0  }
0x16: {  	s3 =	sld [smem:$0x3FDB];
	s0 =	simm.s32 @p2 $0x1  }
0x17: {  	s4 =	simm.s32 $0x1BF5;
	[smem:$0x3FB7] =	sst s0  }
0x18: {  	s0 =	sld [smem:$0x3F9A];
	_ =	swait.ge [sflag:s4], $0x0  }
0x19: {  	s7 =	sld [smem:$0x3F9B]  }
0x1a: {  	s8 =	sadd.s32 $0xFFFFE003, lr  }
0x1b: {  	s9 =	sadd.s32 $0xFFFFFEF7, lr;
	s5 =	simm.s32 $0xFFFFFFFF;
	p2 =	slt.u32 s8, $0xFFFFF086  }
0x1c: {  	p1 =	slt.u32 s9, $0xF7A;
	s5 =	simm.s32 @!p2 $0x0  }
0x1d: {  	s5 =	simm.s32 @p1 $0x1;
	p0 =	seq.s32 s7, s2  }
0x1e: {  	s7 =	smul.u32 @!p0 $0xF7A, s2;
	p2 =	seq.s32 @!p0 s5, $0x0  }
0x1f: {  	s9 =	smul.u32 $0xF7A, s1;
	s8 =	simm.s32 @!p0 $0x1BF5;
	p2 =	por !p2, p0  }
0x20: {  	[sflag:s8] =	ssyncset.s32 @!p0 $0xFFFFF086;
	s6 =	sadd.s32 @!p0 s3, s7;
	s7 =	simm.s32 @!p0 $0x108  }
0x21: {  	s3 =	sadd.s32 s3, s9;
	s6 =	sadd.s32 @!p0 $0x88, s6;
	s7 =	simm.s32 @p2 $0x1082  }
0x22: {  	[simem:s7], [sflag:s8] =	dma.local @!p0 [hbm:s6], $0xF7A  }
0x23: {  	s9 =	sor.u32 $0xD0000000, s2;
	s6 =	simm.s32 $0x108;
	_ =	swait.ge @!p0 [sflag:s8], $0x0  }
0x24: {  	s3 =	sadd.s32 $0x88, s3;
	s6 =	simm.s32 @!p1 $0x1082;
	[sflag:s4] =	ssyncset.s32 $0xFFFFF086  }
0x25: {  	[simem:s6], [sflag:s4] =	dma.local [hbm:s3], $0xF7A  }
0x26: {  	[smem:$0x3F9B] =	sst s1;
	(tag) =	ssettag s2;
	_ =	strace s9  }
0x27: {  	s1 =	sld [smem:$0x3FAB]  }
0x28: {  	s2 =	sld [smem:$0x3FAC]  }
0x29: {  	s4 =	sld [smem:$0x3FAE]  }
0x2a: {  	p0 =	seq.s32 s5, $0x0;
	s5 =	sld [smem:$0x3FAF]  }
0x2b: {  	s6 =	sld [smem:$0x3FB0]  }
0x2c: {  	s7 =	sld [smem:$0x3FB1]  }
0x2d: {  	s3 =	simm.s32 $0x108;
	s8 =	sld [smem:$0x3FB2]  }
0x2e: {  	s3 =	simm.s32 @!p0 $0x1082;
	s9 =	sld [smem:$0x3FB3]  }
0x2f: {  	lr =	sadd.s32 s0, s3;
	s0 =	sld [smem:$0x3FAA]  }
0x30: {  	s3 =	sld [smem:$0x3FAD]  }
0x31: {  	[smem:$0x3FB6] =	sst s10  }
0x32: {  	s10 =	sld [smem:$0x3FB4];
	_ =	sdelay $0x3  }
0x33: {  	p0 =	seq.s32 s10, $0x1;
	s10 =	sld [smem:$0x3FB6];
	_ =	sdelay $0x3  }
0x34: {  	[smem:$0x3FB6] =	sst s10  }
0x35: {  	s10 =	sld [smem:$0x3FB5];
	_ =	sdelay $0x3  }
0x36: {  	p1 =	seq.s32 s10, $0x1;
	s10 =	sld [smem:$0x3FB6];
	_ =	sdelay $0x3  }
0x37: {  	[smem:$0x3FB6] =	sst s10  }
0x38: {  	s10 =	sld [smem:$0x3FB7]  }
0x39: {  	_ = 	snop;
	(pc) =	sbr.ind lr, $3  }
0x3a: {  	_ = 	snop  }
0x3b: {  	_ = 	snop  }
0x3c: {  	p2 =	seq.s32 s10, $0x1;
	s10 =	sld [smem:$0x3FB6]  }
0x3d: {  	_ =	shalt  }
0x3e: {  	_ =	shalt  }
0x3f: {  	_ =	shalt  }
0x40: {  	_ =	shalt  }
0x41: {  	_ =	shalt  }
0x42: {  	_ =	shalt  }
0x43: {  	_ =	shalt  }
0x44: {  	_ =	shalt  }
0x45: {  	_ =	shalt  }
0x46: {  	_ =	shalt  }
0x47: {  	_ =	shalt  }
0x48: {  	_ =	shalt  }
0x49: {  	_ =	shalt  }
0x4a: {  	_ =	shalt  }
0x4b: {  	_ =	shalt  }
0x4c: {  	_ =	shalt  }
0x4d: {  	_ =	shalt  }
0x4e: {  	_ =	shalt  }
0x4f: {  	_ =	shalt  }
0x50: {  	_ =	shalt  }
0x51: {  	_ =	shalt  }
0x52: {  	_ =	shalt  }
0x53: {  	_ =	shalt  }
0x54: {  	_ =	shalt  }
0x55: {  	_ =	shalt  }
0x56: {  	_ =	shalt  }
0x57: {  	_ =	shalt  }
0x58: {  	_ =	shalt  }
0x59: {  	_ =	shalt  }
0x5a: {  	_ =	shalt  }
0x5b: {  	_ =	shalt  }
0x5c: {  	_ =	shalt  }
0x5d: {  	_ =	shalt  }
0x5e: {  	_ =	shalt  }
0x5f: {  	_ =	shalt  }
0x60: {  	_ =	shalt  }
0x61: {  	_ =	shalt  }
0x62: {  	_ =	shalt  }
0x63: {  	_ =	shalt  }
0x64: {  	_ =	shalt  }
0x65: {  	_ =	shalt  }
0x66: {  	_ =	shalt  }
0x67: {  	_ =	shalt  }
0x68: {  	_ =	shalt  }
0x69: {  	_ =	shalt  }
0x6a: {  	_ =	shalt  }
0x6b: {  	_ =	shalt  }
0x6c: {  	_ =	shalt  }
0x6d: {  	_ =	shalt  }
0x6e: {  	_ =	shalt  }
0x6f: {  	_ =	shalt  }
0x70: {  	_ =	shalt  }
0x71: {  	_ =	shalt  }
0x72: {  	_ =	shalt  }
0x73: {  	_ =	shalt  }
0x74: {  	_ =	shalt  }
0x75: {  	_ =	shalt  }
0x76: {  	_ =	shalt  }
0x77: {  	_ =	shalt  }
0x78: {  	_ =	shalt  }
0x79: {  	_ =	shalt  }
0x7a: {  	_ =	shalt  }
0x7b: {  	_ =	shalt  }
0x7c: {  	_ =	shalt  }
0x7d: {  	_ =	shalt  }
0x7e: {  	_ =	shalt  }
0x7f: {  	_ =	shalt  }
0x80: {  	_ =	shalt  }
0x81: {  	_ =	shalt  }
0x82: {  	_ =	shalt  }
0x83: {  	_ =	shalt  }
0x84: {  	_ =	shalt  }
0x85: {  	_ =	shalt  }
0x86: {  	_ =	shalt  }
0x87: {  	_ =	shalt  }
.Lfunc_end0:
.L_simem_size_0:
called_computation_lowered:
.L_overlay_start_0:
0x88: {  	s2 =	sld [smem:$0x3FD9]  }
0x89: {  	s3 =	sld [smem:$0x3FFE];
	_ =	sdelay $0x1  }
0x8a: {  	s1 =	srdreg.scid  }
0x8b: {  	s0 =	sand.u32 $0x1, s1  }
0x8c: {  	s18 =	sshll.u32 s0, $0xA;
	s2 =	sadd.s32 s3, s2  }
0x8d: {  	s2 =	sadd.s32 s2, s18  }
0x8e: {  	[smem:$0x3FC2] =	sst s2  }
0x8f: {  	_ = 	snop  }
0x90: {  	s2 =	sld [smem:$0x3FC8]  }
0x91: {  	s19 =	sld [smem:$0x3FD0];
	(tm) =	ssettm $0x1  }
0x92: {  	s4 =	sld [smem:$0x3FFB];
	_ =	sdelay $0x3  }
0x93: {  	_ =	strace s4  }
0x94: {  	s4 =	sld [smem:$0x3FFC];
	_ =	sdelay $0x3  }
0x95: {  	_ =	strace s4  }
0x96: {  	s4 =	sld [smem:$0x3FFD];
	_ =	sdelay $0x3  }
0x97: {  	_ =	strace s4  }
0x98: {  	_ =	strace $0x8FFFFFFF  }
0x99: {  	s20 =	sld [smem:$0x3FDB];
	_ =	sdelay $0x1  }
0x9a: {  	s5 =	simm.s32 $_scs_section_size  }
0x9b: {  	s6 =	simm.s32 $_size__tile_overlayer_lowered;
	s7 =	simm.s32 $_tile_overlayer_lowered  }
0x9c: {  	s23 =	simm.s32 $0x1BFF;
	s22 =	sshll.u32 s7, $0x1;
	s4 =	sadd.s32 s5, s20  }
0x9d: {  	s8 =	simm.s32 $0x0;
	s21 =	sshll.u32 s6, $0x1;
	s6 =	sadd.s32 s22, s4  }
0x9e: {  	[timem:s8], [sflag:s23] =	dma.local [hbm:s6], s21  }
0x9f: {  	_ =	swait.ge [sflag:s23], s21  }
0xa0: {  	s5 =	ssub.s32 $0x0, s21;
	[sflag:s23] =	ssyncset.done $0x0  }
0xa1: {  	[sflag:s23] =	ssyncadd.s32 s5;
	_ =	sdelay $0x1  }
0xa2: {  	s24 =	simm.s32 $0x1B8B  }
0xa3: {  	_ =	swait.ge [sflag:s24], $0x1  }
0xa4: {  	[sflag:s24] =	ssyncset.done $0x0  }
0xa5: {  	s25 =	simm.s32 $0x1B8E;
	[sflag:s24] =	ssyncadd.s32 $0xFFFFFFFF  }
0xa6: {  	s26 =	simm.s32 $execute0_lowered;
	[smem:$0x3FD2] =	sst s25  }
0xa7: {  	s5 =	sshll.u32 s26, $0x1;
	_ =	strace $0x80000046;
	[dreg:$0x1] =	wrdreg $0xFFFFFFFF  }
0xa8: {  	s28 =	simm.s32 $_size_execute0_lowered;
	s4 =	sadd.s32 s4, s5;
	[dreg:$0x0] =	wrdreg $0x0  }
0xa9: {  	s5 =	sshll.u32 s28, $0x1;
	[dreg:$0x2] =	wrdreg s4  }
0xaa: {  	[dreg:$0x3] =	wrdreg s5  }
0xab: {  	[dreg:$0x4] =	wrdreg $0xC0  }
0xac: {  	_ =	task [dreg:s8], $0x5FFFF  }
0xad: {  	[dreg:$0x1] =	wrdreg $0xFFFFFFFF  }
0xae: {  	[dreg:$0x0] =	wrdreg $0x60  }
0xaf: {  	[dreg:$0x2] =	wrdreg s2  }
0xb0: {  	[dreg:$0x3] =	wrdreg s19  }
0xb1: {  	[dreg:$0x4] =	wrdreg $0x7A800  }
0xb2: {  	[dreg:$0x5] =	wrdreg $0x9  }
0xb3: {  	_ =	task.clear_ibuf [dreg:s8], $0x6FFFF;
	_ =	strace $0x90000046  }
0xb4: {  	s29 =	simm.s32 $0x9;
	_ =	strace $0x80000048  }
0xb5: {  	_ =	swait.ge [sflag:s29], $0x1  }
0xb6: {  	[sflag:s29] =	ssyncadd.s32 $0xFFFFFFFF  }
0xb7: {  	_ =	strace $0x90000048  }
0xb8: {  	_ =	sfence  }
0xb9: {  	s30 =	sld [smem:$0x0];
	_ =	sdelay $0x2  }
0xba: {  	s31 =	sshll.u32 s1, $0xD;
	s1 =	sshrl.u32 s1, $0x2  }
0xbb: {  	s3 =	sand.u32 $0x4000, s31;
	s1 =	sadd.s32 s1, s30  }
0xbc: {  	s0 =	sor.u32 s3, s0;
	s1 =	sshll.u32 s1, $0x11  }
0xbd: {  	s0 =	sor.u32 s1, s0  }
0xbe: {  	s0 =	sadd.s32 $0x8F2B, s0  }
0xbf: {  	[sflag:s0] =	ssyncadd.remote.s32 $0x1  }
0xc0: {  	_ =	sfence.sel $0xFFFF  }
0xc1: {  	[dreg:$0x0] =	wrdreg $0xFFFFFFFF;
	(pc) =	sbr.abs _section_cstart, $3  }
0xc2: {  	[dreg:$0x1] =	wrdreg $0xFFFFFFFF  }
0xc3: {  	_ =	task.clear_ibuf [dreg:s8], $0x2FFFF;
	_ =	strace $0x9FFFFFFF  }
0xc4: {  	(tm) =	ssettm $0x7FFFFFFF  }
0xc5: {  	_ =	shalt  }
tec
execute0_lowered:
.L_overlay_start_1:
0x0: {  	(tag) =	ssettag $0x1  }
0x1: {  	s0 =	rddreg [dreg:$0x0]  }
0x2: {  	s1 =	rddreg [dreg:$0x1]  }
0x3: {  	s2 =	rddreg [dreg:$0x2];
	s3 =	srdreg.scid;
	s4 =	simm.s32 $0x0  }
0x4: {  	s8 =	stileid.u32;
	s28 =	simm.s32 $0x2;
	s29 =	simm.s32 $0x0  }
0x5: {  	s14 =	sand.u32 $0x1, s3;
	[smem:$0x7FF] =	sst s4;
	s25 =	smul.u32 $0x5000, s8  }
0x6: {  	s5 =	sshrl.u32 s8, $0x3;
	s26 =	sshll.u32 s8, $0x7;
	s30 =	smul.u32 $0x280, s8  }
0x7: {  	s4 =	sadd.s32 $0x13610, s0;
	s3 =	sshll.u32 s14, $0x4;
	s5 =	smul.u32 $0x50000, s5  }
0x8: {  	s20 =	ssub.s32 $0x2, s14;
	_ =	strace $0x80000047;
	s31 =	smul.u32 $0x2800, s14  }
0x9: {  	s24 =	sor.u32 s8, s3;
	s6 =	sshrl.u32 s20, $0x1;
	s7 =	sshrl.u32 s25, $0x2  }
0xa: {  	s25 =	simm.s32 $0x80;
	s21 =	smul.u32 $0xA00, s24;
	s23 =	ssub.s32 s20, s6  }
0xb: {  	s5 =	sshrl.u32 s5, $0x2;
	s6 =	sand.u32 $0x380, s26;
	p0 =	seq.s32 s24, $0x1F  }
0xc: {  	s24 =	simm.s32 $0x2800;
	s26 =	simm.s32 $0x400;
	s5 =	sadd.s32 s5, s2  }
0xd: {  	s23 =	smax.u32 s23, $0x1;
	s22 =	sadd.s32 s21, s0;
	s5 =	sadd.s32 s6, s5  }
0xe: {  	s6 =	sadd.s32 s7, s2;
	s0 =	sadd.s32 s30, s31;
	s3 =	sadd.s32 $0x10, s22  }
0xf: {  	s7 =	sadd.s32 $0x80, s6;
	s8 =	sadd.s32 $0x100, s6;
	s9 =	sadd.s32 $0x180, s6  }
0x10: {  	s10 =	sadd.s32 $0x200, s6;
	s11 =	sadd.s32 $0x280, s6;
	s12 =	sadd.s32 $0x300, s6  }
0x11: {  	s13 =	sadd.s32 $0x380, s6;
	s14 =	sadd.s32 $0x14000, s6;
	s15 =	sadd.s32 $0x14080, s6  }
0x12: {  	s16 =	sadd.s32 $0x14100, s6;
	s17 =	sadd.s32 $0x14180, s6;
	s18 =	sadd.s32 $0x14200, s6  }
0x13: {  	s19 =	sadd.s32 $0x14280, s6;
	s20 =	sadd.s32 $0x14300, s6;
	s0 =	sshrl.u32 s0, $0x3  }
0x14: {  	v0 =	vimm.f32 $0.0e+00;
	v1 =	vimm.f32 $1.000000000e+00;
	s21 =	sadd.s32 $0x14380, s6;
	s22 =	sadd.s32 s1, s0;
	s1 =	simm.s32 $0x1  }
.LBB2_1:
0x15: {  	s0 =	simm.s32 @p0 $0x80;
	s2 =	simm.s32 @p0 $0x100;
	s30 =	simm.s32 @p0 $0x0  }
0x16: {  	[tilespmem:s30], [sflag:$0x1] =	stream.strided.gather @p0 [hbm4b:s4+s0], $0xA00, s2, s0, $0x38;
	[tilespmem:$0xA280] =	vst v63  }
0x17: {  	s0 =	simm.s32 @!p0 $0x80;
	s2 =	simm.s32 @!p0 $0x100;
	s30 =	simm.s32 @!p0 $0x0  }
0x18: {  	[tilespmem:s30], [sflag:$0x1] =	stream.strided.gather @!p0 [hbm4b:s3+s0], $0x2800, s2, s0, $0x38;
	[tilespmem:$0xA280] =	vst v63  }
0x19: {  	s0 =	simm.s32 $0x40;
	s2 =	simm.s32 $0x0  }
.LBB2_2:
0x1a: {  	p1 =	sne.s32 s0, $0x9FC0;
	[tilespmem:s2+$0x2800] =	vst v0;
	s2 =	smov.u32 s0;
	s0 =	sadd.s32 $0x40, s0  }
.Ltmp0:
0x1b: {  	(pc) =	sbr.rel @p1 .LBB2_2-.Ltmp0, $2  }
0x1c: {  	_ =	sdelay $0x2  }
0x1d: {  	s2 =	sshra.s32 s2, $0x2  }
0x1e: {  	[tilespmem:s2+$0x2800] =	vst v0;
	s0 =	simm.s32 @p0 $0x1;
	s2 =	simm.s32 @!p0 $0x280  }
0x1f: {  	_ =	swait.ge @p0 [sflag:s0], $0xA00;
	s2 =	simm.s32 @p0 $0xA0  }
0x20: {  	[sflag:s0] =	ssyncset.done @p0 $0x0;
	p1 =	sne.s32 s2, $0x1  }
.Ltmp1:
0x21: {  	[sflag:s0] =	ssyncadd.s32 @p0 $0xFFFFF600;
	s0 =	simm.s32 @!p0 $0x1;
	(pc) =	sbr.rel @!p1 .LBB2_5-.Ltmp1, $4  }
0x22: {  	_ =	swait.ge @!p0 [sflag:s0], $0x2800  }
0x23: {  	[sflag:s0] =	ssyncset.done @!p0 $0x0  }
0x24: {  	[sflag:s0] =	ssyncadd.s32 @!p0 $0xFFFFD800;
	s0 =	simm.s32 $0x0  }
0x25: {  	s2 =	sadd.s32 $0xFFFFFFFF, s2;
	v2 =	vld [tilespmem:s0+$0x0]  }
.LBB2_4:
0x26: {  	p1 =	sne.s32 s2, $0x1;
	_ =	sdelay $0x3  }
.Ltmp2:
0x27: {  	(pc) =	sbr.rel @p1 .LBB2_4-.Ltmp2, $3  }
0x28: {  	_ =	sdelay $0x1  }
0x29: {  	s0 =	sadd.s32 $0x10, s0;
	[tilespmem:v2+s24+$0x0] =	vst.idx.add.f32.msk $0xffff, v1  }
0x2a: {  	s2 =	sadd.s32 $0xFFFFFFFF, s2;
	v2 =	vld [tilespmem:s0+$0x0]  }
.LBB2_5:
0x2b: {  	_ =	sdelay $0x7  }
0x2c: {  	[tilespmem:v2+s24+$0x0] =	vst.idx.add.f32.msk $0xffff, v1  }
0x2d: {  	[spmem:s5] =	stream.strided.scatter [tilespmem:s24], [sflag:$0x2], $0x2800, s26, s25, $0x38;
	[tilespmem:$0xA280] =	vst v63  }
0x2e: {  	_ =	swait.ge [sflag:s28], $0x2800  }
0x2f: {  	[sflag:s28] =	ssyncset.done $0x0  }
0x30: {  	[sflag:s28] =	ssyncadd.s32 $0xFFFFD800  }
0x31: {  	s0 =	simm.s32 $0x5000;
	[bflag:$0x0] =	sbarrier.arrive $0xFFFF  }
0x32: {  	[tilespmem:s0], [sflag:$0x1] =	stream.strided.gather [spmem:s6], $0x280, s26, s25, $0x38;
	[tilespmem:$0xA280] =	vst v63  }
0x33: {  	s2 =	simm.s32 $0x5280  }
0x34: {  	[tilespmem:s2], [sflag:$0x1] =	stream.strided.gather [spmem:s7], $0x280, s26, s25, $0x38;
	[tilespmem:$0xA280] =	vst v63  }
0x35: {  	s2 =	simm.s32 $0x5500  }
0x36: {  	[tilespmem:s2], [sflag:$0x1] =	stream.strided.gather [spmem:s8], $0x280, s26, s25, $0x38;
	[tilespmem:$0xA280] =	vst v63  }
0x37: {  	s2 =	simm.s32 $0x5780  }
0x38: {  	[tilespmem:s2], [sflag:$0x1] =	stream.strided.gather [spmem:s9], $0x280, s26, s25, $0x38;
	[tilespmem:$0xA280] =	vst v63  }
0x39: {  	s2 =	simm.s32 $0x5A00  }
0x3a: {  	[tilespmem:s2], [sflag:$0x1] =	stream.strided.gather [spmem:s10], $0x280, s26, s25, $0x38;
	[tilespmem:$0xA280] =	vst v63  }
0x3b: {  	s2 =	simm.s32 $0x5C80  }
0x3c: {  	[tilespmem:s2], [sflag:$0x1] =	stream.strided.gather [spmem:s11], $0x280, s26, s25, $0x38;
	[tilespmem:$0xA280] =	vst v63  }
0x3d: {  	s2 =	simm.s32 $0x5F00  }
0x3e: {  	[tilespmem:s2], [sflag:$0x1] =	stream.strided.gather [spmem:s12], $0x280, s26, s25, $0x38;
	[tilespmem:$0xA280] =	vst v63  }
0x3f: {  	s2 =	simm.s32 $0x6180  }
0x40: {  	[tilespmem:s2], [sflag:$0x1] =	stream.strided.gather [spmem:s13], $0x280, s26, s25, $0x38;
	[tilespmem:$0xA280] =	vst v63  }
0x41: {  	s2 =	simm.s32 $0x6400  }
0x42: {  	[tilespmem:s2], [sflag:$0x1] =	stream.strided.gather [spmem:s14], $0x280, s26, s25, $0x38;
	[tilespmem:$0xA280] =	vst v63  }
0x43: {  	s2 =	simm.s32 $0x6680  }
0x44: {  	[tilespmem:s2], [sflag:$0x1] =	stream.strided.gather [spmem:s15], $0x280, s26, s25, $0x38;
	[tilespmem:$0xA280] =	vst v63  }
0x45: {  	s2 =	simm.s32 $0x6900  }
0x46: {  	[tilespmem:s2], [sflag:$0x1] =	stream.strided.gather [spmem:s16], $0x280, s26, s25, $0x38;
	[tilespmem:$0xA280] =	vst v63  }
0x47: {  	s2 =	simm.s32 $0x6B80  }
0x48: {  	[tilespmem:s2], [sflag:$0x1] =	stream.strided.gather [spmem:s17], $0x280, s26, s25, $0x38;
	[tilespmem:$0xA280] =	vst v63  }
0x49: {  	s2 =	simm.s32 $0x6E00  }
0x4a: {  	[tilespmem:s2], [sflag:$0x1] =	stream.strided.gather [spmem:s18], $0x280, s26, s25, $0x38;
	[tilespmem:$0xA280] =	vst v63  }
0x4b: {  	s2 =	simm.s32 $0x7080  }
0x4c: {  	[tilespmem:s2], [sflag:$0x1] =	stream.strided.gather [spmem:s19], $0x280, s26, s25, $0x38;
	[tilespmem:$0xA280] =	vst v63  }
0x4d: {  	s2 =	simm.s32 $0x7300  }
0x4e: {  	[tilespmem:s2], [sflag:$0x1] =	stream.strided.gather [spmem:s20], $0x280, s26, s25, $0x38;
	[tilespmem:$0xA280] =	vst v63  }
0x4f: {  	s2 =	simm.s32 $0x7580  }
0x50: {  	[tilespmem:s2], [sflag:$0x1] =	stream.strided.gather [spmem:s21], $0x280, s26, s25, $0x38;
	[tilespmem:$0xA280] =	vst v63  }
0x51: {  	_ =	swait.ge [sflag:s1], $0x280  }
0x52: {  	[sflag:s1] =	ssyncset.done $0x0  }
0x53: {  	[sflag:s1] =	ssyncadd.s32 $0xFFFFFD80  }
0x54: {  	_ =	swait.ge [sflag:s1], $0x280  }
0x55: {  	[sflag:s1] =	ssyncset.done $0x0  }
0x56: {  	[sflag:s1] =	ssyncadd.s32 $0xFFFFFD80  }
0x57: {  	_ =	swait.ge [sflag:s1], $0x280  }
0x58: {  	[sflag:s1] =	ssyncset.done $0x0  }
0x59: {  	[sflag:s1] =	ssyncadd.s32 $0xFFFFFD80  }
0x5a: {  	_ =	swait.ge [sflag:s1], $0x280  }
0x5b: {  	[sflag:s1] =	ssyncset.done $0x0  }
0x5c: {  	[sflag:s1] =	ssyncadd.s32 $0xFFFFFD80  }
0x5d: {  	_ =	swait.ge [sflag:s1], $0x280  }
0x5e: {  	[sflag:s1] =	ssyncset.done $0x0  }
0x5f: {  	[sflag:s1] =	ssyncadd.s32 $0xFFFFFD80  }
0x60: {  	_ =	swait.ge [sflag:s1], $0x280  }
0x61: {  	[sflag:s1] =	ssyncset.done $0x0  }
0x62: {  	[sflag:s1] =	ssyncadd.s32 $0xFFFFFD80  }
0x63: {  	_ =	swait.ge [sflag:s1], $0x280  }
0x64: {  	[sflag:s1] =	ssyncset.done $0x0  }
0x65: {  	[sflag:s1] =	ssyncadd.s32 $0xFFFFFD80  }
0x66: {  	_ =	swait.ge [sflag:s1], $0x280  }
0x67: {  	[sflag:s1] =	ssyncset.done $0x0  }
0x68: {  	[sflag:s1] =	ssyncadd.s32 $0xFFFFFD80  }
0x69: {  	_ =	swait.ge [sflag:s1], $0x280  }
0x6a: {  	[sflag:s1] =	ssyncset.done $0x0  }
0x6b: {  	[sflag:s1] =	ssyncadd.s32 $0xFFFFFD80  }
0x6c: {  	_ =	swait.ge [sflag:s1], $0x280  }
0x6d: {  	[sflag:s1] =	ssyncset.done $0x0  }
0x6e: {  	[sflag:s1] =	ssyncadd.s32 $0xFFFFFD80  }
0x6f: {  	_ =	swait.ge [sflag:s1], $0x280  }
0x70: {  	[sflag:s1] =	ssyncset.done $0x0  }
0x71: {  	[sflag:s1] =	ssyncadd.s32 $0xFFFFFD80  }
0x72: {  	_ =	swait.ge [sflag:s1], $0x280  }
0x73: {  	[sflag:s1] =	ssyncset.done $0x0  }
0x74: {  	[sflag:s1] =	ssyncadd.s32 $0xFFFFFD80  }
0x75: {  	_ =	swait.ge [sflag:s1], $0x280  }
0x76: {  	[sflag:s1] =	ssyncset.done $0x0  }
0x77: {  	[sflag:s1] =	ssyncadd.s32 $0xFFFFFD80  }
0x78: {  	_ =	swait.ge [sflag:s1], $0x280  }
0x79: {  	[sflag:s1] =	ssyncset.done $0x0  }
0x7a: {  	[sflag:s1] =	ssyncadd.s32 $0xFFFFFD80  }
0x7b: {  	_ =	swait.ge [sflag:s1], $0x280  }
0x7c: {  	[sflag:s1] =	ssyncset.done $0x0  }
0x7d: {  	[sflag:s1] =	ssyncadd.s32 $0xFFFFFD80  }
0x7e: {  	_ =	swait.ge [sflag:s1], $0x280  }
0x7f: {  	[sflag:s1] =	ssyncset.done $0x0  }
0x80: {  	s31 =	simm.s32 $0x0;
	[sflag:s1] =	ssyncadd.s32 $0xFFFFFD80  }
0x81: {  	v2 =	vld [tilespmem:s31+$0x5000]  }
0x82: {  	v3 =	vld [tilespmem:s31+$0x5280];
	_ =	sdelay $0x1  }
0x83: {  	v4 =	vld [tilespmem:s31+$0x5500];
	_ =	sdelay $0x1  }
0x84: {  	v5 =	vld [tilespmem:s31+$0x5780]  }
0x85: {  	v2 =	vadd.f32 v3, v2  }
0x86: {  	v3 =	vld [tilespmem:s31+$0x5A00]  }
0x87: {  	v2 =	vadd.f32 v4, v2  }
0x88: {  	v4 =	vld [tilespmem:s31+$0x5C80]  }
0x89: {  	v2 =	vadd.f32 v5, v2  }
0x8a: {  	v5 =	vld [tilespmem:s31+$0x5F00]  }
0x8b: {  	v2 =	vadd.f32 v3, v2  }
0x8c: {  	v3 =	vld [tilespmem:s31+$0x6180]  }
0x8d: {  	s30 =	simm.s32 $0x10;
	v6 =	vld [tilespmem:s31+$0x6400];
	v2 =	vadd.f32 v4, v2  }
0x8e: {  	v7 =	vld [tilespmem:s30+$0x5000]  }
0x8f: {  	v4 =	vld [tilespmem:s31+$0x6680];
	v2 =	vadd.f32 v5, v2  }
0x90: {  	v5 =	vld [tilespmem:s30+$0x5280]  }
0x91: {  	v8 =	vld [tilespmem:s30+$0x5500];
	v2 =	vadd.f32 v3, v2  }
0x92: {  	v3 =	vld [tilespmem:s31+$0x6900]  }
0x93: {  	v9 =	vld [tilespmem:s30+$0x5780];
	v2 =	vadd.f32 v6, v2  }
0x94: {  	v6 =	vld [tilespmem:s31+$0x6B80]  }
0x95: {  	v5 =	vadd.f32 v5, v7;
	v7 =	vld [tilespmem:s30+$0x5A00];
	v2 =	vadd.f32 v4, v2  }
0x96: {  	v4 =	vld [tilespmem:s31+$0x6E00]  }
0x97: {  	v5 =	vadd.f32 v8, v5;
	v8 =	vld [tilespmem:s30+$0x5C80];
	v2 =	vadd.f32 v3, v2  }
0x98: {  	v3 =	vld [tilespmem:s31+$0x7080]  }
0x99: {  	v10 =	vld [tilespmem:s30+$0x5F00];
	v5 =	vadd.f32 v9, v5;
	v2 =	vadd.f32 v6, v2  }
0x9a: {  	v9 =	vld [tilespmem:s31+$0x7300]  }
0x9b: {  	v6 =	vadd.f32 v7, v5;
	v5 =	vld [tilespmem:s30+$0x6180];
	v7 =	vadd.f32 v4, v2  }
0x9c: {  	v4 =	vld [tilespmem:s31+$0x7580]  }
0x9d: {  	v2 =	vld [tilespmem:s30+$0x6680];
	v8 =	vadd.f32 v8, v6;
	v11 =	vadd.f32 v3, v7  }
0x9e: {  	s0 =	simm.s32 $0x20;
	v6 =	vld [tilespmem:s30+$0x6400]  }
0x9f: {  	s2 =	simm.s32 $0xC0;
	v3 =	vld [tilespmem:s0+$0x5000];
	v7 =	vadd.f32 v10, v8;
	v8 =	vadd.f32 v9, v11  }
.LBB2_6:
0xa0: {  	p1 =	sne.s32 s2, $0x9C0;
	v9 =	vld [tilespmem:s0+$0x5280]  }
0xa1: {  	v5 =	vadd.f32 v5, v7;
	v7 =	vld [tilespmem:s30+$0x6900];
	v4 =	vadd.f32 v4, v8  }
0xa2: {  	v8 =	vld [tilespmem:s0+$0x5500]  }
0xa3: {  	v5 =	vadd.f32 v6, v5;
	v6 =	vld [tilespmem:s30+$0x6B80];
	[tilespmem:s31+$0x7800] =	vst v4;
	s31 =	smov.u32 s30;
	s30 =	smov.u32 s0  }
0xa4: {  	v4 =	vld [tilespmem:s30+$0x5780]  }
0xa5: {  	v3 =	vadd.f32 v9, v3;
	v2 =	vadd.f32 v2, v5;
	v5 =	vld [tilespmem:s31+$0x6E00]  }
0xa6: {  	v9 =	vld [tilespmem:s30+$0x5A00]  }
0xa7: {  	v3 =	vadd.f32 v8, v3;
	v2 =	vadd.f32 v7, v2;
	v7 =	vld [tilespmem:s31+$0x7080]  }
0xa8: {  	v8 =	vld [tilespmem:s30+$0x5C80]  }
0xa9: {  	v3 =	vadd.f32 v4, v3;
	v2 =	vadd.f32 v6, v2;
	v10 =	vld [tilespmem:s31+$0x7300]  }
0xaa: {  	v11 =	vld [tilespmem:s30+$0x5F00]  }
.Ltmp3:
0xab: {  	v3 =	vadd.f32 v9, v3;
	v6 =	vadd.f32 v5, v2;
	v4 =	vld [tilespmem:s31+$0x7580];
	(pc) =	sbr.rel @p1 .LBB2_6-.Ltmp3, $4  }
0xac: {  	v5 =	vld [tilespmem:s30+$0x6180]  }
0xad: {  	v8 =	vadd.f32 v8, v3;
	v2 =	vld [tilespmem:s30+$0x6680];
	v9 =	vadd.f32 v7, v6  }
0xae: {  	s0 =	sshra.s32 s2, $0x2;
	v6 =	vld [tilespmem:s30+$0x6400]  }
0xaf: {  	s2 =	sadd.s32 $0x40, s2;
	v3 =	vld [tilespmem:s0+$0x5000];
	v7 =	vadd.f32 v11, v8;
	v8 =	vadd.f32 v10, v9  }
0xb0: {  	v9 =	vld [tilespmem:s0+$0x5280]  }
0xb1: {  	v10 =	vld [tilespmem:s30+$0x6900];
	v4 =	vadd.f32 v4, v8  }
0xb2: {  	v49 =	vld [tilespmem:s0+$0x5500]  }
0xb3: {  	v11 =	vld [tilespmem:s30+$0x6B80];
	v5 =	vadd.f32 v5, v7;
	[tilespmem:s31+$0x7800] =	vst v4  }
0xb4: {  	v4 =	vld [tilespmem:s0+$0x5780]  }
0xb5: {  	v5 =	vadd.f32 v6, v5;
	v3 =	vadd.f32 v9, v3  }
0xb6: {  	v50 =	vld [tilespmem:s0+$0x5A00]  }
0xb7: {  	v51 =	vld [tilespmem:s30+$0x6E00];
	v2 =	vadd.f32 v2, v5;
	v3 =	vadd.f32 v49, v3  }
0xb8: {  	v52 =	vld [tilespmem:s0+$0x5C80]  }
0xb9: {  	v53 =	vld [tilespmem:s30+$0x7080];
	v2 =	vadd.f32 v10, v2;
	v3 =	vadd.f32 v4, v3  }
0xba: {  	v54 =	vld [tilespmem:s0+$0x5F00]  }
0xbb: {  	v55 =	vld [tilespmem:s30+$0x7300];
	v2 =	vadd.f32 v11, v2;
	v3 =	vadd.f32 v50, v3  }
0xbc: {  	v56 =	vld [tilespmem:s0+$0x6180]  }
0xbd: {  	v57 =	vld [tilespmem:s30+$0x7580];
	v2 =	vadd.f32 v51, v2;
	v3 =	vadd.f32 v52, v3  }
0xbe: {  	v58 =	vld [tilespmem:s0+$0x6400]  }
0xbf: {  	v2 =	vadd.f32 v53, v2;
	v3 =	vadd.f32 v54, v3  }
0xc0: {  	v59 =	vld [tilespmem:s0+$0x6680]  }
0xc1: {  	v2 =	vadd.f32 v55, v2;
	v3 =	vadd.f32 v56, v3  }
0xc2: {  	v60 =	vld [tilespmem:s0+$0x6900]  }
0xc3: {  	v2 =	vadd.f32 v57, v2;
	v3 =	vadd.f32 v58, v3  }
0xc4: {  	v61 =	vld [tilespmem:s0+$0x6B80]  }
0xc5: {  	[tilespmem:s30+$0x7800] =	vst v2;
	v2 =	vadd.f32 v59, v3  }
0xc6: {  	v3 =	vld [tilespmem:s0+$0x6E00]  }
0xc7: {  	v2 =	vadd.f32 v60, v2  }
0xc8: {  	v62 =	vld [tilespmem:s0+$0x7080]  }
0xc9: {  	v2 =	vadd.f32 v61, v2  }
0xca: {  	v63 =	vld [tilespmem:s0+$0x7300]  }
0xcb: {  	v2 =	vadd.f32 v3, v2  }
0xcc: {  	v3 =	vld [tilespmem:s0+$0x7580]  }
0xcd: {  	v2 =	vadd.f32 v62, v2;
	_ =	sdelay $0x1  }
0xce: {  	v2 =	vadd.f32 v63, v2;
	_ =	sdelay $0x1  }
0xcf: {  	s29 =	sadd.s32 $0x1, s29;
	v2 =	vadd.f32 v3, v2  }
0xd0: {  	p1 =	sne.s32 s29, s23  }
.Ltmp4:
0xd1: {  	s2 =	simm.s32 $0x7800;
	s31 =	simm.s32 $0x0;
	[tilespmem:s0+$0x7800] =	vst v2;
	(pc) =	sbr.rel @p1 .LBB2_1-.Ltmp4, $4  }
0xd2: {  	[hbm4b:s22+s31] =	stream.linear.scatter [tilespmem:s2], [sflag:$0x2], $0x280, $0x38;
	[tilespmem:$0xA280] =	vst v63  }
0xd3: {  	_ =	swait.ge [sflag:s28], $0x280  }
0xd4: {  	[sflag:s28] =	ssyncset.done $0x0  }
0xd5: {  	[sflag:s28] =	ssyncadd.s32 $0xFFFFFD80  }
0xd6: {  	_ =	sfence.sel $0x180000  }
0xd7: {  	[bflag:$0x0] =	sbarrier.arrive $0xFFFF  }
0xd8: {  	_ =	strace $0x90000047  }
0xd9: {  	s0 =	stileid.u32;
	[bflag:$0x2] =	sbarrier.arrive $0xFFFF  }
0xda: {  	p0 =	sne.s32 s0, $0x0;
	s0 =	rddreg [dreg:$0x3]  }
0xdb: {  	s0 =	sadd.s32 @!p0 $0x100000, s0  }
0xdc: {  	[sflag:s0] =	ssyncadd.tile.s32 @!p0 $0x1;
	_ =	shalt  }
.Lfunc_end2:
_tile_overlayer_lowered:
.L_overlay_start_2:
0xdd: {  	(tag) =	ssettag $0x2  }
0xde: {  	s0 =	rddreg [dreg:$0x0];
	s2 =	stileid.u32  }
0xdf: {  	s1 =	rddreg [dreg:$0x1];
	p0 =	sne.s32 s2, $0x0  }
0xe0: {  	s3 =	rddreg [dreg:$0x2];
	[bflag:$0x3] =	sbarrier.arrive $0xFFFF;
	s2 =	simm.s32 @!p0 $0x1C02  }
0xe1: {  	[timem:s3], [sflag:s2] =	dma.local @!p0 [hbm:s0], s1  }
0xe2: {  	s0 =	simm.s32 @!p0 $0x2  }
0xe3: {  	_ =	swait.ge @!p0 [sflag:s0], s1  }
0xe4: {  	s1 =	ssub.s32 @!p0 $0x0, s1;
	[sflag:s0] =	ssyncset.done @!p0 $0x0  }
0xe5: {  	[sflag:s0] =	ssyncadd.s32 @!p0 s1  }
0xe6: {  	[bflag:$0x3] =	sbarrier.arrive $0xFFFF  }
0xe7: {  	_ =	shalt  }

</sc_bundles>
